<compile_context>
chip_gen: v7x
topology: tpu7x:2x2x1
jax: 0.10.2.dev20260603
libtpu: 0.0.44.dev20260713+nightly
codegen_flags: <defaults>
</compile_context>

<pallas_src>
import functools

import jax
import jax.numpy as jnp
from jax import lax
from jax.experimental import pallas as pl
from jax.experimental.pallas import tpu as pltpu
from jax.experimental.pallas import tpu_sc as plsc

N_NODES = 10000
N_ACTORS = 2000
D = 128
NUM_MODS = 6
NUM_PREDS = 30

NC = 2
NS = 16
NW = NC * NS
L = 16
K = 128


def _ceil_div(a, b):
    return (a + b - 1) // b


def _rpt(n_dst):
    return _ceil_div(_ceil_div(n_dst, NS), 8) * 8



def _zero_rows_buf(rows):
    zero = jnp.zeros((L,), jnp.float32)

    def body(r, _):
        for c in range(D // L):
            rows[r, pl.ds(c * L, L)] = zero
        return ()

    lax.fori_loop(0, K, body, ())


def _zero_acc(acc, rows, rpt, sid):
    base = sid * rpt
    for j in range(_ceil_div(rpt, K)):
        sz = min(K, rpt - j * K)
        pltpu.sync_copy(rows.at[pl.ds(0, sz)], acc.at[pl.ds(base + j * K, sz)])


def _writeout(acc, out, rpt, cid, sid):
    base = sid * rpt
    for j in range(_ceil_div(rpt, K)):
        sz = min(K, rpt - j * K)
        pltpu.sync_copy(acc.at[pl.ds(base + j * K, sz)],
                        out.at[cid, pl.ds(base + j * K, sz)])


def _make_seg_sum(n_dst, n_edges, M=2):
    rpt = _rpt(n_dst)
    n_pad = NS * rpt
    nsc = n_edges // (M * K)
    assert n_edges % (M * K) == 0
    mesh = plsc.VectorSubcoreMesh(core_axis_name="c", subcore_axis_name="s",
                                  num_cores=NC, num_subcores=NS)

    @functools.partial(
        pl.kernel,
        out_type=jax.ShapeDtypeStruct((NC, n_pad, D), jnp.float32),
        mesh=mesh,
        scratch_types=(
            [pltpu.VMEM_SHARED((n_pad, D), jnp.float32),
             pltpu.VMEM((M * K,), jnp.int32)]
            + [pltpu.VMEM((K,), jnp.int32)] * M
            + [pltpu.VMEM((M * K, D), jnp.float32)]
            + [pltpu.SemaphoreType.DMA] * (3 * M)
        ),
    )
    def k(table, src, dst, out, acc, idx_s, *rest):
        idx_d = rest[:M]
        rows = rest[M]
        dsem = rest[M + 1:M + 1 + M]
        gsem = rest[M + 1 + M:M + 1 + 2 * M]
        ssem = rest[M + 1 + 2 * M:M + 1 + 3 * M]
        cid = lax.axis_index("c")
        sid = lax.axis_index("s")
        wid = sid * NC + cid

        _zero_rows_buf(rows)
        _zero_acc(acc, rows, rpt, sid)
        plsc.subcore_barrier()

        nloops = (nsc - wid + NW - 1) // NW

        def body(j, _):
            base = (wid + j * NW) * (M * K)
            for m in range(M):
                pltpu.async_copy(dst.at[pl.ds(base + m * K, K)], idx_d[m],
                                 dsem[m])
            pltpu.sync_copy(src.at[pl.ds(base, M * K)], idx_s)
            for m in range(M):
                pltpu.make_async_copy(dst.at[pl.ds(base + m * K, K)],
                                      idx_d[m], dsem[m]).wait()
            for m in range(M):
                pltpu.async_copy(table.at[idx_s.at[pl.ds(m * K, K)]],
                                 rows.at[pl.ds(m * K, K)], gsem[m])
            for m in range(M):
                pltpu.make_async_copy(table.at[idx_s.at[pl.ds(m * K, K)]],
                                      rows.at[pl.ds(m * K, K)], gsem[m]).wait()
            for m in range(M):
                pltpu.async_copy(rows.at[pl.ds(m * K, K)], acc.at[idx_d[m]],
                                 ssem[m], add=True)
            for m in range(M):
                pltpu.make_async_copy(rows.at[pl.ds(m * K, K)],
                                      acc.at[idx_d[m]], ssem[m]).wait()
            return ()

        lax.fori_loop(0, nloops, body, ())
        plsc.subcore_barrier()
        _writeout(acc, out, rpt, cid, sid)

    return k


def _make_relu_agg(n_dst, n_edges, M=1):
    rpt = _rpt(n_dst)
    n_pad = NS * rpt
    nsc = n_edges // (M * K)
    assert n_edges % (M * K) == 0
    mesh = plsc.VectorSubcoreMesh(core_axis_name="c", subcore_axis_name="s",
                                  num_cores=NC, num_subcores=NS)

    @functools.partial(
        pl.kernel,
        out_type=jax.ShapeDtypeStruct((NC, n_pad, D), jnp.float32),
        mesh=mesh,
        scratch_types=(
            [pltpu.VMEM_SHARED((n_pad, D), jnp.float32),
             pltpu.VMEM((M * K,), jnp.int32)]
            + [pltpu.VMEM((K,), jnp.int32)] * M
            + [pltpu.VMEM((M * K, D), jnp.float32),
               pltpu.VMEM((M * K, D), jnp.float32)]
            + [pltpu.SemaphoreType.DMA] * (4 * M)
        ),
    )
    def k(s_tab, q_tab, src, dst, out, acc, idx_s, *rest):
        idx_d = rest[:M]
        rows_a = rest[M]
        rows_b = rest[M + 1]
        dsem = rest[M + 2:M + 2 + M]
        gsem_a = rest[M + 2 + M:M + 2 + 2 * M]
        gsem_b = rest[M + 2 + 2 * M:M + 2 + 3 * M]
        ssem = rest[M + 2 + 3 * M:M + 2 + 4 * M]
        cid = lax.axis_index("c")
        sid = lax.axis_index("s")
        wid = sid * NC + cid

        _zero_rows_buf(rows_a)
        _zero_acc(acc, rows_a, rpt, sid)
        plsc.subcore_barrier()

        nloops = (nsc - wid + NW - 1) // NW

        def body(j, _):
            base = (wid + j * NW) * (M * K)
            for m in range(M):
                pltpu.async_copy(dst.at[pl.ds(base + m * K, K)], idx_d[m],
                                 dsem[m])
            pltpu.sync_copy(src.at[pl.ds(base, M * K)], idx_s)
            for m in range(M):
                pltpu.make_async_copy(dst.at[pl.ds(base + m * K, K)],
                                      idx_d[m], dsem[m]).wait()
            for m in range(M):
                pltpu.async_copy(s_tab.at[idx_s.at[pl.ds(m * K, K)]],
                                 rows_a.at[pl.ds(m * K, K)], gsem_a[m])
                pltpu.async_copy(q_tab.at[idx_d[m]],
                                 rows_b.at[pl.ds(m * K, K)], gsem_b[m])
            for m in range(M):
                pltpu.make_async_copy(s_tab.at[idx_s.at[pl.ds(m * K, K)]],
                                      rows_a.at[pl.ds(m * K, K)],
                                      gsem_a[m]).wait()
                pltpu.make_async_copy(q_tab.at[idx_d[m]],
                                      rows_b.at[pl.ds(m * K, K)],
                                      gsem_b[m]).wait()

            def rbody(r, _):
                for c in range(D // L):
                    cs = pl.ds(c * L, L)
                    va = rows_a[r, cs]
                    vb = rows_b[r, cs]
                    rows_a[r, cs] = jnp.maximum(va + vb, 0.0)
                return ()

            lax.fori_loop(0, M * K, rbody, ())
            for m in range(M):
                pltpu.async_copy(rows_a.at[pl.ds(m * K, K)], acc.at[idx_d[m]],
                                 ssem[m], add=True)
            for m in range(M):
                pltpu.make_async_copy(rows_a.at[pl.ds(m * K, K)],
                                      acc.at[idx_d[m]], ssem[m]).wait()
            return ()

        lax.fori_loop(0, nloops, body, ())
        plsc.subcore_barrier()
        _writeout(acc, out, rpt, cid, sid)

    return k


_seg_sum_nodes = _make_seg_sum(N_NODES, 320000, M=2)
_relu_agg_nodes = _make_relu_agg(N_NODES, 160000, M=1)
_relu_agg_actors = _make_relu_agg(N_ACTORS, 160000, M=2)
_relu_agg_a2a = _make_relu_agg(N_ACTORS, 64000, M=2)



def _proj_kernel(x_ref, c_ref, wt_ref, wb_ref, o_ref):
    x = x_ref[...]
    c = c_ref[...]
    o = jnp.dot(x, wt_ref[...], preferred_element_type=jnp.float32)
    o -= c[:, 0:1] * wb_ref[0:1, :] + c[:, 1:2] * wb_ref[1:2, :]
    o_ref[...] = o


def _proj(x, ctrs, w):
    n = x.shape[0]
    bn = 1000 if n % 1000 == 0 else n
    grid = n // bn
    return pl.pallas_call(
        _proj_kernel,
        grid=(grid,),
        in_specs=[
            pl.BlockSpec((bn, D), lambda i: (i, 0)),
            pl.BlockSpec((bn, 2), lambda i: (i, 0)),
            pl.BlockSpec((D, D), lambda i: (0, 0)),
            pl.BlockSpec((2, D), lambda i: (0, 0)),
        ],
        out_specs=pl.BlockSpec((bn, D), lambda i: (i, 0)),
        out_shape=jax.ShapeDtypeStruct((n, D), jnp.float32),
    )(x, ctrs, w[:D], w[D:])


def _ctrproj_kernel(c_ref, wb_ref, o_ref):
    c = c_ref[...]
    o_ref[...] = c[:, 0:1] * wb_ref[0:1, :] + c[:, 1:2] * wb_ref[1:2, :]


def _ctrproj(ctrs, wb):
    n = ctrs.shape[0]
    bn = 1000 if n % 1000 == 0 else n
    grid = n // bn
    return pl.pallas_call(
        _ctrproj_kernel,
        grid=(grid,),
        in_specs=[
            pl.BlockSpec((bn, 2), lambda i: (i, 0)),
            pl.BlockSpec((2, D), lambda i: (0, 0)),
        ],
        out_specs=pl.BlockSpec((bn, D), lambda i: (i, 0)),
        out_shape=jax.ShapeDtypeStruct((n, D), jnp.float32),
    )(ctrs, wb)


def _map_update_kernel(n_ref, s0_ref, s1_ref, w1_ref, w2_ref, o_ref):
    o = jnp.dot(n_ref[...], w1_ref[...], preferred_element_type=jnp.float32)
    o += jnp.dot(s0_ref[...] + s1_ref[...], w2_ref[...],
                 preferred_element_type=jnp.float32)
    o_ref[...] = jnp.maximum(o, 0.0)


def _map_update(nodes, seg, w1, w2):
    n = nodes.shape[0]
    bn = 1000
    return pl.pallas_call(
        _map_update_kernel,
        grid=(n // bn,),
        in_specs=[
            pl.BlockSpec((bn, D), lambda i: (i, 0)),
            pl.BlockSpec((bn, D), lambda i: (i, 0)),
            pl.BlockSpec((bn, D), lambda i: (i, 0)),
            pl.BlockSpec((D, D), lambda i: (0, 0)),
            pl.BlockSpec((D, D), lambda i: (0, 0)),
        ],
        out_specs=pl.BlockSpec((bn, D), lambda i: (i, 0)),
        out_shape=jax.ShapeDtypeStruct((n, D), jnp.float32),
    )(nodes, seg[0], seg[1], w1, w2)


def _map_update2_kernel(n_ref, s0_ref, s1_ref, a0_ref, a1_ref, w1_ref, w2_ref,
                        o_ref):
    o = jnp.dot(n_ref[...], w1_ref[...], preferred_element_type=jnp.float32)
    o += jnp.dot(s0_ref[...] + s1_ref[...], w2_ref[...],
                 preferred_element_type=jnp.float32)
    o_ref[...] = jnp.maximum(o, 0.0) + a0_ref[...] + a1_ref[...]


def _map_update2(nodes, seg, a2m, w1, w2):
    n = nodes.shape[0]
    bn = 1000
    return pl.pallas_call(
        _map_update2_kernel,
        grid=(n // bn,),
        in_specs=[pl.BlockSpec((bn, D), lambda i: (i, 0))] * 5 + [
            pl.BlockSpec((D, D), lambda i: (0, 0)),
            pl.BlockSpec((D, D), lambda i: (0, 0)),
        ],
        out_specs=pl.BlockSpec((bn, D), lambda i: (i, 0)),
        out_shape=jax.ShapeDtypeStruct((n, D), jnp.float32),
    )(nodes, seg[0], seg[1], a2m[0], a2m[1], w1, w2)


def _pred_kernel(a_ref, p0_ref, p1_ref, wp_ref, bp_ref, o_ref):
    a5 = jnp.maximum(a_ref[...] + p0_ref[...] + p1_ref[...], 0.0)
    o_ref[...] = (jnp.dot(a5, wp_ref[...], preferred_element_type=jnp.float32)
                  + bp_ref[...])


def _pred(actors4, a2a, wp, bp):
    n = actors4.shape[0]
    m = wp.shape[1]
    return pl.pallas_call(
        _pred_kernel,
        grid=(1,),
        in_specs=[
            pl.BlockSpec((n, D), lambda i: (0, 0)),
            pl.BlockSpec((n, D), lambda i: (0, 0)),
            pl.BlockSpec((n, D), lambda i: (0, 0)),
            pl.BlockSpec((D, m), lambda i: (0, 0)),
            pl.BlockSpec((1, m), lambda i: (0, 0)),
        ],
        out_specs=pl.BlockSpec((n, m), lambda i: (0, 0)),
        out_shape=jax.ShapeDtypeStruct((n, m), jnp.float32),
    )(actors4, a2a[0], a2a[1], wp, bp)



def kernel(actors, actor_ctrs, nodes, node_ctrs, edge_index, a2m_src, a2m_dst,
           m2a_src, m2a_dst, a2a_index, rot, orig,
           W_map1, W_map2, W_a2m, W_m2a, W_a2a, W_pred, b_pred):
    src, dst = edge_index[0], edge_index[1]
    a2m_s, a2m_d = a2m_src, a2m_dst
    m2a_s, m2a_d = m2a_src, m2a_dst
    a2a_s, a2a_d = a2a_index[0], a2a_index[1]

    S_a = _proj(actors, actor_ctrs, W_a2m)
    Q_n = _ctrproj(node_ctrs, W_a2m[D:])

    seg1 = _seg_sum_nodes(nodes, src, dst)[:, :N_NODES]
    a2m_agg = _relu_agg_nodes(S_a, Q_n, a2m_s, a2m_d)[:, :N_NODES]
    nodes2 = _map_update2(nodes, seg1, a2m_agg, W_map1, W_map2)

    seg2 = _seg_sum_nodes(nodes2, src, dst)[:, :N_NODES]
    nodes3 = _map_update(nodes2, seg2, W_map1, W_map2)

    S_n = _proj(nodes3, node_ctrs, W_m2a)
    Q_a = _ctrproj(actor_ctrs, W_m2a[D:])
    m2a_agg = _relu_agg_actors(S_n, Q_a, m2a_s, m2a_d)[:, :N_ACTORS]
    actors4 = actors + m2a_agg[0] + m2a_agg[1]

    S_aa = _proj(actors4, actor_ctrs, W_a2a)
    Q_aa = _ctrproj(actor_ctrs, W_a2a[D:])
    a2a_agg = _relu_agg_a2a(S_aa, Q_aa, a2a_s, a2a_d)[:, :N_ACTORS]

    wp = (W_pred.reshape(D, -1, 2) @ rot).reshape(D, -1)
    bp = (b_pred.reshape(-1, 2) @ rot + orig[None, :]).reshape(1, -1)
    reg = _pred(actors4, a2a_agg, wp, bp)
    return reg.reshape(N_ACTORS, NUM_MODS, NUM_PREDS, 2)

# --- scband reference (transcript-rebuilt; emitter-appended) ---
"""Pipeline reference for scband-banet-66752381714949 (READ-ONLY COPY).

The authoritative reference and input builder live on the scoring server;
editing this copy changes nothing except your own understanding.
"""

import jax, jax.numpy as jnp
import numpy as np

N_NODES = 10000
N_ACTORS = 2000
D = 128
E = 320000
E_A2M = 160000
E_M2A = 160000
E_A2A = 64000
NUM_MODS = 6
NUM_PREDS = 30


def setup_inputs(seed: int = 0) -> dict:
    key = jax.random.key(seed)
    ks = jax.random.split(key, 24)
    s = 0.05
    inp = {
        "actors": jax.random.normal(ks[0], (N_ACTORS, D), jnp.float32),
        "actor_ctrs": jax.random.normal(ks[1], (N_ACTORS, 2), jnp.float32) * 50.0,
        "nodes": jax.random.normal(ks[2], (N_NODES, D), jnp.float32),
        "node_ctrs": jax.random.normal(ks[3], (N_NODES, 2), jnp.float32) * 50.0,
        "edge_index": jax.random.randint(ks[4], (2, E), 0, N_NODES, dtype=jnp.int32),
        "a2m_src": jax.random.randint(ks[5], (E_A2M,), 0, N_ACTORS, dtype=jnp.int32),
        "a2m_dst": jax.random.randint(ks[6], (E_A2M,), 0, N_NODES, dtype=jnp.int32),
        "m2a_src": jax.random.randint(ks[7], (E_M2A,), 0, N_NODES, dtype=jnp.int32),
        "m2a_dst": jax.random.randint(ks[8], (E_M2A,), 0, N_ACTORS, dtype=jnp.int32),
        "a2a_index": jax.random.randint(ks[9], (2, E_A2A), 0, N_ACTORS, dtype=jnp.int32),
        "rot": jax.random.normal(ks[10], (2, 2), jnp.float32),
        "orig": jax.random.normal(ks[11], (2,), jnp.float32) * 10.0,
        # learned parameters (per config n_actor=n_map=128)
        "W_map1": jax.random.normal(ks[12], (D, D), jnp.float32) * s,
        "W_map2": jax.random.normal(ks[13], (D, D), jnp.float32) * s,
        "W_a2m": jax.random.normal(ks[14], (D + 2, D), jnp.float32) * s,
        "W_m2a": jax.random.normal(ks[15], (D + 2, D), jnp.float32) * s,
        "W_a2a": jax.random.normal(ks[16], (D + 2, D), jnp.float32) * s,
        "W_pred": jax.random.normal(ks[17], (D, NUM_MODS * NUM_PREDS * 2), jnp.float32) * s,
        "b_pred": jnp.zeros((NUM_MODS * NUM_PREDS * 2,), jnp.float32),
    }
    return inp


def reference(actors, actor_ctrs, nodes, node_ctrs, edge_index, a2m_src, a2m_dst,
              m2a_src, m2a_dst, a2a_index, rot, orig,
              W_map1, W_map2, W_a2m, W_m2a, W_a2a, W_pred, b_pred):
    src, dst = edge_index[0], edge_index[1]
    # MapNet: lane-graph message passing (gather src features, scatter-add to dst)
    agg = jax.ops.segment_sum(jnp.take(nodes, src, axis=0), dst, num_segments=N_NODES)
    nodes = jax.nn.relu(nodes @ W_map1 + agg @ W_map2)
    # A2M: actors -> lane nodes with relative-position-conditioned messages
    rel = jnp.take(node_ctrs, a2m_dst, axis=0) - jnp.take(actor_ctrs, a2m_src, axis=0)
    msg = jax.nn.relu(jnp.concatenate([jnp.take(actors, a2m_src, axis=0), rel], axis=1) @ W_a2m)
    nodes = nodes + jax.ops.segment_sum(msg, a2m_dst, num_segments=N_NODES)
    # M2M: propagate traffic info over lane graph
    agg2 = jax.ops.segment_sum(jnp.take(nodes, src, axis=0), dst, num_segments=N_NODES)
    nodes = jax.nn.relu(nodes @ W_map1 + agg2 @ W_map2)
    # M2A: lane nodes -> actors
    rel = jnp.take(actor_ctrs, m2a_dst, axis=0) - jnp.take(node_ctrs, m2a_src, axis=0)
    msg = jax.nn.relu(jnp.concatenate([jnp.take(nodes, m2a_src, axis=0), rel], axis=1) @ W_m2a)
    actors = actors + jax.ops.segment_sum(msg, m2a_dst, num_segments=N_ACTORS)
    # A2A: actor-actor interaction
    asrc, adst = a2a_index[0], a2a_index[1]
    rel = jnp.take(actor_ctrs, adst, axis=0) - jnp.take(actor_ctrs, asrc, axis=0)
    msg = jax.nn.relu(jnp.concatenate([jnp.take(actors, asrc, axis=0), rel], axis=1) @ W_a2a)
    actors = jax.nn.relu(actors + jax.ops.segment_sum(msg, adst, num_segments=N_ACTORS))
    # PredNet: multi-modal trajectory regression + world-frame transform
    reg = (actors @ W_pred + b_pred).reshape(N_ACTORS, NUM_MODS, NUM_PREDS, 2)
    reg = jnp.matmul(reg, rot) + orig.reshape(1, 1, 1, 2)
    return reg

if __name__ == "__main__":
    import jax
    _d = setup_inputs()
    print(jax.jit(kernel)(*tuple(_d.values())))

</pallas_src>

<mosaic_0001>
#map = affine_map<(d0, d1) -> (0, 0)>
#map1 = affine_map<(d0, d1) -> (0)>
#map2 = affine_map<(d0, d1) -> (0, 0, 0)>
module attributes {stable_mosaic.version = 14 : i64} {
  func.func @k(%arg0: i32, %arg1: i32, %arg2: memref<2000x128xf32, #tpu.memory_space<hbm>>, %arg3: memref<10000x128xf32, #tpu.memory_space<hbm>>, %arg4: memref<160000xi32, #tpu.memory_space<hbm>>, %arg5: memref<160000xi32, #tpu.memory_space<hbm>>, %arg6: memref<2x10112x128xf32, #tpu.memory_space<hbm>>, %arg7: memref<10112x128xf32, #tpu.memory_space<vmem_shared>>, %arg8: memref<128xi32, #tpu.memory_space<vmem>>, %arg9: memref<128xi32, #tpu.memory_space<vmem>>, %arg10: memref<128x128xf32, #tpu.memory_space<vmem>>, %arg11: memref<128x128xf32, #tpu.memory_space<vmem>>, %arg12: memref<!tpu.dma_semaphore, #tpu.memory_space<semaphore_mem>>, %arg13: memref<!tpu.dma_semaphore, #tpu.memory_space<semaphore_mem>>, %arg14: memref<!tpu.dma_semaphore, #tpu.memory_space<semaphore_mem>>, %arg15: memref<!tpu.dma_semaphore, #tpu.memory_space<semaphore_mem>>) attributes {dimension_semantics = [#tpu.dimension_semantics<core_parallel>, #tpu.dimension_semantics<subcore_parallel>], iteration_bounds = array<i64: 2, 16>, scalar_prefetch = 0 : i64, scratch_operands = 9 : i64, tpu.core_type = #tpu.core_type<sc_vector_subcore>, window_params = [{transform_indices = #map}, {transform_indices = #map}, {transform_indices = #map1}, {transform_indices = #map1}, {transform_indices = #map2}]} {
    %mul3A = arith.constant 2 : i32
    %mul3A_0 = arith.muli %arg1, %mul3A : i32
    %add3A = arith.addi %mul3A_0, %arg0 : i32
    %broadcast_in_dim3A = arith.constant 0.000000e+00 : f32
    %broadcast_in_dim3A_1 = vector.broadcast %broadcast_in_dim3A : f32 to vector<16xf32>
    %scan3A = arith.constant 0 : i32
    %scan3A_2 = arith.constant 128 : i32
    %scan3A_3 = arith.addi %scan3A, %scan3A_2 : i32
    %scan3A_4 = arith.constant 1 : i32
    scf.for %scan3A_71 = %scan3A to %scan3A_3 step %scan3A_4  : i32 {
      %swap3A = arith.index_cast %scan3A_71 : i32 to index
      %swap3A_72 = arith.constant 0 : index
      %swap3A_73 = tpu.vector_load %arg10[%swap3A, %swap3A_72] {strides = array<i32>} : memref<128x128xf32, #tpu.memory_space<vmem>>, vector<1x16xf32>,
      %swap3A_74 = vector.shape_cast %swap3A_73 : vector<1x16xf32> to vector<16xf32>
      %swap3A_75 = vector.shape_cast %broadcast_in_dim3A_1 : vector<16xf32> to vector<1x16xf32>
      tpu.vector_store %arg10[%swap3A, %swap3A_72], %swap3A_75 {strides = array<i32>} : memref<128x128xf32, #tpu.memory_space<vmem>>, vector<1x16xf32>,
      %swap3A_76 = arith.index_cast %scan3A_71 : i32 to index
      %swap3A_77 = arith.constant 16 : index
      %swap3A_78 = tpu.vector_load %arg10[%swap3A_76, %swap3A_77] {strides = array<i32>} : memref<128x128xf32, #tpu.memory_space<vmem>>, vector<1x16xf32>,
      %swap3A_79 = vector.shape_cast %swap3A_78 : vector<1x16xf32> to vector<16xf32>
      %swap3A_80 = vector.shape_cast %broadcast_in_dim3A_1 : vector<16xf32> to vector<1x16xf32>
      tpu.vector_store %arg10[%swap3A_76, %swap3A_77], %swap3A_80 {strides = array<i32>} : memref<128x128xf32, #tpu.memory_space<vmem>>, vector<1x16xf32>,
      %swap3A_81 = arith.index_cast %scan3A_71 : i32 to index
      %swap3A_82 = arith.constant 32 : index
      %swap3A_83 = tpu.vector_load %arg10[%swap3A_81, %swap3A_82] {strides = array<i32>} : memref<128x128xf32, #tpu.memory_space<vmem>>, vector<1x16xf32>,
      %swap3A_84 = vector.shape_cast %swap3A_83 : vector<1x16xf32> to vector<16xf32>
      %swap3A_85 = vector.shape_cast %broadcast_in_dim3A_1 : vector<16xf32> to vector<1x16xf32>
      tpu.vector_store %arg10[%swap3A_81, %swap3A_82], %swap3A_85 {strides = array<i32>} : memref<128x128xf32, #tpu.memory_space<vmem>>, vector<1x16xf32>,
      %swap3A_86 = arith.index_cast %scan3A_71 : i32 to index
      %swap3A_87 = arith.constant 48 : index
      %swap3A_88 = tpu.vector_load %arg10[%swap3A_86, %swap3A_87] {strides = array<i32>} : memref<128x128xf32, #tpu.memory_space<vmem>>, vector<1x16xf32>,
      %swap3A_89 = vector.shape_cast %swap3A_88 : vector<1x16xf32> to vector<16xf32>
      %swap3A_90 = vector.shape_cast %broadcast_in_dim3A_1 : vector<16xf32> to vector<1x16xf32>
      tpu.vector_store %arg10[%swap3A_86, %swap3A_87], %swap3A_90 {strides = array<i32>} : memref<128x128xf32, #tpu.memory_space<vmem>>, vector<1x16xf32>,
      %swap3A_91 = arith.index_cast %scan3A_71 : i32 to index
      %swap3A_92 = arith.constant 64 : index
      %swap3A_93 = tpu.vector_load %arg10[%swap3A_91, %swap3A_92] {strides = array<i32>} : memref<128x128xf32, #tpu.memory_space<vmem>>, vector<1x16xf32>,
      %swap3A_94 = vector.shape_cast %swap3A_93 : vector<1x16xf32> to vector<16xf32>
      %swap3A_95 = vector.shape_cast %broadcast_in_dim3A_1 : vector<16xf32> to vector<1x16xf32>
      tpu.vector_store %arg10[%swap3A_91, %swap3A_92], %swap3A_95 {strides = array<i32>} : memref<128x128xf32, #tpu.memory_space<vmem>>, vector<1x16xf32>,
      %swap3A_96 = arith.index_cast %scan3A_71 : i32 to index
      %swap3A_97 = arith.constant 80 : index
      %swap3A_98 = tpu.vector_load %arg10[%swap3A_96, %swap3A_97] {strides = array<i32>} : memref<128x128xf32, #tpu.memory_space<vmem>>, vector<1x16xf32>,
      %swap3A_99 = vector.shape_cast %swap3A_98 : vector<1x16xf32> to vector<16xf32>
      %swap3A_100 = vector.shape_cast %broadcast_in_dim3A_1 : vector<16xf32> to vector<1x16xf32>
      tpu.vector_store %arg10[%swap3A_96, %swap3A_97], %swap3A_100 {strides = array<i32>} : memref<128x128xf32, #tpu.memory_space<vmem>>, vector<1x16xf32>,
      %swap3A_101 = arith.index_cast %scan3A_71 : i32 to index
      %swap3A_102 = arith.constant 96 : index
      %swap3A_103 = tpu.vector_load %arg10[%swap3A_101, %swap3A_102] {strides = array<i32>} : memref<128x128xf32, #tpu.memory_space<vmem>>, vector<1x16xf32>,
      %swap3A_104 = vector.shape_cast %swap3A_103 : vector<1x16xf32> to vector<16xf32>
      %swap3A_105 = vector.shape_cast %broadcast_in_dim3A_1 : vector<16xf32> to vector<1x16xf32>
      tpu.vector_store %arg10[%swap3A_101, %swap3A_102], %swap3A_105 {strides = array<i32>} : memref<128x128xf32, #tpu.memory_space<vmem>>, vector<1x16xf32>,
      %swap3A_106 = arith.index_cast %scan3A_71 : i32 to index
      %swap3A_107 = arith.constant 112 : index
      %swap3A_108 = tpu.vector_load %arg10[%swap3A_106, %swap3A_107] {strides = array<i32>} : memref<128x128xf32, #tpu.memory_space<vmem>>, vector<1x16xf32>,
      %swap3A_109 = vector.shape_cast %swap3A_108 : vector<1x16xf32> to vector<16xf32>
      %swap3A_110 = vector.shape_cast %broadcast_in_dim3A_1 : vector<16xf32> to vector<1x16xf32>
      tpu.vector_store %arg10[%swap3A_106, %swap3A_107], %swap3A_110 {strides = array<i32>} : memref<128x128xf32, #tpu.memory_space<vmem>>, vector<1x16xf32>,
    }
    %scan3A_5 = arith.constant 128 : i32
    %mul3A_6 = arith.constant 632 : i32
    %mul3A_7 = arith.muli %arg1, %mul3A_6 : i32
    %add3A_8 = arith.constant 0 : i32
    %add3A_9 = arith.addi %mul3A_7, %add3A_8 : i32
    "tpu.region"() ({
      %run_scoped3A = tpu.sem_alloc : memref<!tpu.dma_semaphore, #tpu.memory_space<semaphore_mem>>
      %dma_start3A = arith.constant 0 : i32
      %dma_start3A_71 = arith.constant 0 : i32
      %dma_start3A_72 = tpu.memref_slice %arg10[%dma_start3A, %dma_start3A_71] : memref<128x128xf32, #tpu.memory_space<vmem>> -> memref<128x128xf32, #tpu.memory_space<vmem>>
      %dma_start3A_73 = arith.constant 0 : i32
      %dma_start3A_74 = tpu.memref_slice %arg7[%add3A_9, %dma_start3A_73] : memref<10112x128xf32, #tpu.memory_space<vmem_shared>> -> memref<128x128xf32, #tpu.memory_space<vmem_shared>>
      %dma_start3A_75 = arith.constant 0 : i32
      %dma_start3A_76 = tpu.memref_slice %arg7[%add3A_9, %dma_start3A_75] : memref<10112x128xf32, #tpu.memory_space<vmem_shared>> -> memref<128x128xf32, #tpu.memory_space<vmem_shared>>
      %dma_start3A_77 = arith.constant 0 : i32
      %dma_start3A_78 = arith.constant 0 : i32
      %dma_start3A_79 = tpu.memref_slice %arg10[%dma_start3A_77, %dma_start3A_78] : memref<128x128xf32, #tpu.memory_space<vmem>> -> memref<128x128xf32, #tpu.memory_space<vmem>>
      tpu.enqueue_dma source(%dma_start3A_79 : memref<128x128xf32, #tpu.memory_space<vmem>>) target(%dma_start3A_76 : memref<128x128xf32, #tpu.memory_space<vmem_shared>>) target_semaphore(%run_scoped3A : memref<!tpu.dma_semaphore, #tpu.memory_space<semaphore_mem>>)
      %dma_wait3A = arith.constant 0 : i32
      %dma_wait3A_80 = arith.constant 0 : i32
      %dma_wait3A_81 = tpu.memref_slice %arg10[%dma_wait3A, %dma_wait3A_80] : memref<128x128xf32, #tpu.memory_space<vmem>> -> memref<128x128xf32, #tpu.memory_space<vmem>>
      %dma_wait3A_82 = arith.constant 0 : i32
      %dma_wait3A_83 = tpu.memref_slice %arg7[%add3A_9, %dma_wait3A_82] : memref<10112x128xf32, #tpu.memory_space<vmem_shared>> -> memref<128x128xf32, #tpu.memory_space<vmem_shared>>
      %dma_wait3A_84 = arith.constant 0 : i32
      %dma_wait3A_85 = tpu.memref_slice %arg7[%add3A_9, %dma_wait3A_84] : memref<10112x128xf32, #tpu.memory_space<vmem_shared>> -> memref<128x128xf32, #tpu.memory_space<vmem_shared>>
      %dma_wait3A_86 = arith.constant 0 : i32
      %dma_wait3A_87 = arith.constant 0 : i32
      %dma_wait3A_88 = tpu.memref_slice %arg10[%dma_wait3A_86, %dma_wait3A_87] : memref<128x128xf32, #tpu.memory_space<vmem>> -> memref<128x128xf32, #tpu.memory_space<vmem>>
      tpu.wait_dma2 semaphore(%run_scoped3A : memref<!tpu.dma_semaphore, #tpu.memory_space<semaphore_mem>>) src(%dma_wait3A_88 : memref<128x128xf32, #tpu.memory_space<vmem>>) dst(%dma_wait3A_85 : memref<128x128xf32, #tpu.memory_space<vmem_shared>>)
      tpu.yield
    }) : () -> ()
    %add3A_10 = arith.constant 128 : i32
    %add3A_11 = arith.addi %mul3A_7, %add3A_10 : i32
    "tpu.region"() ({
      %run_scoped3A = tpu.sem_alloc : memref<!tpu.dma_semaphore, #tpu.memory_space<semaphore_mem>>
      %dma_start3A = arith.constant 0 : i32
      %dma_start3A_71 = arith.constant 0 : i32
      %dma_start3A_72 = tpu.memref_slice %arg10[%dma_start3A, %dma_start3A_71] : memref<128x128xf32, #tpu.memory_space<vmem>> -> memref<128x128xf32, #tpu.memory_space<vmem>>
      %dma_start3A_73 = arith.constant 0 : i32
      %dma_start3A_74 = tpu.memref_slice %arg7[%add3A_11, %dma_start3A_73] : memref<10112x128xf32, #tpu.memory_space<vmem_shared>> -> memref<128x128xf32, #tpu.memory_space<vmem_shared>>
      %dma_start3A_75 = arith.constant 0 : i32
      %dma_start3A_76 = tpu.memref_slice %arg7[%add3A_11, %dma_start3A_75] : memref<10112x128xf32, #tpu.memory_space<vmem_shared>> -> memref<128x128xf32, #tpu.memory_space<vmem_shared>>
      %dma_start3A_77 = arith.constant 0 : i32
      %dma_start3A_78 = arith.constant 0 : i32
      %dma_start3A_79 = tpu.memref_slice %arg10[%dma_start3A_77, %dma_start3A_78] : memref<128x128xf32, #tpu.memory_space<vmem>> -> memref<128x128xf32, #tpu.memory_space<vmem>>
      tpu.enqueue_dma source(%dma_start3A_79 : memref<128x128xf32, #tpu.memory_space<vmem>>) target(%dma_start3A_76 : memref<128x128xf32, #tpu.memory_space<vmem_shared>>) target_semaphore(%run_scoped3A : memref<!tpu.dma_semaphore, #tpu.memory_space<semaphore_mem>>)
      %dma_wait3A = arith.constant 0 : i32
      %dma_wait3A_80 = arith.constant 0 : i32
      %dma_wait3A_81 = tpu.memref_slice %arg10[%dma_wait3A, %dma_wait3A_80] : memref<128x128xf32, #tpu.memory_space<vmem>> -> memref<128x128xf32, #tpu.memory_space<vmem>>
      %dma_wait3A_82 = arith.constant 0 : i32
      %dma_wait3A_83 = tpu.memref_slice %arg7[%add3A_11, %dma_wait3A_82] : memref<10112x128xf32, #tpu.memory_space<vmem_shared>> -> memref<128x128xf32, #tpu.memory_space<vmem_shared>>
      %dma_wait3A_84 = arith.constant 0 : i32
      %dma_wait3A_85 = tpu.memref_slice %arg7[%add3A_11, %dma_wait3A_84] : memref<10112x128xf32, #tpu.memory_space<vmem_shared>> -> memref<128x128xf32, #tpu.memory_space<vmem_shared>>
      %dma_wait3A_86 = arith.constant 0 : i32
      %dma_wait3A_87 = arith.constant 0 : i32
      %dma_wait3A_88 = tpu.memref_slice %arg10[%dma_wait3A_86, %dma_wait3A_87] : memref<128x128xf32, #tpu.memory_space<vmem>> -> memref<128x128xf32, #tpu.memory_space<vmem>>
      tpu.wait_dma2 semaphore(%run_scoped3A : memref<!tpu.dma_semaphore, #tpu.memory_space<semaphore_mem>>) src(%dma_wait3A_88 : memref<128x128xf32, #tpu.memory_space<vmem>>) dst(%dma_wait3A_85 : memref<128x128xf32, #tpu.memory_space<vmem_shared>>)
      tpu.yield
    }) : () -> ()
    %add3A_12 = arith.constant 256 : i32
    %add3A_13 = arith.addi %mul3A_7, %add3A_12 : i32
    "tpu.region"() ({
      %run_scoped3A = tpu.sem_alloc : memref<!tpu.dma_semaphore, #tpu.memory_space<semaphore_mem>>
      %dma_start3A = arith.constant 0 : i32
      %dma_start3A_71 = arith.constant 0 : i32
      %dma_start3A_72 = tpu.memref_slice %arg10[%dma_start3A, %dma_start3A_71] : memref<128x128xf32, #tpu.memory_space<vmem>> -> memref<128x128xf32, #tpu.memory_space<vmem>>
      %dma_start3A_73 = arith.constant 0 : i32
      %dma_start3A_74 = tpu.memref_slice %arg7[%add3A_13, %dma_start3A_73] : memref<10112x128xf32, #tpu.memory_space<vmem_shared>> -> memref<128x128xf32, #tpu.memory_space<vmem_shared>>
      %dma_start3A_75 = arith.constant 0 : i32
      %dma_start3A_76 = tpu.memref_slice %arg7[%add3A_13, %dma_start3A_75] : memref<10112x128xf32, #tpu.memory_space<vmem_shared>> -> memref<128x128xf32, #tpu.memory_space<vmem_shared>>
      %dma_start3A_77 = arith.constant 0 : i32
      %dma_start3A_78 = arith.constant 0 : i32
      %dma_start3A_79 = tpu.memref_slice %arg10[%dma_start3A_77, %dma_start3A_78] : memref<128x128xf32, #tpu.memory_space<vmem>> -> memref<128x128xf32, #tpu.memory_space<vmem>>
      tpu.enqueue_dma source(%dma_start3A_79 : memref<128x128xf32, #tpu.memory_space<vmem>>) target(%dma_start3A_76 : memref<128x128xf32, #tpu.memory_space<vmem_shared>>) target_semaphore(%run_scoped3A : memref<!tpu.dma_semaphore, #tpu.memory_space<semaphore_mem>>)
      %dma_wait3A = arith.constant 0 : i32
      %dma_wait3A_80 = arith.constant 0 : i32
      %dma_wait3A_81 = tpu.memref_slice %arg10[%dma_wait3A, %dma_wait3A_80] : memref<128x128xf32, #tpu.memory_space<vmem>> -> memref<128x128xf32, #tpu.memory_space<vmem>>
      %dma_wait3A_82 = arith.constant 0 : i32
      %dma_wait3A_83 = tpu.memref_slice %arg7[%add3A_13, %dma_wait3A_82] : memref<10112x128xf32, #tpu.memory_space<vmem_shared>> -> memref<128x128xf32, #tpu.memory_space<vmem_shared>>
      %dma_wait3A_84 = arith.constant 0 : i32
      %dma_wait3A_85 = tpu.memref_slice %arg7[%add3A_13, %dma_wait3A_84] : memref<10112x128xf32, #tpu.memory_space<vmem_shared>> -> memref<128x128xf32, #tpu.memory_space<vmem_shared>>
      %dma_wait3A_86 = arith.constant 0 : i32
      %dma_wait3A_87 = arith.constant 0 : i32
      %dma_wait3A_88 = tpu.memref_slice %arg10[%dma_wait3A_86, %dma_wait3A_87] : memref<128x128xf32, #tpu.memory_space<vmem>> -> memref<128x128xf32, #tpu.memory_space<vmem>>
      tpu.wait_dma2 semaphore(%run_scoped3A : memref<!tpu.dma_semaphore, #tpu.memory_space<semaphore_mem>>) src(%dma_wait3A_88 : memref<128x128xf32, #tpu.memory_space<vmem>>) dst(%dma_wait3A_85 : memref<128x128xf32, #tpu.memory_space<vmem_shared>>)
      tpu.yield
    }) : () -> ()
    %add3A_14 = arith.constant 384 : i32
    %add3A_15 = arith.addi %mul3A_7, %add3A_14 : i32
    "tpu.region"() ({
      %run_scoped3A = tpu.sem_alloc : memref<!tpu.dma_semaphore, #tpu.memory_space<semaphore_mem>>
      %dma_start3A = arith.constant 0 : i32
      %dma_start3A_71 = arith.constant 0 : i32
      %dma_start3A_72 = tpu.memref_slice %arg10[%dma_start3A, %dma_start3A_71] : memref<128x128xf32, #tpu.memory_space<vmem>> -> memref<128x128xf32, #tpu.memory_space<vmem>>
      %dma_start3A_73 = arith.constant 0 : i32
      %dma_start3A_74 = tpu.memref_slice %arg7[%add3A_15, %dma_start3A_73] : memref<10112x128xf32, #tpu.memory_space<vmem_shared>> -> memref<128x128xf32, #tpu.memory_space<vmem_shared>>
      %dma_start3A_75 = arith.constant 0 : i32
      %dma_start3A_76 = tpu.memref_slice %arg7[%add3A_15, %dma_start3A_75] : memref<10112x128xf32, #tpu.memory_space<vmem_shared>> -> memref<128x128xf32, #tpu.memory_space<vmem_shared>>
      %dma_start3A_77 = arith.constant 0 : i32
      %dma_start3A_78 = arith.constant 0 : i32
      %dma_start3A_79 = tpu.memref_slice %arg10[%dma_start3A_77, %dma_start3A_78] : memref<128x128xf32, #tpu.memory_space<vmem>> -> memref<128x128xf32, #tpu.memory_space<vmem>>
      tpu.enqueue_dma source(%dma_start3A_79 : memref<128x128xf32, #tpu.memory_space<vmem>>) target(%dma_start3A_76 : memref<128x128xf32, #tpu.memory_space<vmem_shared>>) target_semaphore(%run_scoped3A : memref<!tpu.dma_semaphore, #tpu.memory_space<semaphore_mem>>)
      %dma_wait3A = arith.constant 0 : i32
      %dma_wait3A_80 = arith.constant 0 : i32
      %dma_wait3A_81 = tpu.memref_slice %arg10[%dma_wait3A, %dma_wait3A_80] : memref<128x128xf32, #tpu.memory_space<vmem>> -> memref<128x128xf32, #tpu.memory_space<vmem>>
      %dma_wait3A_82 = arith.constant 0 : i32
      %dma_wait3A_83 = tpu.memref_slice %arg7[%add3A_15, %dma_wait3A_82] : memref<10112x128xf32, #tpu.memory_space<vmem_shared>> -> memref<128x128xf32, #tpu.memory_space<vmem_shared>>
      %dma_wait3A_84 = arith.constant 0 : i32
      %dma_wait3A_85 = tpu.memref_slice %arg7[%add3A_15, %dma_wait3A_84] : memref<10112x128xf32, #tpu.memory_space<vmem_shared>> -> memref<128x128xf32, #tpu.memory_space<vmem_shared>>
      %dma_wait3A_86 = arith.constant 0 : i32
      %dma_wait3A_87 = arith.constant 0 : i32
      %dma_wait3A_88 = tpu.memref_slice %arg10[%dma_wait3A_86, %dma_wait3A_87] : memref<128x128xf32, #tpu.memory_space<vmem>> -> memref<128x128xf32, #tpu.memory_space<vmem>>
      tpu.wait_dma2 semaphore(%run_scoped3A : memref<!tpu.dma_semaphore, #tpu.memory_space<semaphore_mem>>) src(%dma_wait3A_88 : memref<128x128xf32, #tpu.memory_space<vmem>>) dst(%dma_wait3A_85 : memref<128x128xf32, #tpu.memory_space<vmem_shared>>)
      tpu.yield
    }) : () -> ()
    %add3A_16 = arith.constant 512 : i32
    %add3A_17 = arith.addi %mul3A_7, %add3A_16 : i32
    "tpu.region"() ({
      %run_scoped3A = tpu.sem_alloc : memref<!tpu.dma_semaphore, #tpu.memory_space<semaphore_mem>>
      %dma_start3A = arith.constant 0 : i32
      %dma_start3A_71 = arith.constant 0 : i32
      %dma_start3A_72 = tpu.memref_slice %arg10[%dma_start3A, %dma_start3A_71] : memref<128x128xf32, #tpu.memory_space<vmem>> -> memref<120x128xf32, #tpu.memory_space<vmem>>
      %dma_start3A_73 = arith.constant 0 : i32
      %dma_start3A_74 = tpu.memref_slice %arg7[%add3A_17, %dma_start3A_73] : memref<10112x128xf32, #tpu.memory_space<vmem_shared>> -> memref<120x128xf32, #tpu.memory_space<vmem_shared>>
      %dma_start3A_75 = arith.constant 0 : i32
      %dma_start3A_76 = tpu.memref_slice %arg7[%add3A_17, %dma_start3A_75] : memref<10112x128xf32, #tpu.memory_space<vmem_shared>> -> memref<120x128xf32, #tpu.memory_space<vmem_shared>>
      %dma_start3A_77 = arith.constant 0 : i32
      %dma_start3A_78 = arith.constant 0 : i32
      %dma_start3A_79 = tpu.memref_slice %arg10[%dma_start3A_77, %dma_start3A_78] : memref<128x128xf32, #tpu.memory_space<vmem>> -> memref<120x128xf32, #tpu.memory_space<vmem>>
      tpu.enqueue_dma source(%dma_start3A_79 : memref<120x128xf32, #tpu.memory_space<vmem>>) target(%dma_start3A_76 : memref<120x128xf32, #tpu.memory_space<vmem_shared>>) target_semaphore(%run_scoped3A : memref<!tpu.dma_semaphore, #tpu.memory_space<semaphore_mem>>)
      %dma_wait3A = arith.constant 0 : i32
      %dma_wait3A_80 = arith.constant 0 : i32
      %dma_wait3A_81 = tpu.memref_slice %arg10[%dma_wait3A, %dma_wait3A_80] : memref<128x128xf32, #tpu.memory_space<vmem>> -> memref<120x128xf32, #tpu.memory_space<vmem>>
      %dma_wait3A_82 = arith.constant 0 : i32
      %dma_wait3A_83 = tpu.memref_slice %arg7[%add3A_17, %dma_wait3A_82] : memref<10112x128xf32, #tpu.memory_space<vmem_shared>> -> memref<120x128xf32, #tpu.memory_space<vmem_shared>>
      %dma_wait3A_84 = arith.constant 0 : i32
      %dma_wait3A_85 = tpu.memref_slice %arg7[%add3A_17, %dma_wait3A_84] : memref<10112x128xf32, #tpu.memory_space<vmem_shared>> -> memref<120x128xf32, #tpu.memory_space<vmem_shared>>
      %dma_wait3A_86 = arith.constant 0 : i32
      %dma_wait3A_87 = arith.constant 0 : i32
      %dma_wait3A_88 = tpu.memref_slice %arg10[%dma_wait3A_86, %dma_wait3A_87] : memref<128x128xf32, #tpu.memory_space<vmem>> -> memref<120x128xf32, #tpu.memory_space<vmem>>
      tpu.wait_dma2 semaphore(%run_scoped3A : memref<!tpu.dma_semaphore, #tpu.memory_space<semaphore_mem>>) src(%dma_wait3A_88 : memref<120x128xf32, #tpu.memory_space<vmem>>) dst(%dma_wait3A_85 : memref<120x128xf32, #tpu.memory_space<vmem_shared>>)
      tpu.yield
    }) : () -> ()
    %barrier3A = arith.constant 0 : index
    tpu.barrier barrier_id(%barrier3A)
    %sub3A = arith.constant 1250 : i32
    %sub3A_18 = arith.subi %sub3A, %add3A : i32
    %add3A_19 = arith.constant 32 : i32
    %add3A_20 = arith.addi %sub3A_18, %add3A_19 : i32
    %sub3A_21 = arith.constant 1 : i32
    %sub3A_22 = arith.subi %add3A_20, %sub3A_21 : i32
    %jit3A = arith.constant 32 : i32
    %div3A = arith.divsi %sub3A_22, %jit3A : i32
    %sign3A = arith.constant 0 : i32
    %sign3A_23 = arith.cmpi sgt, %sub3A_22, %sign3A : i32
    %sign3A_24 = arith.extui %sign3A_23 : i1 to i32
    %sign3A_25 = arith.constant 0 : i32
    %sign3A_26 = arith.cmpi slt, %sub3A_22, %sign3A_25 : i32
    %sign3A_27 = arith.extui %sign3A_26 : i1 to i32
    %sign3A_28 = arith.subi %sign3A_24, %sign3A_27 : i32
    %sign3A_29 = arith.constant 0 : i32
    %sign3A_30 = arith.cmpi sgt, %jit3A, %sign3A_29 : i32
    %sign3A_31 = arith.extui %sign3A_30 : i1 to i32
    %sign3A_32 = arith.constant 0 : i32
    %sign3A_33 = arith.cmpi slt, %jit3A, %sign3A_32 : i32
    %sign3A_34 = arith.extui %sign3A_33 : i1 to i32
    %sign3A_35 = arith.subi %sign3A_31, %sign3A_34 : i32
    %ne3A = arith.cmpi ne, %sign3A_28, %sign3A_35 : i32
    %rem3A = arith.remsi %sub3A_22, %jit3A : i32
    %ne3A_36 = arith.constant 0 : i32
    %ne3A_37 = arith.cmpi ne, %rem3A, %ne3A_36 : i32
    %and3A = arith.andi %ne3A, %ne3A_37 : i1
    %sub3A_38 = arith.constant 1 : i32
    %sub3A_39 = arith.subi %div3A, %sub3A_38 : i32
    %select_n3A = arith.select %and3A, %sub3A_39, %div3A : i32
    %while3A = arith.constant 0 : i32
    %while3A_40 = arith.subi %select_n3A, %while3A : i32
    %while3A_41 = arith.addi %while3A, %while3A_40 : i32
    %while3A_42 = arith.constant 1 : i32
    %while3A_43 = arith.divsi %while3A_40, %while3A_42 : i32
    %while3A_44 = arith.muli %while3A_43, %while3A_42 : i32
    %while3A_45 = arith.addi %while3A, %while3A_44 : i32
    %while3A_46 = arith.constant 1 : i32
    scf.for %while3A_71 = %while3A to %while3A_45 step %while3A_46  : i32 {
      %mul3A_72 = arith.constant 32 : i32
      %mul3A_73 = arith.muli %while3A_71, %mul3A_72 : i32
      %add3A_74 = arith.addi %add3A, %mul3A_73 : i32
      %mul3A_75 = arith.constant 128 : i32
      %mul3A_76 = arith.muli %add3A_74, %mul3A_75 : i32
      %add3A_77 = arith.constant 0 : i32
      %add3A_78 = arith.addi %mul3A_76, %add3A_77 : i32
      %dma_start3A = tpu.memref_slice %arg5[%add3A_78] : memref<160000xi32, #tpu.memory_space<hbm>> -> memref<128xi32, #tpu.memory_space<hbm>>
      %dma_start3A_79 = tpu.memref_slice %arg5[%add3A_78] : memref<160000xi32, #tpu.memory_space<hbm>> -> memref<128xi32, #tpu.memory_space<hbm>>
      tpu.enqueue_dma source(%dma_start3A_79 : memref<128xi32, #tpu.memory_space<hbm>>) target(%arg9 : memref<128xi32, #tpu.memory_space<vmem>>) target_semaphore(%arg12 : memref<!tpu.dma_semaphore, #tpu.memory_space<semaphore_mem>>)
      "tpu.region"() ({
        %run_scoped3A = tpu.sem_alloc : memref<!tpu.dma_semaphore, #tpu.memory_space<semaphore_mem>>
        %dma_start3A_128 = tpu.memref_slice %arg4[%mul3A_76] : memref<160000xi32, #tpu.memory_space<hbm>> -> memref<128xi32, #tpu.memory_space<hbm>>
        %dma_start3A_129 = tpu.memref_slice %arg4[%mul3A_76] : memref<160000xi32, #tpu.memory_space<hbm>> -> memref<128xi32, #tpu.memory_space<hbm>>
        tpu.enqueue_dma source(%dma_start3A_129 : memref<128xi32, #tpu.memory_space<hbm>>) target(%arg8 : memref<128xi32, #tpu.memory_space<vmem>>) target_semaphore(%run_scoped3A : memref<!tpu.dma_semaphore, #tpu.memory_space<semaphore_mem>>)
        %dma_wait3A_130 = tpu.memref_slice %arg4[%mul3A_76] : memref<160000xi32, #tpu.memory_space<hbm>> -> memref<128xi32, #tpu.memory_space<hbm>>
        %dma_wait3A_131 = tpu.memref_slice %arg4[%mul3A_76] : memref<160000xi32, #tpu.memory_space<hbm>> -> memref<128xi32, #tpu.memory_space<hbm>>
        tpu.wait_dma2 semaphore(%run_scoped3A : memref<!tpu.dma_semaphore, #tpu.memory_space<semaphore_mem>>) src(%dma_wait3A_131 : memref<128xi32, #tpu.memory_space<hbm>>) dst(%arg8 : memref<128xi32, #tpu.memory_space<vmem>>)
        tpu.yield
      }) : () -> ()
      %add3A_80 = arith.constant 0 : i32
      %add3A_81 = arith.addi %mul3A_76, %add3A_80 : i32
      %dma_wait3A = tpu.memref_slice %arg5[%add3A_81] : memref<160000xi32, #tpu.memory_space<hbm>> -> memref<128xi32, #tpu.memory_space<hbm>>
      %dma_wait3A_82 = tpu.memref_slice %arg5[%add3A_81] : memref<160000xi32, #tpu.memory_space<hbm>> -> memref<128xi32, #tpu.memory_space<hbm>>
      tpu.wait_dma2 semaphore(%arg12 : memref<!tpu.dma_semaphore, #tpu.memory_space<semaphore_mem>>) src(%dma_wait3A_82 : memref<128xi32, #tpu.memory_space<hbm>>) dst(%arg9 : memref<128xi32, #tpu.memory_space<vmem>>)
      %dma_start3A_83 = arith.constant 0 : i32
      %dma_start3A_84 = arith.constant 0 : i32
      %dma_start3A_85 = tpu.memref_slice %arg10[%dma_start3A_83, %dma_start3A_84] : memref<128x128xf32, #tpu.memory_space<vmem>> -> memref<128x128xf32, #tpu.memory_space<vmem>>
      %dma_start3A_86 = arith.constant 0 : i32
      %dma_start3A_87 = tpu.memref_slice %arg8[%dma_start3A_86] : memref<128xi32, #tpu.memory_space<vmem>> -> memref<128xi32, #tpu.memory_space<vmem>>
      %dma_start3A_88 = arith.constant 0 : i32
      %dma_start3A_89 = arith.constant 0 : i32
      %dma_start3A_90 = tpu.memref_slice %arg2[%dma_start3A_88, %dma_start3A_89] : memref<2000x128xf32, #tpu.memory_space<hbm>> -> memref<2000x128xf32, #tpu.memory_space<hbm>>
      tpu.enqueue_indirect_dma source(%dma_start3A_90 : memref<2000x128xf32, #tpu.memory_space<hbm>>) target(%dma_start3A_85 : memref<128x128xf32, #tpu.memory_space<vmem>>) offsets(%dma_start3A_87 : memref<128xi32, #tpu.memory_space<vmem>>) semaphore(%arg13 : memref<!tpu.dma_semaphore, #tpu.memory_space<semaphore_mem>>)
      %dma_start3A_91 = arith.constant 0 : i32
      %dma_start3A_92 = arith.constant 0 : i32
      %dma_start3A_93 = tpu.memref_slice %arg11[%dma_start3A_91, %dma_start3A_92] : memref<128x128xf32, #tpu.memory_space<vmem>> -> memref<128x128xf32, #tpu.memory_space<vmem>>
      %dma_start3A_94 = arith.constant 0 : i32
      %dma_start3A_95 = arith.constant 0 : i32
      %dma_start3A_96 = tpu.memref_slice %arg3[%dma_start3A_94, %dma_start3A_95] : memref<10000x128xf32, #tpu.memory_space<hbm>> -> memref<10000x128xf32, #tpu.memory_space<hbm>>
      tpu.enqueue_indirect_dma source(%dma_start3A_96 : memref<10000x128xf32, #tpu.memory_space<hbm>>) target(%dma_start3A_93 : memref<128x128xf32, #tpu.memory_space<vmem>>) offsets(%arg9 : memref<128xi32, #tpu.memory_space<vmem>>) semaphore(%arg14 : memref<!tpu.dma_semaphore, #tpu.memory_space<semaphore_mem>>)
      %dma_wait3A_97 = arith.constant 0 : i32
      %dma_wait3A_98 = arith.constant 0 : i32
      %dma_wait3A_99 = tpu.memref_slice %arg10[%dma_wait3A_97, %dma_wait3A_98] : memref<128x128xf32, #tpu.memory_space<vmem>> -> memref<128x128xf32, #tpu.memory_space<vmem>>
      %dma_wait3A_100 = arith.constant 0 : i32
      %dma_wait3A_101 = tpu.memref_slice %arg8[%dma_wait3A_100] : memref<128xi32, #tpu.memory_space<vmem>> -> memref<128xi32, #tpu.memory_space<vmem>>
      %dma_wait3A_102 = arith.constant 0 : i32
      %dma_wait3A_103 = arith.constant 0 : i32
      %dma_wait3A_104 = tpu.memref_slice %arg2[%dma_wait3A_102, %dma_wait3A_103] : memref<2000x128xf32, #tpu.memory_space<hbm>> -> memref<2000x128xf32, #tpu.memory_space<hbm>>
      tpu.wait_indirect_dma semaphore(%arg13 : memref<!tpu.dma_semaphore, #tpu.memory_space<semaphore_mem>>) src(%dma_wait3A_104 : memref<2000x128xf32, #tpu.memory_space<hbm>>) dst(%dma_wait3A_99 : memref<128x128xf32, #tpu.memory_space<vmem>>)
      %dma_wait3A_105 = arith.constant 0 : i32
      %dma_wait3A_106 = arith.constant 0 : i32
      %dma_wait3A_107 = tpu.memref_slice %arg11[%dma_wait3A_105, %dma_wait3A_106] : memref<128x128xf32, #tpu.memory_space<vmem>> -> memref<128x128xf32, #tpu.memory_space<vmem>>
      %dma_wait3A_108 = arith.constant 0 : i32
      %dma_wait3A_109 = arith.constant 0 : i32
      %dma_wait3A_110 = tpu.memref_slice %arg3[%dma_wait3A_108, %dma_wait3A_109] : memref<10000x128xf32, #tpu.memory_space<hbm>> -> memref<10000x128xf32, #tpu.memory_space<hbm>>
      tpu.wait_indirect_dma semaphore(%arg14 : memref<!tpu.dma_semaphore, #tpu.memory_space<semaphore_mem>>) src(%dma_wait3A_110 : memref<10000x128xf32, #tpu.memory_space<hbm>>) dst(%dma_wait3A_107 : memref<128x128xf32, #tpu.memory_space<vmem>>)
      %scan3A_111 = arith.constant 0 : i32
      %scan3A_112 = arith.constant 128 : i32
      %scan3A_113 = arith.addi %scan3A_111, %scan3A_112 : i32
      %scan3A_114 = arith.constant 1 : i32
      scf.for %scan3A_128 = %scan3A_111 to %scan3A_113 step %scan3A_114  : i32 {
        %get3A = arith.index_cast %scan3A_128 : i32 to index
        %get3A_129 = arith.constant 0 : index
        %get3A_130 = tpu.vector_load %arg10[%get3A, %get3A_129] {strides = array<i32>} : memref<128x128xf32, #tpu.memory_space<vmem>>, vector<1x16xf32>,
        %get3A_131 = vector.shape_cast %get3A_130 : vector<1x16xf32> to vector<16xf32>
        %get3A_132 = arith.index_cast %scan3A_128 : i32 to index
        %get3A_133 = arith.constant 0 : index
        %get3A_134 = tpu.vector_load %arg11[%get3A_132, %get3A_133] {strides = array<i32>} : memref<128x128xf32, #tpu.memory_space<vmem>>, vector<1x16xf32>,
        %get3A_135 = vector.shape_cast %get3A_134 : vector<1x16xf32> to vector<16xf32>
        %add3A_136 = arith.addf %get3A_131, %get3A_135 : vector<16xf32>
        %max3A = arith.constant 0.000000e+00 : f32
        %max3A_137 = vector.broadcast %max3A : f32 to vector<16xf32>
        %max3A_138 = arith.maximumf %add3A_136, %max3A_137 : vector<16xf32>
        %swap3A = arith.index_cast %scan3A_128 : i32 to index
        %swap3A_139 = arith.constant 0 : index
        %swap3A_140 = tpu.vector_load %arg10[%swap3A, %swap3A_139] {strides = array<i32>} : memref<128x128xf32, #tpu.memory_space<vmem>>, vector<1x16xf32>,
        %swap3A_141 = vector.shape_cast %swap3A_140 : vector<1x16xf32> to vector<16xf32>
        %swap3A_142 = vector.shape_cast %max3A_138 : vector<16xf32> to vector<1x16xf32>
        tpu.vector_store %arg10[%swap3A, %swap3A_139], %swap3A_142 {strides = array<i32>} : memref<128x128xf32, #tpu.memory_space<vmem>>, vector<1x16xf32>,
        %get3A_143 = arith.index_cast %scan3A_128 : i32 to index
        %get3A_144 = arith.constant 16 : index
        %get3A_145 = tpu.vector_load %arg10[%get3A_143, %get3A_144] {strides = array<i32>} : memref<128x128xf32, #tpu.memory_space<vmem>>, vector<1x16xf32>,
        %get3A_146 = vector.shape_cast %get3A_145 : vector<1x16xf32> to vector<16xf32>
        %get3A_147 = arith.index_cast %scan3A_128 : i32 to index
        %get3A_148 = arith.constant 16 : index
        %get3A_149 = tpu.vector_load %arg11[%get3A_147, %get3A_148] {strides = array<i32>} : memref<128x128xf32, #tpu.memory_space<vmem>>, vector<1x16xf32>,
        %get3A_150 = vector.shape_cast %get3A_149 : vector<1x16xf32> to vector<16xf32>
        %add3A_151 = arith.addf %get3A_146, %get3A_150 : vector<16xf32>
        %max3A_152 = arith.constant 0.000000e+00 : f32
        %max3A_153 = vector.broadcast %max3A_152 : f32 to vector<16xf32>
        %max3A_154 = arith.maximumf %add3A_151, %max3A_153 : vector<16xf32>
        %swap3A_155 = arith.index_cast %scan3A_128 : i32 to index
        %swap3A_156 = arith.constant 16 : index
        %swap3A_157 = tpu.vector_load %arg10[%swap3A_155, %swap3A_156] {strides = array<i32>} : memref<128x128xf32, #tpu.memory_space<vmem>>, vector<1x16xf32>,
        %swap3A_158 = vector.shape_cast %swap3A_157 : vector<1x16xf32> to vector<16xf32>
        %swap3A_159 = vector.shape_cast %max3A_154 : vector<16xf32> to vector<1x16xf32>
        tpu.vector_store %arg10[%swap3A_155, %swap3A_156], %swap3A_159 {strides = array<i32>} : memref<128x128xf32, #tpu.memory_space<vmem>>, vector<1x16xf32>,
        %get3A_160 = arith.index_cast %scan3A_128 : i32 to index
        %get3A_161 = arith.constant 32 : index
        %get3A_162 = tpu.vector_load %arg10[%get3A_160, %get3A_161] {strides = array<i32>} : memref<128x128xf32, #tpu.memory_space<vmem>>, vector<1x16xf32>,
        %get3A_163 = vector.shape_cast %get3A_162 : vector<1x16xf32> to vector<16xf32>
        %get3A_164 = arith.index_cast %scan3A_128 : i32 to index
        %get3A_165 = arith.constant 32 : index
        %get3A_166 = tpu.vector_load %arg11[%get3A_164, %get3A_165] {strides = array<i32>} : memref<128x128xf32, #tpu.memory_space<vmem>>, vector<1x16xf32>,
        %get3A_167 = vector.shape_cast %get3A_166 : vector<1x16xf32> to vector<16xf32>
        %add3A_168 = arith.addf %get3A_163, %get3A_167 : vector<16xf32>
        %max3A_169 = arith.constant 0.000000e+00 : f32
        %max3A_170 = vector.broadcast %max3A_169 : f32 to vector<16xf32>
        %max3A_171 = arith.maximumf %add3A_168, %max3A_170 : vector<16xf32>
        %swap3A_172 = arith.index_cast %scan3A_128 : i32 to index
        %swap3A_173 = arith.constant 32 : index
        %swap3A_174 = tpu.vector_load %arg10[%swap3A_172, %swap3A_173] {strides = array<i32>} : memref<128x128xf32, #tpu.memory_space<vmem>>, vector<1x16xf32>,
        %swap3A_175 = vector.shape_cast %swap3A_174 : vector<1x16xf32> to vector<16xf32>
        %swap3A_176 = vector.shape_cast %max3A_171 : vector<16xf32> to vector<1x16xf32>
        tpu.vector_store %arg10[%swap3A_172, %swap3A_173], %swap3A_176 {strides = array<i32>} : memref<128x128xf32, #tpu.memory_space<vmem>>, vector<1x16xf32>,
        %get3A_177 = arith.index_cast %scan3A_128 : i32 to index
        %get3A_178 = arith.constant 48 : index
        %get3A_179 = tpu.vector_load %arg10[%get3A_177, %get3A_178] {strides = array<i32>} : memref<128x128xf32, #tpu.memory_space<vmem>>, vector<1x16xf32>,
        %get3A_180 = vector.shape_cast %get3A_179 : vector<1x16xf32> to vector<16xf32>
        %get3A_181 = arith.index_cast %scan3A_128 : i32 to index
        %get3A_182 = arith.constant 48 : index
        %get3A_183 = tpu.vector_load %arg11[%get3A_181, %get3A_182] {strides = array<i32>} : memref<128x128xf32, #tpu.memory_space<vmem>>, vector<1x16xf32>,
        %get3A_184 = vector.shape_cast %get3A_183 : vector<1x16xf32> to vector<16xf32>
        %add3A_185 = arith.addf %get3A_180, %get3A_184 : vector<16xf32>
        %max3A_186 = arith.constant 0.000000e+00 : f32
        %max3A_187 = vector.broadcast %max3A_186 : f32 to vector<16xf32>
        %max3A_188 = arith.maximumf %add3A_185, %max3A_187 : vector<16xf32>
        %swap3A_189 = arith.index_cast %scan3A_128 : i32 to index
        %swap3A_190 = arith.constant 48 : index
        %swap3A_191 = tpu.vector_load %arg10[%swap3A_189, %swap3A_190] {strides = array<i32>} : memref<128x128xf32, #tpu.memory_space<vmem>>, vector<1x16xf32>,
        %swap3A_192 = vector.shape_cast %swap3A_191 : vector<1x16xf32> to vector<16xf32>
        %swap3A_193 = vector.shape_cast %max3A_188 : vector<16xf32> to vector<1x16xf32>
        tpu.vector_store %arg10[%swap3A_189, %swap3A_190], %swap3A_193 {strides = array<i32>} : memref<128x128xf32, #tpu.memory_space<vmem>>, vector<1x16xf32>,
        %get3A_194 = arith.index_cast %scan3A_128 : i32 to index
        %get3A_195 = arith.constant 64 : index
        %get3A_196 = tpu.vector_load %arg10[%get3A_194, %get3A_195] {strides = array<i32>} : memref<128x128xf32, #tpu.memory_space<vmem>>, vector<1x16xf32>,
        %get3A_197 = vector.shape_cast %get3A_196 : vector<1x16xf32> to vector<16xf32>
        %get3A_198 = arith.index_cast %scan3A_128 : i32 to index
        %get3A_199 = arith.constant 64 : index
        %get3A_200 = tpu.vector_load %arg11[%get3A_198, %get3A_199] {strides = array<i32>} : memref<128x128xf32, #tpu.memory_space<vmem>>, vector<1x16xf32>,
        %get3A_201 = vector.shape_cast %get3A_200 : vector<1x16xf32> to vector<16xf32>
        %add3A_202 = arith.addf %get3A_197, %get3A_201 : vector<16xf32>
        %max3A_203 = arith.constant 0.000000e+00 : f32
        %max3A_204 = vector.broadcast %max3A_203 : f32 to vector<16xf32>
        %max3A_205 = arith.maximumf %add3A_202, %max3A_204 : vector<16xf32>
        %swap3A_206 = arith.index_cast %scan3A_128 : i32 to index
        %swap3A_207 = arith.constant 64 : index
        %swap3A_208 = tpu.vector_load %arg10[%swap3A_206, %swap3A_207] {strides = array<i32>} : memref<128x128xf32, #tpu.memory_space<vmem>>, vector<1x16xf32>,
        %swap3A_209 = vector.shape_cast %swap3A_208 : vector<1x16xf32> to vector<16xf32>
        %swap3A_210 = vector.shape_cast %max3A_205 : vector<16xf32> to vector<1x16xf32>
        tpu.vector_store %arg10[%swap3A_206, %swap3A_207], %swap3A_210 {strides = array<i32>} : memref<128x128xf32, #tpu.memory_space<vmem>>, vector<1x16xf32>,
        %get3A_211 = arith.index_cast %scan3A_128 : i32 to index
        %get3A_212 = arith.constant 80 : index
        %get3A_213 = tpu.vector_load %arg10[%get3A_211, %get3A_212] {strides = array<i32>} : memref<128x128xf32, #tpu.memory_space<vmem>>, vector<1x16xf32>,
        %get3A_214 = vector.shape_cast %get3A_213 : vector<1x16xf32> to vector<16xf32>
        %get3A_215 = arith.index_cast %scan3A_128 : i32 to index
        %get3A_216 = arith.constant 80 : index
        %get3A_217 = tpu.vector_load %arg11[%get3A_215, %get3A_216] {strides = array<i32>} : memref<128x128xf32, #tpu.memory_space<vmem>>, vector<1x16xf32>,
        %get3A_218 = vector.shape_cast %get3A_217 : vector<1x16xf32> to vector<16xf32>
        %add3A_219 = arith.addf %get3A_214, %get3A_218 : vector<16xf32>
        %max3A_220 = arith.constant 0.000000e+00 : f32
        %max3A_221 = vector.broadcast %max3A_220 : f32 to vector<16xf32>
        %max3A_222 = arith.maximumf %add3A_219, %max3A_221 : vector<16xf32>
        %swap3A_223 = arith.index_cast %scan3A_128 : i32 to index
        %swap3A_224 = arith.constant 80 : index
        %swap3A_225 = tpu.vector_load %arg10[%swap3A_223, %swap3A_224] {strides = array<i32>} : memref<128x128xf32, #tpu.memory_space<vmem>>, vector<1x16xf32>,
        %swap3A_226 = vector.shape_cast %swap3A_225 : vector<1x16xf32> to vector<16xf32>
        %swap3A_227 = vector.shape_cast %max3A_222 : vector<16xf32> to vector<1x16xf32>
        tpu.vector_store %arg10[%swap3A_223, %swap3A_224], %swap3A_227 {strides = array<i32>} : memref<128x128xf32, #tpu.memory_space<vmem>>, vector<1x16xf32>,
        %get3A_228 = arith.index_cast %scan3A_128 : i32 to index
        %get3A_229 = arith.constant 96 : index
        %get3A_230 = tpu.vector_load %arg10[%get3A_228, %get3A_229] {strides = array<i32>} : memref<128x128xf32, #tpu.memory_space<vmem>>, vector<1x16xf32>,
        %get3A_231 = vector.shape_cast %get3A_230 : vector<1x16xf32> to vector<16xf32>
        %get3A_232 = arith.index_cast %scan3A_128 : i32 to index
        %get3A_233 = arith.constant 96 : index
        %get3A_234 = tpu.vector_load %arg11[%get3A_232, %get3A_233] {strides = array<i32>} : memref<128x128xf32, #tpu.memory_space<vmem>>, vector<1x16xf32>,
        %get3A_235 = vector.shape_cast %get3A_234 : vector<1x16xf32> to vector<16xf32>
        %add3A_236 = arith.addf %get3A_231, %get3A_235 : vector<16xf32>
        %max3A_237 = arith.constant 0.000000e+00 : f32
        %max3A_238 = vector.broadcast %max3A_237 : f32 to vector<16xf32>
        %max3A_239 = arith.maximumf %add3A_236, %max3A_238 : vector<16xf32>
        %swap3A_240 = arith.index_cast %scan3A_128 : i32 to index
        %swap3A_241 = arith.constant 96 : index
        %swap3A_242 = tpu.vector_load %arg10[%swap3A_240, %swap3A_241] {strides = array<i32>} : memref<128x128xf32, #tpu.memory_space<vmem>>, vector<1x16xf32>,
        %swap3A_243 = vector.shape_cast %swap3A_242 : vector<1x16xf32> to vector<16xf32>
        %swap3A_244 = vector.shape_cast %max3A_239 : vector<16xf32> to vector<1x16xf32>
        tpu.vector_store %arg10[%swap3A_240, %swap3A_241], %swap3A_244 {strides = array<i32>} : memref<128x128xf32, #tpu.memory_space<vmem>>, vector<1x16xf32>,
        %get3A_245 = arith.index_cast %scan3A_128 : i32 to index
        %get3A_246 = arith.constant 112 : index
        %get3A_247 = tpu.vector_load %arg10[%get3A_245, %get3A_246] {strides = array<i32>} : memref<128x128xf32, #tpu.memory_space<vmem>>, vector<1x16xf32>,
        %get3A_248 = vector.shape_cast %get3A_247 : vector<1x16xf32> to vector<16xf32>
        %get3A_249 = arith.index_cast %scan3A_128 : i32 to index
        %get3A_250 = arith.constant 112 : index
        %get3A_251 = tpu.vector_load %arg11[%get3A_249, %get3A_250] {strides = array<i32>} : memref<128x128xf32, #tpu.memory_space<vmem>>, vector<1x16xf32>,
        %get3A_252 = vector.shape_cast %get3A_251 : vector<1x16xf32> to vector<16xf32>
        %add3A_253 = arith.addf %get3A_248, %get3A_252 : vector<16xf32>
        %max3A_254 = arith.constant 0.000000e+00 : f32
        %max3A_255 = vector.broadcast %max3A_254 : f32 to vector<16xf32>
        %max3A_256 = arith.maximumf %add3A_253, %max3A_255 : vector<16xf32>
        %swap3A_257 = arith.index_cast %scan3A_128 : i32 to index
        %swap3A_258 = arith.constant 112 : index
        %swap3A_259 = tpu.vector_load %arg10[%swap3A_257, %swap3A_258] {strides = array<i32>} : memref<128x128xf32, #tpu.memory_space<vmem>>, vector<1x16xf32>,
        %swap3A_260 = vector.shape_cast %swap3A_259 : vector<1x16xf32> to vector<16xf32>
        %swap3A_261 = vector.shape_cast %max3A_256 : vector<16xf32> to vector<1x16xf32>
        tpu.vector_store %arg10[%swap3A_257, %swap3A_258], %swap3A_261 {strides = array<i32>} : memref<128x128xf32, #tpu.memory_space<vmem>>, vector<1x16xf32>,
      }
      %scan3A_115 = arith.constant 128 : i32
      %dma_start3A_116 = arith.constant 0 : i32
      %dma_start3A_117 = arith.constant 0 : i32
      %dma_start3A_118 = tpu.memref_slice %arg10[%dma_start3A_116, %dma_start3A_117] : memref<128x128xf32, #tpu.memory_space<vmem>> -> memref<128x128xf32, #tpu.memory_space<vmem>>
      %dma_start3A_119 = arith.constant 0 : i32
      %dma_start3A_120 = arith.constant 0 : i32
      %dma_start3A_121 = tpu.memref_slice %arg7[%dma_start3A_119, %dma_start3A_120] : memref<10112x128xf32, #tpu.memory_space<vmem_shared>> -> memref<10112x128xf32, #tpu.memory_space<vmem_shared>>
      tpu.enqueue_indirect_dma source(%dma_start3A_118 : memref<128x128xf32, #tpu.memory_space<vmem>>) target(%dma_start3A_121 : memref<10112x128xf32, #tpu.memory_space<vmem_shared>>) offsets(%arg9 : memref<128xi32, #tpu.memory_space<vmem>>) semaphore(%arg15 : memref<!tpu.dma_semaphore, #tpu.memory_space<semaphore_mem>>) {add = true}
      %dma_wait3A_122 = arith.constant 0 : i32
      %dma_wait3A_123 = arith.constant 0 : i32
      %dma_wait3A_124 = tpu.memref_slice %arg10[%dma_wait3A_122, %dma_wait3A_123] : memref<128x128xf32, #tpu.memory_space<vmem>> -> memref<128x128xf32, #tpu.memory_space<vmem>>
      %dma_wait3A_125 = arith.constant 0 : i32
      %dma_wait3A_126 = arith.constant 0 : i32
      %dma_wait3A_127 = tpu.memref_slice %arg7[%dma_wait3A_125, %dma_wait3A_126] : memref<10112x128xf32, #tpu.memory_space<vmem_shared>> -> memref<10112x128xf32, #tpu.memory_space<vmem_shared>>
      tpu.wait_indirect_dma semaphore(%arg15 : memref<!tpu.dma_semaphore, #tpu.memory_space<semaphore_mem>>) src(%dma_wait3A_124 : memref<128x128xf32, #tpu.memory_space<vmem>>) dst(%dma_wait3A_127 : memref<10112x128xf32, #tpu.memory_space<vmem_shared>>)
    }
    %while3A_47 = arith.constant 1 : i32
    scf.for %while3A_71 = %while3A_45 to %while3A_41 step %while3A_47  : i32 {
      %mul3A_72 = arith.constant 32 : i32
      %mul3A_73 = arith.muli %while3A_71, %mul3A_72 : i32
      %add3A_74 = arith.addi %add3A, %mul3A_73 : i32
      %mul3A_75 = arith.constant 128 : i32
      %mul3A_76 = arith.muli %add3A_74, %mul3A_75 : i32
      %add3A_77 = arith.constant 0 : i32
      %add3A_78 = arith.addi %mul3A_76, %add3A_77 : i32
      %dma_start3A = tpu.memref_slice %arg5[%add3A_78] : memref<160000xi32, #tpu.memory_space<hbm>> -> memref<128xi32, #tpu.memory_space<hbm>>
      %dma_start3A_79 = tpu.memref_slice %arg5[%add3A_78] : memref<160000xi32, #tpu.memory_space<hbm>> -> memref<128xi32, #tpu.memory_space<hbm>>
      tpu.enqueue_dma source(%dma_start3A_79 : memref<128xi32, #tpu.memory_space<hbm>>) target(%arg9 : memref<128xi32, #tpu.memory_space<vmem>>) target_semaphore(%arg12 : memref<!tpu.dma_semaphore, #tpu.memory_space<semaphore_mem>>)
      "tpu.region"() ({
        %run_scoped3A = tpu.sem_alloc : memref<!tpu.dma_semaphore, #tpu.memory_space<semaphore_mem>>
        %dma_start3A_128 = tpu.memref_slice %arg4[%mul3A_76] : memref<160000xi32, #tpu.memory_space<hbm>> -> memref<128xi32, #tpu.memory_space<hbm>>
        %dma_start3A_129 = tpu.memref_slice %arg4[%mul3A_76] : memref<160000xi32, #tpu.memory_space<hbm>> -> memref<128xi32, #tpu.memory_space<hbm>>
        tpu.enqueue_dma source(%dma_start3A_129 : memref<128xi32, #tpu.memory_space<hbm>>) target(%arg8 : memref<128xi32, #tpu.memory_space<vmem>>) target_semaphore(%run_scoped3A : memref<!tpu.dma_semaphore, #tpu.memory_space<semaphore_mem>>)
        %dma_wait3A_130 = tpu.memref_slice %arg4[%mul3A_76] : memref<160000xi32, #tpu.memory_space<hbm>> -> memref<128xi32, #tpu.memory_space<hbm>>
        %dma_wait3A_131 = tpu.memref_slice %arg4[%mul3A_76] : memref<160000xi32, #tpu.memory_space<hbm>> -> memref<128xi32, #tpu.memory_space<hbm>>
        tpu.wait_dma2 semaphore(%run_scoped3A : memref<!tpu.dma_semaphore, #tpu.memory_space<semaphore_mem>>) src(%dma_wait3A_131 : memref<128xi32, #tpu.memory_space<hbm>>) dst(%arg8 : memref<128xi32, #tpu.memory_space<vmem>>)
        tpu.yield
      }) : () -> ()
      %add3A_80 = arith.constant 0 : i32
      %add3A_81 = arith.addi %mul3A_76, %add3A_80 : i32
      %dma_wait3A = tpu.memref_slice %arg5[%add3A_81] : memref<160000xi32, #tpu.memory_space<hbm>> -> memref<128xi32, #tpu.memory_space<hbm>>
      %dma_wait3A_82 = tpu.memref_slice %arg5[%add3A_81] : memref<160000xi32, #tpu.memory_space<hbm>> -> memref<128xi32, #tpu.memory_space<hbm>>
      tpu.wait_dma2 semaphore(%arg12 : memref<!tpu.dma_semaphore, #tpu.memory_space<semaphore_mem>>) src(%dma_wait3A_82 : memref<128xi32, #tpu.memory_space<hbm>>) dst(%arg9 : memref<128xi32, #tpu.memory_space<vmem>>)
      %dma_start3A_83 = arith.constant 0 : i32
      %dma_start3A_84 = arith.constant 0 : i32
      %dma_start3A_85 = tpu.memref_slice %arg10[%dma_start3A_83, %dma_start3A_84] : memref<128x128xf32, #tpu.memory_space<vmem>> -> memref<128x128xf32, #tpu.memory_space<vmem>>
      %dma_start3A_86 = arith.constant 0 : i32
      %dma_start3A_87 = tpu.memref_slice %arg8[%dma_start3A_86] : memref<128xi32, #tpu.memory_space<vmem>> -> memref<128xi32, #tpu.memory_space<vmem>>
      %dma_start3A_88 = arith.constant 0 : i32
      %dma_start3A_89 = arith.constant 0 : i32
      %dma_start3A_90 = tpu.memref_slice %arg2[%dma_start3A_88, %dma_start3A_89] : memref<2000x128xf32, #tpu.memory_space<hbm>> -> memref<2000x128xf32, #tpu.memory_space<hbm>>
      tpu.enqueue_indirect_dma source(%dma_start3A_90 : memref<2000x128xf32, #tpu.memory_space<hbm>>) target(%dma_start3A_85 : memref<128x128xf32, #tpu.memory_space<vmem>>) offsets(%dma_start3A_87 : memref<128xi32, #tpu.memory_space<vmem>>) semaphore(%arg13 : memref<!tpu.dma_semaphore, #tpu.memory_space<semaphore_mem>>)
      %dma_start3A_91 = arith.constant 0 : i32
      %dma_start3A_92 = arith.constant 0 : i32
      %dma_start3A_93 = tpu.memref_slice %arg11[%dma_start3A_91, %dma_start3A_92] : memref<128x128xf32, #tpu.memory_space<vmem>> -> memref<128x128xf32, #tpu.memory_space<vmem>>
      %dma_start3A_94 = arith.constant 0 : i32
      %dma_start3A_95 = arith.constant 0 : i32
      %dma_start3A_96 = tpu.memref_slice %arg3[%dma_start3A_94, %dma_start3A_95] : memref<10000x128xf32, #tpu.memory_space<hbm>> -> memref<10000x128xf32, #tpu.memory_space<hbm>>
      tpu.enqueue_indirect_dma source(%dma_start3A_96 : memref<10000x128xf32, #tpu.memory_space<hbm>>) target(%dma_start3A_93 : memref<128x128xf32, #tpu.memory_space<vmem>>) offsets(%arg9 : memref<128xi32, #tpu.memory_space<vmem>>) semaphore(%arg14 : memref<!tpu.dma_semaphore, #tpu.memory_space<semaphore_mem>>)
      %dma_wait3A_97 = arith.constant 0 : i32
      %dma_wait3A_98 = arith.constant 0 : i32
      %dma_wait3A_99 = tpu.memref_slice %arg10[%dma_wait3A_97, %dma_wait3A_98] : memref<128x128xf32, #tpu.memory_space<vmem>> -> memref<128x128xf32, #tpu.memory_space<vmem>>
      %dma_wait3A_100 = arith.constant 0 : i32
      %dma_wait3A_101 = tpu.memref_slice %arg8[%dma_wait3A_100] : memref<128xi32, #tpu.memory_space<vmem>> -> memref<128xi32, #tpu.memory_space<vmem>>
      %dma_wait3A_102 = arith.constant 0 : i32
      %dma_wait3A_103 = arith.constant 0 : i32
      %dma_wait3A_104 = tpu.memref_slice %arg2[%dma_wait3A_102, %dma_wait3A_103] : memref<2000x128xf32, #tpu.memory_space<hbm>> -> memref<2000x128xf32, #tpu.memory_space<hbm>>
      tpu.wait_indirect_dma semaphore(%arg13 : memref<!tpu.dma_semaphore, #tpu.memory_space<semaphore_mem>>) src(%dma_wait3A_104 : memref<2000x128xf32, #tpu.memory_space<hbm>>) dst(%dma_wait3A_99 : memref<128x128xf32, #tpu.memory_space<vmem>>)
      %dma_wait3A_105 = arith.constant 0 : i32
      %dma_wait3A_106 = arith.constant 0 : i32
      %dma_wait3A_107 = tpu.memref_slice %arg11[%dma_wait3A_105, %dma_wait3A_106] : memref<128x128xf32, #tpu.memory_space<vmem>> -> memref<128x128xf32, #tpu.memory_space<vmem>>
      %dma_wait3A_108 = arith.constant 0 : i32
      %dma_wait3A_109 = arith.constant 0 : i32
      %dma_wait3A_110 = tpu.memref_slice %arg3[%dma_wait3A_108, %dma_wait3A_109] : memref<10000x128xf32, #tpu.memory_space<hbm>> -> memref<10000x128xf32, #tpu.memory_space<hbm>>
      tpu.wait_indirect_dma semaphore(%arg14 : memref<!tpu.dma_semaphore, #tpu.memory_space<semaphore_mem>>) src(%dma_wait3A_110 : memref<10000x128xf32, #tpu.memory_space<hbm>>) dst(%dma_wait3A_107 : memref<128x128xf32, #tpu.memory_space<vmem>>)
      %scan3A_111 = arith.constant 0 : i32
      %scan3A_112 = arith.constant 128 : i32
      %scan3A_113 = arith.addi %scan3A_111, %scan3A_112 : i32
      %scan3A_114 = arith.constant 1 : i32
      scf.for %scan3A_128 = %scan3A_111 to %scan3A_113 step %scan3A_114  : i32 {
        %get3A = arith.index_cast %scan3A_128 : i32 to index
        %get3A_129 = arith.constant 0 : index
        %get3A_130 = tpu.vector_load %arg10[%get3A, %get3A_129] {strides = array<i32>} : memref<128x128xf32, #tpu.memory_space<vmem>>, vector<1x16xf32>,
        %get3A_131 = vector.shape_cast %get3A_130 : vector<1x16xf32> to vector<16xf32>
        %get3A_132 = arith.index_cast %scan3A_128 : i32 to index
        %get3A_133 = arith.constant 0 : index
        %get3A_134 = tpu.vector_load %arg11[%get3A_132, %get3A_133] {strides = array<i32>} : memref<128x128xf32, #tpu.memory_space<vmem>>, vector<1x16xf32>,
        %get3A_135 = vector.shape_cast %get3A_134 : vector<1x16xf32> to vector<16xf32>
        %add3A_136 = arith.addf %get3A_131, %get3A_135 : vector<16xf32>
        %max3A = arith.constant 0.000000e+00 : f32
        %max3A_137 = vector.broadcast %max3A : f32 to vector<16xf32>
        %max3A_138 = arith.maximumf %add3A_136, %max3A_137 : vector<16xf32>
        %swap3A = arith.index_cast %scan3A_128 : i32 to index
        %swap3A_139 = arith.constant 0 : index
        %swap3A_140 = tpu.vector_load %arg10[%swap3A, %swap3A_139] {strides = array<i32>} : memref<128x128xf32, #tpu.memory_space<vmem>>, vector<1x16xf32>,
        %swap3A_141 = vector.shape_cast %swap3A_140 : vector<1x16xf32> to vector<16xf32>
        %swap3A_142 = vector.shape_cast %max3A_138 : vector<16xf32> to vector<1x16xf32>
        tpu.vector_store %arg10[%swap3A, %swap3A_139], %swap3A_142 {strides = array<i32>} : memref<128x128xf32, #tpu.memory_space<vmem>>, vector<1x16xf32>,
        %get3A_143 = arith.index_cast %scan3A_128 : i32 to index
        %get3A_144 = arith.constant 16 : index
        %get3A_145 = tpu.vector_load %arg10[%get3A_143, %get3A_144] {strides = array<i32>} : memref<128x128xf32, #tpu.memory_space<vmem>>, vector<1x16xf32>,
        %get3A_146 = vector.shape_cast %get3A_145 : vector<1x16xf32> to vector<16xf32>
        %get3A_147 = arith.index_cast %scan3A_128 : i32 to index
        %get3A_148 = arith.constant 16 : index
        %get3A_149 = tpu.vector_load %arg11[%get3A_147, %get3A_148] {strides = array<i32>} : memref<128x128xf32, #tpu.memory_space<vmem>>, vector<1x16xf32>,
        %get3A_150 = vector.shape_cast %get3A_149 : vector<1x16xf32> to vector<16xf32>
        %add3A_151 = arith.addf %get3A_146, %get3A_150 : vector<16xf32>
        %max3A_152 = arith.constant 0.000000e+00 : f32
        %max3A_153 = vector.broadcast %max3A_152 : f32 to vector<16xf32>
        %max3A_154 = arith.maximumf %add3A_151, %max3A_153 : vector<16xf32>
        %swap3A_155 = arith.index_cast %scan3A_128 : i32 to index
        %swap3A_156 = arith.constant 16 : index
        %swap3A_157 = tpu.vector_load %arg10[%swap3A_155, %swap3A_156] {strides = array<i32>} : memref<128x128xf32, #tpu.memory_space<vmem>>, vector<1x16xf32>,
        %swap3A_158 = vector.shape_cast %swap3A_157 : vector<1x16xf32> to vector<16xf32>
        %swap3A_159 = vector.shape_cast %max3A_154 : vector<16xf32> to vector<1x16xf32>
        tpu.vector_store %arg10[%swap3A_155, %swap3A_156], %swap3A_159 {strides = array<i32>} : memref<128x128xf32, #tpu.memory_space<vmem>>, vector<1x16xf32>,
        %get3A_160 = arith.index_cast %scan3A_128 : i32 to index
        %get3A_161 = arith.constant 32 : index
        %get3A_162 = tpu.vector_load %arg10[%get3A_160, %get3A_161] {strides = array<i32>} : memref<128x128xf32, #tpu.memory_space<vmem>>, vector<1x16xf32>,
        %get3A_163 = vector.shape_cast %get3A_162 : vector<1x16xf32> to vector<16xf32>
        %get3A_164 = arith.index_cast %scan3A_128 : i32 to index
        %get3A_165 = arith.constant 32 : index
        %get3A_166 = tpu.vector_load %arg11[%get3A_164, %get3A_165] {strides = array<i32>} : memref<128x128xf32, #tpu.memory_space<vmem>>, vector<1x16xf32>,
        %get3A_167 = vector.shape_cast %get3A_166 : vector<1x16xf32> to vector<16xf32>
        %add3A_168 = arith.addf %get3A_163, %get3A_167 : vector<16xf32>
        %max3A_169 = arith.constant 0.000000e+00 : f32
        %max3A_170 = vector.broadcast %max3A_169 : f32 to vector<16xf32>
        %max3A_171 = arith.maximumf %add3A_168, %max3A_170 : vector<16xf32>
        %swap3A_172 = arith.index_cast %scan3A_128 : i32 to index
        %swap3A_173 = arith.constant 32 : index
        %swap3A_174 = tpu.vector_load %arg10[%swap3A_172, %swap3A_173] {strides = array<i32>} : memref<128x128xf32, #tpu.memory_space<vmem>>, vector<1x16xf32>,
        %swap3A_175 = vector.shape_cast %swap3A_174 : vector<1x16xf32> to vector<16xf32>
        %swap3A_176 = vector.shape_cast %max3A_171 : vector<16xf32> to vector<1x16xf32>
        tpu.vector_store %arg10[%swap3A_172, %swap3A_173], %swap3A_176 {strides = array<i32>} : memref<128x128xf32, #tpu.memory_space<vmem>>, vector<1x16xf32>,
        %get3A_177 = arith.index_cast %scan3A_128 : i32 to index
        %get3A_178 = arith.constant 48 : index
        %get3A_179 = tpu.vector_load %arg10[%get3A_177, %get3A_178] {strides = array<i32>} : memref<128x128xf32, #tpu.memory_space<vmem>>, vector<1x16xf32>,
        %get3A_180 = vector.shape_cast %get3A_179 : vector<1x16xf32> to vector<16xf32>
        %get3A_181 = arith.index_cast %scan3A_128 : i32 to index
        %get3A_182 = arith.constant 48 : index
        %get3A_183 = tpu.vector_load %arg11[%get3A_181, %get3A_182] {strides = array<i32>} : memref<128x128xf32, #tpu.memory_space<vmem>>, vector<1x16xf32>,
        %get3A_184 = vector.shape_cast %get3A_183 : vector<1x16xf32> to vector<16xf32>
        %add3A_185 = arith.addf %get3A_180, %get3A_184 : vector<16xf32>
        %max3A_186 = arith.constant 0.000000e+00 : f32
        %max3A_187 = vector.broadcast %max3A_186 : f32 to vector<16xf32>
        %max3A_188 = arith.maximumf %add3A_185, %max3A_187 : vector<16xf32>
        %swap3A_189 = arith.index_cast %scan3A_128 : i32 to index
        %swap3A_190 = arith.constant 48 : index
        %swap3A_191 = tpu.vector_load %arg10[%swap3A_189, %swap3A_190] {strides = array<i32>} : memref<128x128xf32, #tpu.memory_space<vmem>>, vector<1x16xf32>,
        %swap3A_192 = vector.shape_cast %swap3A_191 : vector<1x16xf32> to vector<16xf32>
        %swap3A_193 = vector.shape_cast %max3A_188 : vector<16xf32> to vector<1x16xf32>
        tpu.vector_store %arg10[%swap3A_189, %swap3A_190], %swap3A_193 {strides = array<i32>} : memref<128x128xf32, #tpu.memory_space<vmem>>, vector<1x16xf32>,
        %get3A_194 = arith.index_cast %scan3A_128 : i32 to index
        %get3A_195 = arith.constant 64 : index
        %get3A_196 = tpu.vector_load %arg10[%get3A_194, %get3A_195] {strides = array<i32>} : memref<128x128xf32, #tpu.memory_space<vmem>>, vector<1x16xf32>,
        %get3A_197 = vector.shape_cast %get3A_196 : vector<1x16xf32> to vector<16xf32>
        %get3A_198 = arith.index_cast %scan3A_128 : i32 to index
        %get3A_199 = arith.constant 64 : index
        %get3A_200 = tpu.vector_load %arg11[%get3A_198, %get3A_199] {strides = array<i32>} : memref<128x128xf32, #tpu.memory_space<vmem>>, vector<1x16xf32>,
        %get3A_201 = vector.shape_cast %get3A_200 : vector<1x16xf32> to vector<16xf32>
        %add3A_202 = arith.addf %get3A_197, %get3A_201 : vector<16xf32>
        %max3A_203 = arith.constant 0.000000e+00 : f32
        %max3A_204 = vector.broadcast %max3A_203 : f32 to vector<16xf32>
        %max3A_205 = arith.maximumf %add3A_202, %max3A_204 : vector<16xf32>
        %swap3A_206 = arith.index_cast %scan3A_128 : i32 to index
        %swap3A_207 = arith.constant 64 : index
        %swap3A_208 = tpu.vector_load %arg10[%swap3A_206, %swap3A_207] {strides = array<i32>} : memref<128x128xf32, #tpu.memory_space<vmem>>, vector<1x16xf32>,
        %swap3A_209 = vector.shape_cast %swap3A_208 : vector<1x16xf32> to vector<16xf32>
        %swap3A_210 = vector.shape_cast %max3A_205 : vector<16xf32> to vector<1x16xf32>
        tpu.vector_store %arg10[%swap3A_206, %swap3A_207], %swap3A_210 {strides = array<i32>} : memref<128x128xf32, #tpu.memory_space<vmem>>, vector<1x16xf32>,
        %get3A_211 = arith.index_cast %scan3A_128 : i32 to index
        %get3A_212 = arith.constant 80 : index
        %get3A_213 = tpu.vector_load %arg10[%get3A_211, %get3A_212] {strides = array<i32>} : memref<128x128xf32, #tpu.memory_space<vmem>>, vector<1x16xf32>,
        %get3A_214 = vector.shape_cast %get3A_213 : vector<1x16xf32> to vector<16xf32>
        %get3A_215 = arith.index_cast %scan3A_128 : i32 to index
        %get3A_216 = arith.constant 80 : index
        %get3A_217 = tpu.vector_load %arg11[%get3A_215, %get3A_216] {strides = array<i32>} : memref<128x128xf32, #tpu.memory_space<vmem>>, vector<1x16xf32>,
        %get3A_218 = vector.shape_cast %get3A_217 : vector<1x16xf32> to vector<16xf32>
        %add3A_219 = arith.addf %get3A_214, %get3A_218 : vector<16xf32>
        %max3A_220 = arith.constant 0.000000e+00 : f32
        %max3A_221 = vector.broadcast %max3A_220 : f32 to vector<16xf32>
        %max3A_222 = arith.maximumf %add3A_219, %max3A_221 : vector<16xf32>
        %swap3A_223 = arith.index_cast %scan3A_128 : i32 to index
        %swap3A_224 = arith.constant 80 : index
        %swap3A_225 = tpu.vector_load %arg10[%swap3A_223, %swap3A_224] {strides = array<i32>} : memref<128x128xf32, #tpu.memory_space<vmem>>, vector<1x16xf32>,
        %swap3A_226 = vector.shape_cast %swap3A_225 : vector<1x16xf32> to vector<16xf32>
        %swap3A_227 = vector.shape_cast %max3A_222 : vector<16xf32> to vector<1x16xf32>
        tpu.vector_store %arg10[%swap3A_223, %swap3A_224], %swap3A_227 {strides = array<i32>} : memref<128x128xf32, #tpu.memory_space<vmem>>, vector<1x16xf32>,
        %get3A_228 = arith.index_cast %scan3A_128 : i32 to index
        %get3A_229 = arith.constant 96 : index
        %get3A_230 = tpu.vector_load %arg10[%get3A_228, %get3A_229] {strides = array<i32>} : memref<128x128xf32, #tpu.memory_space<vmem>>, vector<1x16xf32>,
        %get3A_231 = vector.shape_cast %get3A_230 : vector<1x16xf32> to vector<16xf32>
        %get3A_232 = arith.index_cast %scan3A_128 : i32 to index
        %get3A_233 = arith.constant 96 : index
        %get3A_234 = tpu.vector_load %arg11[%get3A_232, %get3A_233] {strides = array<i32>} : memref<128x128xf32, #tpu.memory_space<vmem>>, vector<1x16xf32>,
        %get3A_235 = vector.shape_cast %get3A_234 : vector<1x16xf32> to vector<16xf32>
        %add3A_236 = arith.addf %get3A_231, %get3A_235 : vector<16xf32>
        %max3A_237 = arith.constant 0.000000e+00 : f32
        %max3A_238 = vector.broadcast %max3A_237 : f32 to vector<16xf32>
        %max3A_239 = arith.maximumf %add3A_236, %max3A_238 : vector<16xf32>
        %swap3A_240 = arith.index_cast %scan3A_128 : i32 to index
        %swap3A_241 = arith.constant 96 : index
        %swap3A_242 = tpu.vector_load %arg10[%swap3A_240, %swap3A_241] {strides = array<i32>} : memref<128x128xf32, #tpu.memory_space<vmem>>, vector<1x16xf32>,
        %swap3A_243 = vector.shape_cast %swap3A_242 : vector<1x16xf32> to vector<16xf32>
        %swap3A_244 = vector.shape_cast %max3A_239 : vector<16xf32> to vector<1x16xf32>
        tpu.vector_store %arg10[%swap3A_240, %swap3A_241], %swap3A_244 {strides = array<i32>} : memref<128x128xf32, #tpu.memory_space<vmem>>, vector<1x16xf32>,
        %get3A_245 = arith.index_cast %scan3A_128 : i32 to index
        %get3A_246 = arith.constant 112 : index
        %get3A_247 = tpu.vector_load %arg10[%get3A_245, %get3A_246] {strides = array<i32>} : memref<128x128xf32, #tpu.memory_space<vmem>>, vector<1x16xf32>,
        %get3A_248 = vector.shape_cast %get3A_247 : vector<1x16xf32> to vector<16xf32>
        %get3A_249 = arith.index_cast %scan3A_128 : i32 to index
        %get3A_250 = arith.constant 112 : index
        %get3A_251 = tpu.vector_load %arg11[%get3A_249, %get3A_250] {strides = array<i32>} : memref<128x128xf32, #tpu.memory_space<vmem>>, vector<1x16xf32>,
        %get3A_252 = vector.shape_cast %get3A_251 : vector<1x16xf32> to vector<16xf32>
        %add3A_253 = arith.addf %get3A_248, %get3A_252 : vector<16xf32>
        %max3A_254 = arith.constant 0.000000e+00 : f32
        %max3A_255 = vector.broadcast %max3A_254 : f32 to vector<16xf32>
        %max3A_256 = arith.maximumf %add3A_253, %max3A_255 : vector<16xf32>
        %swap3A_257 = arith.index_cast %scan3A_128 : i32 to index
        %swap3A_258 = arith.constant 112 : index
        %swap3A_259 = tpu.vector_load %arg10[%swap3A_257, %swap3A_258] {strides = array<i32>} : memref<128x128xf32, #tpu.memory_space<vmem>>, vector<1x16xf32>,
        %swap3A_260 = vector.shape_cast %swap3A_259 : vector<1x16xf32> to vector<16xf32>
        %swap3A_261 = vector.shape_cast %max3A_256 : vector<16xf32> to vector<1x16xf32>
        tpu.vector_store %arg10[%swap3A_257, %swap3A_258], %swap3A_261 {strides = array<i32>} : memref<128x128xf32, #tpu.memory_space<vmem>>, vector<1x16xf32>,
      }
      %scan3A_115 = arith.constant 128 : i32
      %dma_start3A_116 = arith.constant 0 : i32
      %dma_start3A_117 = arith.constant 0 : i32
      %dma_start3A_118 = tpu.memref_slice %arg10[%dma_start3A_116, %dma_start3A_117] : memref<128x128xf32, #tpu.memory_space<vmem>> -> memref<128x128xf32, #tpu.memory_space<vmem>>
      %dma_start3A_119 = arith.constant 0 : i32
      %dma_start3A_120 = arith.constant 0 : i32
      %dma_start3A_121 = tpu.memref_slice %arg7[%dma_start3A_119, %dma_start3A_120] : memref<10112x128xf32, #tpu.memory_space<vmem_shared>> -> memref<10112x128xf32, #tpu.memory_space<vmem_shared>>
      tpu.enqueue_indirect_dma source(%dma_start3A_118 : memref<128x128xf32, #tpu.memory_space<vmem>>) target(%dma_start3A_121 : memref<10112x128xf32, #tpu.memory_space<vmem_shared>>) offsets(%arg9 : memref<128xi32, #tpu.memory_space<vmem>>) semaphore(%arg15 : memref<!tpu.dma_semaphore, #tpu.memory_space<semaphore_mem>>) {add = true}
      %dma_wait3A_122 = arith.constant 0 : i32
      %dma_wait3A_123 = arith.constant 0 : i32
      %dma_wait3A_124 = tpu.memref_slice %arg10[%dma_wait3A_122, %dma_wait3A_123] : memref<128x128xf32, #tpu.memory_space<vmem>> -> memref<128x128xf32, #tpu.memory_space<vmem>>
      %dma_wait3A_125 = arith.constant 0 : i32
      %dma_wait3A_126 = arith.constant 0 : i32
      %dma_wait3A_127 = tpu.memref_slice %arg7[%dma_wait3A_125, %dma_wait3A_126] : memref<10112x128xf32, #tpu.memory_space<vmem_shared>> -> memref<10112x128xf32, #tpu.memory_space<vmem_shared>>
      tpu.wait_indirect_dma semaphore(%arg15 : memref<!tpu.dma_semaphore, #tpu.memory_space<semaphore_mem>>) src(%dma_wait3A_124 : memref<128x128xf32, #tpu.memory_space<vmem>>) dst(%dma_wait3A_127 : memref<10112x128xf32, #tpu.memory_space<vmem_shared>>)
    }
    %barrier3A_48 = arith.constant 0 : index
    tpu.barrier barrier_id(%barrier3A_48)
    %mul3A_49 = arith.constant 632 : i32
    %mul3A_50 = arith.muli %arg1, %mul3A_49 : i32
    %add3A_51 = arith.constant 0 : i32
    %add3A_52 = arith.addi %mul3A_50, %add3A_51 : i32
    %add3A_53 = arith.constant 0 : i32
    %add3A_54 = arith.addi %mul3A_50, %add3A_53 : i32
    "tpu.region"() ({
      %run_scoped3A = tpu.sem_alloc : memref<!tpu.dma_semaphore, #tpu.memory_space<semaphore_mem>>
      %dma_start3A = arith.constant 0 : i32
      %dma_start3A_71 = tpu.memref_slice %arg6[%arg0, %add3A_54, %dma_start3A] : memref<2x10112x128xf32, #tpu.memory_space<hbm>> -> memref<1x128x128xf32, #tpu.memory_space<hbm>>
      %dma_start3A_72 = tpu.memref_squeeze %dma_start3A_71 : memref<1x128x128xf32, #tpu.memory_space<hbm>> -> memref<128x128xf32, #tpu.memory_space<hbm>>
      %dma_start3A_73 = arith.constant 0 : i32
      %dma_start3A_74 = tpu.memref_slice %arg7[%add3A_52, %dma_start3A_73] : memref<10112x128xf32, #tpu.memory_space<vmem_shared>> -> memref<128x128xf32, #tpu.memory_space<vmem_shared>>
      tpu.enqueue_dma source(%dma_start3A_74 : memref<128x128xf32, #tpu.memory_space<vmem_shared>>) target(%dma_start3A_72 : memref<128x128xf32, #tpu.memory_space<hbm>>) target_semaphore(%run_scoped3A : memref<!tpu.dma_semaphore, #tpu.memory_space<semaphore_mem>>)
      %dma_wait3A = arith.constant 0 : i32
      %dma_wait3A_75 = tpu.memref_slice %arg6[%arg0, %add3A_54, %dma_wait3A] : memref<2x10112x128xf32, #tpu.memory_space<hbm>> -> memref<1x128x128xf32, #tpu.memory_space<hbm>>
      %dma_wait3A_76 = tpu.memref_squeeze %dma_wait3A_75 : memref<1x128x128xf32, #tpu.memory_space<hbm>> -> memref<128x128xf32, #tpu.memory_space<hbm>>
      %dma_wait3A_77 = arith.constant 0 : i32
      %dma_wait3A_78 = tpu.memref_slice %arg7[%add3A_52, %dma_wait3A_77] : memref<10112x128xf32, #tpu.memory_space<vmem_shared>> -> memref<128x128xf32, #tpu.memory_space<vmem_shared>>
      tpu.wait_dma2 semaphore(%run_scoped3A : memref<!tpu.dma_semaphore, #tpu.memory_space<semaphore_mem>>) src(%dma_wait3A_78 : memref<128x128xf32, #tpu.memory_space<vmem_shared>>) dst(%dma_wait3A_76 : memref<128x128xf32, #tpu.memory_space<hbm>>)
      tpu.yield
    }) : () -> ()
    %add3A_55 = arith.constant 128 : i32
    %add3A_56 = arith.addi %mul3A_50, %add3A_55 : i32
    %add3A_57 = arith.constant 128 : i32
    %add3A_58 = arith.addi %mul3A_50, %add3A_57 : i32
    "tpu.region"() ({
      %run_scoped3A = tpu.sem_alloc : memref<!tpu.dma_semaphore, #tpu.memory_space<semaphore_mem>>
      %dma_start3A = arith.constant 0 : i32
      %dma_start3A_71 = tpu.memref_slice %arg6[%arg0, %add3A_58, %dma_start3A] : memref<2x10112x128xf32, #tpu.memory_space<hbm>> -> memref<1x128x128xf32, #tpu.memory_space<hbm>>
      %dma_start3A_72 = tpu.memref_squeeze %dma_start3A_71 : memref<1x128x128xf32, #tpu.memory_space<hbm>> -> memref<128x128xf32, #tpu.memory_space<hbm>>
      %dma_start3A_73 = arith.constant 0 : i32
      %dma_start3A_74 = tpu.memref_slice %arg7[%add3A_56, %dma_start3A_73] : memref<10112x128xf32, #tpu.memory_space<vmem_shared>> -> memref<128x128xf32, #tpu.memory_space<vmem_shared>>
      tpu.enqueue_dma source(%dma_start3A_74 : memref<128x128xf32, #tpu.memory_space<vmem_shared>>) target(%dma_start3A_72 : memref<128x128xf32, #tpu.memory_space<hbm>>) target_semaphore(%run_scoped3A : memref<!tpu.dma_semaphore, #tpu.memory_space<semaphore_mem>>)
      %dma_wait3A = arith.constant 0 : i32
      %dma_wait3A_75 = tpu.memref_slice %arg6[%arg0, %add3A_58, %dma_wait3A] : memref<2x10112x128xf32, #tpu.memory_space<hbm>> -> memref<1x128x128xf32, #tpu.memory_space<hbm>>
      %dma_wait3A_76 = tpu.memref_squeeze %dma_wait3A_75 : memref<1x128x128xf32, #tpu.memory_space<hbm>> -> memref<128x128xf32, #tpu.memory_space<hbm>>
      %dma_wait3A_77 = arith.constant 0 : i32
      %dma_wait3A_78 = tpu.memref_slice %arg7[%add3A_56, %dma_wait3A_77] : memref<10112x128xf32, #tpu.memory_space<vmem_shared>> -> memref<128x128xf32, #tpu.memory_space<vmem_shared>>
      tpu.wait_dma2 semaphore(%run_scoped3A : memref<!tpu.dma_semaphore, #tpu.memory_space<semaphore_mem>>) src(%dma_wait3A_78 : memref<128x128xf32, #tpu.memory_space<vmem_shared>>) dst(%dma_wait3A_76 : memref<128x128xf32, #tpu.memory_space<hbm>>)
      tpu.yield
    }) : () -> ()
    %add3A_59 = arith.constant 256 : i32
    %add3A_60 = arith.addi %mul3A_50, %add3A_59 : i32
    %add3A_61 = arith.constant 256 : i32
    %add3A_62 = arith.addi %mul3A_50, %add3A_61 : i32
    "tpu.region"() ({
      %run_scoped3A = tpu.sem_alloc : memref<!tpu.dma_semaphore, #tpu.memory_space<semaphore_mem>>
      %dma_start3A = arith.constant 0 : i32
      %dma_start3A_71 = tpu.memref_slice %arg6[%arg0, %add3A_62, %dma_start3A] : memref<2x10112x128xf32, #tpu.memory_space<hbm>> -> memref<1x128x128xf32, #tpu.memory_space<hbm>>
      %dma_start3A_72 = tpu.memref_squeeze %dma_start3A_71 : memref<1x128x128xf32, #tpu.memory_space<hbm>> -> memref<128x128xf32, #tpu.memory_space<hbm>>
      %dma_start3A_73 = arith.constant 0 : i32
      %dma_start3A_74 = tpu.memref_slice %arg7[%add3A_60, %dma_start3A_73] : memref<10112x128xf32, #tpu.memory_space<vmem_shared>> -> memref<128x128xf32, #tpu.memory_space<vmem_shared>>
      tpu.enqueue_dma source(%dma_start3A_74 : memref<128x128xf32, #tpu.memory_space<vmem_shared>>) target(%dma_start3A_72 : memref<128x128xf32, #tpu.memory_space<hbm>>) target_semaphore(%run_scoped3A : memref<!tpu.dma_semaphore, #tpu.memory_space<semaphore_mem>>)
      %dma_wait3A = arith.constant 0 : i32
      %dma_wait3A_75 = tpu.memref_slice %arg6[%arg0, %add3A_62, %dma_wait3A] : memref<2x10112x128xf32, #tpu.memory_space<hbm>> -> memref<1x128x128xf32, #tpu.memory_space<hbm>>
      %dma_wait3A_76 = tpu.memref_squeeze %dma_wait3A_75 : memref<1x128x128xf32, #tpu.memory_space<hbm>> -> memref<128x128xf32, #tpu.memory_space<hbm>>
      %dma_wait3A_77 = arith.constant 0 : i32
      %dma_wait3A_78 = tpu.memref_slice %arg7[%add3A_60, %dma_wait3A_77] : memref<10112x128xf32, #tpu.memory_space<vmem_shared>> -> memref<128x128xf32, #tpu.memory_space<vmem_shared>>
      tpu.wait_dma2 semaphore(%run_scoped3A : memref<!tpu.dma_semaphore, #tpu.memory_space<semaphore_mem>>) src(%dma_wait3A_78 : memref<128x128xf32, #tpu.memory_space<vmem_shared>>) dst(%dma_wait3A_76 : memref<128x128xf32, #tpu.memory_space<hbm>>)
      tpu.yield
    }) : () -> ()
    %add3A_63 = arith.constant 384 : i32
    %add3A_64 = arith.addi %mul3A_50, %add3A_63 : i32
    %add3A_65 = arith.constant 384 : i32
    %add3A_66 = arith.addi %mul3A_50, %add3A_65 : i32
    "tpu.region"() ({
      %run_scoped3A = tpu.sem_alloc : memref<!tpu.dma_semaphore, #tpu.memory_space<semaphore_mem>>
      %dma_start3A = arith.constant 0 : i32
      %dma_start3A_71 = tpu.memref_slice %arg6[%arg0, %add3A_66, %dma_start3A] : memref<2x10112x128xf32, #tpu.memory_space<hbm>> -> memref<1x128x128xf32, #tpu.memory_space<hbm>>
      %dma_start3A_72 = tpu.memref_squeeze %dma_start3A_71 : memref<1x128x128xf32, #tpu.memory_space<hbm>> -> memref<128x128xf32, #tpu.memory_space<hbm>>
      %dma_start3A_73 = arith.constant 0 : i32
      %dma_start3A_74 = tpu.memref_slice %arg7[%add3A_64, %dma_start3A_73] : memref<10112x128xf32, #tpu.memory_space<vmem_shared>> -> memref<128x128xf32, #tpu.memory_space<vmem_shared>>
      tpu.enqueue_dma source(%dma_start3A_74 : memref<128x128xf32, #tpu.memory_space<vmem_shared>>) target(%dma_start3A_72 : memref<128x128xf32, #tpu.memory_space<hbm>>) target_semaphore(%run_scoped3A : memref<!tpu.dma_semaphore, #tpu.memory_space<semaphore_mem>>)
      %dma_wait3A = arith.constant 0 : i32
      %dma_wait3A_75 = tpu.memref_slice %arg6[%arg0, %add3A_66, %dma_wait3A] : memref<2x10112x128xf32, #tpu.memory_space<hbm>> -> memref<1x128x128xf32, #tpu.memory_space<hbm>>
      %dma_wait3A_76 = tpu.memref_squeeze %dma_wait3A_75 : memref<1x128x128xf32, #tpu.memory_space<hbm>> -> memref<128x128xf32, #tpu.memory_space<hbm>>
      %dma_wait3A_77 = arith.constant 0 : i32
      %dma_wait3A_78 = tpu.memref_slice %arg7[%add3A_64, %dma_wait3A_77] : memref<10112x128xf32, #tpu.memory_space<vmem_shared>> -> memref<128x128xf32, #tpu.memory_space<vmem_shared>>
      tpu.wait_dma2 semaphore(%run_scoped3A : memref<!tpu.dma_semaphore, #tpu.memory_space<semaphore_mem>>) src(%dma_wait3A_78 : memref<128x128xf32, #tpu.memory_space<vmem_shared>>) dst(%dma_wait3A_76 : memref<128x128xf32, #tpu.memory_space<hbm>>)
      tpu.yield
    }) : () -> ()
    %add3A_67 = arith.constant 512 : i32
    %add3A_68 = arith.addi %mul3A_50, %add3A_67 : i32
    %add3A_69 = arith.constant 512 : i32
    %add3A_70 = arith.addi %mul3A_50, %add3A_69 : i32
    "tpu.region"() ({
      %run_scoped3A = tpu.sem_alloc : memref<!tpu.dma_semaphore, #tpu.memory_space<semaphore_mem>>
      %dma_start3A = arith.constant 0 : i32
      %dma_start3A_71 = tpu.memref_slice %arg6[%arg0, %add3A_70, %dma_start3A] : memref<2x10112x128xf32, #tpu.memory_space<hbm>> -> memref<1x120x128xf32, #tpu.memory_space<hbm>>
      %dma_start3A_72 = tpu.memref_squeeze %dma_start3A_71 : memref<1x120x128xf32, #tpu.memory_space<hbm>> -> memref<120x128xf32, #tpu.memory_space<hbm>>
      %dma_start3A_73 = arith.constant 0 : i32
      %dma_start3A_74 = tpu.memref_slice %arg7[%add3A_68, %dma_start3A_73] : memref<10112x128xf32, #tpu.memory_space<vmem_shared>> -> memref<120x128xf32, #tpu.memory_space<vmem_shared>>
      tpu.enqueue_dma source(%dma_start3A_74 : memref<120x128xf32, #tpu.memory_space<vmem_shared>>) target(%dma_start3A_72 : memref<120x128xf32, #tpu.memory_space<hbm>>) target_semaphore(%run_scoped3A : memref<!tpu.dma_semaphore, #tpu.memory_space<semaphore_mem>>)
      %dma_wait3A = arith.constant 0 : i32
      %dma_wait3A_75 = tpu.memref_slice %arg6[%arg0, %add3A_70, %dma_wait3A] : memref<2x10112x128xf32, #tpu.memory_space<hbm>> -> memref<1x120x128xf32, #tpu.memory_space<hbm>>
      %dma_wait3A_76 = tpu.memref_squeeze %dma_wait3A_75 : memref<1x120x128xf32, #tpu.memory_space<hbm>> -> memref<120x128xf32, #tpu.memory_space<hbm>>
      %dma_wait3A_77 = arith.constant 0 : i32
      %dma_wait3A_78 = tpu.memref_slice %arg7[%add3A_68, %dma_wait3A_77] : memref<10112x128xf32, #tpu.memory_space<vmem_shared>> -> memref<120x128xf32, #tpu.memory_space<vmem_shared>>
      tpu.wait_dma2 semaphore(%run_scoped3A : memref<!tpu.dma_semaphore, #tpu.memory_space<semaphore_mem>>) src(%dma_wait3A_78 : memref<120x128xf32, #tpu.memory_space<vmem_shared>>) dst(%dma_wait3A_76 : memref<120x128xf32, #tpu.memory_space<hbm>>)
      tpu.yield
    }) : () -> ()
    return
  }
}

#map = affine_map<(d0, d1) -> (0, 0)>
#map1 = affine_map<(d0, d1) -> (0)>
#map2 = affine_map<(d0, d1) -> (0, 0, 0)>
module attributes {stable_mosaic.version = 14 : i64} {
  func.func @k(%arg0: i32, %arg1: i32, %arg2: memref<10000x128xf32, #tpu.memory_space<hbm>>, %arg3: memref<320000xi32, #tpu.memory_space<hbm>>, %arg4: memref<320000xi32, #tpu.memory_space<hbm>>, %arg5: memref<2x10112x128xf32, #tpu.memory_space<hbm>>, %arg6: memref<10112x128xf32, #tpu.memory_space<vmem_shared>>, %arg7: memref<256xi32, #tpu.memory_space<vmem>>, %arg8: memref<128xi32, #tpu.memory_space<vmem>>, %arg9: memref<128xi32, #tpu.memory_space<vmem>>, %arg10: memref<256x128xf32, #tpu.memory_space<vmem>>, %arg11: memref<!tpu.dma_semaphore, #tpu.memory_space<semaphore_mem>>, %arg12: memref<!tpu.dma_semaphore, #tpu.memory_space<semaphore_mem>>, %arg13: memref<!tpu.dma_semaphore, #tpu.memory_space<semaphore_mem>>, %arg14: memref<!tpu.dma_semaphore, #tpu.memory_space<semaphore_mem>>, %arg15: memref<!tpu.dma_semaphore, #tpu.memory_space<semaphore_mem>>, %arg16: memref<!tpu.dma_semaphore, #tpu.memory_space<semaphore_mem>>) attributes {dimension_semantics = [#tpu.dimension_semantics<core_parallel>, #tpu.dimension_semantics<subcore_parallel>], iteration_bounds = array<i64: 2, 16>, scalar_prefetch = 0 : i64, scratch_operands = 11 : i64, tpu.core_type = #tpu.core_type<sc_vector_subcore>, window_params = [{transform_indices = #map}, {transform_indices = #map1}, {transform_indices = #map1}, {transform_indices = #map2}]} {
    %mul3A = arith.constant 2 : i32
    %mul3A_0 = arith.muli %arg1, %mul3A : i32
    %add3A = arith.addi %mul3A_0, %arg0 : i32
    %broadcast_in_dim3A = arith.constant 0.000000e+00 : f32
    %broadcast_in_dim3A_1 = vector.broadcast %broadcast_in_dim3A : f32 to vector<16xf32>
    %scan3A = arith.constant 0 : i32
    %scan3A_2 = arith.constant 128 : i32
    %scan3A_3 = arith.addi %scan3A, %scan3A_2 : i32
    %scan3A_4 = arith.constant 1 : i32
    scf.for %scan3A_71 = %scan3A to %scan3A_3 step %scan3A_4  : i32 {
      %swap3A = arith.index_cast %scan3A_71 : i32 to index
      %swap3A_72 = arith.constant 0 : index
      %swap3A_73 = tpu.vector_load %arg10[%swap3A, %swap3A_72] {strides = array<i32>} : memref<256x128xf32, #tpu.memory_space<vmem>>, vector<1x16xf32>,
      %swap3A_74 = vector.shape_cast %swap3A_73 : vector<1x16xf32> to vector<16xf32>
      %swap3A_75 = vector.shape_cast %broadcast_in_dim3A_1 : vector<16xf32> to vector<1x16xf32>
      tpu.vector_store %arg10[%swap3A, %swap3A_72], %swap3A_75 {strides = array<i32>} : memref<256x128xf32, #tpu.memory_space<vmem>>, vector<1x16xf32>,
      %swap3A_76 = arith.index_cast %scan3A_71 : i32 to index
      %swap3A_77 = arith.constant 16 : index
      %swap3A_78 = tpu.vector_load %arg10[%swap3A_76, %swap3A_77] {strides = array<i32>} : memref<256x128xf32, #tpu.memory_space<vmem>>, vector<1x16xf32>,
      %swap3A_79 = vector.shape_cast %swap3A_78 : vector<1x16xf32> to vector<16xf32>
      %swap3A_80 = vector.shape_cast %broadcast_in_dim3A_1 : vector<16xf32> to vector<1x16xf32>
      tpu.vector_store %arg10[%swap3A_76, %swap3A_77], %swap3A_80 {strides = array<i32>} : memref<256x128xf32, #tpu.memory_space<vmem>>, vector<1x16xf32>,
      %swap3A_81 = arith.index_cast %scan3A_71 : i32 to index
      %swap3A_82 = arith.constant 32 : index
      %swap3A_83 = tpu.vector_load %arg10[%swap3A_81, %swap3A_82] {strides = array<i32>} : memref<256x128xf32, #tpu.memory_space<vmem>>, vector<1x16xf32>,
      %swap3A_84 = vector.shape_cast %swap3A_83 : vector<1x16xf32> to vector<16xf32>
      %swap3A_85 = vector.shape_cast %broadcast_in_dim3A_1 : vector<16xf32> to vector<1x16xf32>
      tpu.vector_store %arg10[%swap3A_81, %swap3A_82], %swap3A_85 {strides = array<i32>} : memref<256x128xf32, #tpu.memory_space<vmem>>, vector<1x16xf32>,
      %swap3A_86 = arith.index_cast %scan3A_71 : i32 to index
      %swap3A_87 = arith.constant 48 : index
      %swap3A_88 = tpu.vector_load %arg10[%swap3A_86, %swap3A_87] {strides = array<i32>} : memref<256x128xf32, #tpu.memory_space<vmem>>, vector<1x16xf32>,
      %swap3A_89 = vector.shape_cast %swap3A_88 : vector<1x16xf32> to vector<16xf32>
      %swap3A_90 = vector.shape_cast %broadcast_in_dim3A_1 : vector<16xf32> to vector<1x16xf32>
      tpu.vector_store %arg10[%swap3A_86, %swap3A_87], %swap3A_90 {strides = array<i32>} : memref<256x128xf32, #tpu.memory_space<vmem>>, vector<1x16xf32>,
      %swap3A_91 = arith.index_cast %scan3A_71 : i32 to index
      %swap3A_92 = arith.constant 64 : index
      %swap3A_93 = tpu.vector_load %arg10[%swap3A_91, %swap3A_92] {strides = array<i32>} : memref<256x128xf32, #tpu.memory_space<vmem>>, vector<1x16xf32>,
      %swap3A_94 = vector.shape_cast %swap3A_93 : vector<1x16xf32> to vector<16xf32>
      %swap3A_95 = vector.shape_cast %broadcast_in_dim3A_1 : vector<16xf32> to vector<1x16xf32>
      tpu.vector_store %arg10[%swap3A_91, %swap3A_92], %swap3A_95 {strides = array<i32>} : memref<256x128xf32, #tpu.memory_space<vmem>>, vector<1x16xf32>,
      %swap3A_96 = arith.index_cast %scan3A_71 : i32 to index
      %swap3A_97 = arith.constant 80 : index
      %swap3A_98 = tpu.vector_load %arg10[%swap3A_96, %swap3A_97] {strides = array<i32>} : memref<256x128xf32, #tpu.memory_space<vmem>>, vector<1x16xf32>,
      %swap3A_99 = vector.shape_cast %swap3A_98 : vector<1x16xf32> to vector<16xf32>
      %swap3A_100 = vector.shape_cast %broadcast_in_dim3A_1 : vector<16xf32> to vector<1x16xf32>
      tpu.vector_store %arg10[%swap3A_96, %swap3A_97], %swap3A_100 {strides = array<i32>} : memref<256x128xf32, #tpu.memory_space<vmem>>, vector<1x16xf32>,
      %swap3A_101 = arith.index_cast %scan3A_71 : i32 to index
      %swap3A_102 = arith.constant 96 : index
      %swap3A_103 = tpu.vector_load %arg10[%swap3A_101, %swap3A_102] {strides = array<i32>} : memref<256x128xf32, #tpu.memory_space<vmem>>, vector<1x16xf32>,
      %swap3A_104 = vector.shape_cast %swap3A_103 : vector<1x16xf32> to vector<16xf32>
      %swap3A_105 = vector.shape_cast %broadcast_in_dim3A_1 : vector<16xf32> to vector<1x16xf32>
      tpu.vector_store %arg10[%swap3A_101, %swap3A_102], %swap3A_105 {strides = array<i32>} : memref<256x128xf32, #tpu.memory_space<vmem>>, vector<1x16xf32>,
      %swap3A_106 = arith.index_cast %scan3A_71 : i32 to index
      %swap3A_107 = arith.constant 112 : index
      %swap3A_108 = tpu.vector_load %arg10[%swap3A_106, %swap3A_107] {strides = array<i32>} : memref<256x128xf32, #tpu.memory_space<vmem>>, vector<1x16xf32>,
      %swap3A_109 = vector.shape_cast %swap3A_108 : vector<1x16xf32> to vector<16xf32>
      %swap3A_110 = vector.shape_cast %broadcast_in_dim3A_1 : vector<16xf32> to vector<1x16xf32>
      tpu.vector_store %arg10[%swap3A_106, %swap3A_107], %swap3A_110 {strides = array<i32>} : memref<256x128xf32, #tpu.memory_space<vmem>>, vector<1x16xf32>,
    }
    %scan3A_5 = arith.constant 128 : i32
    %mul3A_6 = arith.constant 632 : i32
    %mul3A_7 = arith.muli %arg1, %mul3A_6 : i32
    %add3A_8 = arith.constant 0 : i32
    %add3A_9 = arith.addi %mul3A_7, %add3A_8 : i32
    "tpu.region"() ({
      %run_scoped3A = tpu.sem_alloc : memref<!tpu.dma_semaphore, #tpu.memory_space<semaphore_mem>>
      %dma_start3A = arith.constant 0 : i32
      %dma_start3A_71 = arith.constant 0 : i32
      %dma_start3A_72 = tpu.memref_slice %arg10[%dma_start3A, %dma_start3A_71] : memref<256x128xf32, #tpu.memory_space<vmem>> -> memref<128x128xf32, #tpu.memory_space<vmem>>
      %dma_start3A_73 = arith.constant 0 : i32
      %dma_start3A_74 = tpu.memref_slice %arg6[%add3A_9, %dma_start3A_73] : memref<10112x128xf32, #tpu.memory_space<vmem_shared>> -> memref<128x128xf32, #tpu.memory_space<vmem_shared>>
      %dma_start3A_75 = arith.constant 0 : i32
      %dma_start3A_76 = tpu.memref_slice %arg6[%add3A_9, %dma_start3A_75] : memref<10112x128xf32, #tpu.memory_space<vmem_shared>> -> memref<128x128xf32, #tpu.memory_space<vmem_shared>>
      %dma_start3A_77 = arith.constant 0 : i32
      %dma_start3A_78 = arith.constant 0 : i32
      %dma_start3A_79 = tpu.memref_slice %arg10[%dma_start3A_77, %dma_start3A_78] : memref<256x128xf32, #tpu.memory_space<vmem>> -> memref<128x128xf32, #tpu.memory_space<vmem>>
      tpu.enqueue_dma source(%dma_start3A_79 : memref<128x128xf32, #tpu.memory_space<vmem>>) target(%dma_start3A_76 : memref<128x128xf32, #tpu.memory_space<vmem_shared>>) target_semaphore(%run_scoped3A : memref<!tpu.dma_semaphore, #tpu.memory_space<semaphore_mem>>)
      %dma_wait3A = arith.constant 0 : i32
      %dma_wait3A_80 = arith.constant 0 : i32
      %dma_wait3A_81 = tpu.memref_slice %arg10[%dma_wait3A, %dma_wait3A_80] : memref<256x128xf32, #tpu.memory_space<vmem>> -> memref<128x128xf32, #tpu.memory_space<vmem>>
      %dma_wait3A_82 = arith.constant 0 : i32
      %dma_wait3A_83 = tpu.memref_slice %arg6[%add3A_9, %dma_wait3A_82] : memref<10112x128xf32, #tpu.memory_space<vmem_shared>> -> memref<128x128xf32, #tpu.memory_space<vmem_shared>>
      %dma_wait3A_84 = arith.constant 0 : i32
      %dma_wait3A_85 = tpu.memref_slice %arg6[%add3A_9, %dma_wait3A_84] : memref<10112x128xf32, #tpu.memory_space<vmem_shared>> -> memref<128x128xf32, #tpu.memory_space<vmem_shared>>
      %dma_wait3A_86 = arith.constant 0 : i32
      %dma_wait3A_87 = arith.constant 0 : i32
      %dma_wait3A_88 = tpu.memref_slice %arg10[%dma_wait3A_86, %dma_wait3A_87] : memref<256x128xf32, #tpu.memory_space<vmem>> -> memref<128x128xf32, #tpu.memory_space<vmem>>
      tpu.wait_dma2 semaphore(%run_scoped3A : memref<!tpu.dma_semaphore, #tpu.memory_space<semaphore_mem>>) src(%dma_wait3A_88 : memref<128x128xf32, #tpu.memory_space<vmem>>) dst(%dma_wait3A_85 : memref<128x128xf32, #tpu.memory_space<vmem_shared>>)
      tpu.yield
    }) : () -> ()
    %add3A_10 = arith.constant 128 : i32
    %add3A_11 = arith.addi %mul3A_7, %add3A_10 : i32
    "tpu.region"() ({
      %run_scoped3A = tpu.sem_alloc : memref<!tpu.dma_semaphore, #tpu.memory_space<semaphore_mem>>
      %dma_start3A = arith.constant 0 : i32
      %dma_start3A_71 = arith.constant 0 : i32
      %dma_start3A_72 = tpu.memref_slice %arg10[%dma_start3A, %dma_start3A_71] : memref<256x128xf32, #tpu.memory_space<vmem>> -> memref<128x128xf32, #tpu.memory_space<vmem>>
      %dma_start3A_73 = arith.constant 0 : i32
      %dma_start3A_74 = tpu.memref_slice %arg6[%add3A_11, %dma_start3A_73] : memref<10112x128xf32, #tpu.memory_space<vmem_shared>> -> memref<128x128xf32, #tpu.memory_space<vmem_shared>>
      %dma_start3A_75 = arith.constant 0 : i32
      %dma_start3A_76 = tpu.memref_slice %arg6[%add3A_11, %dma_start3A_75] : memref<10112x128xf32, #tpu.memory_space<vmem_shared>> -> memref<128x128xf32, #tpu.memory_space<vmem_shared>>
      %dma_start3A_77 = arith.constant 0 : i32
      %dma_start3A_78 = arith.constant 0 : i32
      %dma_start3A_79 = tpu.memref_slice %arg10[%dma_start3A_77, %dma_start3A_78] : memref<256x128xf32, #tpu.memory_space<vmem>> -> memref<128x128xf32, #tpu.memory_space<vmem>>
      tpu.enqueue_dma source(%dma_start3A_79 : memref<128x128xf32, #tpu.memory_space<vmem>>) target(%dma_start3A_76 : memref<128x128xf32, #tpu.memory_space<vmem_shared>>) target_semaphore(%run_scoped3A : memref<!tpu.dma_semaphore, #tpu.memory_space<semaphore_mem>>)
      %dma_wait3A = arith.constant 0 : i32
      %dma_wait3A_80 = arith.constant 0 : i32
      %dma_wait3A_81 = tpu.memref_slice %arg10[%dma_wait3A, %dma_wait3A_80] : memref<256x128xf32, #tpu.memory_space<vmem>> -> memref<128x128xf32, #tpu.memory_space<vmem>>
      %dma_wait3A_82 = arith.constant 0 : i32
      %dma_wait3A_83 = tpu.memref_slice %arg6[%add3A_11, %dma_wait3A_82] : memref<10112x128xf32, #tpu.memory_space<vmem_shared>> -> memref<128x128xf32, #tpu.memory_space<vmem_shared>>
      %dma_wait3A_84 = arith.constant 0 : i32
      %dma_wait3A_85 = tpu.memref_slice %arg6[%add3A_11, %dma_wait3A_84] : memref<10112x128xf32, #tpu.memory_space<vmem_shared>> -> memref<128x128xf32, #tpu.memory_space<vmem_shared>>
      %dma_wait3A_86 = arith.constant 0 : i32
      %dma_wait3A_87 = arith.constant 0 : i32
      %dma_wait3A_88 = tpu.memref_slice %arg10[%dma_wait3A_86, %dma_wait3A_87] : memref<256x128xf32, #tpu.memory_space<vmem>> -> memref<128x128xf32, #tpu.memory_space<vmem>>
      tpu.wait_dma2 semaphore(%run_scoped3A : memref<!tpu.dma_semaphore, #tpu.memory_space<semaphore_mem>>) src(%dma_wait3A_88 : memref<128x128xf32, #tpu.memory_space<vmem>>) dst(%dma_wait3A_85 : memref<128x128xf32, #tpu.memory_space<vmem_shared>>)
      tpu.yield
    }) : () -> ()
    %add3A_12 = arith.constant 256 : i32
    %add3A_13 = arith.addi %mul3A_7, %add3A_12 : i32
    "tpu.region"() ({
      %run_scoped3A = tpu.sem_alloc : memref<!tpu.dma_semaphore, #tpu.memory_space<semaphore_mem>>
      %dma_start3A = arith.constant 0 : i32
      %dma_start3A_71 = arith.constant 0 : i32
      %dma_start3A_72 = tpu.memref_slice %arg10[%dma_start3A, %dma_start3A_71] : memref<256x128xf32, #tpu.memory_space<vmem>> -> memref<128x128xf32, #tpu.memory_space<vmem>>
      %dma_start3A_73 = arith.constant 0 : i32
      %dma_start3A_74 = tpu.memref_slice %arg6[%add3A_13, %dma_start3A_73] : memref<10112x128xf32, #tpu.memory_space<vmem_shared>> -> memref<128x128xf32, #tpu.memory_space<vmem_shared>>
      %dma_start3A_75 = arith.constant 0 : i32
      %dma_start3A_76 = tpu.memref_slice %arg6[%add3A_13, %dma_start3A_75] : memref<10112x128xf32, #tpu.memory_space<vmem_shared>> -> memref<128x128xf32, #tpu.memory_space<vmem_shared>>
      %dma_start3A_77 = arith.constant 0 : i32
      %dma_start3A_78 = arith.constant 0 : i32
      %dma_start3A_79 = tpu.memref_slice %arg10[%dma_start3A_77, %dma_start3A_78] : memref<256x128xf32, #tpu.memory_space<vmem>> -> memref<128x128xf32, #tpu.memory_space<vmem>>
      tpu.enqueue_dma source(%dma_start3A_79 : memref<128x128xf32, #tpu.memory_space<vmem>>) target(%dma_start3A_76 : memref<128x128xf32, #tpu.memory_space<vmem_shared>>) target_semaphore(%run_scoped3A : memref<!tpu.dma_semaphore, #tpu.memory_space<semaphore_mem>>)
      %dma_wait3A = arith.constant 0 : i32
      %dma_wait3A_80 = arith.constant 0 : i32
      %dma_wait3A_81 = tpu.memref_slice %arg10[%dma_wait3A, %dma_wait3A_80] : memref<256x128xf32, #tpu.memory_space<vmem>> -> memref<128x128xf32, #tpu.memory_space<vmem>>
      %dma_wait3A_82 = arith.constant 0 : i32
      %dma_wait3A_83 = tpu.memref_slice %arg6[%add3A_13, %dma_wait3A_82] : memref<10112x128xf32, #tpu.memory_space<vmem_shared>> -> memref<128x128xf32, #tpu.memory_space<vmem_shared>>
      %dma_wait3A_84 = arith.constant 0 : i32
      %dma_wait3A_85 = tpu.memref_slice %arg6[%add3A_13, %dma_wait3A_84] : memref<10112x128xf32, #tpu.memory_space<vmem_shared>> -> memref<128x128xf32, #tpu.memory_space<vmem_shared>>
      %dma_wait3A_86 = arith.constant 0 : i32
      %dma_wait3A_87 = arith.constant 0 : i32
      %dma_wait3A_88 = tpu.memref_slice %arg10[%dma_wait3A_86, %dma_wait3A_87] : memref<256x128xf32, #tpu.memory_space<vmem>> -> memref<128x128xf32, #tpu.memory_space<vmem>>
      tpu.wait_dma2 semaphore(%run_scoped3A : memref<!tpu.dma_semaphore, #tpu.memory_space<semaphore_mem>>) src(%dma_wait3A_88 : memref<128x128xf32, #tpu.memory_space<vmem>>) dst(%dma_wait3A_85 : memref<128x128xf32, #tpu.memory_space<vmem_shared>>)
      tpu.yield
    }) : () -> ()
    %add3A_14 = arith.constant 384 : i32
    %add3A_15 = arith.addi %mul3A_7, %add3A_14 : i32
    "tpu.region"() ({
      %run_scoped3A = tpu.sem_alloc : memref<!tpu.dma_semaphore, #tpu.memory_space<semaphore_mem>>
      %dma_start3A = arith.constant 0 : i32
      %dma_start3A_71 = arith.constant 0 : i32
      %dma_start3A_72 = tpu.memref_slice %arg10[%dma_start3A, %dma_start3A_71] : memref<256x128xf32, #tpu.memory_space<vmem>> -> memref<128x128xf32, #tpu.memory_space<vmem>>
      %dma_start3A_73 = arith.constant 0 : i32
      %dma_start3A_74 = tpu.memref_slice %arg6[%add3A_15, %dma_start3A_73] : memref<10112x128xf32, #tpu.memory_space<vmem_shared>> -> memref<128x128xf32, #tpu.memory_space<vmem_shared>>
      %dma_start3A_75 = arith.constant 0 : i32
      %dma_start3A_76 = tpu.memref_slice %arg6[%add3A_15, %dma_start3A_75] : memref<10112x128xf32, #tpu.memory_space<vmem_shared>> -> memref<128x128xf32, #tpu.memory_space<vmem_shared>>
      %dma_start3A_77 = arith.constant 0 : i32
      %dma_start3A_78 = arith.constant 0 : i32
      %dma_start3A_79 = tpu.memref_slice %arg10[%dma_start3A_77, %dma_start3A_78] : memref<256x128xf32, #tpu.memory_space<vmem>> -> memref<128x128xf32, #tpu.memory_space<vmem>>
      tpu.enqueue_dma source(%dma_start3A_79 : memref<128x128xf32, #tpu.memory_space<vmem>>) target(%dma_start3A_76 : memref<128x128xf32, #tpu.memory_space<vmem_shared>>) target_semaphore(%run_scoped3A : memref<!tpu.dma_semaphore, #tpu.memory_space<semaphore_mem>>)
      %dma_wait3A = arith.constant 0 : i32
      %dma_wait3A_80 = arith.constant 0 : i32
      %dma_wait3A_81 = tpu.memref_slice %arg10[%dma_wait3A, %dma_wait3A_80] : memref<256x128xf32, #tpu.memory_space<vmem>> -> memref<128x128xf32, #tpu.memory_space<vmem>>
      %dma_wait3A_82 = arith.constant 0 : i32
      %dma_wait3A_83 = tpu.memref_slice %arg6[%add3A_15, %dma_wait3A_82] : memref<10112x128xf32, #tpu.memory_space<vmem_shared>> -> memref<128x128xf32, #tpu.memory_space<vmem_shared>>
      %dma_wait3A_84 = arith.constant 0 : i32
      %dma_wait3A_85 = tpu.memref_slice %arg6[%add3A_15, %dma_wait3A_84] : memref<10112x128xf32, #tpu.memory_space<vmem_shared>> -> memref<128x128xf32, #tpu.memory_space<vmem_shared>>
      %dma_wait3A_86 = arith.constant 0 : i32
      %dma_wait3A_87 = arith.constant 0 : i32
      %dma_wait3A_88 = tpu.memref_slice %arg10[%dma_wait3A_86, %dma_wait3A_87] : memref<256x128xf32, #tpu.memory_space<vmem>> -> memref<128x128xf32, #tpu.memory_space<vmem>>
      tpu.wait_dma2 semaphore(%run_scoped3A : memref<!tpu.dma_semaphore, #tpu.memory_space<semaphore_mem>>) src(%dma_wait3A_88 : memref<128x128xf32, #tpu.memory_space<vmem>>) dst(%dma_wait3A_85 : memref<128x128xf32, #tpu.memory_space<vmem_shared>>)
      tpu.yield
    }) : () -> ()
    %add3A_16 = arith.constant 512 : i32
    %add3A_17 = arith.addi %mul3A_7, %add3A_16 : i32
    "tpu.region"() ({
      %run_scoped3A = tpu.sem_alloc : memref<!tpu.dma_semaphore, #tpu.memory_space<semaphore_mem>>
      %dma_start3A = arith.constant 0 : i32
      %dma_start3A_71 = arith.constant 0 : i32
      %dma_start3A_72 = tpu.memref_slice %arg10[%dma_start3A, %dma_start3A_71] : memref<256x128xf32, #tpu.memory_space<vmem>> -> memref<120x128xf32, #tpu.memory_space<vmem>>
      %dma_start3A_73 = arith.constant 0 : i32
      %dma_start3A_74 = tpu.memref_slice %arg6[%add3A_17, %dma_start3A_73] : memref<10112x128xf32, #tpu.memory_space<vmem_shared>> -> memref<120x128xf32, #tpu.memory_space<vmem_shared>>
      %dma_start3A_75 = arith.constant 0 : i32
      %dma_start3A_76 = tpu.memref_slice %arg6[%add3A_17, %dma_start3A_75] : memref<10112x128xf32, #tpu.memory_space<vmem_shared>> -> memref<120x128xf32, #tpu.memory_space<vmem_shared>>
      %dma_start3A_77 = arith.constant 0 : i32
      %dma_start3A_78 = arith.constant 0 : i32
      %dma_start3A_79 = tpu.memref_slice %arg10[%dma_start3A_77, %dma_start3A_78] : memref<256x128xf32, #tpu.memory_space<vmem>> -> memref<120x128xf32, #tpu.memory_space<vmem>>
      tpu.enqueue_dma source(%dma_start3A_79 : memref<120x128xf32, #tpu.memory_space<vmem>>) target(%dma_start3A_76 : memref<120x128xf32, #tpu.memory_space<vmem_shared>>) target_semaphore(%run_scoped3A : memref<!tpu.dma_semaphore, #tpu.memory_space<semaphore_mem>>)
      %dma_wait3A = arith.constant 0 : i32
      %dma_wait3A_80 = arith.constant 0 : i32
      %dma_wait3A_81 = tpu.memref_slice %arg10[%dma_wait3A, %dma_wait3A_80] : memref<256x128xf32, #tpu.memory_space<vmem>> -> memref<120x128xf32, #tpu.memory_space<vmem>>
      %dma_wait3A_82 = arith.constant 0 : i32
      %dma_wait3A_83 = tpu.memref_slice %arg6[%add3A_17, %dma_wait3A_82] : memref<10112x128xf32, #tpu.memory_space<vmem_shared>> -> memref<120x128xf32, #tpu.memory_space<vmem_shared>>
      %dma_wait3A_84 = arith.constant 0 : i32
      %dma_wait3A_85 = tpu.memref_slice %arg6[%add3A_17, %dma_wait3A_84] : memref<10112x128xf32, #tpu.memory_space<vmem_shared>> -> memref<120x128xf32, #tpu.memory_space<vmem_shared>>
      %dma_wait3A_86 = arith.constant 0 : i32
      %dma_wait3A_87 = arith.constant 0 : i32
      %dma_wait3A_88 = tpu.memref_slice %arg10[%dma_wait3A_86, %dma_wait3A_87] : memref<256x128xf32, #tpu.memory_space<vmem>> -> memref<120x128xf32, #tpu.memory_space<vmem>>
      tpu.wait_dma2 semaphore(%run_scoped3A : memref<!tpu.dma_semaphore, #tpu.memory_space<semaphore_mem>>) src(%dma_wait3A_88 : memref<120x128xf32, #tpu.memory_space<vmem>>) dst(%dma_wait3A_85 : memref<120x128xf32, #tpu.memory_space<vmem_shared>>)
      tpu.yield
    }) : () -> ()
    %barrier3A = arith.constant 0 : index
    tpu.barrier barrier_id(%barrier3A)
    %sub3A = arith.constant 1250 : i32
    %sub3A_18 = arith.subi %sub3A, %add3A : i32
    %add3A_19 = arith.constant 32 : i32
    %add3A_20 = arith.addi %sub3A_18, %add3A_19 : i32
    %sub3A_21 = arith.constant 1 : i32
    %sub3A_22 = arith.subi %add3A_20, %sub3A_21 : i32
    %jit3A = arith.constant 32 : i32
    %div3A = arith.divsi %sub3A_22, %jit3A : i32
    %sign3A = arith.constant 0 : i32
    %sign3A_23 = arith.cmpi sgt, %sub3A_22, %sign3A : i32
    %sign3A_24 = arith.extui %sign3A_23 : i1 to i32
    %sign3A_25 = arith.constant 0 : i32
    %sign3A_26 = arith.cmpi slt, %sub3A_22, %sign3A_25 : i32
    %sign3A_27 = arith.extui %sign3A_26 : i1 to i32
    %sign3A_28 = arith.subi %sign3A_24, %sign3A_27 : i32
    %sign3A_29 = arith.constant 0 : i32
    %sign3A_30 = arith.cmpi sgt, %jit3A, %sign3A_29 : i32
    %sign3A_31 = arith.extui %sign3A_30 : i1 to i32
    %sign3A_32 = arith.constant 0 : i32
    %sign3A_33 = arith.cmpi slt, %jit3A, %sign3A_32 : i32
    %sign3A_34 = arith.extui %sign3A_33 : i1 to i32
    %sign3A_35 = arith.subi %sign3A_31, %sign3A_34 : i32
    %ne3A = arith.cmpi ne, %sign3A_28, %sign3A_35 : i32
    %rem3A = arith.remsi %sub3A_22, %jit3A : i32
    %ne3A_36 = arith.constant 0 : i32
    %ne3A_37 = arith.cmpi ne, %rem3A, %ne3A_36 : i32
    %and3A = arith.andi %ne3A, %ne3A_37 : i1
    %sub3A_38 = arith.constant 1 : i32
    %sub3A_39 = arith.subi %div3A, %sub3A_38 : i32
    %select_n3A = arith.select %and3A, %sub3A_39, %div3A : i32
    %while3A = arith.constant 0 : i32
    %while3A_40 = arith.subi %select_n3A, %while3A : i32
    %while3A_41 = arith.addi %while3A, %while3A_40 : i32
    %while3A_42 = arith.constant 1 : i32
    %while3A_43 = arith.divsi %while3A_40, %while3A_42 : i32
    %while3A_44 = arith.muli %while3A_43, %while3A_42 : i32
    %while3A_45 = arith.addi %while3A, %while3A_44 : i32
    %while3A_46 = arith.constant 1 : i32
    scf.for %while3A_71 = %while3A to %while3A_45 step %while3A_46  : i32 {
      %mul3A_72 = arith.constant 32 : i32
      %mul3A_73 = arith.muli %while3A_71, %mul3A_72 : i32
      %add3A_74 = arith.addi %add3A, %mul3A_73 : i32
      %mul3A_75 = arith.constant 256 : i32
      %mul3A_76 = arith.muli %add3A_74, %mul3A_75 : i32
      %add3A_77 = arith.constant 0 : i32
      %add3A_78 = arith.addi %mul3A_76, %add3A_77 : i32
      %dma_start3A = tpu.memref_slice %arg4[%add3A_78] : memref<320000xi32, #tpu.memory_space<hbm>> -> memref<128xi32, #tpu.memory_space<hbm>>
      %dma_start3A_79 = tpu.memref_slice %arg4[%add3A_78] : memref<320000xi32, #tpu.memory_space<hbm>> -> memref<128xi32, #tpu.memory_space<hbm>>
      tpu.enqueue_dma source(%dma_start3A_79 : memref<128xi32, #tpu.memory_space<hbm>>) target(%arg8 : memref<128xi32, #tpu.memory_space<vmem>>) target_semaphore(%arg11 : memref<!tpu.dma_semaphore, #tpu.memory_space<semaphore_mem>>)
      %add3A_80 = arith.constant 128 : i32
      %add3A_81 = arith.addi %mul3A_76, %add3A_80 : i32
      %dma_start3A_82 = tpu.memref_slice %arg4[%add3A_81] : memref<320000xi32, #tpu.memory_space<hbm>> -> memref<128xi32, #tpu.memory_space<hbm>>
      %dma_start3A_83 = tpu.memref_slice %arg4[%add3A_81] : memref<320000xi32, #tpu.memory_space<hbm>> -> memref<128xi32, #tpu.memory_space<hbm>>
      tpu.enqueue_dma source(%dma_start3A_83 : memref<128xi32, #tpu.memory_space<hbm>>) target(%arg9 : memref<128xi32, #tpu.memory_space<vmem>>) target_semaphore(%arg12 : memref<!tpu.dma_semaphore, #tpu.memory_space<semaphore_mem>>)
      "tpu.region"() ({
        %run_scoped3A = tpu.sem_alloc : memref<!tpu.dma_semaphore, #tpu.memory_space<semaphore_mem>>
        %dma_start3A_147 = tpu.memref_slice %arg3[%mul3A_76] : memref<320000xi32, #tpu.memory_space<hbm>> -> memref<256xi32, #tpu.memory_space<hbm>>
        %dma_start3A_148 = tpu.memref_slice %arg3[%mul3A_76] : memref<320000xi32, #tpu.memory_space<hbm>> -> memref<256xi32, #tpu.memory_space<hbm>>
        tpu.enqueue_dma source(%dma_start3A_148 : memref<256xi32, #tpu.memory_space<hbm>>) target(%arg7 : memref<256xi32, #tpu.memory_space<vmem>>) target_semaphore(%run_scoped3A : memref<!tpu.dma_semaphore, #tpu.memory_space<semaphore_mem>>)
        %dma_wait3A_149 = tpu.memref_slice %arg3[%mul3A_76] : memref<320000xi32, #tpu.memory_space<hbm>> -> memref<256xi32, #tpu.memory_space<hbm>>
        %dma_wait3A_150 = tpu.memref_slice %arg3[%mul3A_76] : memref<320000xi32, #tpu.memory_space<hbm>> -> memref<256xi32, #tpu.memory_space<hbm>>
        tpu.wait_dma2 semaphore(%run_scoped3A : memref<!tpu.dma_semaphore, #tpu.memory_space<semaphore_mem>>) src(%dma_wait3A_150 : memref<256xi32, #tpu.memory_space<hbm>>) dst(%arg7 : memref<256xi32, #tpu.memory_space<vmem>>)
        tpu.yield
      }) : () -> ()
      %add3A_84 = arith.constant 0 : i32
      %add3A_85 = arith.addi %mul3A_76, %add3A_84 : i32
      %dma_wait3A = tpu.memref_slice %arg4[%add3A_85] : memref<320000xi32, #tpu.memory_space<hbm>> -> memref<128xi32, #tpu.memory_space<hbm>>
      %dma_wait3A_86 = tpu.memref_slice %arg4[%add3A_85] : memref<320000xi32, #tpu.memory_space<hbm>> -> memref<128xi32, #tpu.memory_space<hbm>>
      tpu.wait_dma2 semaphore(%arg11 : memref<!tpu.dma_semaphore, #tpu.memory_space<semaphore_mem>>) src(%dma_wait3A_86 : memref<128xi32, #tpu.memory_space<hbm>>) dst(%arg8 : memref<128xi32, #tpu.memory_space<vmem>>)
      %add3A_87 = arith.constant 128 : i32
      %add3A_88 = arith.addi %mul3A_76, %add3A_87 : i32
      %dma_wait3A_89 = tpu.memref_slice %arg4[%add3A_88] : memref<320000xi32, #tpu.memory_space<hbm>> -> memref<128xi32, #tpu.memory_space<hbm>>
      %dma_wait3A_90 = tpu.memref_slice %arg4[%add3A_88] : memref<320000xi32, #tpu.memory_space<hbm>> -> memref<128xi32, #tpu.memory_space<hbm>>
      tpu.wait_dma2 semaphore(%arg12 : memref<!tpu.dma_semaphore, #tpu.memory_space<semaphore_mem>>) src(%dma_wait3A_90 : memref<128xi32, #tpu.memory_space<hbm>>) dst(%arg9 : memref<128xi32, #tpu.memory_space<vmem>>)
      %dma_start3A_91 = arith.constant 0 : i32
      %dma_start3A_92 = arith.constant 0 : i32
      %dma_start3A_93 = tpu.memref_slice %arg10[%dma_start3A_91, %dma_start3A_92] : memref<256x128xf32, #tpu.memory_space<vmem>> -> memref<128x128xf32, #tpu.memory_space<vmem>>
      %dma_start3A_94 = arith.constant 0 : i32
      %dma_start3A_95 = tpu.memref_slice %arg7[%dma_start3A_94] : memref<256xi32, #tpu.memory_space<vmem>> -> memref<128xi32, #tpu.memory_space<vmem>>
      %dma_start3A_96 = arith.constant 0 : i32
      %dma_start3A_97 = arith.constant 0 : i32
      %dma_start3A_98 = tpu.memref_slice %arg2[%dma_start3A_96, %dma_start3A_97] : memref<10000x128xf32, #tpu.memory_space<hbm>> -> memref<10000x128xf32, #tpu.memory_space<hbm>>
      tpu.enqueue_indirect_dma source(%dma_start3A_98 : memref<10000x128xf32, #tpu.memory_space<hbm>>) target(%dma_start3A_93 : memref<128x128xf32, #tpu.memory_space<vmem>>) offsets(%dma_start3A_95 : memref<128xi32, #tpu.memory_space<vmem>>) semaphore(%arg13 : memref<!tpu.dma_semaphore, #tpu.memory_space<semaphore_mem>>)
      %dma_start3A_99 = arith.constant 128 : i32
      %dma_start3A_100 = arith.constant 0 : i32
      %dma_start3A_101 = tpu.memref_slice %arg10[%dma_start3A_99, %dma_start3A_100] : memref<256x128xf32, #tpu.memory_space<vmem>> -> memref<128x128xf32, #tpu.memory_space<vmem>>
      %dma_start3A_102 = arith.constant 128 : i32
      %dma_start3A_103 = tpu.memref_slice %arg7[%dma_start3A_102] : memref<256xi32, #tpu.memory_space<vmem>> -> memref<128xi32, #tpu.memory_space<vmem>>
      %dma_start3A_104 = arith.constant 0 : i32
      %dma_start3A_105 = arith.constant 0 : i32
      %dma_start3A_106 = tpu.memref_slice %arg2[%dma_start3A_104, %dma_start3A_105] : memref<10000x128xf32, #tpu.memory_space<hbm>> -> memref<10000x128xf32, #tpu.memory_space<hbm>>
      tpu.enqueue_indirect_dma source(%dma_start3A_106 : memref<10000x128xf32, #tpu.memory_space<hbm>>) target(%dma_start3A_101 : memref<128x128xf32, #tpu.memory_space<vmem>>) offsets(%dma_start3A_103 : memref<128xi32, #tpu.memory_space<vmem>>) semaphore(%arg14 : memref<!tpu.dma_semaphore, #tpu.memory_space<semaphore_mem>>)
      %dma_wait3A_107 = arith.constant 0 : i32
      %dma_wait3A_108 = arith.constant 0 : i32
      %dma_wait3A_109 = tpu.memref_slice %arg10[%dma_wait3A_107, %dma_wait3A_108] : memref<256x128xf32, #tpu.memory_space<vmem>> -> memref<128x128xf32, #tpu.memory_space<vmem>>
      %dma_wait3A_110 = arith.constant 0 : i32
      %dma_wait3A_111 = tpu.memref_slice %arg7[%dma_wait3A_110] : memref<256xi32, #tpu.memory_space<vmem>> -> memref<128xi32, #tpu.memory_space<vmem>>
      %dma_wait3A_112 = arith.constant 0 : i32
      %dma_wait3A_113 = arith.constant 0 : i32
      %dma_wait3A_114 = tpu.memref_slice %arg2[%dma_wait3A_112, %dma_wait3A_113] : memref<10000x128xf32, #tpu.memory_space<hbm>> -> memref<10000x128xf32, #tpu.memory_space<hbm>>
      tpu.wait_indirect_dma semaphore(%arg13 : memref<!tpu.dma_semaphore, #tpu.memory_space<semaphore_mem>>) src(%dma_wait3A_114 : memref<10000x128xf32, #tpu.memory_space<hbm>>) dst(%dma_wait3A_109 : memref<128x128xf32, #tpu.memory_space<vmem>>)
      %dma_wait3A_115 = arith.constant 128 : i32
      %dma_wait3A_116 = arith.constant 0 : i32
      %dma_wait3A_117 = tpu.memref_slice %arg10[%dma_wait3A_115, %dma_wait3A_116] : memref<256x128xf32, #tpu.memory_space<vmem>> -> memref<128x128xf32, #tpu.memory_space<vmem>>
      %dma_wait3A_118 = arith.constant 128 : i32
      %dma_wait3A_119 = tpu.memref_slice %arg7[%dma_wait3A_118] : memref<256xi32, #tpu.memory_space<vmem>> -> memref<128xi32, #tpu.memory_space<vmem>>
      %dma_wait3A_120 = arith.constant 0 : i32
      %dma_wait3A_121 = arith.constant 0 : i32
      %dma_wait3A_122 = tpu.memref_slice %arg2[%dma_wait3A_120, %dma_wait3A_121] : memref<10000x128xf32, #tpu.memory_space<hbm>> -> memref<10000x128xf32, #tpu.memory_space<hbm>>
      tpu.wait_indirect_dma semaphore(%arg14 : memref<!tpu.dma_semaphore, #tpu.memory_space<semaphore_mem>>) src(%dma_wait3A_122 : memref<10000x128xf32, #tpu.memory_space<hbm>>) dst(%dma_wait3A_117 : memref<128x128xf32, #tpu.memory_space<vmem>>)
      %dma_start3A_123 = arith.constant 0 : i32
      %dma_start3A_124 = arith.constant 0 : i32
      %dma_start3A_125 = tpu.memref_slice %arg10[%dma_start3A_123, %dma_start3A_124] : memref<256x128xf32, #tpu.memory_space<vmem>> -> memref<128x128xf32, #tpu.memory_space<vmem>>
      %dma_start3A_126 = arith.constant 0 : i32
      %dma_start3A_127 = arith.constant 0 : i32
      %dma_start3A_128 = tpu.memref_slice %arg6[%dma_start3A_126, %dma_start3A_127] : memref<10112x128xf32, #tpu.memory_space<vmem_shared>> -> memref<10112x128xf32, #tpu.memory_space<vmem_shared>>
      tpu.enqueue_indirect_dma source(%dma_start3A_125 : memref<128x128xf32, #tpu.memory_space<vmem>>) target(%dma_start3A_128 : memref<10112x128xf32, #tpu.memory_space<vmem_shared>>) offsets(%arg8 : memref<128xi32, #tpu.memory_space<vmem>>) semaphore(%arg15 : memref<!tpu.dma_semaphore, #tpu.memory_space<semaphore_mem>>) {add = true}
      %dma_start3A_129 = arith.constant 128 : i32
      %dma_start3A_130 = arith.constant 0 : i32
      %dma_start3A_131 = tpu.memref_slice %arg10[%dma_start3A_129, %dma_start3A_130] : memref<256x128xf32, #tpu.memory_space<vmem>> -> memref<128x128xf32, #tpu.memory_space<vmem>>
      %dma_start3A_132 = arith.constant 0 : i32
      %dma_start3A_133 = arith.constant 0 : i32
      %dma_start3A_134 = tpu.memref_slice %arg6[%dma_start3A_132, %dma_start3A_133] : memref<10112x128xf32, #tpu.memory_space<vmem_shared>> -> memref<10112x128xf32, #tpu.memory_space<vmem_shared>>
      tpu.enqueue_indirect_dma source(%dma_start3A_131 : memref<128x128xf32, #tpu.memory_space<vmem>>) target(%dma_start3A_134 : memref<10112x128xf32, #tpu.memory_space<vmem_shared>>) offsets(%arg9 : memref<128xi32, #tpu.memory_space<vmem>>) semaphore(%arg16 : memref<!tpu.dma_semaphore, #tpu.memory_space<semaphore_mem>>) {add = true}
      %dma_wait3A_135 = arith.constant 0 : i32
      %dma_wait3A_136 = arith.constant 0 : i32
      %dma_wait3A_137 = tpu.memref_slice %arg10[%dma_wait3A_135, %dma_wait3A_136] : memref<256x128xf32, #tpu.memory_space<vmem>> -> memref<128x128xf32, #tpu.memory_space<vmem>>
      %dma_wait3A_138 = arith.constant 0 : i32
      %dma_wait3A_139 = arith.constant 0 : i32
      %dma_wait3A_140 = tpu.memref_slice %arg6[%dma_wait3A_138, %dma_wait3A_139] : memref<10112x128xf32, #tpu.memory_space<vmem_shared>> -> memref<10112x128xf32, #tpu.memory_space<vmem_shared>>
      tpu.wait_indirect_dma semaphore(%arg15 : memref<!tpu.dma_semaphore, #tpu.memory_space<semaphore_mem>>) src(%dma_wait3A_137 : memref<128x128xf32, #tpu.memory_space<vmem>>) dst(%dma_wait3A_140 : memref<10112x128xf32, #tpu.memory_space<vmem_shared>>)
      %dma_wait3A_141 = arith.constant 128 : i32
      %dma_wait3A_142 = arith.constant 0 : i32
      %dma_wait3A_143 = tpu.memref_slice %arg10[%dma_wait3A_141, %dma_wait3A_142] : memref<256x128xf32, #tpu.memory_space<vmem>> -> memref<128x128xf32, #tpu.memory_space<vmem>>
      %dma_wait3A_144 = arith.constant 0 : i32
      %dma_wait3A_145 = arith.constant 0 : i32
      %dma_wait3A_146 = tpu.memref_slice %arg6[%dma_wait3A_144, %dma_wait3A_145] : memref<10112x128xf32, #tpu.memory_space<vmem_shared>> -> memref<10112x128xf32, #tpu.memory_space<vmem_shared>>
      tpu.wait_indirect_dma semaphore(%arg16 : memref<!tpu.dma_semaphore, #tpu.memory_space<semaphore_mem>>) src(%dma_wait3A_143 : memref<128x128xf32, #tpu.memory_space<vmem>>) dst(%dma_wait3A_146 : memref<10112x128xf32, #tpu.memory_space<vmem_shared>>)
    }
    %while3A_47 = arith.constant 1 : i32
    scf.for %while3A_71 = %while3A_45 to %while3A_41 step %while3A_47  : i32 {
      %mul3A_72 = arith.constant 32 : i32
      %mul3A_73 = arith.muli %while3A_71, %mul3A_72 : i32
      %add3A_74 = arith.addi %add3A, %mul3A_73 : i32
      %mul3A_75 = arith.constant 256 : i32
      %mul3A_76 = arith.muli %add3A_74, %mul3A_75 : i32
      %add3A_77 = arith.constant 0 : i32
      %add3A_78 = arith.addi %mul3A_76, %add3A_77 : i32
      %dma_start3A = tpu.memref_slice %arg4[%add3A_78] : memref<320000xi32, #tpu.memory_space<hbm>> -> memref<128xi32, #tpu.memory_space<hbm>>
      %dma_start3A_79 = tpu.memref_slice %arg4[%add3A_78] : memref<320000xi32, #tpu.memory_space<hbm>> -> memref<128xi32, #tpu.memory_space<hbm>>
      tpu.enqueue_dma source(%dma_start3A_79 : memref<128xi32, #tpu.memory_space<hbm>>) target(%arg8 : memref<128xi32, #tpu.memory_space<vmem>>) target_semaphore(%arg11 : memref<!tpu.dma_semaphore, #tpu.memory_space<semaphore_mem>>)
      %add3A_80 = arith.constant 128 : i32
      %add3A_81 = arith.addi %mul3A_76, %add3A_80 : i32
      %dma_start3A_82 = tpu.memref_slice %arg4[%add3A_81] : memref<320000xi32, #tpu.memory_space<hbm>> -> memref<128xi32, #tpu.memory_space<hbm>>
      %dma_start3A_83 = tpu.memref_slice %arg4[%add3A_81] : memref<320000xi32, #tpu.memory_space<hbm>> -> memref<128xi32, #tpu.memory_space<hbm>>
      tpu.enqueue_dma source(%dma_start3A_83 : memref<128xi32, #tpu.memory_space<hbm>>) target(%arg9 : memref<128xi32, #tpu.memory_space<vmem>>) target_semaphore(%arg12 : memref<!tpu.dma_semaphore, #tpu.memory_space<semaphore_mem>>)
      "tpu.region"() ({
        %run_scoped3A = tpu.sem_alloc : memref<!tpu.dma_semaphore, #tpu.memory_space<semaphore_mem>>
        %dma_start3A_147 = tpu.memref_slice %arg3[%mul3A_76] : memref<320000xi32, #tpu.memory_space<hbm>> -> memref<256xi32, #tpu.memory_space<hbm>>
        %dma_start3A_148 = tpu.memref_slice %arg3[%mul3A_76] : memref<320000xi32, #tpu.memory_space<hbm>> -> memref<256xi32, #tpu.memory_space<hbm>>
        tpu.enqueue_dma source(%dma_start3A_148 : memref<256xi32, #tpu.memory_space<hbm>>) target(%arg7 : memref<256xi32, #tpu.memory_space<vmem>>) target_semaphore(%run_scoped3A : memref<!tpu.dma_semaphore, #tpu.memory_space<semaphore_mem>>)
        %dma_wait3A_149 = tpu.memref_slice %arg3[%mul3A_76] : memref<320000xi32, #tpu.memory_space<hbm>> -> memref<256xi32, #tpu.memory_space<hbm>>
        %dma_wait3A_150 = tpu.memref_slice %arg3[%mul3A_76] : memref<320000xi32, #tpu.memory_space<hbm>> -> memref<256xi32, #tpu.memory_space<hbm>>
        tpu.wait_dma2 semaphore(%run_scoped3A : memref<!tpu.dma_semaphore, #tpu.memory_space<semaphore_mem>>) src(%dma_wait3A_150 : memref<256xi32, #tpu.memory_space<hbm>>) dst(%arg7 : memref<256xi32, #tpu.memory_space<vmem>>)
        tpu.yield
      }) : () -> ()
      %add3A_84 = arith.constant 0 : i32
      %add3A_85 = arith.addi %mul3A_76, %add3A_84 : i32
      %dma_wait3A = tpu.memref_slice %arg4[%add3A_85] : memref<320000xi32, #tpu.memory_space<hbm>> -> memref<128xi32, #tpu.memory_space<hbm>>
      %dma_wait3A_86 = tpu.memref_slice %arg4[%add3A_85] : memref<320000xi32, #tpu.memory_space<hbm>> -> memref<128xi32, #tpu.memory_space<hbm>>
      tpu.wait_dma2 semaphore(%arg11 : memref<!tpu.dma_semaphore, #tpu.memory_space<semaphore_mem>>) src(%dma_wait3A_86 : memref<128xi32, #tpu.memory_space<hbm>>) dst(%arg8 : memref<128xi32, #tpu.memory_space<vmem>>)
      %add3A_87 = arith.constant 128 : i32
      %add3A_88 = arith.addi %mul3A_76, %add3A_87 : i32
      %dma_wait3A_89 = tpu.memref_slice %arg4[%add3A_88] : memref<320000xi32, #tpu.memory_space<hbm>> -> memref<128xi32, #tpu.memory_space<hbm>>
      %dma_wait3A_90 = tpu.memref_slice %arg4[%add3A_88] : memref<320000xi32, #tpu.memory_space<hbm>> -> memref<128xi32, #tpu.memory_space<hbm>>
      tpu.wait_dma2 semaphore(%arg12 : memref<!tpu.dma_semaphore, #tpu.memory_space<semaphore_mem>>) src(%dma_wait3A_90 : memref<128xi32, #tpu.memory_space<hbm>>) dst(%arg9 : memref<128xi32, #tpu.memory_space<vmem>>)
      %dma_start3A_91 = arith.constant 0 : i32
      %dma_start3A_92 = arith.constant 0 : i32
      %dma_start3A_93 = tpu.memref_slice %arg10[%dma_start3A_91, %dma_start3A_92] : memref<256x128xf32, #tpu.memory_space<vmem>> -> memref<128x128xf32, #tpu.memory_space<vmem>>
      %dma_start3A_94 = arith.constant 0 : i32
      %dma_start3A_95 = tpu.memref_slice %arg7[%dma_start3A_94] : memref<256xi32, #tpu.memory_space<vmem>> -> memref<128xi32, #tpu.memory_space<vmem>>
      %dma_start3A_96 = arith.constant 0 : i32
      %dma_start3A_97 = arith.constant 0 : i32
      %dma_start3A_98 = tpu.memref_slice %arg2[%dma_start3A_96, %dma_start3A_97] : memref<10000x128xf32, #tpu.memory_space<hbm>> -> memref<10000x128xf32, #tpu.memory_space<hbm>>
      tpu.enqueue_indirect_dma source(%dma_start3A_98 : memref<10000x128xf32, #tpu.memory_space<hbm>>) target(%dma_start3A_93 : memref<128x128xf32, #tpu.memory_space<vmem>>) offsets(%dma_start3A_95 : memref<128xi32, #tpu.memory_space<vmem>>) semaphore(%arg13 : memref<!tpu.dma_semaphore, #tpu.memory_space<semaphore_mem>>)
      %dma_start3A_99 = arith.constant 128 : i32
      %dma_start3A_100 = arith.constant 0 : i32
      %dma_start3A_101 = tpu.memref_slice %arg10[%dma_start3A_99, %dma_start3A_100] : memref<256x128xf32, #tpu.memory_space<vmem>> -> memref<128x128xf32, #tpu.memory_space<vmem>>
      %dma_start3A_102 = arith.constant 128 : i32
      %dma_start3A_103 = tpu.memref_slice %arg7[%dma_start3A_102] : memref<256xi32, #tpu.memory_space<vmem>> -> memref<128xi32, #tpu.memory_space<vmem>>
      %dma_start3A_104 = arith.constant 0 : i32
      %dma_start3A_105 = arith.constant 0 : i32
      %dma_start3A_106 = tpu.memref_slice %arg2[%dma_start3A_104, %dma_start3A_105] : memref<10000x128xf32, #tpu.memory_space<hbm>> -> memref<10000x128xf32, #tpu.memory_space<hbm>>
      tpu.enqueue_indirect_dma source(%dma_start3A_106 : memref<10000x128xf32, #tpu.memory_space<hbm>>) target(%dma_start3A_101 : memref<128x128xf32, #tpu.memory_space<vmem>>) offsets(%dma_start3A_103 : memref<128xi32, #tpu.memory_space<vmem>>) semaphore(%arg14 : memref<!tpu.dma_semaphore, #tpu.memory_space<semaphore_mem>>)
      %dma_wait3A_107 = arith.constant 0 : i32
      %dma_wait3A_108 = arith.constant 0 : i32
      %dma_wait3A_109 = tpu.memref_slice %arg10[%dma_wait3A_107, %dma_wait3A_108] : memref<256x128xf32, #tpu.memory_space<vmem>> -> memref<128x128xf32, #tpu.memory_space<vmem>>
      %dma_wait3A_110 = arith.constant 0 : i32
      %dma_wait3A_111 = tpu.memref_slice %arg7[%dma_wait3A_110] : memref<256xi32, #tpu.memory_space<vmem>> -> memref<128xi32, #tpu.memory_space<vmem>>
      %dma_wait3A_112 = arith.constant 0 : i32
      %dma_wait3A_113 = arith.constant 0 : i32
      %dma_wait3A_114 = tpu.memref_slice %arg2[%dma_wait3A_112, %dma_wait3A_113] : memref<10000x128xf32, #tpu.memory_space<hbm>> -> memref<10000x128xf32, #tpu.memory_space<hbm>>
      tpu.wait_indirect_dma semaphore(%arg13 : memref<!tpu.dma_semaphore, #tpu.memory_space<semaphore_mem>>) src(%dma_wait3A_114 : memref<10000x128xf32, #tpu.memory_space<hbm>>) dst(%dma_wait3A_109 : memref<128x128xf32, #tpu.memory_space<vmem>>)
      %dma_wait3A_115 = arith.constant 128 : i32
      %dma_wait3A_116 = arith.constant 0 : i32
      %dma_wait3A_117 = tpu.memref_slice %arg10[%dma_wait3A_115, %dma_wait3A_116] : memref<256x128xf32, #tpu.memory_space<vmem>> -> memref<128x128xf32, #tpu.memory_space<vmem>>
      %dma_wait3A_118 = arith.constant 128 : i32
      %dma_wait3A_119 = tpu.memref_slice %arg7[%dma_wait3A_118] : memref<256xi32, #tpu.memory_space<vmem>> -> memref<128xi32, #tpu.memory_space<vmem>>
      %dma_wait3A_120 = arith.constant 0 : i32
      %dma_wait3A_121 = arith.constant 0 : i32
      %dma_wait3A_122 = tpu.memref_slice %arg2[%dma_wait3A_120, %dma_wait3A_121] : memref<10000x128xf32, #tpu.memory_space<hbm>> -> memref<10000x128xf32, #tpu.memory_space<hbm>>
      tpu.wait_indirect_dma semaphore(%arg14 : memref<!tpu.dma_semaphore, #tpu.memory_space<semaphore_mem>>) src(%dma_wait3A_122 : memref<10000x128xf32, #tpu.memory_space<hbm>>) dst(%dma_wait3A_117 : memref<128x128xf32, #tpu.memory_space<vmem>>)
      %dma_start3A_123 = arith.constant 0 : i32
      %dma_start3A_124 = arith.constant 0 : i32
      %dma_start3A_125 = tpu.memref_slice %arg10[%dma_start3A_123, %dma_start3A_124] : memref<256x128xf32, #tpu.memory_space<vmem>> -> memref<128x128xf32, #tpu.memory_space<vmem>>
      %dma_start3A_126 = arith.constant 0 : i32
      %dma_start3A_127 = arith.constant 0 : i32
      %dma_start3A_128 = tpu.memref_slice %arg6[%dma_start3A_126, %dma_start3A_127] : memref<10112x128xf32, #tpu.memory_space<vmem_shared>> -> memref<10112x128xf32, #tpu.memory_space<vmem_shared>>
      tpu.enqueue_indirect_dma source(%dma_start3A_125 : memref<128x128xf32, #tpu.memory_space<vmem>>) target(%dma_start3A_128 : memref<10112x128xf32, #tpu.memory_space<vmem_shared>>) offsets(%arg8 : memref<128xi32, #tpu.memory_space<vmem>>) semaphore(%arg15 : memref<!tpu.dma_semaphore, #tpu.memory_space<semaphore_mem>>) {add = true}
      %dma_start3A_129 = arith.constant 128 : i32
      %dma_start3A_130 = arith.constant 0 : i32
      %dma_start3A_131 = tpu.memref_slice %arg10[%dma_start3A_129, %dma_start3A_130] : memref<256x128xf32, #tpu.memory_space<vmem>> -> memref<128x128xf32, #tpu.memory_space<vmem>>
      %dma_start3A_132 = arith.constant 0 : i32
      %dma_start3A_133 = arith.constant 0 : i32
      %dma_start3A_134 = tpu.memref_slice %arg6[%dma_start3A_132, %dma_start3A_133] : memref<10112x128xf32, #tpu.memory_space<vmem_shared>> -> memref<10112x128xf32, #tpu.memory_space<vmem_shared>>
      tpu.enqueue_indirect_dma source(%dma_start3A_131 : memref<128x128xf32, #tpu.memory_space<vmem>>) target(%dma_start3A_134 : memref<10112x128xf32, #tpu.memory_space<vmem_shared>>) offsets(%arg9 : memref<128xi32, #tpu.memory_space<vmem>>) semaphore(%arg16 : memref<!tpu.dma_semaphore, #tpu.memory_space<semaphore_mem>>) {add = true}
      %dma_wait3A_135 = arith.constant 0 : i32
      %dma_wait3A_136 = arith.constant 0 : i32
      %dma_wait3A_137 = tpu.memref_slice %arg10[%dma_wait3A_135, %dma_wait3A_136] : memref<256x128xf32, #tpu.memory_space<vmem>> -> memref<128x128xf32, #tpu.memory_space<vmem>>
      %dma_wait3A_138 = arith.constant 0 : i32
      %dma_wait3A_139 = arith.constant 0 : i32
      %dma_wait3A_140 = tpu.memref_slice %arg6[%dma_wait3A_138, %dma_wait3A_139] : memref<10112x128xf32, #tpu.memory_space<vmem_shared>> -> memref<10112x128xf32, #tpu.memory_space<vmem_shared>>
      tpu.wait_indirect_dma semaphore(%arg15 : memref<!tpu.dma_semaphore, #tpu.memory_space<semaphore_mem>>) src(%dma_wait3A_137 : memref<128x128xf32, #tpu.memory_space<vmem>>) dst(%dma_wait3A_140 : memref<10112x128xf32, #tpu.memory_space<vmem_shared>>)
      %dma_wait3A_141 = arith.constant 128 : i32
      %dma_wait3A_142 = arith.constant 0 : i32
      %dma_wait3A_143 = tpu.memref_slice %arg10[%dma_wait3A_141, %dma_wait3A_142] : memref<256x128xf32, #tpu.memory_space<vmem>> -> memref<128x128xf32, #tpu.memory_space<vmem>>
      %dma_wait3A_144 = arith.constant 0 : i32
      %dma_wait3A_145 = arith.constant 0 : i32
      %dma_wait3A_146 = tpu.memref_slice %arg6[%dma_wait3A_144, %dma_wait3A_145] : memref<10112x128xf32, #tpu.memory_space<vmem_shared>> -> memref<10112x128xf32, #tpu.memory_space<vmem_shared>>
      tpu.wait_indirect_dma semaphore(%arg16 : memref<!tpu.dma_semaphore, #tpu.memory_space<semaphore_mem>>) src(%dma_wait3A_143 : memref<128x128xf32, #tpu.memory_space<vmem>>) dst(%dma_wait3A_146 : memref<10112x128xf32, #tpu.memory_space<vmem_shared>>)
    }
    %barrier3A_48 = arith.constant 0 : index
    tpu.barrier barrier_id(%barrier3A_48)
    %mul3A_49 = arith.constant 632 : i32
    %mul3A_50 = arith.muli %arg1, %mul3A_49 : i32
    %add3A_51 = arith.constant 0 : i32
    %add3A_52 = arith.addi %mul3A_50, %add3A_51 : i32
    %add3A_53 = arith.constant 0 : i32
    %add3A_54 = arith.addi %mul3A_50, %add3A_53 : i32
    "tpu.region"() ({
      %run_scoped3A = tpu.sem_alloc : memref<!tpu.dma_semaphore, #tpu.memory_space<semaphore_mem>>
      %dma_start3A = arith.constant 0 : i32
      %dma_start3A_71 = tpu.memref_slice %arg5[%arg0, %add3A_54, %dma_start3A] : memref<2x10112x128xf32, #tpu.memory_space<hbm>> -> memref<1x128x128xf32, #tpu.memory_space<hbm>>
      %dma_start3A_72 = tpu.memref_squeeze %dma_start3A_71 : memref<1x128x128xf32, #tpu.memory_space<hbm>> -> memref<128x128xf32, #tpu.memory_space<hbm>>
      %dma_start3A_73 = arith.constant 0 : i32
      %dma_start3A_74 = tpu.memref_slice %arg6[%add3A_52, %dma_start3A_73] : memref<10112x128xf32, #tpu.memory_space<vmem_shared>> -> memref<128x128xf32, #tpu.memory_space<vmem_shared>>
      tpu.enqueue_dma source(%dma_start3A_74 : memref<128x128xf32, #tpu.memory_space<vmem_shared>>) target(%dma_start3A_72 : memref<128x128xf32, #tpu.memory_space<hbm>>) target_semaphore(%run_scoped3A : memref<!tpu.dma_semaphore, #tpu.memory_space<semaphore_mem>>)
      %dma_wait3A = arith.constant 0 : i32
      %dma_wait3A_75 = tpu.memref_slice %arg5[%arg0, %add3A_54, %dma_wait3A] : memref<2x10112x128xf32, #tpu.memory_space<hbm>> -> memref<1x128x128xf32, #tpu.memory_space<hbm>>
      %dma_wait3A_76 = tpu.memref_squeeze %dma_wait3A_75 : memref<1x128x128xf32, #tpu.memory_space<hbm>> -> memref<128x128xf32, #tpu.memory_space<hbm>>
      %dma_wait3A_77 = arith.constant 0 : i32
      %dma_wait3A_78 = tpu.memref_slice %arg6[%add3A_52, %dma_wait3A_77] : memref<10112x128xf32, #tpu.memory_space<vmem_shared>> -> memref<128x128xf32, #tpu.memory_space<vmem_shared>>
      tpu.wait_dma2 semaphore(%run_scoped3A : memref<!tpu.dma_semaphore, #tpu.memory_space<semaphore_mem>>) src(%dma_wait3A_78 : memref<128x128xf32, #tpu.memory_space<vmem_shared>>) dst(%dma_wait3A_76 : memref<128x128xf32, #tpu.memory_space<hbm>>)
      tpu.yield
    }) : () -> ()
    %add3A_55 = arith.constant 128 : i32
    %add3A_56 = arith.addi %mul3A_50, %add3A_55 : i32
    %add3A_57 = arith.constant 128 : i32
    %add3A_58 = arith.addi %mul3A_50, %add3A_57 : i32
    "tpu.region"() ({
      %run_scoped3A = tpu.sem_alloc : memref<!tpu.dma_semaphore, #tpu.memory_space<semaphore_mem>>
      %dma_start3A = arith.constant 0 : i32
      %dma_start3A_71 = tpu.memref_slice %arg5[%arg0, %add3A_58, %dma_start3A] : memref<2x10112x128xf32, #tpu.memory_space<hbm>> -> memref<1x128x128xf32, #tpu.memory_space<hbm>>
      %dma_start3A_72 = tpu.memref_squeeze %dma_start3A_71 : memref<1x128x128xf32, #tpu.memory_space<hbm>> -> memref<128x128xf32, #tpu.memory_space<hbm>>
      %dma_start3A_73 = arith.constant 0 : i32
      %dma_start3A_74 = tpu.memref_slice %arg6[%add3A_56, %dma_start3A_73] : memref<10112x128xf32, #tpu.memory_space<vmem_shared>> -> memref<128x128xf32, #tpu.memory_space<vmem_shared>>
      tpu.enqueue_dma source(%dma_start3A_74 : memref<128x128xf32, #tpu.memory_space<vmem_shared>>) target(%dma_start3A_72 : memref<128x128xf32, #tpu.memory_space<hbm>>) target_semaphore(%run_scoped3A : memref<!tpu.dma_semaphore, #tpu.memory_space<semaphore_mem>>)
      %dma_wait3A = arith.constant 0 : i32
      %dma_wait3A_75 = tpu.memref_slice %arg5[%arg0, %add3A_58, %dma_wait3A] : memref<2x10112x128xf32, #tpu.memory_space<hbm>> -> memref<1x128x128xf32, #tpu.memory_space<hbm>>
      %dma_wait3A_76 = tpu.memref_squeeze %dma_wait3A_75 : memref<1x128x128xf32, #tpu.memory_space<hbm>> -> memref<128x128xf32, #tpu.memory_space<hbm>>
      %dma_wait3A_77 = arith.constant 0 : i32
      %dma_wait3A_78 = tpu.memref_slice %arg6[%add3A_56, %dma_wait3A_77] : memref<10112x128xf32, #tpu.memory_space<vmem_shared>> -> memref<128x128xf32, #tpu.memory_space<vmem_shared>>
      tpu.wait_dma2 semaphore(%run_scoped3A : memref<!tpu.dma_semaphore, #tpu.memory_space<semaphore_mem>>) src(%dma_wait3A_78 : memref<128x128xf32, #tpu.memory_space<vmem_shared>>) dst(%dma_wait3A_76 : memref<128x128xf32, #tpu.memory_space<hbm>>)
      tpu.yield
    }) : () -> ()
    %add3A_59 = arith.constant 256 : i32
    %add3A_60 = arith.addi %mul3A_50, %add3A_59 : i32
    %add3A_61 = arith.constant 256 : i32
    %add3A_62 = arith.addi %mul3A_50, %add3A_61 : i32
    "tpu.region"() ({
      %run_scoped3A = tpu.sem_alloc : memref<!tpu.dma_semaphore, #tpu.memory_space<semaphore_mem>>
      %dma_start3A = arith.constant 0 : i32
      %dma_start3A_71 = tpu.memref_slice %arg5[%arg0, %add3A_62, %dma_start3A] : memref<2x10112x128xf32, #tpu.memory_space<hbm>> -> memref<1x128x128xf32, #tpu.memory_space<hbm>>
      %dma_start3A_72 = tpu.memref_squeeze %dma_start3A_71 : memref<1x128x128xf32, #tpu.memory_space<hbm>> -> memref<128x128xf32, #tpu.memory_space<hbm>>
      %dma_start3A_73 = arith.constant 0 : i32
      %dma_start3A_74 = tpu.memref_slice %arg6[%add3A_60, %dma_start3A_73] : memref<10112x128xf32, #tpu.memory_space<vmem_shared>> -> memref<128x128xf32, #tpu.memory_space<vmem_shared>>
      tpu.enqueue_dma source(%dma_start3A_74 : memref<128x128xf32, #tpu.memory_space<vmem_shared>>) target(%dma_start3A_72 : memref<128x128xf32, #tpu.memory_space<hbm>>) target_semaphore(%run_scoped3A : memref<!tpu.dma_semaphore, #tpu.memory_space<semaphore_mem>>)
      %dma_wait3A = arith.constant 0 : i32
      %dma_wait3A_75 = tpu.memref_slice %arg5[%arg0, %add3A_62, %dma_wait3A] : memref<2x10112x128xf32, #tpu.memory_space<hbm>> -> memref<1x128x128xf32, #tpu.memory_space<hbm>>
      %dma_wait3A_76 = tpu.memref_squeeze %dma_wait3A_75 : memref<1x128x128xf32, #tpu.memory_space<hbm>> -> memref<128x128xf32, #tpu.memory_space<hbm>>
      %dma_wait3A_77 = arith.constant 0 : i32
      %dma_wait3A_78 = tpu.memref_slice %arg6[%add3A_60, %dma_wait3A_77] : memref<10112x128xf32, #tpu.memory_space<vmem_shared>> -> memref<128x128xf32, #tpu.memory_space<vmem_shared>>
      tpu.wait_dma2 semaphore(%run_scoped3A : memref<!tpu.dma_semaphore, #tpu.memory_space<semaphore_mem>>) src(%dma_wait3A_78 : memref<128x128xf32, #tpu.memory_space<vmem_shared>>) dst(%dma_wait3A_76 : memref<128x128xf32, #tpu.memory_space<hbm>>)
      tpu.yield
    }) : () -> ()
    %add3A_63 = arith.constant 384 : i32
    %add3A_64 = arith.addi %mul3A_50, %add3A_63 : i32
    %add3A_65 = arith.constant 384 : i32
    %add3A_66 = arith.addi %mul3A_50, %add3A_65 : i32
    "tpu.region"() ({
      %run_scoped3A = tpu.sem_alloc : memref<!tpu.dma_semaphore, #tpu.memory_space<semaphore_mem>>
      %dma_start3A = arith.constant 0 : i32
      %dma_start3A_71 = tpu.memref_slice %arg5[%arg0, %add3A_66, %dma_start3A] : memref<2x10112x128xf32, #tpu.memory_space<hbm>> -> memref<1x128x128xf32, #tpu.memory_space<hbm>>
      %dma_start3A_72 = tpu.memref_squeeze %dma_start3A_71 : memref<1x128x128xf32, #tpu.memory_space<hbm>> -> memref<128x128xf32, #tpu.memory_space<hbm>>
      %dma_start3A_73 = arith.constant 0 : i32
      %dma_start3A_74 = tpu.memref_slice %arg6[%add3A_64, %dma_start3A_73] : memref<10112x128xf32, #tpu.memory_space<vmem_shared>> -> memref<128x128xf32, #tpu.memory_space<vmem_shared>>
      tpu.enqueue_dma source(%dma_start3A_74 : memref<128x128xf32, #tpu.memory_space<vmem_shared>>) target(%dma_start3A_72 : memref<128x128xf32, #tpu.memory_space<hbm>>) target_semaphore(%run_scoped3A : memref<!tpu.dma_semaphore, #tpu.memory_space<semaphore_mem>>)
      %dma_wait3A = arith.constant 0 : i32
      %dma_wait3A_75 = tpu.memref_slice %arg5[%arg0, %add3A_66, %dma_wait3A] : memref<2x10112x128xf32, #tpu.memory_space<hbm>> -> memref<1x128x128xf32, #tpu.memory_space<hbm>>
      %dma_wait3A_76 = tpu.memref_squeeze %dma_wait3A_75 : memref<1x128x128xf32, #tpu.memory_space<hbm>> -> memref<128x128xf32, #tpu.memory_space<hbm>>
      %dma_wait3A_77 = arith.constant 0 : i32
      %dma_wait3A_78 = tpu.memref_slice %arg6[%add3A_64, %dma_wait3A_77] : memref<10112x128xf32, #tpu.memory_space<vmem_shared>> -> memref<128x128xf32, #tpu.memory_space<vmem_shared>>
      tpu.wait_dma2 semaphore(%run_scoped3A : memref<!tpu.dma_semaphore, #tpu.memory_space<semaphore_mem>>) src(%dma_wait3A_78 : memref<128x128xf32, #tpu.memory_space<vmem_shared>>) dst(%dma_wait3A_76 : memref<128x128xf32, #tpu.memory_space<hbm>>)
      tpu.yield
    }) : () -> ()
    %add3A_67 = arith.constant 512 : i32
    %add3A_68 = arith.addi %mul3A_50, %add3A_67 : i32
    %add3A_69 = arith.constant 512 : i32
    %add3A_70 = arith.addi %mul3A_50, %add3A_69 : i32
    "tpu.region"() ({
      %run_scoped3A = tpu.sem_alloc : memref<!tpu.dma_semaphore, #tpu.memory_space<semaphore_mem>>
      %dma_start3A = arith.constant 0 : i32
      %dma_start3A_71 = tpu.memref_slice %arg5[%arg0, %add3A_70, %dma_start3A] : memref<2x10112x128xf32, #tpu.memory_space<hbm>> -> memref<1x120x128xf32, #tpu.memory_space<hbm>>
      %dma_start3A_72 = tpu.memref_squeeze %dma_start3A_71 : memref<1x120x128xf32, #tpu.memory_space<hbm>> -> memref<120x128xf32, #tpu.memory_space<hbm>>
      %dma_start3A_73 = arith.constant 0 : i32
      %dma_start3A_74 = tpu.memref_slice %arg6[%add3A_68, %dma_start3A_73] : memref<10112x128xf32, #tpu.memory_space<vmem_shared>> -> memref<120x128xf32, #tpu.memory_space<vmem_shared>>
      tpu.enqueue_dma source(%dma_start3A_74 : memref<120x128xf32, #tpu.memory_space<vmem_shared>>) target(%dma_start3A_72 : memref<120x128xf32, #tpu.memory_space<hbm>>) target_semaphore(%run_scoped3A : memref<!tpu.dma_semaphore, #tpu.memory_space<semaphore_mem>>)
      %dma_wait3A = arith.constant 0 : i32
      %dma_wait3A_75 = tpu.memref_slice %arg5[%arg0, %add3A_70, %dma_wait3A] : memref<2x10112x128xf32, #tpu.memory_space<hbm>> -> memref<1x120x128xf32, #tpu.memory_space<hbm>>
      %dma_wait3A_76 = tpu.memref_squeeze %dma_wait3A_75 : memref<1x120x128xf32, #tpu.memory_space<hbm>> -> memref<120x128xf32, #tpu.memory_space<hbm>>
      %dma_wait3A_77 = arith.constant 0 : i32
      %dma_wait3A_78 = tpu.memref_slice %arg6[%add3A_68, %dma_wait3A_77] : memref<10112x128xf32, #tpu.memory_space<vmem_shared>> -> memref<120x128xf32, #tpu.memory_space<vmem_shared>>
      tpu.wait_dma2 semaphore(%run_scoped3A : memref<!tpu.dma_semaphore, #tpu.memory_space<semaphore_mem>>) src(%dma_wait3A_78 : memref<120x128xf32, #tpu.memory_space<vmem_shared>>) dst(%dma_wait3A_76 : memref<120x128xf32, #tpu.memory_space<hbm>>)
      tpu.yield
    }) : () -> ()
    return
  }
}

#map = affine_map<(d0, d1) -> (0, 0)>
#map1 = affine_map<(d0, d1) -> (0)>
#map2 = affine_map<(d0, d1) -> (0, 0, 0)>
module attributes {stable_mosaic.version = 14 : i64} {
  func.func @k(%arg0: i32, %arg1: i32, %arg2: memref<10000x128xf32, #tpu.memory_space<hbm>>, %arg3: memref<2000x128xf32, #tpu.memory_space<hbm>>, %arg4: memref<160000xi32, #tpu.memory_space<hbm>>, %arg5: memref<160000xi32, #tpu.memory_space<hbm>>, %arg6: memref<2x2048x128xf32, #tpu.memory_space<hbm>>, %arg7: memref<2048x128xf32, #tpu.memory_space<vmem_shared>>, %arg8: memref<256xi32, #tpu.memory_space<vmem>>, %arg9: memref<128xi32, #tpu.memory_space<vmem>>, %arg10: memref<128xi32, #tpu.memory_space<vmem>>, %arg11: memref<256x128xf32, #tpu.memory_space<vmem>>, %arg12: memref<256x128xf32, #tpu.memory_space<vmem>>, %arg13: memref<!tpu.dma_semaphore, #tpu.memory_space<semaphore_mem>>, %arg14: memref<!tpu.dma_semaphore, #tpu.memory_space<semaphore_mem>>, %arg15: memref<!tpu.dma_semaphore, #tpu.memory_space<semaphore_mem>>, %arg16: memref<!tpu.dma_semaphore, #tpu.memory_space<semaphore_mem>>, %arg17: memref<!tpu.dma_semaphore, #tpu.memory_space<semaphore_mem>>, %arg18: memref<!tpu.dma_semaphore, #tpu.memory_space<semaphore_mem>>, %arg19: memref<!tpu.dma_semaphore, #tpu.memory_space<semaphore_mem>>, %arg20: memref<!tpu.dma_semaphore, #tpu.memory_space<semaphore_mem>>) attributes {dimension_semantics = [#tpu.dimension_semantics<core_parallel>, #tpu.dimension_semantics<subcore_parallel>], iteration_bounds = array<i64: 2, 16>, scalar_prefetch = 0 : i64, scratch_operands = 14 : i64, tpu.core_type = #tpu.core_type<sc_vector_subcore>, window_params = [{transform_indices = #map}, {transform_indices = #map}, {transform_indices = #map1}, {transform_indices = #map1}, {transform_indices = #map2}]} {
    %mul3A = arith.constant 2 : i32
    %mul3A_0 = arith.muli %arg1, %mul3A : i32
    %add3A = arith.addi %mul3A_0, %arg0 : i32
    %broadcast_in_dim3A = arith.constant 0.000000e+00 : f32
    %broadcast_in_dim3A_1 = vector.broadcast %broadcast_in_dim3A : f32 to vector<16xf32>
    %scan3A = arith.constant 0 : i32
    %scan3A_2 = arith.constant 128 : i32
    %scan3A_3 = arith.addi %scan3A, %scan3A_2 : i32
    %scan3A_4 = arith.constant 1 : i32
    scf.for %scan3A_47 = %scan3A to %scan3A_3 step %scan3A_4  : i32 {
      %swap3A = arith.index_cast %scan3A_47 : i32 to index
      %swap3A_48 = arith.constant 0 : index
      %swap3A_49 = tpu.vector_load %arg11[%swap3A, %swap3A_48] {strides = array<i32>} : memref<256x128xf32, #tpu.memory_space<vmem>>, vector<1x16xf32>,
      %swap3A_50 = vector.shape_cast %swap3A_49 : vector<1x16xf32> to vector<16xf32>
      %swap3A_51 = vector.shape_cast %broadcast_in_dim3A_1 : vector<16xf32> to vector<1x16xf32>
      tpu.vector_store %arg11[%swap3A, %swap3A_48], %swap3A_51 {strides = array<i32>} : memref<256x128xf32, #tpu.memory_space<vmem>>, vector<1x16xf32>,
      %swap3A_52 = arith.index_cast %scan3A_47 : i32 to index
      %swap3A_53 = arith.constant 16 : index
      %swap3A_54 = tpu.vector_load %arg11[%swap3A_52, %swap3A_53] {strides = array<i32>} : memref<256x128xf32, #tpu.memory_space<vmem>>, vector<1x16xf32>,
      %swap3A_55 = vector.shape_cast %swap3A_54 : vector<1x16xf32> to vector<16xf32>
      %swap3A_56 = vector.shape_cast %broadcast_in_dim3A_1 : vector<16xf32> to vector<1x16xf32>
      tpu.vector_store %arg11[%swap3A_52, %swap3A_53], %swap3A_56 {strides = array<i32>} : memref<256x128xf32, #tpu.memory_space<vmem>>, vector<1x16xf32>,
      %swap3A_57 = arith.index_cast %scan3A_47 : i32 to index
      %swap3A_58 = arith.constant 32 : index
      %swap3A_59 = tpu.vector_load %arg11[%swap3A_57, %swap3A_58] {strides = array<i32>} : memref<256x128xf32, #tpu.memory_space<vmem>>, vector<1x16xf32>,
      %swap3A_60 = vector.shape_cast %swap3A_59 : vector<1x16xf32> to vector<16xf32>
      %swap3A_61 = vector.shape_cast %broadcast_in_dim3A_1 : vector<16xf32> to vector<1x16xf32>
      tpu.vector_store %arg11[%swap3A_57, %swap3A_58], %swap3A_61 {strides = array<i32>} : memref<256x128xf32, #tpu.memory_space<vmem>>, vector<1x16xf32>,
      %swap3A_62 = arith.index_cast %scan3A_47 : i32 to index
      %swap3A_63 = arith.constant 48 : index
      %swap3A_64 = tpu.vector_load %arg11[%swap3A_62, %swap3A_63] {strides = array<i32>} : memref<256x128xf32, #tpu.memory_space<vmem>>, vector<1x16xf32>,
      %swap3A_65 = vector.shape_cast %swap3A_64 : vector<1x16xf32> to vector<16xf32>
      %swap3A_66 = vector.shape_cast %broadcast_in_dim3A_1 : vector<16xf32> to vector<1x16xf32>
      tpu.vector_store %arg11[%swap3A_62, %swap3A_63], %swap3A_66 {strides = array<i32>} : memref<256x128xf32, #tpu.memory_space<vmem>>, vector<1x16xf32>,
      %swap3A_67 = arith.index_cast %scan3A_47 : i32 to index
      %swap3A_68 = arith.constant 64 : index
      %swap3A_69 = tpu.vector_load %arg11[%swap3A_67, %swap3A_68] {strides = array<i32>} : memref<256x128xf32, #tpu.memory_space<vmem>>, vector<1x16xf32>,
      %swap3A_70 = vector.shape_cast %swap3A_69 : vector<1x16xf32> to vector<16xf32>
      %swap3A_71 = vector.shape_cast %broadcast_in_dim3A_1 : vector<16xf32> to vector<1x16xf32>
      tpu.vector_store %arg11[%swap3A_67, %swap3A_68], %swap3A_71 {strides = array<i32>} : memref<256x128xf32, #tpu.memory_space<vmem>>, vector<1x16xf32>,
      %swap3A_72 = arith.index_cast %scan3A_47 : i32 to index
      %swap3A_73 = arith.constant 80 : index
      %swap3A_74 = tpu.vector_load %arg11[%swap3A_72, %swap3A_73] {strides = array<i32>} : memref<256x128xf32, #tpu.memory_space<vmem>>, vector<1x16xf32>,
      %swap3A_75 = vector.shape_cast %swap3A_74 : vector<1x16xf32> to vector<16xf32>
      %swap3A_76 = vector.shape_cast %broadcast_in_dim3A_1 : vector<16xf32> to vector<1x16xf32>
      tpu.vector_store %arg11[%swap3A_72, %swap3A_73], %swap3A_76 {strides = array<i32>} : memref<256x128xf32, #tpu.memory_space<vmem>>, vector<1x16xf32>,
      %swap3A_77 = arith.index_cast %scan3A_47 : i32 to index
      %swap3A_78 = arith.constant 96 : index
      %swap3A_79 = tpu.vector_load %arg11[%swap3A_77, %swap3A_78] {strides = array<i32>} : memref<256x128xf32, #tpu.memory_space<vmem>>, vector<1x16xf32>,
      %swap3A_80 = vector.shape_cast %swap3A_79 : vector<1x16xf32> to vector<16xf32>
      %swap3A_81 = vector.shape_cast %broadcast_in_dim3A_1 : vector<16xf32> to vector<1x16xf32>
      tpu.vector_store %arg11[%swap3A_77, %swap3A_78], %swap3A_81 {strides = array<i32>} : memref<256x128xf32, #tpu.memory_space<vmem>>, vector<1x16xf32>,
      %swap3A_82 = arith.index_cast %scan3A_47 : i32 to index
      %swap3A_83 = arith.constant 112 : index
      %swap3A_84 = tpu.vector_load %arg11[%swap3A_82, %swap3A_83] {strides = array<i32>} : memref<256x128xf32, #tpu.memory_space<vmem>>, vector<1x16xf32>,
      %swap3A_85 = vector.shape_cast %swap3A_84 : vector<1x16xf32> to vector<16xf32>
      %swap3A_86 = vector.shape_cast %broadcast_in_dim3A_1 : vector<16xf32> to vector<1x16xf32>
      tpu.vector_store %arg11[%swap3A_82, %swap3A_83], %swap3A_86 {strides = array<i32>} : memref<256x128xf32, #tpu.memory_space<vmem>>, vector<1x16xf32>,
    }
    %scan3A_5 = arith.constant 128 : i32
    %mul3A_6 = arith.constant 128 : i32
    %mul3A_7 = arith.muli %arg1, %mul3A_6 : i32
    %add3A_8 = arith.constant 0 : i32
    %add3A_9 = arith.addi %mul3A_7, %add3A_8 : i32
    "tpu.region"() ({
      %run_scoped3A = tpu.sem_alloc : memref<!tpu.dma_semaphore, #tpu.memory_space<semaphore_mem>>
      %dma_start3A = arith.constant 0 : i32
      %dma_start3A_47 = arith.constant 0 : i32
      %dma_start3A_48 = tpu.memref_slice %arg11[%dma_start3A, %dma_start3A_47] : memref<256x128xf32, #tpu.memory_space<vmem>> -> memref<128x128xf32, #tpu.memory_space<vmem>>
      %dma_start3A_49 = arith.constant 0 : i32
      %dma_start3A_50 = tpu.memref_slice %arg7[%add3A_9, %dma_start3A_49] : memref<2048x128xf32, #tpu.memory_space<vmem_shared>> -> memref<128x128xf32, #tpu.memory_space<vmem_shared>>
      %dma_start3A_51 = arith.constant 0 : i32
      %dma_start3A_52 = tpu.memref_slice %arg7[%add3A_9, %dma_start3A_51] : memref<2048x128xf32, #tpu.memory_space<vmem_shared>> -> memref<128x128xf32, #tpu.memory_space<vmem_shared>>
      %dma_start3A_53 = arith.constant 0 : i32
      %dma_start3A_54 = arith.constant 0 : i32
      %dma_start3A_55 = tpu.memref_slice %arg11[%dma_start3A_53, %dma_start3A_54] : memref<256x128xf32, #tpu.memory_space<vmem>> -> memref<128x128xf32, #tpu.memory_space<vmem>>
      tpu.enqueue_dma source(%dma_start3A_55 : memref<128x128xf32, #tpu.memory_space<vmem>>) target(%dma_start3A_52 : memref<128x128xf32, #tpu.memory_space<vmem_shared>>) target_semaphore(%run_scoped3A : memref<!tpu.dma_semaphore, #tpu.memory_space<semaphore_mem>>)
      %dma_wait3A = arith.constant 0 : i32
      %dma_wait3A_56 = arith.constant 0 : i32
      %dma_wait3A_57 = tpu.memref_slice %arg11[%dma_wait3A, %dma_wait3A_56] : memref<256x128xf32, #tpu.memory_space<vmem>> -> memref<128x128xf32, #tpu.memory_space<vmem>>
      %dma_wait3A_58 = arith.constant 0 : i32
      %dma_wait3A_59 = tpu.memref_slice %arg7[%add3A_9, %dma_wait3A_58] : memref<2048x128xf32, #tpu.memory_space<vmem_shared>> -> memref<128x128xf32, #tpu.memory_space<vmem_shared>>
      %dma_wait3A_60 = arith.constant 0 : i32
      %dma_wait3A_61 = tpu.memref_slice %arg7[%add3A_9, %dma_wait3A_60] : memref<2048x128xf32, #tpu.memory_space<vmem_shared>> -> memref<128x128xf32, #tpu.memory_space<vmem_shared>>
      %dma_wait3A_62 = arith.constant 0 : i32
      %dma_wait3A_63 = arith.constant 0 : i32
      %dma_wait3A_64 = tpu.memref_slice %arg11[%dma_wait3A_62, %dma_wait3A_63] : memref<256x128xf32, #tpu.memory_space<vmem>> -> memref<128x128xf32, #tpu.memory_space<vmem>>
      tpu.wait_dma2 semaphore(%run_scoped3A : memref<!tpu.dma_semaphore, #tpu.memory_space<semaphore_mem>>) src(%dma_wait3A_64 : memref<128x128xf32, #tpu.memory_space<vmem>>) dst(%dma_wait3A_61 : memref<128x128xf32, #tpu.memory_space<vmem_shared>>)
      tpu.yield
    }) : () -> ()
    %barrier3A = arith.constant 0 : index
    tpu.barrier barrier_id(%barrier3A)
    %sub3A = arith.constant 625 : i32
    %sub3A_10 = arith.subi %sub3A, %add3A : i32
    %add3A_11 = arith.constant 32 : i32
    %add3A_12 = arith.addi %sub3A_10, %add3A_11 : i32
    %sub3A_13 = arith.constant 1 : i32
    %sub3A_14 = arith.subi %add3A_12, %sub3A_13 : i32
    %jit3A = arith.constant 32 : i32
    %div3A = arith.divsi %sub3A_14, %jit3A : i32
    %sign3A = arith.constant 0 : i32
    %sign3A_15 = arith.cmpi sgt, %sub3A_14, %sign3A : i32
    %sign3A_16 = arith.extui %sign3A_15 : i1 to i32
    %sign3A_17 = arith.constant 0 : i32
    %sign3A_18 = arith.cmpi slt, %sub3A_14, %sign3A_17 : i32
    %sign3A_19 = arith.extui %sign3A_18 : i1 to i32
    %sign3A_20 = arith.subi %sign3A_16, %sign3A_19 : i32
    %sign3A_21 = arith.constant 0 : i32
    %sign3A_22 = arith.cmpi sgt, %jit3A, %sign3A_21 : i32
    %sign3A_23 = arith.extui %sign3A_22 : i1 to i32
    %sign3A_24 = arith.constant 0 : i32
    %sign3A_25 = arith.cmpi slt, %jit3A, %sign3A_24 : i32
    %sign3A_26 = arith.extui %sign3A_25 : i1 to i32
    %sign3A_27 = arith.subi %sign3A_23, %sign3A_26 : i32
    %ne3A = arith.cmpi ne, %sign3A_20, %sign3A_27 : i32
    %rem3A = arith.remsi %sub3A_14, %jit3A : i32
    %ne3A_28 = arith.constant 0 : i32
    %ne3A_29 = arith.cmpi ne, %rem3A, %ne3A_28 : i32
    %and3A = arith.andi %ne3A, %ne3A_29 : i1
    %sub3A_30 = arith.constant 1 : i32
    %sub3A_31 = arith.subi %div3A, %sub3A_30 : i32
    %select_n3A = arith.select %and3A, %sub3A_31, %div3A : i32
    %while3A = arith.constant 0 : i32
    %while3A_32 = arith.subi %select_n3A, %while3A : i32
    %while3A_33 = arith.addi %while3A, %while3A_32 : i32
    %while3A_34 = arith.constant 1 : i32
    %while3A_35 = arith.divsi %while3A_32, %while3A_34 : i32
    %while3A_36 = arith.muli %while3A_35, %while3A_34 : i32
    %while3A_37 = arith.addi %while3A, %while3A_36 : i32
    %while3A_38 = arith.constant 1 : i32
    scf.for %while3A_47 = %while3A to %while3A_37 step %while3A_38  : i32 {
      %mul3A_48 = arith.constant 32 : i32
      %mul3A_49 = arith.muli %while3A_47, %mul3A_48 : i32
      %add3A_50 = arith.addi %add3A, %mul3A_49 : i32
      %mul3A_51 = arith.constant 256 : i32
      %mul3A_52 = arith.muli %add3A_50, %mul3A_51 : i32
      %add3A_53 = arith.constant 0 : i32
      %add3A_54 = arith.addi %mul3A_52, %add3A_53 : i32
      %dma_start3A = tpu.memref_slice %arg5[%add3A_54] : memref<160000xi32, #tpu.memory_space<hbm>> -> memref<128xi32, #tpu.memory_space<hbm>>
      %dma_start3A_55 = tpu.memref_slice %arg5[%add3A_54] : memref<160000xi32, #tpu.memory_space<hbm>> -> memref<128xi32, #tpu.memory_space<hbm>>
      tpu.enqueue_dma source(%dma_start3A_55 : memref<128xi32, #tpu.memory_space<hbm>>) target(%arg9 : memref<128xi32, #tpu.memory_space<vmem>>) target_semaphore(%arg13 : memref<!tpu.dma_semaphore, #tpu.memory_space<semaphore_mem>>)
      %add3A_56 = arith.constant 128 : i32
      %add3A_57 = arith.addi %mul3A_52, %add3A_56 : i32
      %dma_start3A_58 = tpu.memref_slice %arg5[%add3A_57] : memref<160000xi32, #tpu.memory_space<hbm>> -> memref<128xi32, #tpu.memory_space<hbm>>
      %dma_start3A_59 = tpu.memref_slice %arg5[%add3A_57] : memref<160000xi32, #tpu.memory_space<hbm>> -> memref<128xi32, #tpu.memory_space<hbm>>
      tpu.enqueue_dma source(%dma_start3A_59 : memref<128xi32, #tpu.memory_space<hbm>>) target(%arg10 : memref<128xi32, #tpu.memory_space<vmem>>) target_semaphore(%arg14 : memref<!tpu.dma_semaphore, #tpu.memory_space<semaphore_mem>>)
      "tpu.region"() ({
        %run_scoped3A = tpu.sem_alloc : memref<!tpu.dma_semaphore, #tpu.memory_space<semaphore_mem>>
        %dma_start3A_152 = tpu.memref_slice %arg4[%mul3A_52] : memref<160000xi32, #tpu.memory_space<hbm>> -> memref<256xi32, #tpu.memory_space<hbm>>
        %dma_start3A_153 = tpu.memref_slice %arg4[%mul3A_52] : memref<160000xi32, #tpu.memory_space<hbm>> -> memref<256xi32, #tpu.memory_space<hbm>>
        tpu.enqueue_dma source(%dma_start3A_153 : memref<256xi32, #tpu.memory_space<hbm>>) target(%arg8 : memref<256xi32, #tpu.memory_space<vmem>>) target_semaphore(%run_scoped3A : memref<!tpu.dma_semaphore, #tpu.memory_space<semaphore_mem>>)
        %dma_wait3A_154 = tpu.memref_slice %arg4[%mul3A_52] : memref<160000xi32, #tpu.memory_space<hbm>> -> memref<256xi32, #tpu.memory_space<hbm>>
        %dma_wait3A_155 = tpu.memref_slice %arg4[%mul3A_52] : memref<160000xi32, #tpu.memory_space<hbm>> -> memref<256xi32, #tpu.memory_space<hbm>>
        tpu.wait_dma2 semaphore(%run_scoped3A : memref<!tpu.dma_semaphore, #tpu.memory_space<semaphore_mem>>) src(%dma_wait3A_155 : memref<256xi32, #tpu.memory_space<hbm>>) dst(%arg8 : memref<256xi32, #tpu.memory_space<vmem>>)
        tpu.yield
      }) : () -> ()
      %add3A_60 = arith.constant 0 : i32
      %add3A_61 = arith.addi %mul3A_52, %add3A_60 : i32
      %dma_wait3A = tpu.memref_slice %arg5[%add3A_61] : memref<160000xi32, #tpu.memory_space<hbm>> -> memref<128xi32, #tpu.memory_space<hbm>>
      %dma_wait3A_62 = tpu.memref_slice %arg5[%add3A_61] : memref<160000xi32, #tpu.memory_space<hbm>> -> memref<128xi32, #tpu.memory_space<hbm>>
      tpu.wait_dma2 semaphore(%arg13 : memref<!tpu.dma_semaphore, #tpu.memory_space<semaphore_mem>>) src(%dma_wait3A_62 : memref<128xi32, #tpu.memory_space<hbm>>) dst(%arg9 : memref<128xi32, #tpu.memory_space<vmem>>)
      %add3A_63 = arith.constant 128 : i32
      %add3A_64 = arith.addi %mul3A_52, %add3A_63 : i32
      %dma_wait3A_65 = tpu.memref_slice %arg5[%add3A_64] : memref<160000xi32, #tpu.memory_space<hbm>> -> memref<128xi32, #tpu.memory_space<hbm>>
      %dma_wait3A_66 = tpu.memref_slice %arg5[%add3A_64] : memref<160000xi32, #tpu.memory_space<hbm>> -> memref<128xi32, #tpu.memory_space<hbm>>
      tpu.wait_dma2 semaphore(%arg14 : memref<!tpu.dma_semaphore, #tpu.memory_space<semaphore_mem>>) src(%dma_wait3A_66 : memref<128xi32, #tpu.memory_space<hbm>>) dst(%arg10 : memref<128xi32, #tpu.memory_space<vmem>>)
      %dma_start3A_67 = arith.constant 0 : i32
      %dma_start3A_68 = arith.constant 0 : i32
      %dma_start3A_69 = tpu.memref_slice %arg11[%dma_start3A_67, %dma_start3A_68] : memref<256x128xf32, #tpu.memory_space<vmem>> -> memref<128x128xf32, #tpu.memory_space<vmem>>
      %dma_start3A_70 = arith.constant 0 : i32
      %dma_start3A_71 = tpu.memref_slice %arg8[%dma_start3A_70] : memref<256xi32, #tpu.memory_space<vmem>> -> memref<128xi32, #tpu.memory_space<vmem>>
      %dma_start3A_72 = arith.constant 0 : i32
      %dma_start3A_73 = arith.constant 0 : i32
      %dma_start3A_74 = tpu.memref_slice %arg2[%dma_start3A_72, %dma_start3A_73] : memref<10000x128xf32, #tpu.memory_space<hbm>> -> memref<10000x128xf32, #tpu.memory_space<hbm>>
      tpu.enqueue_indirect_dma source(%dma_start3A_74 : memref<10000x128xf32, #tpu.memory_space<hbm>>) target(%dma_start3A_69 : memref<128x128xf32, #tpu.memory_space<vmem>>) offsets(%dma_start3A_71 : memref<128xi32, #tpu.memory_space<vmem>>) semaphore(%arg15 : memref<!tpu.dma_semaphore, #tpu.memory_space<semaphore_mem>>)
      %dma_start3A_75 = arith.constant 0 : i32
      %dma_start3A_76 = arith.constant 0 : i32
      %dma_start3A_77 = tpu.memref_slice %arg12[%dma_start3A_75, %dma_start3A_76] : memref<256x128xf32, #tpu.memory_space<vmem>> -> memref<128x128xf32, #tpu.memory_space<vmem>>
      %dma_start3A_78 = arith.constant 0 : i32
      %dma_start3A_79 = arith.constant 0 : i32
      %dma_start3A_80 = tpu.memref_slice %arg3[%dma_start3A_78, %dma_start3A_79] : memref<2000x128xf32, #tpu.memory_space<hbm>> -> memref<2000x128xf32, #tpu.memory_space<hbm>>
      tpu.enqueue_indirect_dma source(%dma_start3A_80 : memref<2000x128xf32, #tpu.memory_space<hbm>>) target(%dma_start3A_77 : memref<128x128xf32, #tpu.memory_space<vmem>>) offsets(%arg9 : memref<128xi32, #tpu.memory_space<vmem>>) semaphore(%arg17 : memref<!tpu.dma_semaphore, #tpu.memory_space<semaphore_mem>>)
      %dma_start3A_81 = arith.constant 128 : i32
      %dma_start3A_82 = arith.constant 0 : i32
      %dma_start3A_83 = tpu.memref_slice %arg11[%dma_start3A_81, %dma_start3A_82] : memref<256x128xf32, #tpu.memory_space<vmem>> -> memref<128x128xf32, #tpu.memory_space<vmem>>
      %dma_start3A_84 = arith.constant 128 : i32
      %dma_start3A_85 = tpu.memref_slice %arg8[%dma_start3A_84] : memref<256xi32, #tpu.memory_space<vmem>> -> memref<128xi32, #tpu.memory_space<vmem>>
      %dma_start3A_86 = arith.constant 0 : i32
      %dma_start3A_87 = arith.constant 0 : i32
      %dma_start3A_88 = tpu.memref_slice %arg2[%dma_start3A_86, %dma_start3A_87] : memref<10000x128xf32, #tpu.memory_space<hbm>> -> memref<10000x128xf32, #tpu.memory_space<hbm>>
      tpu.enqueue_indirect_dma source(%dma_start3A_88 : memref<10000x128xf32, #tpu.memory_space<hbm>>) target(%dma_start3A_83 : memref<128x128xf32, #tpu.memory_space<vmem>>) offsets(%dma_start3A_85 : memref<128xi32, #tpu.memory_space<vmem>>) semaphore(%arg16 : memref<!tpu.dma_semaphore, #tpu.memory_space<semaphore_mem>>)
      %dma_start3A_89 = arith.constant 128 : i32
      %dma_start3A_90 = arith.constant 0 : i32
      %dma_start3A_91 = tpu.memref_slice %arg12[%dma_start3A_89, %dma_start3A_90] : memref<256x128xf32, #tpu.memory_space<vmem>> -> memref<128x128xf32, #tpu.memory_space<vmem>>
      %dma_start3A_92 = arith.constant 0 : i32
      %dma_start3A_93 = arith.constant 0 : i32
      %dma_start3A_94 = tpu.memref_slice %arg3[%dma_start3A_92, %dma_start3A_93] : memref<2000x128xf32, #tpu.memory_space<hbm>> -> memref<2000x128xf32, #tpu.memory_space<hbm>>
      tpu.enqueue_indirect_dma source(%dma_start3A_94 : memref<2000x128xf32, #tpu.memory_space<hbm>>) target(%dma_start3A_91 : memref<128x128xf32, #tpu.memory_space<vmem>>) offsets(%arg10 : memref<128xi32, #tpu.memory_space<vmem>>) semaphore(%arg18 : memref<!tpu.dma_semaphore, #tpu.memory_space<semaphore_mem>>)
      %dma_wait3A_95 = arith.constant 0 : i32
      %dma_wait3A_96 = arith.constant 0 : i32
      %dma_wait3A_97 = tpu.memref_slice %arg11[%dma_wait3A_95, %dma_wait3A_96] : memref<256x128xf32, #tpu.memory_space<vmem>> -> memref<128x128xf32, #tpu.memory_space<vmem>>
      %dma_wait3A_98 = arith.constant 0 : i32
      %dma_wait3A_99 = tpu.memref_slice %arg8[%dma_wait3A_98] : memref<256xi32, #tpu.memory_space<vmem>> -> memref<128xi32, #tpu.memory_space<vmem>>
      %dma_wait3A_100 = arith.constant 0 : i32
      %dma_wait3A_101 = arith.constant 0 : i32
      %dma_wait3A_102 = tpu.memref_slice %arg2[%dma_wait3A_100, %dma_wait3A_101] : memref<10000x128xf32, #tpu.memory_space<hbm>> -> memref<10000x128xf32, #tpu.memory_space<hbm>>
      tpu.wait_indirect_dma semaphore(%arg15 : memref<!tpu.dma_semaphore, #tpu.memory_space<semaphore_mem>>) src(%dma_wait3A_102 : memref<10000x128xf32, #tpu.memory_space<hbm>>) dst(%dma_wait3A_97 : memref<128x128xf32, #tpu.memory_space<vmem>>)
      %dma_wait3A_103 = arith.constant 0 : i32
      %dma_wait3A_104 = arith.constant 0 : i32
      %dma_wait3A_105 = tpu.memref_slice %arg12[%dma_wait3A_103, %dma_wait3A_104] : memref<256x128xf32, #tpu.memory_space<vmem>> -> memref<128x128xf32, #tpu.memory_space<vmem>>
      %dma_wait3A_106 = arith.constant 0 : i32
      %dma_wait3A_107 = arith.constant 0 : i32
      %dma_wait3A_108 = tpu.memref_slice %arg3[%dma_wait3A_106, %dma_wait3A_107] : memref<2000x128xf32, #tpu.memory_space<hbm>> -> memref<2000x128xf32, #tpu.memory_space<hbm>>
      tpu.wait_indirect_dma semaphore(%arg17 : memref<!tpu.dma_semaphore, #tpu.memory_space<semaphore_mem>>) src(%dma_wait3A_108 : memref<2000x128xf32, #tpu.memory_space<hbm>>) dst(%dma_wait3A_105 : memref<128x128xf32, #tpu.memory_space<vmem>>)
      %dma_wait3A_109 = arith.constant 128 : i32
      %dma_wait3A_110 = arith.constant 0 : i32
      %dma_wait3A_111 = tpu.memref_slice %arg11[%dma_wait3A_109, %dma_wait3A_110] : memref<256x128xf32, #tpu.memory_space<vmem>> -> memref<128x128xf32, #tpu.memory_space<vmem>>
      %dma_wait3A_112 = arith.constant 128 : i32
      %dma_wait3A_113 = tpu.memref_slice %arg8[%dma_wait3A_112] : memref<256xi32, #tpu.memory_space<vmem>> -> memref<128xi32, #tpu.memory_space<vmem>>
      %dma_wait3A_114 = arith.constant 0 : i32
      %dma_wait3A_115 = arith.constant 0 : i32
      %dma_wait3A_116 = tpu.memref_slice %arg2[%dma_wait3A_114, %dma_wait3A_115] : memref<10000x128xf32, #tpu.memory_space<hbm>> -> memref<10000x128xf32, #tpu.memory_space<hbm>>
      tpu.wait_indirect_dma semaphore(%arg16 : memref<!tpu.dma_semaphore, #tpu.memory_space<semaphore_mem>>) src(%dma_wait3A_116 : memref<10000x128xf32, #tpu.memory_space<hbm>>) dst(%dma_wait3A_111 : memref<128x128xf32, #tpu.memory_space<vmem>>)
      %dma_wait3A_117 = arith.constant 128 : i32
      %dma_wait3A_118 = arith.constant 0 : i32
      %dma_wait3A_119 = tpu.memref_slice %arg12[%dma_wait3A_117, %dma_wait3A_118] : memref<256x128xf32, #tpu.memory_space<vmem>> -> memref<128x128xf32, #tpu.memory_space<vmem>>
      %dma_wait3A_120 = arith.constant 0 : i32
      %dma_wait3A_121 = arith.constant 0 : i32
      %dma_wait3A_122 = tpu.memref_slice %arg3[%dma_wait3A_120, %dma_wait3A_121] : memref<2000x128xf32, #tpu.memory_space<hbm>> -> memref<2000x128xf32, #tpu.memory_space<hbm>>
      tpu.wait_indirect_dma semaphore(%arg18 : memref<!tpu.dma_semaphore, #tpu.memory_space<semaphore_mem>>) src(%dma_wait3A_122 : memref<2000x128xf32, #tpu.memory_space<hbm>>) dst(%dma_wait3A_119 : memref<128x128xf32, #tpu.memory_space<vmem>>)
      %scan3A_123 = arith.constant 0 : i32
      %scan3A_124 = arith.constant 256 : i32
      %scan3A_125 = arith.addi %scan3A_123, %scan3A_124 : i32
      %scan3A_126 = arith.constant 1 : i32
      scf.for %scan3A_152 = %scan3A_123 to %scan3A_125 step %scan3A_126  : i32 {
        %get3A = arith.index_cast %scan3A_152 : i32 to index
        %get3A_153 = arith.constant 0 : index
        %get3A_154 = tpu.vector_load %arg11[%get3A, %get3A_153] {strides = array<i32>} : memref<256x128xf32, #tpu.memory_space<vmem>>, vector<1x16xf32>,
        %get3A_155 = vector.shape_cast %get3A_154 : vector<1x16xf32> to vector<16xf32>
        %get3A_156 = arith.index_cast %scan3A_152 : i32 to index
        %get3A_157 = arith.constant 0 : index
        %get3A_158 = tpu.vector_load %arg12[%get3A_156, %get3A_157] {strides = array<i32>} : memref<256x128xf32, #tpu.memory_space<vmem>>, vector<1x16xf32>,
        %get3A_159 = vector.shape_cast %get3A_158 : vector<1x16xf32> to vector<16xf32>
        %add3A_160 = arith.addf %get3A_155, %get3A_159 : vector<16xf32>
        %max3A = arith.constant 0.000000e+00 : f32
        %max3A_161 = vector.broadcast %max3A : f32 to vector<16xf32>
        %max3A_162 = arith.maximumf %add3A_160, %max3A_161 : vector<16xf32>
        %swap3A = arith.index_cast %scan3A_152 : i32 to index
        %swap3A_163 = arith.constant 0 : index
        %swap3A_164 = tpu.vector_load %arg11[%swap3A, %swap3A_163] {strides = array<i32>} : memref<256x128xf32, #tpu.memory_space<vmem>>, vector<1x16xf32>,
        %swap3A_165 = vector.shape_cast %swap3A_164 : vector<1x16xf32> to vector<16xf32>
        %swap3A_166 = vector.shape_cast %max3A_162 : vector<16xf32> to vector<1x16xf32>
        tpu.vector_store %arg11[%swap3A, %swap3A_163], %swap3A_166 {strides = array<i32>} : memref<256x128xf32, #tpu.memory_space<vmem>>, vector<1x16xf32>,
        %get3A_167 = arith.index_cast %scan3A_152 : i32 to index
        %get3A_168 = arith.constant 16 : index
        %get3A_169 = tpu.vector_load %arg11[%get3A_167, %get3A_168] {strides = array<i32>} : memref<256x128xf32, #tpu.memory_space<vmem>>, vector<1x16xf32>,
        %get3A_170 = vector.shape_cast %get3A_169 : vector<1x16xf32> to vector<16xf32>
        %get3A_171 = arith.index_cast %scan3A_152 : i32 to index
        %get3A_172 = arith.constant 16 : index
        %get3A_173 = tpu.vector_load %arg12[%get3A_171, %get3A_172] {strides = array<i32>} : memref<256x128xf32, #tpu.memory_space<vmem>>, vector<1x16xf32>,
        %get3A_174 = vector.shape_cast %get3A_173 : vector<1x16xf32> to vector<16xf32>
        %add3A_175 = arith.addf %get3A_170, %get3A_174 : vector<16xf32>
        %max3A_176 = arith.constant 0.000000e+00 : f32
        %max3A_177 = vector.broadcast %max3A_176 : f32 to vector<16xf32>
        %max3A_178 = arith.maximumf %add3A_175, %max3A_177 : vector<16xf32>
        %swap3A_179 = arith.index_cast %scan3A_152 : i32 to index
        %swap3A_180 = arith.constant 16 : index
        %swap3A_181 = tpu.vector_load %arg11[%swap3A_179, %swap3A_180] {strides = array<i32>} : memref<256x128xf32, #tpu.memory_space<vmem>>, vector<1x16xf32>,
        %swap3A_182 = vector.shape_cast %swap3A_181 : vector<1x16xf32> to vector<16xf32>
        %swap3A_183 = vector.shape_cast %max3A_178 : vector<16xf32> to vector<1x16xf32>
        tpu.vector_store %arg11[%swap3A_179, %swap3A_180], %swap3A_183 {strides = array<i32>} : memref<256x128xf32, #tpu.memory_space<vmem>>, vector<1x16xf32>,
        %get3A_184 = arith.index_cast %scan3A_152 : i32 to index
        %get3A_185 = arith.constant 32 : index
        %get3A_186 = tpu.vector_load %arg11[%get3A_184, %get3A_185] {strides = array<i32>} : memref<256x128xf32, #tpu.memory_space<vmem>>, vector<1x16xf32>,
        %get3A_187 = vector.shape_cast %get3A_186 : vector<1x16xf32> to vector<16xf32>
        %get3A_188 = arith.index_cast %scan3A_152 : i32 to index
        %get3A_189 = arith.constant 32 : index
        %get3A_190 = tpu.vector_load %arg12[%get3A_188, %get3A_189] {strides = array<i32>} : memref<256x128xf32, #tpu.memory_space<vmem>>, vector<1x16xf32>,
        %get3A_191 = vector.shape_cast %get3A_190 : vector<1x16xf32> to vector<16xf32>
        %add3A_192 = arith.addf %get3A_187, %get3A_191 : vector<16xf32>
        %max3A_193 = arith.constant 0.000000e+00 : f32
        %max3A_194 = vector.broadcast %max3A_193 : f32 to vector<16xf32>
        %max3A_195 = arith.maximumf %add3A_192, %max3A_194 : vector<16xf32>
        %swap3A_196 = arith.index_cast %scan3A_152 : i32 to index
        %swap3A_197 = arith.constant 32 : index
        %swap3A_198 = tpu.vector_load %arg11[%swap3A_196, %swap3A_197] {strides = array<i32>} : memref<256x128xf32, #tpu.memory_space<vmem>>, vector<1x16xf32>,
        %swap3A_199 = vector.shape_cast %swap3A_198 : vector<1x16xf32> to vector<16xf32>
        %swap3A_200 = vector.shape_cast %max3A_195 : vector<16xf32> to vector<1x16xf32>
        tpu.vector_store %arg11[%swap3A_196, %swap3A_197], %swap3A_200 {strides = array<i32>} : memref<256x128xf32, #tpu.memory_space<vmem>>, vector<1x16xf32>,
        %get3A_201 = arith.index_cast %scan3A_152 : i32 to index
        %get3A_202 = arith.constant 48 : index
        %get3A_203 = tpu.vector_load %arg11[%get3A_201, %get3A_202] {strides = array<i32>} : memref<256x128xf32, #tpu.memory_space<vmem>>, vector<1x16xf32>,
        %get3A_204 = vector.shape_cast %get3A_203 : vector<1x16xf32> to vector<16xf32>
        %get3A_205 = arith.index_cast %scan3A_152 : i32 to index
        %get3A_206 = arith.constant 48 : index
        %get3A_207 = tpu.vector_load %arg12[%get3A_205, %get3A_206] {strides = array<i32>} : memref<256x128xf32, #tpu.memory_space<vmem>>, vector<1x16xf32>,
        %get3A_208 = vector.shape_cast %get3A_207 : vector<1x16xf32> to vector<16xf32>
        %add3A_209 = arith.addf %get3A_204, %get3A_208 : vector<16xf32>
        %max3A_210 = arith.constant 0.000000e+00 : f32
        %max3A_211 = vector.broadcast %max3A_210 : f32 to vector<16xf32>
        %max3A_212 = arith.maximumf %add3A_209, %max3A_211 : vector<16xf32>
        %swap3A_213 = arith.index_cast %scan3A_152 : i32 to index
        %swap3A_214 = arith.constant 48 : index
        %swap3A_215 = tpu.vector_load %arg11[%swap3A_213, %swap3A_214] {strides = array<i32>} : memref<256x128xf32, #tpu.memory_space<vmem>>, vector<1x16xf32>,
        %swap3A_216 = vector.shape_cast %swap3A_215 : vector<1x16xf32> to vector<16xf32>
        %swap3A_217 = vector.shape_cast %max3A_212 : vector<16xf32> to vector<1x16xf32>
        tpu.vector_store %arg11[%swap3A_213, %swap3A_214], %swap3A_217 {strides = array<i32>} : memref<256x128xf32, #tpu.memory_space<vmem>>, vector<1x16xf32>,
        %get3A_218 = arith.index_cast %scan3A_152 : i32 to index
        %get3A_219 = arith.constant 64 : index
        %get3A_220 = tpu.vector_load %arg11[%get3A_218, %get3A_219] {strides = array<i32>} : memref<256x128xf32, #tpu.memory_space<vmem>>, vector<1x16xf32>,
        %get3A_221 = vector.shape_cast %get3A_220 : vector<1x16xf32> to vector<16xf32>
        %get3A_222 = arith.index_cast %scan3A_152 : i32 to index
        %get3A_223 = arith.constant 64 : index
        %get3A_224 = tpu.vector_load %arg12[%get3A_222, %get3A_223] {strides = array<i32>} : memref<256x128xf32, #tpu.memory_space<vmem>>, vector<1x16xf32>,
        %get3A_225 = vector.shape_cast %get3A_224 : vector<1x16xf32> to vector<16xf32>
        %add3A_226 = arith.addf %get3A_221, %get3A_225 : vector<16xf32>
        %max3A_227 = arith.constant 0.000000e+00 : f32
        %max3A_228 = vector.broadcast %max3A_227 : f32 to vector<16xf32>
        %max3A_229 = arith.maximumf %add3A_226, %max3A_228 : vector<16xf32>
        %swap3A_230 = arith.index_cast %scan3A_152 : i32 to index
        %swap3A_231 = arith.constant 64 : index
        %swap3A_232 = tpu.vector_load %arg11[%swap3A_230, %swap3A_231] {strides = array<i32>} : memref<256x128xf32, #tpu.memory_space<vmem>>, vector<1x16xf32>,
        %swap3A_233 = vector.shape_cast %swap3A_232 : vector<1x16xf32> to vector<16xf32>
        %swap3A_234 = vector.shape_cast %max3A_229 : vector<16xf32> to vector<1x16xf32>
        tpu.vector_store %arg11[%swap3A_230, %swap3A_231], %swap3A_234 {strides = array<i32>} : memref<256x128xf32, #tpu.memory_space<vmem>>, vector<1x16xf32>,
        %get3A_235 = arith.index_cast %scan3A_152 : i32 to index
        %get3A_236 = arith.constant 80 : index
        %get3A_237 = tpu.vector_load %arg11[%get3A_235, %get3A_236] {strides = array<i32>} : memref<256x128xf32, #tpu.memory_space<vmem>>, vector<1x16xf32>,
        %get3A_238 = vector.shape_cast %get3A_237 : vector<1x16xf32> to vector<16xf32>
        %get3A_239 = arith.index_cast %scan3A_152 : i32 to index
        %get3A_240 = arith.constant 80 : index
        %get3A_241 = tpu.vector_load %arg12[%get3A_239, %get3A_240] {strides = array<i32>} : memref<256x128xf32, #tpu.memory_space<vmem>>, vector<1x16xf32>,
        %get3A_242 = vector.shape_cast %get3A_241 : vector<1x16xf32> to vector<16xf32>
        %add3A_243 = arith.addf %get3A_238, %get3A_242 : vector<16xf32>
        %max3A_244 = arith.constant 0.000000e+00 : f32
        %max3A_245 = vector.broadcast %max3A_244 : f32 to vector<16xf32>
        %max3A_246 = arith.maximumf %add3A_243, %max3A_245 : vector<16xf32>
        %swap3A_247 = arith.index_cast %scan3A_152 : i32 to index
        %swap3A_248 = arith.constant 80 : index
        %swap3A_249 = tpu.vector_load %arg11[%swap3A_247, %swap3A_248] {strides = array<i32>} : memref<256x128xf32, #tpu.memory_space<vmem>>, vector<1x16xf32>,
        %swap3A_250 = vector.shape_cast %swap3A_249 : vector<1x16xf32> to vector<16xf32>
        %swap3A_251 = vector.shape_cast %max3A_246 : vector<16xf32> to vector<1x16xf32>
        tpu.vector_store %arg11[%swap3A_247, %swap3A_248], %swap3A_251 {strides = array<i32>} : memref<256x128xf32, #tpu.memory_space<vmem>>, vector<1x16xf32>,
        %get3A_252 = arith.index_cast %scan3A_152 : i32 to index
        %get3A_253 = arith.constant 96 : index
        %get3A_254 = tpu.vector_load %arg11[%get3A_252, %get3A_253] {strides = array<i32>} : memref<256x128xf32, #tpu.memory_space<vmem>>, vector<1x16xf32>,
        %get3A_255 = vector.shape_cast %get3A_254 : vector<1x16xf32> to vector<16xf32>
        %get3A_256 = arith.index_cast %scan3A_152 : i32 to index
        %get3A_257 = arith.constant 96 : index
        %get3A_258 = tpu.vector_load %arg12[%get3A_256, %get3A_257] {strides = array<i32>} : memref<256x128xf32, #tpu.memory_space<vmem>>, vector<1x16xf32>,
        %get3A_259 = vector.shape_cast %get3A_258 : vector<1x16xf32> to vector<16xf32>
        %add3A_260 = arith.addf %get3A_255, %get3A_259 : vector<16xf32>
        %max3A_261 = arith.constant 0.000000e+00 : f32
        %max3A_262 = vector.broadcast %max3A_261 : f32 to vector<16xf32>
        %max3A_263 = arith.maximumf %add3A_260, %max3A_262 : vector<16xf32>
        %swap3A_264 = arith.index_cast %scan3A_152 : i32 to index
        %swap3A_265 = arith.constant 96 : index
        %swap3A_266 = tpu.vector_load %arg11[%swap3A_264, %swap3A_265] {strides = array<i32>} : memref<256x128xf32, #tpu.memory_space<vmem>>, vector<1x16xf32>,
        %swap3A_267 = vector.shape_cast %swap3A_266 : vector<1x16xf32> to vector<16xf32>
        %swap3A_268 = vector.shape_cast %max3A_263 : vector<16xf32> to vector<1x16xf32>
        tpu.vector_store %arg11[%swap3A_264, %swap3A_265], %swap3A_268 {strides = array<i32>} : memref<256x128xf32, #tpu.memory_space<vmem>>, vector<1x16xf32>,
        %get3A_269 = arith.index_cast %scan3A_152 : i32 to index
        %get3A_270 = arith.constant 112 : index
        %get3A_271 = tpu.vector_load %arg11[%get3A_269, %get3A_270] {strides = array<i32>} : memref<256x128xf32, #tpu.memory_space<vmem>>, vector<1x16xf32>,
        %get3A_272 = vector.shape_cast %get3A_271 : vector<1x16xf32> to vector<16xf32>
        %get3A_273 = arith.index_cast %scan3A_152 : i32 to index
        %get3A_274 = arith.constant 112 : index
        %get3A_275 = tpu.vector_load %arg12[%get3A_273, %get3A_274] {strides = array<i32>} : memref<256x128xf32, #tpu.memory_space<vmem>>, vector<1x16xf32>,
        %get3A_276 = vector.shape_cast %get3A_275 : vector<1x16xf32> to vector<16xf32>
        %add3A_277 = arith.addf %get3A_272, %get3A_276 : vector<16xf32>
        %max3A_278 = arith.constant 0.000000e+00 : f32
        %max3A_279 = vector.broadcast %max3A_278 : f32 to vector<16xf32>
        %max3A_280 = arith.maximumf %add3A_277, %max3A_279 : vector<16xf32>
        %swap3A_281 = arith.index_cast %scan3A_152 : i32 to index
        %swap3A_282 = arith.constant 112 : index
        %swap3A_283 = tpu.vector_load %arg11[%swap3A_281, %swap3A_282] {strides = array<i32>} : memref<256x128xf32, #tpu.memory_space<vmem>>, vector<1x16xf32>,
        %swap3A_284 = vector.shape_cast %swap3A_283 : vector<1x16xf32> to vector<16xf32>
        %swap3A_285 = vector.shape_cast %max3A_280 : vector<16xf32> to vector<1x16xf32>
        tpu.vector_store %arg11[%swap3A_281, %swap3A_282], %swap3A_285 {strides = array<i32>} : memref<256x128xf32, #tpu.memory_space<vmem>>, vector<1x16xf32>,
      }
      %scan3A_127 = arith.constant 256 : i32
      %dma_start3A_128 = arith.constant 0 : i32
      %dma_start3A_129 = arith.constant 0 : i32
      %dma_start3A_130 = tpu.memref_slice %arg11[%dma_start3A_128, %dma_start3A_129] : memref<256x128xf32, #tpu.memory_space<vmem>> -> memref<128x128xf32, #tpu.memory_space<vmem>>
      %dma_start3A_131 = arith.constant 0 : i32
      %dma_start3A_132 = arith.constant 0 : i32
      %dma_start3A_133 = tpu.memref_slice %arg7[%dma_start3A_131, %dma_start3A_132] : memref<2048x128xf32, #tpu.memory_space<vmem_shared>> -> memref<2048x128xf32, #tpu.memory_space<vmem_shared>>
      tpu.enqueue_indirect_dma source(%dma_start3A_130 : memref<128x128xf32, #tpu.memory_space<vmem>>) target(%dma_start3A_133 : memref<2048x128xf32, #tpu.memory_space<vmem_shared>>) offsets(%arg9 : memref<128xi32, #tpu.memory_space<vmem>>) semaphore(%arg19 : memref<!tpu.dma_semaphore, #tpu.memory_space<semaphore_mem>>) {add = true}
      %dma_start3A_134 = arith.constant 128 : i32
      %dma_start3A_135 = arith.constant 0 : i32
      %dma_start3A_136 = tpu.memref_slice %arg11[%dma_start3A_134, %dma_start3A_135] : memref<256x128xf32, #tpu.memory_space<vmem>> -> memref<128x128xf32, #tpu.memory_space<vmem>>
      %dma_start3A_137 = arith.constant 0 : i32
      %dma_start3A_138 = arith.constant 0 : i32
      %dma_start3A_139 = tpu.memref_slice %arg7[%dma_start3A_137, %dma_start3A_138] : memref<2048x128xf32, #tpu.memory_space<vmem_shared>> -> memref<2048x128xf32, #tpu.memory_space<vmem_shared>>
      tpu.enqueue_indirect_dma source(%dma_start3A_136 : memref<128x128xf32, #tpu.memory_space<vmem>>) target(%dma_start3A_139 : memref<2048x128xf32, #tpu.memory_space<vmem_shared>>) offsets(%arg10 : memref<128xi32, #tpu.memory_space<vmem>>) semaphore(%arg20 : memref<!tpu.dma_semaphore, #tpu.memory_space<semaphore_mem>>) {add = true}
      %dma_wait3A_140 = arith.constant 0 : i32
      %dma_wait3A_141 = arith.constant 0 : i32
      %dma_wait3A_142 = tpu.memref_slice %arg11[%dma_wait3A_140, %dma_wait3A_141] : memref<256x128xf32, #tpu.memory_space<vmem>> -> memref<128x128xf32, #tpu.memory_space<vmem>>
      %dma_wait3A_143 = arith.constant 0 : i32
      %dma_wait3A_144 = arith.constant 0 : i32
      %dma_wait3A_145 = tpu.memref_slice %arg7[%dma_wait3A_143, %dma_wait3A_144] : memref<2048x128xf32, #tpu.memory_space<vmem_shared>> -> memref<2048x128xf32, #tpu.memory_space<vmem_shared>>
      tpu.wait_indirect_dma semaphore(%arg19 : memref<!tpu.dma_semaphore, #tpu.memory_space<semaphore_mem>>) src(%dma_wait3A_142 : memref<128x128xf32, #tpu.memory_space<vmem>>) dst(%dma_wait3A_145 : memref<2048x128xf32, #tpu.memory_space<vmem_shared>>)
      %dma_wait3A_146 = arith.constant 128 : i32
      %dma_wait3A_147 = arith.constant 0 : i32
      %dma_wait3A_148 = tpu.memref_slice %arg11[%dma_wait3A_146, %dma_wait3A_147] : memref<256x128xf32, #tpu.memory_space<vmem>> -> memref<128x128xf32, #tpu.memory_space<vmem>>
      %dma_wait3A_149 = arith.constant 0 : i32
      %dma_wait3A_150 = arith.constant 0 : i32
      %dma_wait3A_151 = tpu.memref_slice %arg7[%dma_wait3A_149, %dma_wait3A_150] : memref<2048x128xf32, #tpu.memory_space<vmem_shared>> -> memref<2048x128xf32, #tpu.memory_space<vmem_shared>>
      tpu.wait_indirect_dma semaphore(%arg20 : memref<!tpu.dma_semaphore, #tpu.memory_space<semaphore_mem>>) src(%dma_wait3A_148 : memref<128x128xf32, #tpu.memory_space<vmem>>) dst(%dma_wait3A_151 : memref<2048x128xf32, #tpu.memory_space<vmem_shared>>)
    }
    %while3A_39 = arith.constant 1 : i32
    scf.for %while3A_47 = %while3A_37 to %while3A_33 step %while3A_39  : i32 {
      %mul3A_48 = arith.constant 32 : i32
      %mul3A_49 = arith.muli %while3A_47, %mul3A_48 : i32
      %add3A_50 = arith.addi %add3A, %mul3A_49 : i32
      %mul3A_51 = arith.constant 256 : i32
      %mul3A_52 = arith.muli %add3A_50, %mul3A_51 : i32
      %add3A_53 = arith.constant 0 : i32
      %add3A_54 = arith.addi %mul3A_52, %add3A_53 : i32
      %dma_start3A = tpu.memref_slice %arg5[%add3A_54] : memref<160000xi32, #tpu.memory_space<hbm>> -> memref<128xi32, #tpu.memory_space<hbm>>
      %dma_start3A_55 = tpu.memref_slice %arg5[%add3A_54] : memref<160000xi32, #tpu.memory_space<hbm>> -> memref<128xi32, #tpu.memory_space<hbm>>
      tpu.enqueue_dma source(%dma_start3A_55 : memref<128xi32, #tpu.memory_space<hbm>>) target(%arg9 : memref<128xi32, #tpu.memory_space<vmem>>) target_semaphore(%arg13 : memref<!tpu.dma_semaphore, #tpu.memory_space<semaphore_mem>>)
      %add3A_56 = arith.constant 128 : i32
      %add3A_57 = arith.addi %mul3A_52, %add3A_56 : i32
      %dma_start3A_58 = tpu.memref_slice %arg5[%add3A_57] : memref<160000xi32, #tpu.memory_space<hbm>> -> memref<128xi32, #tpu.memory_space<hbm>>
      %dma_start3A_59 = tpu.memref_slice %arg5[%add3A_57] : memref<160000xi32, #tpu.memory_space<hbm>> -> memref<128xi32, #tpu.memory_space<hbm>>
      tpu.enqueue_dma source(%dma_start3A_59 : memref<128xi32, #tpu.memory_space<hbm>>) target(%arg10 : memref<128xi32, #tpu.memory_space<vmem>>) target_semaphore(%arg14 : memref<!tpu.dma_semaphore, #tpu.memory_space<semaphore_mem>>)
      "tpu.region"() ({
        %run_scoped3A = tpu.sem_alloc : memref<!tpu.dma_semaphore, #tpu.memory_space<semaphore_mem>>
        %dma_start3A_152 = tpu.memref_slice %arg4[%mul3A_52] : memref<160000xi32, #tpu.memory_space<hbm>> -> memref<256xi32, #tpu.memory_space<hbm>>
        %dma_start3A_153 = tpu.memref_slice %arg4[%mul3A_52] : memref<160000xi32, #tpu.memory_space<hbm>> -> memref<256xi32, #tpu.memory_space<hbm>>
        tpu.enqueue_dma source(%dma_start3A_153 : memref<256xi32, #tpu.memory_space<hbm>>) target(%arg8 : memref<256xi32, #tpu.memory_space<vmem>>) target_semaphore(%run_scoped3A : memref<!tpu.dma_semaphore, #tpu.memory_space<semaphore_mem>>)
        %dma_wait3A_154 = tpu.memref_slice %arg4[%mul3A_52] : memref<160000xi32, #tpu.memory_space<hbm>> -> memref<256xi32, #tpu.memory_space<hbm>>
        %dma_wait3A_155 = tpu.memref_slice %arg4[%mul3A_52] : memref<160000xi32, #tpu.memory_space<hbm>> -> memref<256xi32, #tpu.memory_space<hbm>>
        tpu.wait_dma2 semaphore(%run_scoped3A : memref<!tpu.dma_semaphore, #tpu.memory_space<semaphore_mem>>) src(%dma_wait3A_155 : memref<256xi32, #tpu.memory_space<hbm>>) dst(%arg8 : memref<256xi32, #tpu.memory_space<vmem>>)
        tpu.yield
      }) : () -> ()
      %add3A_60 = arith.constant 0 : i32
      %add3A_61 = arith.addi %mul3A_52, %add3A_60 : i32
      %dma_wait3A = tpu.memref_slice %arg5[%add3A_61] : memref<160000xi32, #tpu.memory_space<hbm>> -> memref<128xi32, #tpu.memory_space<hbm>>
      %dma_wait3A_62 = tpu.memref_slice %arg5[%add3A_61] : memref<160000xi32, #tpu.memory_space<hbm>> -> memref<128xi32, #tpu.memory_space<hbm>>
      tpu.wait_dma2 semaphore(%arg13 : memref<!tpu.dma_semaphore, #tpu.memory_space<semaphore_mem>>) src(%dma_wait3A_62 : memref<128xi32, #tpu.memory_space<hbm>>) dst(%arg9 : memref<128xi32, #tpu.memory_space<vmem>>)
      %add3A_63 = arith.constant 128 : i32
      %add3A_64 = arith.addi %mul3A_52, %add3A_63 : i32
      %dma_wait3A_65 = tpu.memref_slice %arg5[%add3A_64] : memref<160000xi32, #tpu.memory_space<hbm>> -> memref<128xi32, #tpu.memory_space<hbm>>
      %dma_wait3A_66 = tpu.memref_slice %arg5[%add3A_64] : memref<160000xi32, #tpu.memory_space<hbm>> -> memref<128xi32, #tpu.memory_space<hbm>>
      tpu.wait_dma2 semaphore(%arg14 : memref<!tpu.dma_semaphore, #tpu.memory_space<semaphore_mem>>) src(%dma_wait3A_66 : memref<128xi32, #tpu.memory_space<hbm>>) dst(%arg10 : memref<128xi32, #tpu.memory_space<vmem>>)
      %dma_start3A_67 = arith.constant 0 : i32
      %dma_start3A_68 = arith.constant 0 : i32
      %dma_start3A_69 = tpu.memref_slice %arg11[%dma_start3A_67, %dma_start3A_68] : memref<256x128xf32, #tpu.memory_space<vmem>> -> memref<128x128xf32, #tpu.memory_space<vmem>>
      %dma_start3A_70 = arith.constant 0 : i32
      %dma_start3A_71 = tpu.memref_slice %arg8[%dma_start3A_70] : memref<256xi32, #tpu.memory_space<vmem>> -> memref<128xi32, #tpu.memory_space<vmem>>
      %dma_start3A_72 = arith.constant 0 : i32
      %dma_start3A_73 = arith.constant 0 : i32
      %dma_start3A_74 = tpu.memref_slice %arg2[%dma_start3A_72, %dma_start3A_73] : memref<10000x128xf32, #tpu.memory_space<hbm>> -> memref<10000x128xf32, #tpu.memory_space<hbm>>
      tpu.enqueue_indirect_dma source(%dma_start3A_74 : memref<10000x128xf32, #tpu.memory_space<hbm>>) target(%dma_start3A_69 : memref<128x128xf32, #tpu.memory_space<vmem>>) offsets(%dma_start3A_71 : memref<128xi32, #tpu.memory_space<vmem>>) semaphore(%arg15 : memref<!tpu.dma_semaphore, #tpu.memory_space<semaphore_mem>>)
      %dma_start3A_75 = arith.constant 0 : i32
      %dma_start3A_76 = arith.constant 0 : i32
      %dma_start3A_77 = tpu.memref_slice %arg12[%dma_start3A_75, %dma_start3A_76] : memref<256x128xf32, #tpu.memory_space<vmem>> -> memref<128x128xf32, #tpu.memory_space<vmem>>
      %dma_start3A_78 = arith.constant 0 : i32
      %dma_start3A_79 = arith.constant 0 : i32
      %dma_start3A_80 = tpu.memref_slice %arg3[%dma_start3A_78, %dma_start3A_79] : memref<2000x128xf32, #tpu.memory_space<hbm>> -> memref<2000x128xf32, #tpu.memory_space<hbm>>
      tpu.enqueue_indirect_dma source(%dma_start3A_80 : memref<2000x128xf32, #tpu.memory_space<hbm>>) target(%dma_start3A_77 : memref<128x128xf32, #tpu.memory_space<vmem>>) offsets(%arg9 : memref<128xi32, #tpu.memory_space<vmem>>) semaphore(%arg17 : memref<!tpu.dma_semaphore, #tpu.memory_space<semaphore_mem>>)
      %dma_start3A_81 = arith.constant 128 : i32
      %dma_start3A_82 = arith.constant 0 : i32
      %dma_start3A_83 = tpu.memref_slice %arg11[%dma_start3A_81, %dma_start3A_82] : memref<256x128xf32, #tpu.memory_space<vmem>> -> memref<128x128xf32, #tpu.memory_space<vmem>>
      %dma_start3A_84 = arith.constant 128 : i32
      %dma_start3A_85 = tpu.memref_slice %arg8[%dma_start3A_84] : memref<256xi32, #tpu.memory_space<vmem>> -> memref<128xi32, #tpu.memory_space<vmem>>
      %dma_start3A_86 = arith.constant 0 : i32
      %dma_start3A_87 = arith.constant 0 : i32
      %dma_start3A_88 = tpu.memref_slice %arg2[%dma_start3A_86, %dma_start3A_87] : memref<10000x128xf32, #tpu.memory_space<hbm>> -> memref<10000x128xf32, #tpu.memory_space<hbm>>
      tpu.enqueue_indirect_dma source(%dma_start3A_88 : memref<10000x128xf32, #tpu.memory_space<hbm>>) target(%dma_start3A_83 : memref<128x128xf32, #tpu.memory_space<vmem>>) offsets(%dma_start3A_85 : memref<128xi32, #tpu.memory_space<vmem>>) semaphore(%arg16 : memref<!tpu.dma_semaphore, #tpu.memory_space<semaphore_mem>>)
      %dma_start3A_89 = arith.constant 128 : i32
      %dma_start3A_90 = arith.constant 0 : i32
      %dma_start3A_91 = tpu.memref_slice %arg12[%dma_start3A_89, %dma_start3A_90] : memref<256x128xf32, #tpu.memory_space<vmem>> -> memref<128x128xf32, #tpu.memory_space<vmem>>
      %dma_start3A_92 = arith.constant 0 : i32
      %dma_start3A_93 = arith.constant 0 : i32
      %dma_start3A_94 = tpu.memref_slice %arg3[%dma_start3A_92, %dma_start3A_93] : memref<2000x128xf32, #tpu.memory_space<hbm>> -> memref<2000x128xf32, #tpu.memory_space<hbm>>
      tpu.enqueue_indirect_dma source(%dma_start3A_94 : memref<2000x128xf32, #tpu.memory_space<hbm>>) target(%dma_start3A_91 : memref<128x128xf32, #tpu.memory_space<vmem>>) offsets(%arg10 : memref<128xi32, #tpu.memory_space<vmem>>) semaphore(%arg18 : memref<!tpu.dma_semaphore, #tpu.memory_space<semaphore_mem>>)
      %dma_wait3A_95 = arith.constant 0 : i32
      %dma_wait3A_96 = arith.constant 0 : i32
      %dma_wait3A_97 = tpu.memref_slice %arg11[%dma_wait3A_95, %dma_wait3A_96] : memref<256x128xf32, #tpu.memory_space<vmem>> -> memref<128x128xf32, #tpu.memory_space<vmem>>
      %dma_wait3A_98 = arith.constant 0 : i32
      %dma_wait3A_99 = tpu.memref_slice %arg8[%dma_wait3A_98] : memref<256xi32, #tpu.memory_space<vmem>> -> memref<128xi32, #tpu.memory_space<vmem>>
      %dma_wait3A_100 = arith.constant 0 : i32
      %dma_wait3A_101 = arith.constant 0 : i32
      %dma_wait3A_102 = tpu.memref_slice %arg2[%dma_wait3A_100, %dma_wait3A_101] : memref<10000x128xf32, #tpu.memory_space<hbm>> -> memref<10000x128xf32, #tpu.memory_space<hbm>>
      tpu.wait_indirect_dma semaphore(%arg15 : memref<!tpu.dma_semaphore, #tpu.memory_space<semaphore_mem>>) src(%dma_wait3A_102 : memref<10000x128xf32, #tpu.memory_space<hbm>>) dst(%dma_wait3A_97 : memref<128x128xf32, #tpu.memory_space<vmem>>)
      %dma_wait3A_103 = arith.constant 0 : i32
      %dma_wait3A_104 = arith.constant 0 : i32
      %dma_wait3A_105 = tpu.memref_slice %arg12[%dma_wait3A_103, %dma_wait3A_104] : memref<256x128xf32, #tpu.memory_space<vmem>> -> memref<128x128xf32, #tpu.memory_space<vmem>>
      %dma_wait3A_106 = arith.constant 0 : i32
      %dma_wait3A_107 = arith.constant 0 : i32
      %dma_wait3A_108 = tpu.memref_slice %arg3[%dma_wait3A_106, %dma_wait3A_107] : memref<2000x128xf32, #tpu.memory_space<hbm>> -> memref<2000x128xf32, #tpu.memory_space<hbm>>
      tpu.wait_indirect_dma semaphore(%arg17 : memref<!tpu.dma_semaphore, #tpu.memory_space<semaphore_mem>>) src(%dma_wait3A_108 : memref<2000x128xf32, #tpu.memory_space<hbm>>) dst(%dma_wait3A_105 : memref<128x128xf32, #tpu.memory_space<vmem>>)
      %dma_wait3A_109 = arith.constant 128 : i32
      %dma_wait3A_110 = arith.constant 0 : i32
      %dma_wait3A_111 = tpu.memref_slice %arg11[%dma_wait3A_109, %dma_wait3A_110] : memref<256x128xf32, #tpu.memory_space<vmem>> -> memref<128x128xf32, #tpu.memory_space<vmem>>
      %dma_wait3A_112 = arith.constant 128 : i32
      %dma_wait3A_113 = tpu.memref_slice %arg8[%dma_wait3A_112] : memref<256xi32, #tpu.memory_space<vmem>> -> memref<128xi32, #tpu.memory_space<vmem>>
      %dma_wait3A_114 = arith.constant 0 : i32
      %dma_wait3A_115 = arith.constant 0 : i32
      %dma_wait3A_116 = tpu.memref_slice %arg2[%dma_wait3A_114, %dma_wait3A_115] : memref<10000x128xf32, #tpu.memory_space<hbm>> -> memref<10000x128xf32, #tpu.memory_space<hbm>>
      tpu.wait_indirect_dma semaphore(%arg16 : memref<!tpu.dma_semaphore, #tpu.memory_space<semaphore_mem>>) src(%dma_wait3A_116 : memref<10000x128xf32, #tpu.memory_space<hbm>>) dst(%dma_wait3A_111 : memref<128x128xf32, #tpu.memory_space<vmem>>)
      %dma_wait3A_117 = arith.constant 128 : i32
      %dma_wait3A_118 = arith.constant 0 : i32
      %dma_wait3A_119 = tpu.memref_slice %arg12[%dma_wait3A_117, %dma_wait3A_118] : memref<256x128xf32, #tpu.memory_space<vmem>> -> memref<128x128xf32, #tpu.memory_space<vmem>>
      %dma_wait3A_120 = arith.constant 0 : i32
      %dma_wait3A_121 = arith.constant 0 : i32
      %dma_wait3A_122 = tpu.memref_slice %arg3[%dma_wait3A_120, %dma_wait3A_121] : memref<2000x128xf32, #tpu.memory_space<hbm>> -> memref<2000x128xf32, #tpu.memory_space<hbm>>
      tpu.wait_indirect_dma semaphore(%arg18 : memref<!tpu.dma_semaphore, #tpu.memory_space<semaphore_mem>>) src(%dma_wait3A_122 : memref<2000x128xf32, #tpu.memory_space<hbm>>) dst(%dma_wait3A_119 : memref<128x128xf32, #tpu.memory_space<vmem>>)
      %scan3A_123 = arith.constant 0 : i32
      %scan3A_124 = arith.constant 256 : i32
      %scan3A_125 = arith.addi %scan3A_123, %scan3A_124 : i32
      %scan3A_126 = arith.constant 1 : i32
      scf.for %scan3A_152 = %scan3A_123 to %scan3A_125 step %scan3A_126  : i32 {
        %get3A = arith.index_cast %scan3A_152 : i32 to index
        %get3A_153 = arith.constant 0 : index
        %get3A_154 = tpu.vector_load %arg11[%get3A, %get3A_153] {strides = array<i32>} : memref<256x128xf32, #tpu.memory_space<vmem>>, vector<1x16xf32>,
        %get3A_155 = vector.shape_cast %get3A_154 : vector<1x16xf32> to vector<16xf32>
        %get3A_156 = arith.index_cast %scan3A_152 : i32 to index
        %get3A_157 = arith.constant 0 : index
        %get3A_158 = tpu.vector_load %arg12[%get3A_156, %get3A_157] {strides = array<i32>} : memref<256x128xf32, #tpu.memory_space<vmem>>, vector<1x16xf32>,
        %get3A_159 = vector.shape_cast %get3A_158 : vector<1x16xf32> to vector<16xf32>
        %add3A_160 = arith.addf %get3A_155, %get3A_159 : vector<16xf32>
        %max3A = arith.constant 0.000000e+00 : f32
        %max3A_161 = vector.broadcast %max3A : f32 to vector<16xf32>
        %max3A_162 = arith.maximumf %add3A_160, %max3A_161 : vector<16xf32>
        %swap3A = arith.index_cast %scan3A_152 : i32 to index
        %swap3A_163 = arith.constant 0 : index
        %swap3A_164 = tpu.vector_load %arg11[%swap3A, %swap3A_163] {strides = array<i32>} : memref<256x128xf32, #tpu.memory_space<vmem>>, vector<1x16xf32>,
        %swap3A_165 = vector.shape_cast %swap3A_164 : vector<1x16xf32> to vector<16xf32>
        %swap3A_166 = vector.shape_cast %max3A_162 : vector<16xf32> to vector<1x16xf32>
        tpu.vector_store %arg11[%swap3A, %swap3A_163], %swap3A_166 {strides = array<i32>} : memref<256x128xf32, #tpu.memory_space<vmem>>, vector<1x16xf32>,
        %get3A_167 = arith.index_cast %scan3A_152 : i32 to index
        %get3A_168 = arith.constant 16 : index
        %get3A_169 = tpu.vector_load %arg11[%get3A_167, %get3A_168] {strides = array<i32>} : memref<256x128xf32, #tpu.memory_space<vmem>>, vector<1x16xf32>,
        %get3A_170 = vector.shape_cast %get3A_169 : vector<1x16xf32> to vector<16xf32>
        %get3A_171 = arith.index_cast %scan3A_152 : i32 to index
        %get3A_172 = arith.constant 16 : index
        %get3A_173 = tpu.vector_load %arg12[%get3A_171, %get3A_172] {strides = array<i32>} : memref<256x128xf32, #tpu.memory_space<vmem>>, vector<1x16xf32>,
        %get3A_174 = vector.shape_cast %get3A_173 : vector<1x16xf32> to vector<16xf32>
        %add3A_175 = arith.addf %get3A_170, %get3A_174 : vector<16xf32>
        %max3A_176 = arith.constant 0.000000e+00 : f32
        %max3A_177 = vector.broadcast %max3A_176 : f32 to vector<16xf32>
        %max3A_178 = arith.maximumf %add3A_175, %max3A_177 : vector<16xf32>
        %swap3A_179 = arith.index_cast %scan3A_152 : i32 to index
        %swap3A_180 = arith.constant 16 : index
        %swap3A_181 = tpu.vector_load %arg11[%swap3A_179, %swap3A_180] {strides = array<i32>} : memref<256x128xf32, #tpu.memory_space<vmem>>, vector<1x16xf32>,
        %swap3A_182 = vector.shape_cast %swap3A_181 : vector<1x16xf32> to vector<16xf32>
        %swap3A_183 = vector.shape_cast %max3A_178 : vector<16xf32> to vector<1x16xf32>
        tpu.vector_store %arg11[%swap3A_179, %swap3A_180], %swap3A_183 {strides = array<i32>} : memref<256x128xf32, #tpu.memory_space<vmem>>, vector<1x16xf32>,
        %get3A_184 = arith.index_cast %scan3A_152 : i32 to index
        %get3A_185 = arith.constant 32 : index
        %get3A_186 = tpu.vector_load %arg11[%get3A_184, %get3A_185] {strides = array<i32>} : memref<256x128xf32, #tpu.memory_space<vmem>>, vector<1x16xf32>,
        %get3A_187 = vector.shape_cast %get3A_186 : vector<1x16xf32> to vector<16xf32>
        %get3A_188 = arith.index_cast %scan3A_152 : i32 to index
        %get3A_189 = arith.constant 32 : index
        %get3A_190 = tpu.vector_load %arg12[%get3A_188, %get3A_189] {strides = array<i32>} : memref<256x128xf32, #tpu.memory_space<vmem>>, vector<1x16xf32>,
        %get3A_191 = vector.shape_cast %get3A_190 : vector<1x16xf32> to vector<16xf32>
        %add3A_192 = arith.addf %get3A_187, %get3A_191 : vector<16xf32>
        %max3A_193 = arith.constant 0.000000e+00 : f32
        %max3A_194 = vector.broadcast %max3A_193 : f32 to vector<16xf32>
        %max3A_195 = arith.maximumf %add3A_192, %max3A_194 : vector<16xf32>
        %swap3A_196 = arith.index_cast %scan3A_152 : i32 to index
        %swap3A_197 = arith.constant 32 : index
        %swap3A_198 = tpu.vector_load %arg11[%swap3A_196, %swap3A_197] {strides = array<i32>} : memref<256x128xf32, #tpu.memory_space<vmem>>, vector<1x16xf32>,
        %swap3A_199 = vector.shape_cast %swap3A_198 : vector<1x16xf32> to vector<16xf32>
        %swap3A_200 = vector.shape_cast %max3A_195 : vector<16xf32> to vector<1x16xf32>
        tpu.vector_store %arg11[%swap3A_196, %swap3A_197], %swap3A_200 {strides = array<i32>} : memref<256x128xf32, #tpu.memory_space<vmem>>, vector<1x16xf32>,
        %get3A_201 = arith.index_cast %scan3A_152 : i32 to index
        %get3A_202 = arith.constant 48 : index
        %get3A_203 = tpu.vector_load %arg11[%get3A_201, %get3A_202] {strides = array<i32>} : memref<256x128xf32, #tpu.memory_space<vmem>>, vector<1x16xf32>,
        %get3A_204 = vector.shape_cast %get3A_203 : vector<1x16xf32> to vector<16xf32>
        %get3A_205 = arith.index_cast %scan3A_152 : i32 to index
        %get3A_206 = arith.constant 48 : index
        %get3A_207 = tpu.vector_load %arg12[%get3A_205, %get3A_206] {strides = array<i32>} : memref<256x128xf32, #tpu.memory_space<vmem>>, vector<1x16xf32>,
        %get3A_208 = vector.shape_cast %get3A_207 : vector<1x16xf32> to vector<16xf32>
        %add3A_209 = arith.addf %get3A_204, %get3A_208 : vector<16xf32>
        %max3A_210 = arith.constant 0.000000e+00 : f32
        %max3A_211 = vector.broadcast %max3A_210 : f32 to vector<16xf32>
        %max3A_212 = arith.maximumf %add3A_209, %max3A_211 : vector<16xf32>
        %swap3A_213 = arith.index_cast %scan3A_152 : i32 to index
        %swap3A_214 = arith.constant 48 : index
        %swap3A_215 = tpu.vector_load %arg11[%swap3A_213, %swap3A_214] {strides = array<i32>} : memref<256x128xf32, #tpu.memory_space<vmem>>, vector<1x16xf32>,
        %swap3A_216 = vector.shape_cast %swap3A_215 : vector<1x16xf32> to vector<16xf32>
        %swap3A_217 = vector.shape_cast %max3A_212 : vector<16xf32> to vector<1x16xf32>
        tpu.vector_store %arg11[%swap3A_213, %swap3A_214], %swap3A_217 {strides = array<i32>} : memref<256x128xf32, #tpu.memory_space<vmem>>, vector<1x16xf32>,
        %get3A_218 = arith.index_cast %scan3A_152 : i32 to index
        %get3A_219 = arith.constant 64 : index
        %get3A_220 = tpu.vector_load %arg11[%get3A_218, %get3A_219] {strides = array<i32>} : memref<256x128xf32, #tpu.memory_space<vmem>>, vector<1x16xf32>,
        %get3A_221 = vector.shape_cast %get3A_220 : vector<1x16xf32> to vector<16xf32>
        %get3A_222 = arith.index_cast %scan3A_152 : i32 to index
        %get3A_223 = arith.constant 64 : index
        %get3A_224 = tpu.vector_load %arg12[%get3A_222, %get3A_223] {strides = array<i32>} : memref<256x128xf32, #tpu.memory_space<vmem>>, vector<1x16xf32>,
        %get3A_225 = vector.shape_cast %get3A_224 : vector<1x16xf32> to vector<16xf32>
        %add3A_226 = arith.addf %get3A_221, %get3A_225 : vector<16xf32>
        %max3A_227 = arith.constant 0.000000e+00 : f32
        %max3A_228 = vector.broadcast %max3A_227 : f32 to vector<16xf32>
        %max3A_229 = arith.maximumf %add3A_226, %max3A_228 : vector<16xf32>
        %swap3A_230 = arith.index_cast %scan3A_152 : i32 to index
        %swap3A_231 = arith.constant 64 : index
        %swap3A_232 = tpu.vector_load %arg11[%swap3A_230, %swap3A_231] {strides = array<i32>} : memref<256x128xf32, #tpu.memory_space<vmem>>, vector<1x16xf32>,
        %swap3A_233 = vector.shape_cast %swap3A_232 : vector<1x16xf32> to vector<16xf32>
        %swap3A_234 = vector.shape_cast %max3A_229 : vector<16xf32> to vector<1x16xf32>
        tpu.vector_store %arg11[%swap3A_230, %swap3A_231], %swap3A_234 {strides = array<i32>} : memref<256x128xf32, #tpu.memory_space<vmem>>, vector<1x16xf32>,
        %get3A_235 = arith.index_cast %scan3A_152 : i32 to index
        %get3A_236 = arith.constant 80 : index
        %get3A_237 = tpu.vector_load %arg11[%get3A_235, %get3A_236] {strides = array<i32>} : memref<256x128xf32, #tpu.memory_space<vmem>>, vector<1x16xf32>,
        %get3A_238 = vector.shape_cast %get3A_237 : vector<1x16xf32> to vector<16xf32>
        %get3A_239 = arith.index_cast %scan3A_152 : i32 to index
        %get3A_240 = arith.constant 80 : index
        %get3A_241 = tpu.vector_load %arg12[%get3A_239, %get3A_240] {strides = array<i32>} : memref<256x128xf32, #tpu.memory_space<vmem>>, vector<1x16xf32>,
        %get3A_242 = vector.shape_cast %get3A_241 : vector<1x16xf32> to vector<16xf32>
        %add3A_243 = arith.addf %get3A_238, %get3A_242 : vector<16xf32>
        %max3A_244 = arith.constant 0.000000e+00 : f32
        %max3A_245 = vector.broadcast %max3A_244 : f32 to vector<16xf32>
        %max3A_246 = arith.maximumf %add3A_243, %max3A_245 : vector<16xf32>
        %swap3A_247 = arith.index_cast %scan3A_152 : i32 to index
        %swap3A_248 = arith.constant 80 : index
        %swap3A_249 = tpu.vector_load %arg11[%swap3A_247, %swap3A_248] {strides = array<i32>} : memref<256x128xf32, #tpu.memory_space<vmem>>, vector<1x16xf32>,
        %swap3A_250 = vector.shape_cast %swap3A_249 : vector<1x16xf32> to vector<16xf32>
        %swap3A_251 = vector.shape_cast %max3A_246 : vector<16xf32> to vector<1x16xf32>
        tpu.vector_store %arg11[%swap3A_247, %swap3A_248], %swap3A_251 {strides = array<i32>} : memref<256x128xf32, #tpu.memory_space<vmem>>, vector<1x16xf32>,
        %get3A_252 = arith.index_cast %scan3A_152 : i32 to index
        %get3A_253 = arith.constant 96 : index
        %get3A_254 = tpu.vector_load %arg11[%get3A_252, %get3A_253] {strides = array<i32>} : memref<256x128xf32, #tpu.memory_space<vmem>>, vector<1x16xf32>,
        %get3A_255 = vector.shape_cast %get3A_254 : vector<1x16xf32> to vector<16xf32>
        %get3A_256 = arith.index_cast %scan3A_152 : i32 to index
        %get3A_257 = arith.constant 96 : index
        %get3A_258 = tpu.vector_load %arg12[%get3A_256, %get3A_257] {strides = array<i32>} : memref<256x128xf32, #tpu.memory_space<vmem>>, vector<1x16xf32>,
        %get3A_259 = vector.shape_cast %get3A_258 : vector<1x16xf32> to vector<16xf32>
        %add3A_260 = arith.addf %get3A_255, %get3A_259 : vector<16xf32>
        %max3A_261 = arith.constant 0.000000e+00 : f32
        %max3A_262 = vector.broadcast %max3A_261 : f32 to vector<16xf32>
        %max3A_263 = arith.maximumf %add3A_260, %max3A_262 : vector<16xf32>
        %swap3A_264 = arith.index_cast %scan3A_152 : i32 to index
        %swap3A_265 = arith.constant 96 : index
        %swap3A_266 = tpu.vector_load %arg11[%swap3A_264, %swap3A_265] {strides = array<i32>} : memref<256x128xf32, #tpu.memory_space<vmem>>, vector<1x16xf32>,
        %swap3A_267 = vector.shape_cast %swap3A_266 : vector<1x16xf32> to vector<16xf32>
        %swap3A_268 = vector.shape_cast %max3A_263 : vector<16xf32> to vector<1x16xf32>
        tpu.vector_store %arg11[%swap3A_264, %swap3A_265], %swap3A_268 {strides = array<i32>} : memref<256x128xf32, #tpu.memory_space<vmem>>, vector<1x16xf32>,
        %get3A_269 = arith.index_cast %scan3A_152 : i32 to index
        %get3A_270 = arith.constant 112 : index
        %get3A_271 = tpu.vector_load %arg11[%get3A_269, %get3A_270] {strides = array<i32>} : memref<256x128xf32, #tpu.memory_space<vmem>>, vector<1x16xf32>,
        %get3A_272 = vector.shape_cast %get3A_271 : vector<1x16xf32> to vector<16xf32>
        %get3A_273 = arith.index_cast %scan3A_152 : i32 to index
        %get3A_274 = arith.constant 112 : index
        %get3A_275 = tpu.vector_load %arg12[%get3A_273, %get3A_274] {strides = array<i32>} : memref<256x128xf32, #tpu.memory_space<vmem>>, vector<1x16xf32>,
        %get3A_276 = vector.shape_cast %get3A_275 : vector<1x16xf32> to vector<16xf32>
        %add3A_277 = arith.addf %get3A_272, %get3A_276 : vector<16xf32>
        %max3A_278 = arith.constant 0.000000e+00 : f32
        %max3A_279 = vector.broadcast %max3A_278 : f32 to vector<16xf32>
        %max3A_280 = arith.maximumf %add3A_277, %max3A_279 : vector<16xf32>
        %swap3A_281 = arith.index_cast %scan3A_152 : i32 to index
        %swap3A_282 = arith.constant 112 : index
        %swap3A_283 = tpu.vector_load %arg11[%swap3A_281, %swap3A_282] {strides = array<i32>} : memref<256x128xf32, #tpu.memory_space<vmem>>, vector<1x16xf32>,
        %swap3A_284 = vector.shape_cast %swap3A_283 : vector<1x16xf32> to vector<16xf32>
        %swap3A_285 = vector.shape_cast %max3A_280 : vector<16xf32> to vector<1x16xf32>
        tpu.vector_store %arg11[%swap3A_281, %swap3A_282], %swap3A_285 {strides = array<i32>} : memref<256x128xf32, #tpu.memory_space<vmem>>, vector<1x16xf32>,
      }
      %scan3A_127 = arith.constant 256 : i32
      %dma_start3A_128 = arith.constant 0 : i32
      %dma_start3A_129 = arith.constant 0 : i32
      %dma_start3A_130 = tpu.memref_slice %arg11[%dma_start3A_128, %dma_start3A_129] : memref<256x128xf32, #tpu.memory_space<vmem>> -> memref<128x128xf32, #tpu.memory_space<vmem>>
      %dma_start3A_131 = arith.constant 0 : i32
      %dma_start3A_132 = arith.constant 0 : i32
      %dma_start3A_133 = tpu.memref_slice %arg7[%dma_start3A_131, %dma_start3A_132] : memref<2048x128xf32, #tpu.memory_space<vmem_shared>> -> memref<2048x128xf32, #tpu.memory_space<vmem_shared>>
      tpu.enqueue_indirect_dma source(%dma_start3A_130 : memref<128x128xf32, #tpu.memory_space<vmem>>) target(%dma_start3A_133 : memref<2048x128xf32, #tpu.memory_space<vmem_shared>>) offsets(%arg9 : memref<128xi32, #tpu.memory_space<vmem>>) semaphore(%arg19 : memref<!tpu.dma_semaphore, #tpu.memory_space<semaphore_mem>>) {add = true}
      %dma_start3A_134 = arith.constant 128 : i32
      %dma_start3A_135 = arith.constant 0 : i32
      %dma_start3A_136 = tpu.memref_slice %arg11[%dma_start3A_134, %dma_start3A_135] : memref<256x128xf32, #tpu.memory_space<vmem>> -> memref<128x128xf32, #tpu.memory_space<vmem>>
      %dma_start3A_137 = arith.constant 0 : i32
      %dma_start3A_138 = arith.constant 0 : i32
      %dma_start3A_139 = tpu.memref_slice %arg7[%dma_start3A_137, %dma_start3A_138] : memref<2048x128xf32, #tpu.memory_space<vmem_shared>> -> memref<2048x128xf32, #tpu.memory_space<vmem_shared>>
      tpu.enqueue_indirect_dma source(%dma_start3A_136 : memref<128x128xf32, #tpu.memory_space<vmem>>) target(%dma_start3A_139 : memref<2048x128xf32, #tpu.memory_space<vmem_shared>>) offsets(%arg10 : memref<128xi32, #tpu.memory_space<vmem>>) semaphore(%arg20 : memref<!tpu.dma_semaphore, #tpu.memory_space<semaphore_mem>>) {add = true}
      %dma_wait3A_140 = arith.constant 0 : i32
      %dma_wait3A_141 = arith.constant 0 : i32
      %dma_wait3A_142 = tpu.memref_slice %arg11[%dma_wait3A_140, %dma_wait3A_141] : memref<256x128xf32, #tpu.memory_space<vmem>> -> memref<128x128xf32, #tpu.memory_space<vmem>>
      %dma_wait3A_143 = arith.constant 0 : i32
      %dma_wait3A_144 = arith.constant 0 : i32
      %dma_wait3A_145 = tpu.memref_slice %arg7[%dma_wait3A_143, %dma_wait3A_144] : memref<2048x128xf32, #tpu.memory_space<vmem_shared>> -> memref<2048x128xf32, #tpu.memory_space<vmem_shared>>
      tpu.wait_indirect_dma semaphore(%arg19 : memref<!tpu.dma_semaphore, #tpu.memory_space<semaphore_mem>>) src(%dma_wait3A_142 : memref<128x128xf32, #tpu.memory_space<vmem>>) dst(%dma_wait3A_145 : memref<2048x128xf32, #tpu.memory_space<vmem_shared>>)
      %dma_wait3A_146 = arith.constant 128 : i32
      %dma_wait3A_147 = arith.constant 0 : i32
      %dma_wait3A_148 = tpu.memref_slice %arg11[%dma_wait3A_146, %dma_wait3A_147] : memref<256x128xf32, #tpu.memory_space<vmem>> -> memref<128x128xf32, #tpu.memory_space<vmem>>
      %dma_wait3A_149 = arith.constant 0 : i32
      %dma_wait3A_150 = arith.constant 0 : i32
      %dma_wait3A_151 = tpu.memref_slice %arg7[%dma_wait3A_149, %dma_wait3A_150] : memref<2048x128xf32, #tpu.memory_space<vmem_shared>> -> memref<2048x128xf32, #tpu.memory_space<vmem_shared>>
      tpu.wait_indirect_dma semaphore(%arg20 : memref<!tpu.dma_semaphore, #tpu.memory_space<semaphore_mem>>) src(%dma_wait3A_148 : memref<128x128xf32, #tpu.memory_space<vmem>>) dst(%dma_wait3A_151 : memref<2048x128xf32, #tpu.memory_space<vmem_shared>>)
    }
    %barrier3A_40 = arith.constant 0 : index
    tpu.barrier barrier_id(%barrier3A_40)
    %mul3A_41 = arith.constant 128 : i32
    %mul3A_42 = arith.muli %arg1, %mul3A_41 : i32
    %add3A_43 = arith.constant 0 : i32
    %add3A_44 = arith.addi %mul3A_42, %add3A_43 : i32
    %add3A_45 = arith.constant 0 : i32
    %add3A_46 = arith.addi %mul3A_42, %add3A_45 : i32
    "tpu.region"() ({
      %run_scoped3A = tpu.sem_alloc : memref<!tpu.dma_semaphore, #tpu.memory_space<semaphore_mem>>
      %dma_start3A = arith.constant 0 : i32
      %dma_start3A_47 = tpu.memref_slice %arg6[%arg0, %add3A_46, %dma_start3A] : memref<2x2048x128xf32, #tpu.memory_space<hbm>> -> memref<1x128x128xf32, #tpu.memory_space<hbm>>
      %dma_start3A_48 = tpu.memref_squeeze %dma_start3A_47 : memref<1x128x128xf32, #tpu.memory_space<hbm>> -> memref<128x128xf32, #tpu.memory_space<hbm>>
      %dma_start3A_49 = arith.constant 0 : i32
      %dma_start3A_50 = tpu.memref_slice %arg7[%add3A_44, %dma_start3A_49] : memref<2048x128xf32, #tpu.memory_space<vmem_shared>> -> memref<128x128xf32, #tpu.memory_space<vmem_shared>>
      tpu.enqueue_dma source(%dma_start3A_50 : memref<128x128xf32, #tpu.memory_space<vmem_shared>>) target(%dma_start3A_48 : memref<128x128xf32, #tpu.memory_space<hbm>>) target_semaphore(%run_scoped3A : memref<!tpu.dma_semaphore, #tpu.memory_space<semaphore_mem>>)
      %dma_wait3A = arith.constant 0 : i32
      %dma_wait3A_51 = tpu.memref_slice %arg6[%arg0, %add3A_46, %dma_wait3A] : memref<2x2048x128xf32, #tpu.memory_space<hbm>> -> memref<1x128x128xf32, #tpu.memory_space<hbm>>
      %dma_wait3A_52 = tpu.memref_squeeze %dma_wait3A_51 : memref<1x128x128xf32, #tpu.memory_space<hbm>> -> memref<128x128xf32, #tpu.memory_space<hbm>>
      %dma_wait3A_53 = arith.constant 0 : i32
      %dma_wait3A_54 = tpu.memref_slice %arg7[%add3A_44, %dma_wait3A_53] : memref<2048x128xf32, #tpu.memory_space<vmem_shared>> -> memref<128x128xf32, #tpu.memory_space<vmem_shared>>
      tpu.wait_dma2 semaphore(%run_scoped3A : memref<!tpu.dma_semaphore, #tpu.memory_space<semaphore_mem>>) src(%dma_wait3A_54 : memref<128x128xf32, #tpu.memory_space<vmem_shared>>) dst(%dma_wait3A_52 : memref<128x128xf32, #tpu.memory_space<hbm>>)
      tpu.yield
    }) : () -> ()
    return
  }
}

#map = affine_map<(d0, d1) -> (0, 0)>
#map1 = affine_map<(d0, d1) -> (0)>
#map2 = affine_map<(d0, d1) -> (0, 0, 0)>
module attributes {stable_mosaic.version = 14 : i64} {
  func.func @k(%arg0: i32, %arg1: i32, %arg2: memref<10000x128xf32, #tpu.memory_space<hbm>>, %arg3: memref<320000xi32, #tpu.memory_space<hbm>>, %arg4: memref<320000xi32, #tpu.memory_space<hbm>>, %arg5: memref<2x10112x128xf32, #tpu.memory_space<hbm>>, %arg6: memref<10112x128xf32, #tpu.memory_space<vmem_shared>>, %arg7: memref<256xi32, #tpu.memory_space<vmem>>, %arg8: memref<128xi32, #tpu.memory_space<vmem>>, %arg9: memref<128xi32, #tpu.memory_space<vmem>>, %arg10: memref<256x128xf32, #tpu.memory_space<vmem>>, %arg11: memref<!tpu.dma_semaphore, #tpu.memory_space<semaphore_mem>>, %arg12: memref<!tpu.dma_semaphore, #tpu.memory_space<semaphore_mem>>, %arg13: memref<!tpu.dma_semaphore, #tpu.memory_space<semaphore_mem>>, %arg14: memref<!tpu.dma_semaphore, #tpu.memory_space<semaphore_mem>>, %arg15: memref<!tpu.dma_semaphore, #tpu.memory_space<semaphore_mem>>, %arg16: memref<!tpu.dma_semaphore, #tpu.memory_space<semaphore_mem>>) attributes {dimension_semantics = [#tpu.dimension_semantics<core_parallel>, #tpu.dimension_semantics<subcore_parallel>], iteration_bounds = array<i64: 2, 16>, scalar_prefetch = 0 : i64, scratch_operands = 11 : i64, tpu.core_type = #tpu.core_type<sc_vector_subcore>, window_params = [{transform_indices = #map}, {transform_indices = #map1}, {transform_indices = #map1}, {transform_indices = #map2}]} {
    %mul3A = arith.constant 2 : i32
    %mul3A_0 = arith.muli %arg1, %mul3A : i32
    %add3A = arith.addi %mul3A_0, %arg0 : i32
    %broadcast_in_dim3A = arith.constant 0.000000e+00 : f32
    %broadcast_in_dim3A_1 = vector.broadcast %broadcast_in_dim3A : f32 to vector<16xf32>
    %scan3A = arith.constant 0 : i32
    %scan3A_2 = arith.constant 128 : i32
    %scan3A_3 = arith.addi %scan3A, %scan3A_2 : i32
    %scan3A_4 = arith.constant 1 : i32
    scf.for %scan3A_71 = %scan3A to %scan3A_3 step %scan3A_4  : i32 {
      %swap3A = arith.index_cast %scan3A_71 : i32 to index
      %swap3A_72 = arith.constant 0 : index
      %swap3A_73 = tpu.vector_load %arg10[%swap3A, %swap3A_72] {strides = array<i32>} : memref<256x128xf32, #tpu.memory_space<vmem>>, vector<1x16xf32>,
      %swap3A_74 = vector.shape_cast %swap3A_73 : vector<1x16xf32> to vector<16xf32>
      %swap3A_75 = vector.shape_cast %broadcast_in_dim3A_1 : vector<16xf32> to vector<1x16xf32>
      tpu.vector_store %arg10[%swap3A, %swap3A_72], %swap3A_75 {strides = array<i32>} : memref<256x128xf32, #tpu.memory_space<vmem>>, vector<1x16xf32>,
      %swap3A_76 = arith.index_cast %scan3A_71 : i32 to index
      %swap3A_77 = arith.constant 16 : index
      %swap3A_78 = tpu.vector_load %arg10[%swap3A_76, %swap3A_77] {strides = array<i32>} : memref<256x128xf32, #tpu.memory_space<vmem>>, vector<1x16xf32>,
      %swap3A_79 = vector.shape_cast %swap3A_78 : vector<1x16xf32> to vector<16xf32>
      %swap3A_80 = vector.shape_cast %broadcast_in_dim3A_1 : vector<16xf32> to vector<1x16xf32>
      tpu.vector_store %arg10[%swap3A_76, %swap3A_77], %swap3A_80 {strides = array<i32>} : memref<256x128xf32, #tpu.memory_space<vmem>>, vector<1x16xf32>,
      %swap3A_81 = arith.index_cast %scan3A_71 : i32 to index
      %swap3A_82 = arith.constant 32 : index
      %swap3A_83 = tpu.vector_load %arg10[%swap3A_81, %swap3A_82] {strides = array<i32>} : memref<256x128xf32, #tpu.memory_space<vmem>>, vector<1x16xf32>,
      %swap3A_84 = vector.shape_cast %swap3A_83 : vector<1x16xf32> to vector<16xf32>
      %swap3A_85 = vector.shape_cast %broadcast_in_dim3A_1 : vector<16xf32> to vector<1x16xf32>
      tpu.vector_store %arg10[%swap3A_81, %swap3A_82], %swap3A_85 {strides = array<i32>} : memref<256x128xf32, #tpu.memory_space<vmem>>, vector<1x16xf32>,
      %swap3A_86 = arith.index_cast %scan3A_71 : i32 to index
      %swap3A_87 = arith.constant 48 : index
      %swap3A_88 = tpu.vector_load %arg10[%swap3A_86, %swap3A_87] {strides = array<i32>} : memref<256x128xf32, #tpu.memory_space<vmem>>, vector<1x16xf32>,
      %swap3A_89 = vector.shape_cast %swap3A_88 : vector<1x16xf32> to vector<16xf32>
      %swap3A_90 = vector.shape_cast %broadcast_in_dim3A_1 : vector<16xf32> to vector<1x16xf32>
      tpu.vector_store %arg10[%swap3A_86, %swap3A_87], %swap3A_90 {strides = array<i32>} : memref<256x128xf32, #tpu.memory_space<vmem>>, vector<1x16xf32>,
      %swap3A_91 = arith.index_cast %scan3A_71 : i32 to index
      %swap3A_92 = arith.constant 64 : index
      %swap3A_93 = tpu.vector_load %arg10[%swap3A_91, %swap3A_92] {strides = array<i32>} : memref<256x128xf32, #tpu.memory_space<vmem>>, vector<1x16xf32>,
      %swap3A_94 = vector.shape_cast %swap3A_93 : vector<1x16xf32> to vector<16xf32>
      %swap3A_95 = vector.shape_cast %broadcast_in_dim3A_1 : vector<16xf32> to vector<1x16xf32>
      tpu.vector_store %arg10[%swap3A_91, %swap3A_92], %swap3A_95 {strides = array<i32>} : memref<256x128xf32, #tpu.memory_space<vmem>>, vector<1x16xf32>,
      %swap3A_96 = arith.index_cast %scan3A_71 : i32 to index
      %swap3A_97 = arith.constant 80 : index
      %swap3A_98 = tpu.vector_load %arg10[%swap3A_96, %swap3A_97] {strides = array<i32>} : memref<256x128xf32, #tpu.memory_space<vmem>>, vector<1x16xf32>,
      %swap3A_99 = vector.shape_cast %swap3A_98 : vector<1x16xf32> to vector<16xf32>
      %swap3A_100 = vector.shape_cast %broadcast_in_dim3A_1 : vector<16xf32> to vector<1x16xf32>
      tpu.vector_store %arg10[%swap3A_96, %swap3A_97], %swap3A_100 {strides = array<i32>} : memref<256x128xf32, #tpu.memory_space<vmem>>, vector<1x16xf32>,
      %swap3A_101 = arith.index_cast %scan3A_71 : i32 to index
      %swap3A_102 = arith.constant 96 : index
      %swap3A_103 = tpu.vector_load %arg10[%swap3A_101, %swap3A_102] {strides = array<i32>} : memref<256x128xf32, #tpu.memory_space<vmem>>, vector<1x16xf32>,
      %swap3A_104 = vector.shape_cast %swap3A_103 : vector<1x16xf32> to vector<16xf32>
      %swap3A_105 = vector.shape_cast %broadcast_in_dim3A_1 : vector<16xf32> to vector<1x16xf32>
      tpu.vector_store %arg10[%swap3A_101, %swap3A_102], %swap3A_105 {strides = array<i32>} : memref<256x128xf32, #tpu.memory_space<vmem>>, vector<1x16xf32>,
      %swap3A_106 = arith.index_cast %scan3A_71 : i32 to index
      %swap3A_107 = arith.constant 112 : index
      %swap3A_108 = tpu.vector_load %arg10[%swap3A_106, %swap3A_107] {strides = array<i32>} : memref<256x128xf32, #tpu.memory_space<vmem>>, vector<1x16xf32>,
      %swap3A_109 = vector.shape_cast %swap3A_108 : vector<1x16xf32> to vector<16xf32>
      %swap3A_110 = vector.shape_cast %broadcast_in_dim3A_1 : vector<16xf32> to vector<1x16xf32>
      tpu.vector_store %arg10[%swap3A_106, %swap3A_107], %swap3A_110 {strides = array<i32>} : memref<256x128xf32, #tpu.memory_space<vmem>>, vector<1x16xf32>,
    }
    %scan3A_5 = arith.constant 128 : i32
    %mul3A_6 = arith.constant 632 : i32
    %mul3A_7 = arith.muli %arg1, %mul3A_6 : i32
    %add3A_8 = arith.constant 0 : i32
    %add3A_9 = arith.addi %mul3A_7, %add3A_8 : i32
    "tpu.region"() ({
      %run_scoped3A = tpu.sem_alloc : memref<!tpu.dma_semaphore, #tpu.memory_space<semaphore_mem>>
      %dma_start3A = arith.constant 0 : i32
      %dma_start3A_71 = arith.constant 0 : i32
      %dma_start3A_72 = tpu.memref_slice %arg10[%dma_start3A, %dma_start3A_71] : memref<256x128xf32, #tpu.memory_space<vmem>> -> memref<128x128xf32, #tpu.memory_space<vmem>>
      %dma_start3A_73 = arith.constant 0 : i32
      %dma_start3A_74 = tpu.memref_slice %arg6[%add3A_9, %dma_start3A_73] : memref<10112x128xf32, #tpu.memory_space<vmem_shared>> -> memref<128x128xf32, #tpu.memory_space<vmem_shared>>
      %dma_start3A_75 = arith.constant 0 : i32
      %dma_start3A_76 = tpu.memref_slice %arg6[%add3A_9, %dma_start3A_75] : memref<10112x128xf32, #tpu.memory_space<vmem_shared>> -> memref<128x128xf32, #tpu.memory_space<vmem_shared>>
      %dma_start3A_77 = arith.constant 0 : i32
      %dma_start3A_78 = arith.constant 0 : i32
      %dma_start3A_79 = tpu.memref_slice %arg10[%dma_start3A_77, %dma_start3A_78] : memref<256x128xf32, #tpu.memory_space<vmem>> -> memref<128x128xf32, #tpu.memory_space<vmem>>
      tpu.enqueue_dma source(%dma_start3A_79 : memref<128x128xf32, #tpu.memory_space<vmem>>) target(%dma_start3A_76 : memref<128x128xf32, #tpu.memory_space<vmem_shared>>) target_semaphore(%run_scoped3A : memref<!tpu.dma_semaphore, #tpu.memory_space<semaphore_mem>>)
      %dma_wait3A = arith.constant 0 : i32
      %dma_wait3A_80 = arith.constant 0 : i32
      %dma_wait3A_81 = tpu.memref_slice %arg10[%dma_wait3A, %dma_wait3A_80] : memref<256x128xf32, #tpu.memory_space<vmem>> -> memref<128x128xf32, #tpu.memory_space<vmem>>
      %dma_wait3A_82 = arith.constant 0 : i32
      %dma_wait3A_83 = tpu.memref_slice %arg6[%add3A_9, %dma_wait3A_82] : memref<10112x128xf32, #tpu.memory_space<vmem_shared>> -> memref<128x128xf32, #tpu.memory_space<vmem_shared>>
      %dma_wait3A_84 = arith.constant 0 : i32
      %dma_wait3A_85 = tpu.memref_slice %arg6[%add3A_9, %dma_wait3A_84] : memref<10112x128xf32, #tpu.memory_space<vmem_shared>> -> memref<128x128xf32, #tpu.memory_space<vmem_shared>>
      %dma_wait3A_86 = arith.constant 0 : i32
      %dma_wait3A_87 = arith.constant 0 : i32
      %dma_wait3A_88 = tpu.memref_slice %arg10[%dma_wait3A_86, %dma_wait3A_87] : memref<256x128xf32, #tpu.memory_space<vmem>> -> memref<128x128xf32, #tpu.memory_space<vmem>>
      tpu.wait_dma2 semaphore(%run_scoped3A : memref<!tpu.dma_semaphore, #tpu.memory_space<semaphore_mem>>) src(%dma_wait3A_88 : memref<128x128xf32, #tpu.memory_space<vmem>>) dst(%dma_wait3A_85 : memref<128x128xf32, #tpu.memory_space<vmem_shared>>)
      tpu.yield
    }) : () -> ()
    %add3A_10 = arith.constant 128 : i32
    %add3A_11 = arith.addi %mul3A_7, %add3A_10 : i32
    "tpu.region"() ({
      %run_scoped3A = tpu.sem_alloc : memref<!tpu.dma_semaphore, #tpu.memory_space<semaphore_mem>>
      %dma_start3A = arith.constant 0 : i32
      %dma_start3A_71 = arith.constant 0 : i32
      %dma_start3A_72 = tpu.memref_slice %arg10[%dma_start3A, %dma_start3A_71] : memref<256x128xf32, #tpu.memory_space<vmem>> -> memref<128x128xf32, #tpu.memory_space<vmem>>
      %dma_start3A_73 = arith.constant 0 : i32
      %dma_start3A_74 = tpu.memref_slice %arg6[%add3A_11, %dma_start3A_73] : memref<10112x128xf32, #tpu.memory_space<vmem_shared>> -> memref<128x128xf32, #tpu.memory_space<vmem_shared>>
      %dma_start3A_75 = arith.constant 0 : i32
      %dma_start3A_76 = tpu.memref_slice %arg6[%add3A_11, %dma_start3A_75] : memref<10112x128xf32, #tpu.memory_space<vmem_shared>> -> memref<128x128xf32, #tpu.memory_space<vmem_shared>>
      %dma_start3A_77 = arith.constant 0 : i32
      %dma_start3A_78 = arith.constant 0 : i32
      %dma_start3A_79 = tpu.memref_slice %arg10[%dma_start3A_77, %dma_start3A_78] : memref<256x128xf32, #tpu.memory_space<vmem>> -> memref<128x128xf32, #tpu.memory_space<vmem>>
      tpu.enqueue_dma source(%dma_start3A_79 : memref<128x128xf32, #tpu.memory_space<vmem>>) target(%dma_start3A_76 : memref<128x128xf32, #tpu.memory_space<vmem_shared>>) target_semaphore(%run_scoped3A : memref<!tpu.dma_semaphore, #tpu.memory_space<semaphore_mem>>)
      %dma_wait3A = arith.constant 0 : i32
      %dma_wait3A_80 = arith.constant 0 : i32
      %dma_wait3A_81 = tpu.memref_slice %arg10[%dma_wait3A, %dma_wait3A_80] : memref<256x128xf32, #tpu.memory_space<vmem>> -> memref<128x128xf32, #tpu.memory_space<vmem>>
      %dma_wait3A_82 = arith.constant 0 : i32
      %dma_wait3A_83 = tpu.memref_slice %arg6[%add3A_11, %dma_wait3A_82] : memref<10112x128xf32, #tpu.memory_space<vmem_shared>> -> memref<128x128xf32, #tpu.memory_space<vmem_shared>>
      %dma_wait3A_84 = arith.constant 0 : i32
      %dma_wait3A_85 = tpu.memref_slice %arg6[%add3A_11, %dma_wait3A_84] : memref<10112x128xf32, #tpu.memory_space<vmem_shared>> -> memref<128x128xf32, #tpu.memory_space<vmem_shared>>
      %dma_wait3A_86 = arith.constant 0 : i32
      %dma_wait3A_87 = arith.constant 0 : i32
      %dma_wait3A_88 = tpu.memref_slice %arg10[%dma_wait3A_86, %dma_wait3A_87] : memref<256x128xf32, #tpu.memory_space<vmem>> -> memref<128x128xf32, #tpu.memory_space<vmem>>
      tpu.wait_dma2 semaphore(%run_scoped3A : memref<!tpu.dma_semaphore, #tpu.memory_space<semaphore_mem>>) src(%dma_wait3A_88 : memref<128x128xf32, #tpu.memory_space<vmem>>) dst(%dma_wait3A_85 : memref<128x128xf32, #tpu.memory_space<vmem_shared>>)
      tpu.yield
    }) : () -> ()
    %add3A_12 = arith.constant 256 : i32
    %add3A_13 = arith.addi %mul3A_7, %add3A_12 : i32
    "tpu.region"() ({
      %run_scoped3A = tpu.sem_alloc : memref<!tpu.dma_semaphore, #tpu.memory_space<semaphore_mem>>
      %dma_start3A = arith.constant 0 : i32
      %dma_start3A_71 = arith.constant 0 : i32
      %dma_start3A_72 = tpu.memref_slice %arg10[%dma_start3A, %dma_start3A_71] : memref<256x128xf32, #tpu.memory_space<vmem>> -> memref<128x128xf32, #tpu.memory_space<vmem>>
      %dma_start3A_73 = arith.constant 0 : i32
      %dma_start3A_74 = tpu.memref_slice %arg6[%add3A_13, %dma_start3A_73] : memref<10112x128xf32, #tpu.memory_space<vmem_shared>> -> memref<128x128xf32, #tpu.memory_space<vmem_shared>>
      %dma_start3A_75 = arith.constant 0 : i32
      %dma_start3A_76 = tpu.memref_slice %arg6[%add3A_13, %dma_start3A_75] : memref<10112x128xf32, #tpu.memory_space<vmem_shared>> -> memref<128x128xf32, #tpu.memory_space<vmem_shared>>
      %dma_start3A_77 = arith.constant 0 : i32
      %dma_start3A_78 = arith.constant 0 : i32
      %dma_start3A_79 = tpu.memref_slice %arg10[%dma_start3A_77, %dma_start3A_78] : memref<256x128xf32, #tpu.memory_space<vmem>> -> memref<128x128xf32, #tpu.memory_space<vmem>>
      tpu.enqueue_dma source(%dma_start3A_79 : memref<128x128xf32, #tpu.memory_space<vmem>>) target(%dma_start3A_76 : memref<128x128xf32, #tpu.memory_space<vmem_shared>>) target_semaphore(%run_scoped3A : memref<!tpu.dma_semaphore, #tpu.memory_space<semaphore_mem>>)
      %dma_wait3A = arith.constant 0 : i32
      %dma_wait3A_80 = arith.constant 0 : i32
      %dma_wait3A_81 = tpu.memref_slice %arg10[%dma_wait3A, %dma_wait3A_80] : memref<256x128xf32, #tpu.memory_space<vmem>> -> memref<128x128xf32, #tpu.memory_space<vmem>>
      %dma_wait3A_82 = arith.constant 0 : i32
      %dma_wait3A_83 = tpu.memref_slice %arg6[%add3A_13, %dma_wait3A_82] : memref<10112x128xf32, #tpu.memory_space<vmem_shared>> -> memref<128x128xf32, #tpu.memory_space<vmem_shared>>
      %dma_wait3A_84 = arith.constant 0 : i32
      %dma_wait3A_85 = tpu.memref_slice %arg6[%add3A_13, %dma_wait3A_84] : memref<10112x128xf32, #tpu.memory_space<vmem_shared>> -> memref<128x128xf32, #tpu.memory_space<vmem_shared>>
      %dma_wait3A_86 = arith.constant 0 : i32
      %dma_wait3A_87 = arith.constant 0 : i32
      %dma_wait3A_88 = tpu.memref_slice %arg10[%dma_wait3A_86, %dma_wait3A_87] : memref<256x128xf32, #tpu.memory_space<vmem>> -> memref<128x128xf32, #tpu.memory_space<vmem>>
      tpu.wait_dma2 semaphore(%run_scoped3A : memref<!tpu.dma_semaphore, #tpu.memory_space<semaphore_mem>>) src(%dma_wait3A_88 : memref<128x128xf32, #tpu.memory_space<vmem>>) dst(%dma_wait3A_85 : memref<128x128xf32, #tpu.memory_space<vmem_shared>>)
      tpu.yield
    }) : () -> ()
    %add3A_14 = arith.constant 384 : i32
    %add3A_15 = arith.addi %mul3A_7, %add3A_14 : i32
    "tpu.region"() ({
      %run_scoped3A = tpu.sem_alloc : memref<!tpu.dma_semaphore, #tpu.memory_space<semaphore_mem>>
      %dma_start3A = arith.constant 0 : i32
      %dma_start3A_71 = arith.constant 0 : i32
      %dma_start3A_72 = tpu.memref_slice %arg10[%dma_start3A, %dma_start3A_71] : memref<256x128xf32, #tpu.memory_space<vmem>> -> memref<128x128xf32, #tpu.memory_space<vmem>>
      %dma_start3A_73 = arith.constant 0 : i32
      %dma_start3A_74 = tpu.memref_slice %arg6[%add3A_15, %dma_start3A_73] : memref<10112x128xf32, #tpu.memory_space<vmem_shared>> -> memref<128x128xf32, #tpu.memory_space<vmem_shared>>
      %dma_start3A_75 = arith.constant 0 : i32
      %dma_start3A_76 = tpu.memref_slice %arg6[%add3A_15, %dma_start3A_75] : memref<10112x128xf32, #tpu.memory_space<vmem_shared>> -> memref<128x128xf32, #tpu.memory_space<vmem_shared>>
      %dma_start3A_77 = arith.constant 0 : i32
      %dma_start3A_78 = arith.constant 0 : i32
      %dma_start3A_79 = tpu.memref_slice %arg10[%dma_start3A_77, %dma_start3A_78] : memref<256x128xf32, #tpu.memory_space<vmem>> -> memref<128x128xf32, #tpu.memory_space<vmem>>
      tpu.enqueue_dma source(%dma_start3A_79 : memref<128x128xf32, #tpu.memory_space<vmem>>) target(%dma_start3A_76 : memref<128x128xf32, #tpu.memory_space<vmem_shared>>) target_semaphore(%run_scoped3A : memref<!tpu.dma_semaphore, #tpu.memory_space<semaphore_mem>>)
      %dma_wait3A = arith.constant 0 : i32
      %dma_wait3A_80 = arith.constant 0 : i32
      %dma_wait3A_81 = tpu.memref_slice %arg10[%dma_wait3A, %dma_wait3A_80] : memref<256x128xf32, #tpu.memory_space<vmem>> -> memref<128x128xf32, #tpu.memory_space<vmem>>
      %dma_wait3A_82 = arith.constant 0 : i32
      %dma_wait3A_83 = tpu.memref_slice %arg6[%add3A_15, %dma_wait3A_82] : memref<10112x128xf32, #tpu.memory_space<vmem_shared>> -> memref<128x128xf32, #tpu.memory_space<vmem_shared>>
      %dma_wait3A_84 = arith.constant 0 : i32
      %dma_wait3A_85 = tpu.memref_slice %arg6[%add3A_15, %dma_wait3A_84] : memref<10112x128xf32, #tpu.memory_space<vmem_shared>> -> memref<128x128xf32, #tpu.memory_space<vmem_shared>>
      %dma_wait3A_86 = arith.constant 0 : i32
      %dma_wait3A_87 = arith.constant 0 : i32
      %dma_wait3A_88 = tpu.memref_slice %arg10[%dma_wait3A_86, %dma_wait3A_87] : memref<256x128xf32, #tpu.memory_space<vmem>> -> memref<128x128xf32, #tpu.memory_space<vmem>>
      tpu.wait_dma2 semaphore(%run_scoped3A : memref<!tpu.dma_semaphore, #tpu.memory_space<semaphore_mem>>) src(%dma_wait3A_88 : memref<128x128xf32, #tpu.memory_space<vmem>>) dst(%dma_wait3A_85 : memref<128x128xf32, #tpu.memory_space<vmem_shared>>)
      tpu.yield
    }) : () -> ()
    %add3A_16 = arith.constant 512 : i32
    %add3A_17 = arith.addi %mul3A_7, %add3A_16 : i32
    "tpu.region"() ({
      %run_scoped3A = tpu.sem_alloc : memref<!tpu.dma_semaphore, #tpu.memory_space<semaphore_mem>>
      %dma_start3A = arith.constant 0 : i32
      %dma_start3A_71 = arith.constant 0 : i32
      %dma_start3A_72 = tpu.memref_slice %arg10[%dma_start3A, %dma_start3A_71] : memref<256x128xf32, #tpu.memory_space<vmem>> -> memref<120x128xf32, #tpu.memory_space<vmem>>
      %dma_start3A_73 = arith.constant 0 : i32
      %dma_start3A_74 = tpu.memref_slice %arg6[%add3A_17, %dma_start3A_73] : memref<10112x128xf32, #tpu.memory_space<vmem_shared>> -> memref<120x128xf32, #tpu.memory_space<vmem_shared>>
      %dma_start3A_75 = arith.constant 0 : i32
      %dma_start3A_76 = tpu.memref_slice %arg6[%add3A_17, %dma_start3A_75] : memref<10112x128xf32, #tpu.memory_space<vmem_shared>> -> memref<120x128xf32, #tpu.memory_space<vmem_shared>>
      %dma_start3A_77 = arith.constant 0 : i32
      %dma_start3A_78 = arith.constant 0 : i32
      %dma_start3A_79 = tpu.memref_slice %arg10[%dma_start3A_77, %dma_start3A_78] : memref<256x128xf32, #tpu.memory_space<vmem>> -> memref<120x128xf32, #tpu.memory_space<vmem>>
      tpu.enqueue_dma source(%dma_start3A_79 : memref<120x128xf32, #tpu.memory_space<vmem>>) target(%dma_start3A_76 : memref<120x128xf32, #tpu.memory_space<vmem_shared>>) target_semaphore(%run_scoped3A : memref<!tpu.dma_semaphore, #tpu.memory_space<semaphore_mem>>)
      %dma_wait3A = arith.constant 0 : i32
      %dma_wait3A_80 = arith.constant 0 : i32
      %dma_wait3A_81 = tpu.memref_slice %arg10[%dma_wait3A, %dma_wait3A_80] : memref<256x128xf32, #tpu.memory_space<vmem>> -> memref<120x128xf32, #tpu.memory_space<vmem>>
      %dma_wait3A_82 = arith.constant 0 : i32
      %dma_wait3A_83 = tpu.memref_slice %arg6[%add3A_17, %dma_wait3A_82] : memref<10112x128xf32, #tpu.memory_space<vmem_shared>> -> memref<120x128xf32, #tpu.memory_space<vmem_shared>>
      %dma_wait3A_84 = arith.constant 0 : i32
      %dma_wait3A_85 = tpu.memref_slice %arg6[%add3A_17, %dma_wait3A_84] : memref<10112x128xf32, #tpu.memory_space<vmem_shared>> -> memref<120x128xf32, #tpu.memory_space<vmem_shared>>
      %dma_wait3A_86 = arith.constant 0 : i32
      %dma_wait3A_87 = arith.constant 0 : i32
      %dma_wait3A_88 = tpu.memref_slice %arg10[%dma_wait3A_86, %dma_wait3A_87] : memref<256x128xf32, #tpu.memory_space<vmem>> -> memref<120x128xf32, #tpu.memory_space<vmem>>
      tpu.wait_dma2 semaphore(%run_scoped3A : memref<!tpu.dma_semaphore, #tpu.memory_space<semaphore_mem>>) src(%dma_wait3A_88 : memref<120x128xf32, #tpu.memory_space<vmem>>) dst(%dma_wait3A_85 : memref<120x128xf32, #tpu.memory_space<vmem_shared>>)
      tpu.yield
    }) : () -> ()
    %barrier3A = arith.constant 0 : index
    tpu.barrier barrier_id(%barrier3A)
    %sub3A = arith.constant 1250 : i32
    %sub3A_18 = arith.subi %sub3A, %add3A : i32
    %add3A_19 = arith.constant 32 : i32
    %add3A_20 = arith.addi %sub3A_18, %add3A_19 : i32
    %sub3A_21 = arith.constant 1 : i32
    %sub3A_22 = arith.subi %add3A_20, %sub3A_21 : i32
    %jit3A = arith.constant 32 : i32
    %div3A = arith.divsi %sub3A_22, %jit3A : i32
    %sign3A = arith.constant 0 : i32
    %sign3A_23 = arith.cmpi sgt, %sub3A_22, %sign3A : i32
    %sign3A_24 = arith.extui %sign3A_23 : i1 to i32
    %sign3A_25 = arith.constant 0 : i32
    %sign3A_26 = arith.cmpi slt, %sub3A_22, %sign3A_25 : i32
    %sign3A_27 = arith.extui %sign3A_26 : i1 to i32
    %sign3A_28 = arith.subi %sign3A_24, %sign3A_27 : i32
    %sign3A_29 = arith.constant 0 : i32
    %sign3A_30 = arith.cmpi sgt, %jit3A, %sign3A_29 : i32
    %sign3A_31 = arith.extui %sign3A_30 : i1 to i32
    %sign3A_32 = arith.constant 0 : i32
    %sign3A_33 = arith.cmpi slt, %jit3A, %sign3A_32 : i32
    %sign3A_34 = arith.extui %sign3A_33 : i1 to i32
    %sign3A_35 = arith.subi %sign3A_31, %sign3A_34 : i32
    %ne3A = arith.cmpi ne, %sign3A_28, %sign3A_35 : i32
    %rem3A = arith.remsi %sub3A_22, %jit3A : i32
    %ne3A_36 = arith.constant 0 : i32
    %ne3A_37 = arith.cmpi ne, %rem3A, %ne3A_36 : i32
    %and3A = arith.andi %ne3A, %ne3A_37 : i1
    %sub3A_38 = arith.constant 1 : i32
    %sub3A_39 = arith.subi %div3A, %sub3A_38 : i32
    %select_n3A = arith.select %and3A, %sub3A_39, %div3A : i32
    %while3A = arith.constant 0 : i32
    %while3A_40 = arith.subi %select_n3A, %while3A : i32
    %while3A_41 = arith.addi %while3A, %while3A_40 : i32
    %while3A_42 = arith.constant 1 : i32
    %while3A_43 = arith.divsi %while3A_40, %while3A_42 : i32
    %while3A_44 = arith.muli %while3A_43, %while3A_42 : i32
    %while3A_45 = arith.addi %while3A, %while3A_44 : i32
    %while3A_46 = arith.constant 1 : i32
    scf.for %while3A_71 = %while3A to %while3A_45 step %while3A_46  : i32 {
      %mul3A_72 = arith.constant 32 : i32
      %mul3A_73 = arith.muli %while3A_71, %mul3A_72 : i32
      %add3A_74 = arith.addi %add3A, %mul3A_73 : i32
      %mul3A_75 = arith.constant 256 : i32
      %mul3A_76 = arith.muli %add3A_74, %mul3A_75 : i32
      %add3A_77 = arith.constant 0 : i32
      %add3A_78 = arith.addi %mul3A_76, %add3A_77 : i32
      %dma_start3A = tpu.memref_slice %arg4[%add3A_78] : memref<320000xi32, #tpu.memory_space<hbm>> -> memref<128xi32, #tpu.memory_space<hbm>>
      %dma_start3A_79 = tpu.memref_slice %arg4[%add3A_78] : memref<320000xi32, #tpu.memory_space<hbm>> -> memref<128xi32, #tpu.memory_space<hbm>>
      tpu.enqueue_dma source(%dma_start3A_79 : memref<128xi32, #tpu.memory_space<hbm>>) target(%arg8 : memref<128xi32, #tpu.memory_space<vmem>>) target_semaphore(%arg11 : memref<!tpu.dma_semaphore, #tpu.memory_space<semaphore_mem>>)
      %add3A_80 = arith.constant 128 : i32
      %add3A_81 = arith.addi %mul3A_76, %add3A_80 : i32
      %dma_start3A_82 = tpu.memref_slice %arg4[%add3A_81] : memref<320000xi32, #tpu.memory_space<hbm>> -> memref<128xi32, #tpu.memory_space<hbm>>
      %dma_start3A_83 = tpu.memref_slice %arg4[%add3A_81] : memref<320000xi32, #tpu.memory_space<hbm>> -> memref<128xi32, #tpu.memory_space<hbm>>
      tpu.enqueue_dma source(%dma_start3A_83 : memref<128xi32, #tpu.memory_space<hbm>>) target(%arg9 : memref<128xi32, #tpu.memory_space<vmem>>) target_semaphore(%arg12 : memref<!tpu.dma_semaphore, #tpu.memory_space<semaphore_mem>>)
      "tpu.region"() ({
        %run_scoped3A = tpu.sem_alloc : memref<!tpu.dma_semaphore, #tpu.memory_space<semaphore_mem>>
        %dma_start3A_147 = tpu.memref_slice %arg3[%mul3A_76] : memref<320000xi32, #tpu.memory_space<hbm>> -> memref<256xi32, #tpu.memory_space<hbm>>
        %dma_start3A_148 = tpu.memref_slice %arg3[%mul3A_76] : memref<320000xi32, #tpu.memory_space<hbm>> -> memref<256xi32, #tpu.memory_space<hbm>>
        tpu.enqueue_dma source(%dma_start3A_148 : memref<256xi32, #tpu.memory_space<hbm>>) target(%arg7 : memref<256xi32, #tpu.memory_space<vmem>>) target_semaphore(%run_scoped3A : memref<!tpu.dma_semaphore, #tpu.memory_space<semaphore_mem>>)
        %dma_wait3A_149 = tpu.memref_slice %arg3[%mul3A_76] : memref<320000xi32, #tpu.memory_space<hbm>> -> memref<256xi32, #tpu.memory_space<hbm>>
        %dma_wait3A_150 = tpu.memref_slice %arg3[%mul3A_76] : memref<320000xi32, #tpu.memory_space<hbm>> -> memref<256xi32, #tpu.memory_space<hbm>>
        tpu.wait_dma2 semaphore(%run_scoped3A : memref<!tpu.dma_semaphore, #tpu.memory_space<semaphore_mem>>) src(%dma_wait3A_150 : memref<256xi32, #tpu.memory_space<hbm>>) dst(%arg7 : memref<256xi32, #tpu.memory_space<vmem>>)
        tpu.yield
      }) : () -> ()
      %add3A_84 = arith.constant 0 : i32
      %add3A_85 = arith.addi %mul3A_76, %add3A_84 : i32
      %dma_wait3A = tpu.memref_slice %arg4[%add3A_85] : memref<320000xi32, #tpu.memory_space<hbm>> -> memref<128xi32, #tpu.memory_space<hbm>>
      %dma_wait3A_86 = tpu.memref_slice %arg4[%add3A_85] : memref<320000xi32, #tpu.memory_space<hbm>> -> memref<128xi32, #tpu.memory_space<hbm>>
      tpu.wait_dma2 semaphore(%arg11 : memref<!tpu.dma_semaphore, #tpu.memory_space<semaphore_mem>>) src(%dma_wait3A_86 : memref<128xi32, #tpu.memory_space<hbm>>) dst(%arg8 : memref<128xi32, #tpu.memory_space<vmem>>)
      %add3A_87 = arith.constant 128 : i32
      %add3A_88 = arith.addi %mul3A_76, %add3A_87 : i32
      %dma_wait3A_89 = tpu.memref_slice %arg4[%add3A_88] : memref<320000xi32, #tpu.memory_space<hbm>> -> memref<128xi32, #tpu.memory_space<hbm>>
      %dma_wait3A_90 = tpu.memref_slice %arg4[%add3A_88] : memref<320000xi32, #tpu.memory_space<hbm>> -> memref<128xi32, #tpu.memory_space<hbm>>
      tpu.wait_dma2 semaphore(%arg12 : memref<!tpu.dma_semaphore, #tpu.memory_space<semaphore_mem>>) src(%dma_wait3A_90 : memref<128xi32, #tpu.memory_space<hbm>>) dst(%arg9 : memref<128xi32, #tpu.memory_space<vmem>>)
      %dma_start3A_91 = arith.constant 0 : i32
      %dma_start3A_92 = arith.constant 0 : i32
      %dma_start3A_93 = tpu.memref_slice %arg10[%dma_start3A_91, %dma_start3A_92] : memref<256x128xf32, #tpu.memory_space<vmem>> -> memref<128x128xf32, #tpu.memory_space<vmem>>
      %dma_start3A_94 = arith.constant 0 : i32
      %dma_start3A_95 = tpu.memref_slice %arg7[%dma_start3A_94] : memref<256xi32, #tpu.memory_space<vmem>> -> memref<128xi32, #tpu.memory_space<vmem>>
      %dma_start3A_96 = arith.constant 0 : i32
      %dma_start3A_97 = arith.constant 0 : i32
      %dma_start3A_98 = tpu.memref_slice %arg2[%dma_start3A_96, %dma_start3A_97] : memref<10000x128xf32, #tpu.memory_space<hbm>> -> memref<10000x128xf32, #tpu.memory_space<hbm>>
      tpu.enqueue_indirect_dma source(%dma_start3A_98 : memref<10000x128xf32, #tpu.memory_space<hbm>>) target(%dma_start3A_93 : memref<128x128xf32, #tpu.memory_space<vmem>>) offsets(%dma_start3A_95 : memref<128xi32, #tpu.memory_space<vmem>>) semaphore(%arg13 : memref<!tpu.dma_semaphore, #tpu.memory_space<semaphore_mem>>)
      %dma_start3A_99 = arith.constant 128 : i32
      %dma_start3A_100 = arith.constant 0 : i32
      %dma_start3A_101 = tpu.memref_slice %arg10[%dma_start3A_99, %dma_start3A_100] : memref<256x128xf32, #tpu.memory_space<vmem>> -> memref<128x128xf32, #tpu.memory_space<vmem>>
      %dma_start3A_102 = arith.constant 128 : i32
      %dma_start3A_103 = tpu.memref_slice %arg7[%dma_start3A_102] : memref<256xi32, #tpu.memory_space<vmem>> -> memref<128xi32, #tpu.memory_space<vmem>>
      %dma_start3A_104 = arith.constant 0 : i32
      %dma_start3A_105 = arith.constant 0 : i32
      %dma_start3A_106 = tpu.memref_slice %arg2[%dma_start3A_104, %dma_start3A_105] : memref<10000x128xf32, #tpu.memory_space<hbm>> -> memref<10000x128xf32, #tpu.memory_space<hbm>>
      tpu.enqueue_indirect_dma source(%dma_start3A_106 : memref<10000x128xf32, #tpu.memory_space<hbm>>) target(%dma_start3A_101 : memref<128x128xf32, #tpu.memory_space<vmem>>) offsets(%dma_start3A_103 : memref<128xi32, #tpu.memory_space<vmem>>) semaphore(%arg14 : memref<!tpu.dma_semaphore, #tpu.memory_space<semaphore_mem>>)
      %dma_wait3A_107 = arith.constant 0 : i32
      %dma_wait3A_108 = arith.constant 0 : i32
      %dma_wait3A_109 = tpu.memref_slice %arg10[%dma_wait3A_107, %dma_wait3A_108] : memref<256x128xf32, #tpu.memory_space<vmem>> -> memref<128x128xf32, #tpu.memory_space<vmem>>
      %dma_wait3A_110 = arith.constant 0 : i32
      %dma_wait3A_111 = tpu.memref_slice %arg7[%dma_wait3A_110] : memref<256xi32, #tpu.memory_space<vmem>> -> memref<128xi32, #tpu.memory_space<vmem>>
      %dma_wait3A_112 = arith.constant 0 : i32
      %dma_wait3A_113 = arith.constant 0 : i32
      %dma_wait3A_114 = tpu.memref_slice %arg2[%dma_wait3A_112, %dma_wait3A_113] : memref<10000x128xf32, #tpu.memory_space<hbm>> -> memref<10000x128xf32, #tpu.memory_space<hbm>>
      tpu.wait_indirect_dma semaphore(%arg13 : memref<!tpu.dma_semaphore, #tpu.memory_space<semaphore_mem>>) src(%dma_wait3A_114 : memref<10000x128xf32, #tpu.memory_space<hbm>>) dst(%dma_wait3A_109 : memref<128x128xf32, #tpu.memory_space<vmem>>)
      %dma_wait3A_115 = arith.constant 128 : i32
      %dma_wait3A_116 = arith.constant 0 : i32
      %dma_wait3A_117 = tpu.memref_slice %arg10[%dma_wait3A_115, %dma_wait3A_116] : memref<256x128xf32, #tpu.memory_space<vmem>> -> memref<128x128xf32, #tpu.memory_space<vmem>>
      %dma_wait3A_118 = arith.constant 128 : i32
      %dma_wait3A_119 = tpu.memref_slice %arg7[%dma_wait3A_118] : memref<256xi32, #tpu.memory_space<vmem>> -> memref<128xi32, #tpu.memory_space<vmem>>
      %dma_wait3A_120 = arith.constant 0 : i32
      %dma_wait3A_121 = arith.constant 0 : i32
      %dma_wait3A_122 = tpu.memref_slice %arg2[%dma_wait3A_120, %dma_wait3A_121] : memref<10000x128xf32, #tpu.memory_space<hbm>> -> memref<10000x128xf32, #tpu.memory_space<hbm>>
      tpu.wait_indirect_dma semaphore(%arg14 : memref<!tpu.dma_semaphore, #tpu.memory_space<semaphore_mem>>) src(%dma_wait3A_122 : memref<10000x128xf32, #tpu.memory_space<hbm>>) dst(%dma_wait3A_117 : memref<128x128xf32, #tpu.memory_space<vmem>>)
      %dma_start3A_123 = arith.constant 0 : i32
      %dma_start3A_124 = arith.constant 0 : i32
      %dma_start3A_125 = tpu.memref_slice %arg10[%dma_start3A_123, %dma_start3A_124] : memref<256x128xf32, #tpu.memory_space<vmem>> -> memref<128x128xf32, #tpu.memory_space<vmem>>
      %dma_start3A_126 = arith.constant 0 : i32
      %dma_start3A_127 = arith.constant 0 : i32
      %dma_start3A_128 = tpu.memref_slice %arg6[%dma_start3A_126, %dma_start3A_127] : memref<10112x128xf32, #tpu.memory_space<vmem_shared>> -> memref<10112x128xf32, #tpu.memory_space<vmem_shared>>
      tpu.enqueue_indirect_dma source(%dma_start3A_125 : memref<128x128xf32, #tpu.memory_space<vmem>>) target(%dma_start3A_128 : memref<10112x128xf32, #tpu.memory_space<vmem_shared>>) offsets(%arg8 : memref<128xi32, #tpu.memory_space<vmem>>) semaphore(%arg15 : memref<!tpu.dma_semaphore, #tpu.memory_space<semaphore_mem>>) {add = true}
      %dma_start3A_129 = arith.constant 128 : i32
      %dma_start3A_130 = arith.constant 0 : i32
      %dma_start3A_131 = tpu.memref_slice %arg10[%dma_start3A_129, %dma_start3A_130] : memref<256x128xf32, #tpu.memory_space<vmem>> -> memref<128x128xf32, #tpu.memory_space<vmem>>
      %dma_start3A_132 = arith.constant 0 : i32
      %dma_start3A_133 = arith.constant 0 : i32
      %dma_start3A_134 = tpu.memref_slice %arg6[%dma_start3A_132, %dma_start3A_133] : memref<10112x128xf32, #tpu.memory_space<vmem_shared>> -> memref<10112x128xf32, #tpu.memory_space<vmem_shared>>
      tpu.enqueue_indirect_dma source(%dma_start3A_131 : memref<128x128xf32, #tpu.memory_space<vmem>>) target(%dma_start3A_134 : memref<10112x128xf32, #tpu.memory_space<vmem_shared>>) offsets(%arg9 : memref<128xi32, #tpu.memory_space<vmem>>) semaphore(%arg16 : memref<!tpu.dma_semaphore, #tpu.memory_space<semaphore_mem>>) {add = true}
      %dma_wait3A_135 = arith.constant 0 : i32
      %dma_wait3A_136 = arith.constant 0 : i32
      %dma_wait3A_137 = tpu.memref_slice %arg10[%dma_wait3A_135, %dma_wait3A_136] : memref<256x128xf32, #tpu.memory_space<vmem>> -> memref<128x128xf32, #tpu.memory_space<vmem>>
      %dma_wait3A_138 = arith.constant 0 : i32
      %dma_wait3A_139 = arith.constant 0 : i32
      %dma_wait3A_140 = tpu.memref_slice %arg6[%dma_wait3A_138, %dma_wait3A_139] : memref<10112x128xf32, #tpu.memory_space<vmem_shared>> -> memref<10112x128xf32, #tpu.memory_space<vmem_shared>>
      tpu.wait_indirect_dma semaphore(%arg15 : memref<!tpu.dma_semaphore, #tpu.memory_space<semaphore_mem>>) src(%dma_wait3A_137 : memref<128x128xf32, #tpu.memory_space<vmem>>) dst(%dma_wait3A_140 : memref<10112x128xf32, #tpu.memory_space<vmem_shared>>)
      %dma_wait3A_141 = arith.constant 128 : i32
      %dma_wait3A_142 = arith.constant 0 : i32
      %dma_wait3A_143 = tpu.memref_slice %arg10[%dma_wait3A_141, %dma_wait3A_142] : memref<256x128xf32, #tpu.memory_space<vmem>> -> memref<128x128xf32, #tpu.memory_space<vmem>>
      %dma_wait3A_144 = arith.constant 0 : i32
      %dma_wait3A_145 = arith.constant 0 : i32
      %dma_wait3A_146 = tpu.memref_slice %arg6[%dma_wait3A_144, %dma_wait3A_145] : memref<10112x128xf32, #tpu.memory_space<vmem_shared>> -> memref<10112x128xf32, #tpu.memory_space<vmem_shared>>
      tpu.wait_indirect_dma semaphore(%arg16 : memref<!tpu.dma_semaphore, #tpu.memory_space<semaphore_mem>>) src(%dma_wait3A_143 : memref<128x128xf32, #tpu.memory_space<vmem>>) dst(%dma_wait3A_146 : memref<10112x128xf32, #tpu.memory_space<vmem_shared>>)
    }
    %while3A_47 = arith.constant 1 : i32
    scf.for %while3A_71 = %while3A_45 to %while3A_41 step %while3A_47  : i32 {
      %mul3A_72 = arith.constant 32 : i32
      %mul3A_73 = arith.muli %while3A_71, %mul3A_72 : i32
      %add3A_74 = arith.addi %add3A, %mul3A_73 : i32
      %mul3A_75 = arith.constant 256 : i32
      %mul3A_76 = arith.muli %add3A_74, %mul3A_75 : i32
      %add3A_77 = arith.constant 0 : i32
      %add3A_78 = arith.addi %mul3A_76, %add3A_77 : i32
      %dma_start3A = tpu.memref_slice %arg4[%add3A_78] : memref<320000xi32, #tpu.memory_space<hbm>> -> memref<128xi32, #tpu.memory_space<hbm>>
      %dma_start3A_79 = tpu.memref_slice %arg4[%add3A_78] : memref<320000xi32, #tpu.memory_space<hbm>> -> memref<128xi32, #tpu.memory_space<hbm>>
      tpu.enqueue_dma source(%dma_start3A_79 : memref<128xi32, #tpu.memory_space<hbm>>) target(%arg8 : memref<128xi32, #tpu.memory_space<vmem>>) target_semaphore(%arg11 : memref<!tpu.dma_semaphore, #tpu.memory_space<semaphore_mem>>)
      %add3A_80 = arith.constant 128 : i32
      %add3A_81 = arith.addi %mul3A_76, %add3A_80 : i32
      %dma_start3A_82 = tpu.memref_slice %arg4[%add3A_81] : memref<320000xi32, #tpu.memory_space<hbm>> -> memref<128xi32, #tpu.memory_space<hbm>>
      %dma_start3A_83 = tpu.memref_slice %arg4[%add3A_81] : memref<320000xi32, #tpu.memory_space<hbm>> -> memref<128xi32, #tpu.memory_space<hbm>>
      tpu.enqueue_dma source(%dma_start3A_83 : memref<128xi32, #tpu.memory_space<hbm>>) target(%arg9 : memref<128xi32, #tpu.memory_space<vmem>>) target_semaphore(%arg12 : memref<!tpu.dma_semaphore, #tpu.memory_space<semaphore_mem>>)
      "tpu.region"() ({
        %run_scoped3A = tpu.sem_alloc : memref<!tpu.dma_semaphore, #tpu.memory_space<semaphore_mem>>
        %dma_start3A_147 = tpu.memref_slice %arg3[%mul3A_76] : memref<320000xi32, #tpu.memory_space<hbm>> -> memref<256xi32, #tpu.memory_space<hbm>>
        %dma_start3A_148 = tpu.memref_slice %arg3[%mul3A_76] : memref<320000xi32, #tpu.memory_space<hbm>> -> memref<256xi32, #tpu.memory_space<hbm>>
        tpu.enqueue_dma source(%dma_start3A_148 : memref<256xi32, #tpu.memory_space<hbm>>) target(%arg7 : memref<256xi32, #tpu.memory_space<vmem>>) target_semaphore(%run_scoped3A : memref<!tpu.dma_semaphore, #tpu.memory_space<semaphore_mem>>)
        %dma_wait3A_149 = tpu.memref_slice %arg3[%mul3A_76] : memref<320000xi32, #tpu.memory_space<hbm>> -> memref<256xi32, #tpu.memory_space<hbm>>
        %dma_wait3A_150 = tpu.memref_slice %arg3[%mul3A_76] : memref<320000xi32, #tpu.memory_space<hbm>> -> memref<256xi32, #tpu.memory_space<hbm>>
        tpu.wait_dma2 semaphore(%run_scoped3A : memref<!tpu.dma_semaphore, #tpu.memory_space<semaphore_mem>>) src(%dma_wait3A_150 : memref<256xi32, #tpu.memory_space<hbm>>) dst(%arg7 : memref<256xi32, #tpu.memory_space<vmem>>)
        tpu.yield
      }) : () -> ()
      %add3A_84 = arith.constant 0 : i32
      %add3A_85 = arith.addi %mul3A_76, %add3A_84 : i32
      %dma_wait3A = tpu.memref_slice %arg4[%add3A_85] : memref<320000xi32, #tpu.memory_space<hbm>> -> memref<128xi32, #tpu.memory_space<hbm>>
      %dma_wait3A_86 = tpu.memref_slice %arg4[%add3A_85] : memref<320000xi32, #tpu.memory_space<hbm>> -> memref<128xi32, #tpu.memory_space<hbm>>
      tpu.wait_dma2 semaphore(%arg11 : memref<!tpu.dma_semaphore, #tpu.memory_space<semaphore_mem>>) src(%dma_wait3A_86 : memref<128xi32, #tpu.memory_space<hbm>>) dst(%arg8 : memref<128xi32, #tpu.memory_space<vmem>>)
      %add3A_87 = arith.constant 128 : i32
      %add3A_88 = arith.addi %mul3A_76, %add3A_87 : i32
      %dma_wait3A_89 = tpu.memref_slice %arg4[%add3A_88] : memref<320000xi32, #tpu.memory_space<hbm>> -> memref<128xi32, #tpu.memory_space<hbm>>
      %dma_wait3A_90 = tpu.memref_slice %arg4[%add3A_88] : memref<320000xi32, #tpu.memory_space<hbm>> -> memref<128xi32, #tpu.memory_space<hbm>>
      tpu.wait_dma2 semaphore(%arg12 : memref<!tpu.dma_semaphore, #tpu.memory_space<semaphore_mem>>) src(%dma_wait3A_90 : memref<128xi32, #tpu.memory_space<hbm>>) dst(%arg9 : memref<128xi32, #tpu.memory_space<vmem>>)
      %dma_start3A_91 = arith.constant 0 : i32
      %dma_start3A_92 = arith.constant 0 : i32
      %dma_start3A_93 = tpu.memref_slice %arg10[%dma_start3A_91, %dma_start3A_92] : memref<256x128xf32, #tpu.memory_space<vmem>> -> memref<128x128xf32, #tpu.memory_space<vmem>>
      %dma_start3A_94 = arith.constant 0 : i32
      %dma_start3A_95 = tpu.memref_slice %arg7[%dma_start3A_94] : memref<256xi32, #tpu.memory_space<vmem>> -> memref<128xi32, #tpu.memory_space<vmem>>
      %dma_start3A_96 = arith.constant 0 : i32
      %dma_start3A_97 = arith.constant 0 : i32
      %dma_start3A_98 = tpu.memref_slice %arg2[%dma_start3A_96, %dma_start3A_97] : memref<10000x128xf32, #tpu.memory_space<hbm>> -> memref<10000x128xf32, #tpu.memory_space<hbm>>
      tpu.enqueue_indirect_dma source(%dma_start3A_98 : memref<10000x128xf32, #tpu.memory_space<hbm>>) target(%dma_start3A_93 : memref<128x128xf32, #tpu.memory_space<vmem>>) offsets(%dma_start3A_95 : memref<128xi32, #tpu.memory_space<vmem>>) semaphore(%arg13 : memref<!tpu.dma_semaphore, #tpu.memory_space<semaphore_mem>>)
      %dma_start3A_99 = arith.constant 128 : i32
      %dma_start3A_100 = arith.constant 0 : i32
      %dma_start3A_101 = tpu.memref_slice %arg10[%dma_start3A_99, %dma_start3A_100] : memref<256x128xf32, #tpu.memory_space<vmem>> -> memref<128x128xf32, #tpu.memory_space<vmem>>
      %dma_start3A_102 = arith.constant 128 : i32
      %dma_start3A_103 = tpu.memref_slice %arg7[%dma_start3A_102] : memref<256xi32, #tpu.memory_space<vmem>> -> memref<128xi32, #tpu.memory_space<vmem>>
      %dma_start3A_104 = arith.constant 0 : i32
      %dma_start3A_105 = arith.constant 0 : i32
      %dma_start3A_106 = tpu.memref_slice %arg2[%dma_start3A_104, %dma_start3A_105] : memref<10000x128xf32, #tpu.memory_space<hbm>> -> memref<10000x128xf32, #tpu.memory_space<hbm>>
      tpu.enqueue_indirect_dma source(%dma_start3A_106 : memref<10000x128xf32, #tpu.memory_space<hbm>>) target(%dma_start3A_101 : memref<128x128xf32, #tpu.memory_space<vmem>>) offsets(%dma_start3A_103 : memref<128xi32, #tpu.memory_space<vmem>>) semaphore(%arg14 : memref<!tpu.dma_semaphore, #tpu.memory_space<semaphore_mem>>)
      %dma_wait3A_107 = arith.constant 0 : i32
      %dma_wait3A_108 = arith.constant 0 : i32
      %dma_wait3A_109 = tpu.memref_slice %arg10[%dma_wait3A_107, %dma_wait3A_108] : memref<256x128xf32, #tpu.memory_space<vmem>> -> memref<128x128xf32, #tpu.memory_space<vmem>>
      %dma_wait3A_110 = arith.constant 0 : i32
      %dma_wait3A_111 = tpu.memref_slice %arg7[%dma_wait3A_110] : memref<256xi32, #tpu.memory_space<vmem>> -> memref<128xi32, #tpu.memory_space<vmem>>
      %dma_wait3A_112 = arith.constant 0 : i32
      %dma_wait3A_113 = arith.constant 0 : i32
      %dma_wait3A_114 = tpu.memref_slice %arg2[%dma_wait3A_112, %dma_wait3A_113] : memref<10000x128xf32, #tpu.memory_space<hbm>> -> memref<10000x128xf32, #tpu.memory_space<hbm>>
      tpu.wait_indirect_dma semaphore(%arg13 : memref<!tpu.dma_semaphore, #tpu.memory_space<semaphore_mem>>) src(%dma_wait3A_114 : memref<10000x128xf32, #tpu.memory_space<hbm>>) dst(%dma_wait3A_109 : memref<128x128xf32, #tpu.memory_space<vmem>>)
      %dma_wait3A_115 = arith.constant 128 : i32
      %dma_wait3A_116 = arith.constant 0 : i32
      %dma_wait3A_117 = tpu.memref_slice %arg10[%dma_wait3A_115, %dma_wait3A_116] : memref<256x128xf32, #tpu.memory_space<vmem>> -> memref<128x128xf32, #tpu.memory_space<vmem>>
      %dma_wait3A_118 = arith.constant 128 : i32
      %dma_wait3A_119 = tpu.memref_slice %arg7[%dma_wait3A_118] : memref<256xi32, #tpu.memory_space<vmem>> -> memref<128xi32, #tpu.memory_space<vmem>>
      %dma_wait3A_120 = arith.constant 0 : i32
      %dma_wait3A_121 = arith.constant 0 : i32
      %dma_wait3A_122 = tpu.memref_slice %arg2[%dma_wait3A_120, %dma_wait3A_121] : memref<10000x128xf32, #tpu.memory_space<hbm>> -> memref<10000x128xf32, #tpu.memory_space<hbm>>
      tpu.wait_indirect_dma semaphore(%arg14 : memref<!tpu.dma_semaphore, #tpu.memory_space<semaphore_mem>>) src(%dma_wait3A_122 : memref<10000x128xf32, #tpu.memory_space<hbm>>) dst(%dma_wait3A_117 : memref<128x128xf32, #tpu.memory_space<vmem>>)
      %dma_start3A_123 = arith.constant 0 : i32
      %dma_start3A_124 = arith.constant 0 : i32
      %dma_start3A_125 = tpu.memref_slice %arg10[%dma_start3A_123, %dma_start3A_124] : memref<256x128xf32, #tpu.memory_space<vmem>> -> memref<128x128xf32, #tpu.memory_space<vmem>>
      %dma_start3A_126 = arith.constant 0 : i32
      %dma_start3A_127 = arith.constant 0 : i32
      %dma_start3A_128 = tpu.memref_slice %arg6[%dma_start3A_126, %dma_start3A_127] : memref<10112x128xf32, #tpu.memory_space<vmem_shared>> -> memref<10112x128xf32, #tpu.memory_space<vmem_shared>>
      tpu.enqueue_indirect_dma source(%dma_start3A_125 : memref<128x128xf32, #tpu.memory_space<vmem>>) target(%dma_start3A_128 : memref<10112x128xf32, #tpu.memory_space<vmem_shared>>) offsets(%arg8 : memref<128xi32, #tpu.memory_space<vmem>>) semaphore(%arg15 : memref<!tpu.dma_semaphore, #tpu.memory_space<semaphore_mem>>) {add = true}
      %dma_start3A_129 = arith.constant 128 : i32
      %dma_start3A_130 = arith.constant 0 : i32
      %dma_start3A_131 = tpu.memref_slice %arg10[%dma_start3A_129, %dma_start3A_130] : memref<256x128xf32, #tpu.memory_space<vmem>> -> memref<128x128xf32, #tpu.memory_space<vmem>>
      %dma_start3A_132 = arith.constant 0 : i32
      %dma_start3A_133 = arith.constant 0 : i32
      %dma_start3A_134 = tpu.memref_slice %arg6[%dma_start3A_132, %dma_start3A_133] : memref<10112x128xf32, #tpu.memory_space<vmem_shared>> -> memref<10112x128xf32, #tpu.memory_space<vmem_shared>>
      tpu.enqueue_indirect_dma source(%dma_start3A_131 : memref<128x128xf32, #tpu.memory_space<vmem>>) target(%dma_start3A_134 : memref<10112x128xf32, #tpu.memory_space<vmem_shared>>) offsets(%arg9 : memref<128xi32, #tpu.memory_space<vmem>>) semaphore(%arg16 : memref<!tpu.dma_semaphore, #tpu.memory_space<semaphore_mem>>) {add = true}
      %dma_wait3A_135 = arith.constant 0 : i32
      %dma_wait3A_136 = arith.constant 0 : i32
      %dma_wait3A_137 = tpu.memref_slice %arg10[%dma_wait3A_135, %dma_wait3A_136] : memref<256x128xf32, #tpu.memory_space<vmem>> -> memref<128x128xf32, #tpu.memory_space<vmem>>
      %dma_wait3A_138 = arith.constant 0 : i32
      %dma_wait3A_139 = arith.constant 0 : i32
      %dma_wait3A_140 = tpu.memref_slice %arg6[%dma_wait3A_138, %dma_wait3A_139] : memref<10112x128xf32, #tpu.memory_space<vmem_shared>> -> memref<10112x128xf32, #tpu.memory_space<vmem_shared>>
      tpu.wait_indirect_dma semaphore(%arg15 : memref<!tpu.dma_semaphore, #tpu.memory_space<semaphore_mem>>) src(%dma_wait3A_137 : memref<128x128xf32, #tpu.memory_space<vmem>>) dst(%dma_wait3A_140 : memref<10112x128xf32, #tpu.memory_space<vmem_shared>>)
      %dma_wait3A_141 = arith.constant 128 : i32
      %dma_wait3A_142 = arith.constant 0 : i32
      %dma_wait3A_143 = tpu.memref_slice %arg10[%dma_wait3A_141, %dma_wait3A_142] : memref<256x128xf32, #tpu.memory_space<vmem>> -> memref<128x128xf32, #tpu.memory_space<vmem>>
      %dma_wait3A_144 = arith.constant 0 : i32
      %dma_wait3A_145 = arith.constant 0 : i32
      %dma_wait3A_146 = tpu.memref_slice %arg6[%dma_wait3A_144, %dma_wait3A_145] : memref<10112x128xf32, #tpu.memory_space<vmem_shared>> -> memref<10112x128xf32, #tpu.memory_space<vmem_shared>>
      tpu.wait_indirect_dma semaphore(%arg16 : memref<!tpu.dma_semaphore, #tpu.memory_space<semaphore_mem>>) src(%dma_wait3A_143 : memref<128x128xf32, #tpu.memory_space<vmem>>) dst(%dma_wait3A_146 : memref<10112x128xf32, #tpu.memory_space<vmem_shared>>)
    }
    %barrier3A_48 = arith.constant 0 : index
    tpu.barrier barrier_id(%barrier3A_48)
    %mul3A_49 = arith.constant 632 : i32
    %mul3A_50 = arith.muli %arg1, %mul3A_49 : i32
    %add3A_51 = arith.constant 0 : i32
    %add3A_52 = arith.addi %mul3A_50, %add3A_51 : i32
    %add3A_53 = arith.constant 0 : i32
    %add3A_54 = arith.addi %mul3A_50, %add3A_53 : i32
    "tpu.region"() ({
      %run_scoped3A = tpu.sem_alloc : memref<!tpu.dma_semaphore, #tpu.memory_space<semaphore_mem>>
      %dma_start3A = arith.constant 0 : i32
      %dma_start3A_71 = tpu.memref_slice %arg5[%arg0, %add3A_54, %dma_start3A] : memref<2x10112x128xf32, #tpu.memory_space<hbm>> -> memref<1x128x128xf32, #tpu.memory_space<hbm>>
      %dma_start3A_72 = tpu.memref_squeeze %dma_start3A_71 : memref<1x128x128xf32, #tpu.memory_space<hbm>> -> memref<128x128xf32, #tpu.memory_space<hbm>>
      %dma_start3A_73 = arith.constant 0 : i32
      %dma_start3A_74 = tpu.memref_slice %arg6[%add3A_52, %dma_start3A_73] : memref<10112x128xf32, #tpu.memory_space<vmem_shared>> -> memref<128x128xf32, #tpu.memory_space<vmem_shared>>
      tpu.enqueue_dma source(%dma_start3A_74 : memref<128x128xf32, #tpu.memory_space<vmem_shared>>) target(%dma_start3A_72 : memref<128x128xf32, #tpu.memory_space<hbm>>) target_semaphore(%run_scoped3A : memref<!tpu.dma_semaphore, #tpu.memory_space<semaphore_mem>>)
      %dma_wait3A = arith.constant 0 : i32
      %dma_wait3A_75 = tpu.memref_slice %arg5[%arg0, %add3A_54, %dma_wait3A] : memref<2x10112x128xf32, #tpu.memory_space<hbm>> -> memref<1x128x128xf32, #tpu.memory_space<hbm>>
      %dma_wait3A_76 = tpu.memref_squeeze %dma_wait3A_75 : memref<1x128x128xf32, #tpu.memory_space<hbm>> -> memref<128x128xf32, #tpu.memory_space<hbm>>
      %dma_wait3A_77 = arith.constant 0 : i32
      %dma_wait3A_78 = tpu.memref_slice %arg6[%add3A_52, %dma_wait3A_77] : memref<10112x128xf32, #tpu.memory_space<vmem_shared>> -> memref<128x128xf32, #tpu.memory_space<vmem_shared>>
      tpu.wait_dma2 semaphore(%run_scoped3A : memref<!tpu.dma_semaphore, #tpu.memory_space<semaphore_mem>>) src(%dma_wait3A_78 : memref<128x128xf32, #tpu.memory_space<vmem_shared>>) dst(%dma_wait3A_76 : memref<128x128xf32, #tpu.memory_space<hbm>>)
      tpu.yield
    }) : () -> ()
    %add3A_55 = arith.constant 128 : i32
    %add3A_56 = arith.addi %mul3A_50, %add3A_55 : i32
    %add3A_57 = arith.constant 128 : i32
    %add3A_58 = arith.addi %mul3A_50, %add3A_57 : i32
    "tpu.region"() ({
      %run_scoped3A = tpu.sem_alloc : memref<!tpu.dma_semaphore, #tpu.memory_space<semaphore_mem>>
      %dma_start3A = arith.constant 0 : i32
      %dma_start3A_71 = tpu.memref_slice %arg5[%arg0, %add3A_58, %dma_start3A] : memref<2x10112x128xf32, #tpu.memory_space<hbm>> -> memref<1x128x128xf32, #tpu.memory_space<hbm>>
      %dma_start3A_72 = tpu.memref_squeeze %dma_start3A_71 : memref<1x128x128xf32, #tpu.memory_space<hbm>> -> memref<128x128xf32, #tpu.memory_space<hbm>>
      %dma_start3A_73 = arith.constant 0 : i32
      %dma_start3A_74 = tpu.memref_slice %arg6[%add3A_56, %dma_start3A_73] : memref<10112x128xf32, #tpu.memory_space<vmem_shared>> -> memref<128x128xf32, #tpu.memory_space<vmem_shared>>
      tpu.enqueue_dma source(%dma_start3A_74 : memref<128x128xf32, #tpu.memory_space<vmem_shared>>) target(%dma_start3A_72 : memref<128x128xf32, #tpu.memory_space<hbm>>) target_semaphore(%run_scoped3A : memref<!tpu.dma_semaphore, #tpu.memory_space<semaphore_mem>>)
      %dma_wait3A = arith.constant 0 : i32
      %dma_wait3A_75 = tpu.memref_slice %arg5[%arg0, %add3A_58, %dma_wait3A] : memref<2x10112x128xf32, #tpu.memory_space<hbm>> -> memref<1x128x128xf32, #tpu.memory_space<hbm>>
      %dma_wait3A_76 = tpu.memref_squeeze %dma_wait3A_75 : memref<1x128x128xf32, #tpu.memory_space<hbm>> -> memref<128x128xf32, #tpu.memory_space<hbm>>
      %dma_wait3A_77 = arith.constant 0 : i32
      %dma_wait3A_78 = tpu.memref_slice %arg6[%add3A_56, %dma_wait3A_77] : memref<10112x128xf32, #tpu.memory_space<vmem_shared>> -> memref<128x128xf32, #tpu.memory_space<vmem_shared>>
      tpu.wait_dma2 semaphore(%run_scoped3A : memref<!tpu.dma_semaphore, #tpu.memory_space<semaphore_mem>>) src(%dma_wait3A_78 : memref<128x128xf32, #tpu.memory_space<vmem_shared>>) dst(%dma_wait3A_76 : memref<128x128xf32, #tpu.memory_space<hbm>>)
      tpu.yield
    }) : () -> ()
    %add3A_59 = arith.constant 256 : i32
    %add3A_60 = arith.addi %mul3A_50, %add3A_59 : i32
    %add3A_61 = arith.constant 256 : i32
    %add3A_62 = arith.addi %mul3A_50, %add3A_61 : i32
    "tpu.region"() ({
      %run_scoped3A = tpu.sem_alloc : memref<!tpu.dma_semaphore, #tpu.memory_space<semaphore_mem>>
      %dma_start3A = arith.constant 0 : i32
      %dma_start3A_71 = tpu.memref_slice %arg5[%arg0, %add3A_62, %dma_start3A] : memref<2x10112x128xf32, #tpu.memory_space<hbm>> -> memref<1x128x128xf32, #tpu.memory_space<hbm>>
      %dma_start3A_72 = tpu.memref_squeeze %dma_start3A_71 : memref<1x128x128xf32, #tpu.memory_space<hbm>> -> memref<128x128xf32, #tpu.memory_space<hbm>>
      %dma_start3A_73 = arith.constant 0 : i32
      %dma_start3A_74 = tpu.memref_slice %arg6[%add3A_60, %dma_start3A_73] : memref<10112x128xf32, #tpu.memory_space<vmem_shared>> -> memref<128x128xf32, #tpu.memory_space<vmem_shared>>
      tpu.enqueue_dma source(%dma_start3A_74 : memref<128x128xf32, #tpu.memory_space<vmem_shared>>) target(%dma_start3A_72 : memref<128x128xf32, #tpu.memory_space<hbm>>) target_semaphore(%run_scoped3A : memref<!tpu.dma_semaphore, #tpu.memory_space<semaphore_mem>>)
      %dma_wait3A = arith.constant 0 : i32
      %dma_wait3A_75 = tpu.memref_slice %arg5[%arg0, %add3A_62, %dma_wait3A] : memref<2x10112x128xf32, #tpu.memory_space<hbm>> -> memref<1x128x128xf32, #tpu.memory_space<hbm>>
      %dma_wait3A_76 = tpu.memref_squeeze %dma_wait3A_75 : memref<1x128x128xf32, #tpu.memory_space<hbm>> -> memref<128x128xf32, #tpu.memory_space<hbm>>
      %dma_wait3A_77 = arith.constant 0 : i32
      %dma_wait3A_78 = tpu.memref_slice %arg6[%add3A_60, %dma_wait3A_77] : memref<10112x128xf32, #tpu.memory_space<vmem_shared>> -> memref<128x128xf32, #tpu.memory_space<vmem_shared>>
      tpu.wait_dma2 semaphore(%run_scoped3A : memref<!tpu.dma_semaphore, #tpu.memory_space<semaphore_mem>>) src(%dma_wait3A_78 : memref<128x128xf32, #tpu.memory_space<vmem_shared>>) dst(%dma_wait3A_76 : memref<128x128xf32, #tpu.memory_space<hbm>>)
      tpu.yield
    }) : () -> ()
    %add3A_63 = arith.constant 384 : i32
    %add3A_64 = arith.addi %mul3A_50, %add3A_63 : i32
    %add3A_65 = arith.constant 384 : i32
    %add3A_66 = arith.addi %mul3A_50, %add3A_65 : i32
    "tpu.region"() ({
      %run_scoped3A = tpu.sem_alloc : memref<!tpu.dma_semaphore, #tpu.memory_space<semaphore_mem>>
      %dma_start3A = arith.constant 0 : i32
      %dma_start3A_71 = tpu.memref_slice %arg5[%arg0, %add3A_66, %dma_start3A] : memref<2x10112x128xf32, #tpu.memory_space<hbm>> -> memref<1x128x128xf32, #tpu.memory_space<hbm>>
      %dma_start3A_72 = tpu.memref_squeeze %dma_start3A_71 : memref<1x128x128xf32, #tpu.memory_space<hbm>> -> memref<128x128xf32, #tpu.memory_space<hbm>>
      %dma_start3A_73 = arith.constant 0 : i32
      %dma_start3A_74 = tpu.memref_slice %arg6[%add3A_64, %dma_start3A_73] : memref<10112x128xf32, #tpu.memory_space<vmem_shared>> -> memref<128x128xf32, #tpu.memory_space<vmem_shared>>
      tpu.enqueue_dma source(%dma_start3A_74 : memref<128x128xf32, #tpu.memory_space<vmem_shared>>) target(%dma_start3A_72 : memref<128x128xf32, #tpu.memory_space<hbm>>) target_semaphore(%run_scoped3A : memref<!tpu.dma_semaphore, #tpu.memory_space<semaphore_mem>>)
      %dma_wait3A = arith.constant 0 : i32
      %dma_wait3A_75 = tpu.memref_slice %arg5[%arg0, %add3A_66, %dma_wait3A] : memref<2x10112x128xf32, #tpu.memory_space<hbm>> -> memref<1x128x128xf32, #tpu.memory_space<hbm>>
      %dma_wait3A_76 = tpu.memref_squeeze %dma_wait3A_75 : memref<1x128x128xf32, #tpu.memory_space<hbm>> -> memref<128x128xf32, #tpu.memory_space<hbm>>
      %dma_wait3A_77 = arith.constant 0 : i32
      %dma_wait3A_78 = tpu.memref_slice %arg6[%add3A_64, %dma_wait3A_77] : memref<10112x128xf32, #tpu.memory_space<vmem_shared>> -> memref<128x128xf32, #tpu.memory_space<vmem_shared>>
      tpu.wait_dma2 semaphore(%run_scoped3A : memref<!tpu.dma_semaphore, #tpu.memory_space<semaphore_mem>>) src(%dma_wait3A_78 : memref<128x128xf32, #tpu.memory_space<vmem_shared>>) dst(%dma_wait3A_76 : memref<128x128xf32, #tpu.memory_space<hbm>>)
      tpu.yield
    }) : () -> ()
    %add3A_67 = arith.constant 512 : i32
    %add3A_68 = arith.addi %mul3A_50, %add3A_67 : i32
    %add3A_69 = arith.constant 512 : i32
    %add3A_70 = arith.addi %mul3A_50, %add3A_69 : i32
    "tpu.region"() ({
      %run_scoped3A = tpu.sem_alloc : memref<!tpu.dma_semaphore, #tpu.memory_space<semaphore_mem>>
      %dma_start3A = arith.constant 0 : i32
      %dma_start3A_71 = tpu.memref_slice %arg5[%arg0, %add3A_70, %dma_start3A] : memref<2x10112x128xf32, #tpu.memory_space<hbm>> -> memref<1x120x128xf32, #tpu.memory_space<hbm>>
      %dma_start3A_72 = tpu.memref_squeeze %dma_start3A_71 : memref<1x120x128xf32, #tpu.memory_space<hbm>> -> memref<120x128xf32, #tpu.memory_space<hbm>>
      %dma_start3A_73 = arith.constant 0 : i32
      %dma_start3A_74 = tpu.memref_slice %arg6[%add3A_68, %dma_start3A_73] : memref<10112x128xf32, #tpu.memory_space<vmem_shared>> -> memref<120x128xf32, #tpu.memory_space<vmem_shared>>
      tpu.enqueue_dma source(%dma_start3A_74 : memref<120x128xf32, #tpu.memory_space<vmem_shared>>) target(%dma_start3A_72 : memref<120x128xf32, #tpu.memory_space<hbm>>) target_semaphore(%run_scoped3A : memref<!tpu.dma_semaphore, #tpu.memory_space<semaphore_mem>>)
      %dma_wait3A = arith.constant 0 : i32
      %dma_wait3A_75 = tpu.memref_slice %arg5[%arg0, %add3A_70, %dma_wait3A] : memref<2x10112x128xf32, #tpu.memory_space<hbm>> -> memref<1x120x128xf32, #tpu.memory_space<hbm>>
      %dma_wait3A_76 = tpu.memref_squeeze %dma_wait3A_75 : memref<1x120x128xf32, #tpu.memory_space<hbm>> -> memref<120x128xf32, #tpu.memory_space<hbm>>
      %dma_wait3A_77 = arith.constant 0 : i32
      %dma_wait3A_78 = tpu.memref_slice %arg6[%add3A_68, %dma_wait3A_77] : memref<10112x128xf32, #tpu.memory_space<vmem_shared>> -> memref<120x128xf32, #tpu.memory_space<vmem_shared>>
      tpu.wait_dma2 semaphore(%run_scoped3A : memref<!tpu.dma_semaphore, #tpu.memory_space<semaphore_mem>>) src(%dma_wait3A_78 : memref<120x128xf32, #tpu.memory_space<vmem_shared>>) dst(%dma_wait3A_76 : memref<120x128xf32, #tpu.memory_space<hbm>>)
      tpu.yield
    }) : () -> ()
    return
  }
}

#map = affine_map<(d0, d1) -> (0, 0)>
#map1 = affine_map<(d0, d1) -> (0)>
#map2 = affine_map<(d0, d1) -> (0, 0, 0)>
module attributes {stable_mosaic.version = 14 : i64} {
  func.func @k(%arg0: i32, %arg1: i32, %arg2: memref<2000x128xf32, #tpu.memory_space<hbm>>, %arg3: memref<2000x128xf32, #tpu.memory_space<hbm>>, %arg4: memref<64000xi32, #tpu.memory_space<hbm>>, %arg5: memref<64000xi32, #tpu.memory_space<hbm>>, %arg6: memref<2x2048x128xf32, #tpu.memory_space<hbm>>, %arg7: memref<2048x128xf32, #tpu.memory_space<vmem_shared>>, %arg8: memref<256xi32, #tpu.memory_space<vmem>>, %arg9: memref<128xi32, #tpu.memory_space<vmem>>, %arg10: memref<128xi32, #tpu.memory_space<vmem>>, %arg11: memref<256x128xf32, #tpu.memory_space<vmem>>, %arg12: memref<256x128xf32, #tpu.memory_space<vmem>>, %arg13: memref<!tpu.dma_semaphore, #tpu.memory_space<semaphore_mem>>, %arg14: memref<!tpu.dma_semaphore, #tpu.memory_space<semaphore_mem>>, %arg15: memref<!tpu.dma_semaphore, #tpu.memory_space<semaphore_mem>>, %arg16: memref<!tpu.dma_semaphore, #tpu.memory_space<semaphore_mem>>, %arg17: memref<!tpu.dma_semaphore, #tpu.memory_space<semaphore_mem>>, %arg18: memref<!tpu.dma_semaphore, #tpu.memory_space<semaphore_mem>>, %arg19: memref<!tpu.dma_semaphore, #tpu.memory_space<semaphore_mem>>, %arg20: memref<!tpu.dma_semaphore, #tpu.memory_space<semaphore_mem>>) attributes {dimension_semantics = [#tpu.dimension_semantics<core_parallel>, #tpu.dimension_semantics<subcore_parallel>], iteration_bounds = array<i64: 2, 16>, scalar_prefetch = 0 : i64, scratch_operands = 14 : i64, tpu.core_type = #tpu.core_type<sc_vector_subcore>, window_params = [{transform_indices = #map}, {transform_indices = #map}, {transform_indices = #map1}, {transform_indices = #map1}, {transform_indices = #map2}]} {
    %mul3A = arith.constant 2 : i32
    %mul3A_0 = arith.muli %arg1, %mul3A : i32
    %add3A = arith.addi %mul3A_0, %arg0 : i32
    %broadcast_in_dim3A = arith.constant 0.000000e+00 : f32
    %broadcast_in_dim3A_1 = vector.broadcast %broadcast_in_dim3A : f32 to vector<16xf32>
    %scan3A = arith.constant 0 : i32
    %scan3A_2 = arith.constant 128 : i32
    %scan3A_3 = arith.addi %scan3A, %scan3A_2 : i32
    %scan3A_4 = arith.constant 1 : i32
    scf.for %scan3A_47 = %scan3A to %scan3A_3 step %scan3A_4  : i32 {
      %swap3A = arith.index_cast %scan3A_47 : i32 to index
      %swap3A_48 = arith.constant 0 : index
      %swap3A_49 = tpu.vector_load %arg11[%swap3A, %swap3A_48] {strides = array<i32>} : memref<256x128xf32, #tpu.memory_space<vmem>>, vector<1x16xf32>,
      %swap3A_50 = vector.shape_cast %swap3A_49 : vector<1x16xf32> to vector<16xf32>
      %swap3A_51 = vector.shape_cast %broadcast_in_dim3A_1 : vector<16xf32> to vector<1x16xf32>
      tpu.vector_store %arg11[%swap3A, %swap3A_48], %swap3A_51 {strides = array<i32>} : memref<256x128xf32, #tpu.memory_space<vmem>>, vector<1x16xf32>,
      %swap3A_52 = arith.index_cast %scan3A_47 : i32 to index
      %swap3A_53 = arith.constant 16 : index
      %swap3A_54 = tpu.vector_load %arg11[%swap3A_52, %swap3A_53] {strides = array<i32>} : memref<256x128xf32, #tpu.memory_space<vmem>>, vector<1x16xf32>,
      %swap3A_55 = vector.shape_cast %swap3A_54 : vector<1x16xf32> to vector<16xf32>
      %swap3A_56 = vector.shape_cast %broadcast_in_dim3A_1 : vector<16xf32> to vector<1x16xf32>
      tpu.vector_store %arg11[%swap3A_52, %swap3A_53], %swap3A_56 {strides = array<i32>} : memref<256x128xf32, #tpu.memory_space<vmem>>, vector<1x16xf32>,
      %swap3A_57 = arith.index_cast %scan3A_47 : i32 to index
      %swap3A_58 = arith.constant 32 : index
      %swap3A_59 = tpu.vector_load %arg11[%swap3A_57, %swap3A_58] {strides = array<i32>} : memref<256x128xf32, #tpu.memory_space<vmem>>, vector<1x16xf32>,
      %swap3A_60 = vector.shape_cast %swap3A_59 : vector<1x16xf32> to vector<16xf32>
      %swap3A_61 = vector.shape_cast %broadcast_in_dim3A_1 : vector<16xf32> to vector<1x16xf32>
      tpu.vector_store %arg11[%swap3A_57, %swap3A_58], %swap3A_61 {strides = array<i32>} : memref<256x128xf32, #tpu.memory_space<vmem>>, vector<1x16xf32>,
      %swap3A_62 = arith.index_cast %scan3A_47 : i32 to index
      %swap3A_63 = arith.constant 48 : index
      %swap3A_64 = tpu.vector_load %arg11[%swap3A_62, %swap3A_63] {strides = array<i32>} : memref<256x128xf32, #tpu.memory_space<vmem>>, vector<1x16xf32>,
      %swap3A_65 = vector.shape_cast %swap3A_64 : vector<1x16xf32> to vector<16xf32>
      %swap3A_66 = vector.shape_cast %broadcast_in_dim3A_1 : vector<16xf32> to vector<1x16xf32>
      tpu.vector_store %arg11[%swap3A_62, %swap3A_63], %swap3A_66 {strides = array<i32>} : memref<256x128xf32, #tpu.memory_space<vmem>>, vector<1x16xf32>,
      %swap3A_67 = arith.index_cast %scan3A_47 : i32 to index
      %swap3A_68 = arith.constant 64 : index
      %swap3A_69 = tpu.vector_load %arg11[%swap3A_67, %swap3A_68] {strides = array<i32>} : memref<256x128xf32, #tpu.memory_space<vmem>>, vector<1x16xf32>,
      %swap3A_70 = vector.shape_cast %swap3A_69 : vector<1x16xf32> to vector<16xf32>
      %swap3A_71 = vector.shape_cast %broadcast_in_dim3A_1 : vector<16xf32> to vector<1x16xf32>
      tpu.vector_store %arg11[%swap3A_67, %swap3A_68], %swap3A_71 {strides = array<i32>} : memref<256x128xf32, #tpu.memory_space<vmem>>, vector<1x16xf32>,
      %swap3A_72 = arith.index_cast %scan3A_47 : i32 to index
      %swap3A_73 = arith.constant 80 : index
      %swap3A_74 = tpu.vector_load %arg11[%swap3A_72, %swap3A_73] {strides = array<i32>} : memref<256x128xf32, #tpu.memory_space<vmem>>, vector<1x16xf32>,
      %swap3A_75 = vector.shape_cast %swap3A_74 : vector<1x16xf32> to vector<16xf32>
      %swap3A_76 = vector.shape_cast %broadcast_in_dim3A_1 : vector<16xf32> to vector<1x16xf32>
      tpu.vector_store %arg11[%swap3A_72, %swap3A_73], %swap3A_76 {strides = array<i32>} : memref<256x128xf32, #tpu.memory_space<vmem>>, vector<1x16xf32>,
      %swap3A_77 = arith.index_cast %scan3A_47 : i32 to index
      %swap3A_78 = arith.constant 96 : index
      %swap3A_79 = tpu.vector_load %arg11[%swap3A_77, %swap3A_78] {strides = array<i32>} : memref<256x128xf32, #tpu.memory_space<vmem>>, vector<1x16xf32>,
      %swap3A_80 = vector.shape_cast %swap3A_79 : vector<1x16xf32> to vector<16xf32>
      %swap3A_81 = vector.shape_cast %broadcast_in_dim3A_1 : vector<16xf32> to vector<1x16xf32>
      tpu.vector_store %arg11[%swap3A_77, %swap3A_78], %swap3A_81 {strides = array<i32>} : memref<256x128xf32, #tpu.memory_space<vmem>>, vector<1x16xf32>,
      %swap3A_82 = arith.index_cast %scan3A_47 : i32 to index
      %swap3A_83 = arith.constant 112 : index
      %swap3A_84 = tpu.vector_load %arg11[%swap3A_82, %swap3A_83] {strides = array<i32>} : memref<256x128xf32, #tpu.memory_space<vmem>>, vector<1x16xf32>,
      %swap3A_85 = vector.shape_cast %swap3A_84 : vector<1x16xf32> to vector<16xf32>
      %swap3A_86 = vector.shape_cast %broadcast_in_dim3A_1 : vector<16xf32> to vector<1x16xf32>
      tpu.vector_store %arg11[%swap3A_82, %swap3A_83], %swap3A_86 {strides = array<i32>} : memref<256x128xf32, #tpu.memory_space<vmem>>, vector<1x16xf32>,
    }
    %scan3A_5 = arith.constant 128 : i32
    %mul3A_6 = arith.constant 128 : i32
    %mul3A_7 = arith.muli %arg1, %mul3A_6 : i32
    %add3A_8 = arith.constant 0 : i32
    %add3A_9 = arith.addi %mul3A_7, %add3A_8 : i32
    "tpu.region"() ({
      %run_scoped3A = tpu.sem_alloc : memref<!tpu.dma_semaphore, #tpu.memory_space<semaphore_mem>>
      %dma_start3A = arith.constant 0 : i32
      %dma_start3A_47 = arith.constant 0 : i32
      %dma_start3A_48 = tpu.memref_slice %arg11[%dma_start3A, %dma_start3A_47] : memref<256x128xf32, #tpu.memory_space<vmem>> -> memref<128x128xf32, #tpu.memory_space<vmem>>
      %dma_start3A_49 = arith.constant 0 : i32
      %dma_start3A_50 = tpu.memref_slice %arg7[%add3A_9, %dma_start3A_49] : memref<2048x128xf32, #tpu.memory_space<vmem_shared>> -> memref<128x128xf32, #tpu.memory_space<vmem_shared>>
      %dma_start3A_51 = arith.constant 0 : i32
      %dma_start3A_52 = tpu.memref_slice %arg7[%add3A_9, %dma_start3A_51] : memref<2048x128xf32, #tpu.memory_space<vmem_shared>> -> memref<128x128xf32, #tpu.memory_space<vmem_shared>>
      %dma_start3A_53 = arith.constant 0 : i32
      %dma_start3A_54 = arith.constant 0 : i32
      %dma_start3A_55 = tpu.memref_slice %arg11[%dma_start3A_53, %dma_start3A_54] : memref<256x128xf32, #tpu.memory_space<vmem>> -> memref<128x128xf32, #tpu.memory_space<vmem>>
      tpu.enqueue_dma source(%dma_start3A_55 : memref<128x128xf32, #tpu.memory_space<vmem>>) target(%dma_start3A_52 : memref<128x128xf32, #tpu.memory_space<vmem_shared>>) target_semaphore(%run_scoped3A : memref<!tpu.dma_semaphore, #tpu.memory_space<semaphore_mem>>)
      %dma_wait3A = arith.constant 0 : i32
      %dma_wait3A_56 = arith.constant 0 : i32
      %dma_wait3A_57 = tpu.memref_slice %arg11[%dma_wait3A, %dma_wait3A_56] : memref<256x128xf32, #tpu.memory_space<vmem>> -> memref<128x128xf32, #tpu.memory_space<vmem>>
      %dma_wait3A_58 = arith.constant 0 : i32
      %dma_wait3A_59 = tpu.memref_slice %arg7[%add3A_9, %dma_wait3A_58] : memref<2048x128xf32, #tpu.memory_space<vmem_shared>> -> memref<128x128xf32, #tpu.memory_space<vmem_shared>>
      %dma_wait3A_60 = arith.constant 0 : i32
      %dma_wait3A_61 = tpu.memref_slice %arg7[%add3A_9, %dma_wait3A_60] : memref<2048x128xf32, #tpu.memory_space<vmem_shared>> -> memref<128x128xf32, #tpu.memory_space<vmem_shared>>
      %dma_wait3A_62 = arith.constant 0 : i32
      %dma_wait3A_63 = arith.constant 0 : i32
      %dma_wait3A_64 = tpu.memref_slice %arg11[%dma_wait3A_62, %dma_wait3A_63] : memref<256x128xf32, #tpu.memory_space<vmem>> -> memref<128x128xf32, #tpu.memory_space<vmem>>
      tpu.wait_dma2 semaphore(%run_scoped3A : memref<!tpu.dma_semaphore, #tpu.memory_space<semaphore_mem>>) src(%dma_wait3A_64 : memref<128x128xf32, #tpu.memory_space<vmem>>) dst(%dma_wait3A_61 : memref<128x128xf32, #tpu.memory_space<vmem_shared>>)
      tpu.yield
    }) : () -> ()
    %barrier3A = arith.constant 0 : index
    tpu.barrier barrier_id(%barrier3A)
    %sub3A = arith.constant 250 : i32
    %sub3A_10 = arith.subi %sub3A, %add3A : i32
    %add3A_11 = arith.constant 32 : i32
    %add3A_12 = arith.addi %sub3A_10, %add3A_11 : i32
    %sub3A_13 = arith.constant 1 : i32
    %sub3A_14 = arith.subi %add3A_12, %sub3A_13 : i32
    %jit3A = arith.constant 32 : i32
    %div3A = arith.divsi %sub3A_14, %jit3A : i32
    %sign3A = arith.constant 0 : i32
    %sign3A_15 = arith.cmpi sgt, %sub3A_14, %sign3A : i32
    %sign3A_16 = arith.extui %sign3A_15 : i1 to i32
    %sign3A_17 = arith.constant 0 : i32
    %sign3A_18 = arith.cmpi slt, %sub3A_14, %sign3A_17 : i32
    %sign3A_19 = arith.extui %sign3A_18 : i1 to i32
    %sign3A_20 = arith.subi %sign3A_16, %sign3A_19 : i32
    %sign3A_21 = arith.constant 0 : i32
    %sign3A_22 = arith.cmpi sgt, %jit3A, %sign3A_21 : i32
    %sign3A_23 = arith.extui %sign3A_22 : i1 to i32
    %sign3A_24 = arith.constant 0 : i32
    %sign3A_25 = arith.cmpi slt, %jit3A, %sign3A_24 : i32
    %sign3A_26 = arith.extui %sign3A_25 : i1 to i32
    %sign3A_27 = arith.subi %sign3A_23, %sign3A_26 : i32
    %ne3A = arith.cmpi ne, %sign3A_20, %sign3A_27 : i32
    %rem3A = arith.remsi %sub3A_14, %jit3A : i32
    %ne3A_28 = arith.constant 0 : i32
    %ne3A_29 = arith.cmpi ne, %rem3A, %ne3A_28 : i32
    %and3A = arith.andi %ne3A, %ne3A_29 : i1
    %sub3A_30 = arith.constant 1 : i32
    %sub3A_31 = arith.subi %div3A, %sub3A_30 : i32
    %select_n3A = arith.select %and3A, %sub3A_31, %div3A : i32
    %while3A = arith.constant 0 : i32
    %while3A_32 = arith.subi %select_n3A, %while3A : i32
    %while3A_33 = arith.addi %while3A, %while3A_32 : i32
    %while3A_34 = arith.constant 1 : i32
    %while3A_35 = arith.divsi %while3A_32, %while3A_34 : i32
    %while3A_36 = arith.muli %while3A_35, %while3A_34 : i32
    %while3A_37 = arith.addi %while3A, %while3A_36 : i32
    %while3A_38 = arith.constant 1 : i32
    scf.for %while3A_47 = %while3A to %while3A_37 step %while3A_38  : i32 {
      %mul3A_48 = arith.constant 32 : i32
      %mul3A_49 = arith.muli %while3A_47, %mul3A_48 : i32
      %add3A_50 = arith.addi %add3A, %mul3A_49 : i32
      %mul3A_51 = arith.constant 256 : i32
      %mul3A_52 = arith.muli %add3A_50, %mul3A_51 : i32
      %add3A_53 = arith.constant 0 : i32
      %add3A_54 = arith.addi %mul3A_52, %add3A_53 : i32
      %dma_start3A = tpu.memref_slice %arg5[%add3A_54] : memref<64000xi32, #tpu.memory_space<hbm>> -> memref<128xi32, #tpu.memory_space<hbm>>
      %dma_start3A_55 = tpu.memref_slice %arg5[%add3A_54] : memref<64000xi32, #tpu.memory_space<hbm>> -> memref<128xi32, #tpu.memory_space<hbm>>
      tpu.enqueue_dma source(%dma_start3A_55 : memref<128xi32, #tpu.memory_space<hbm>>) target(%arg9 : memref<128xi32, #tpu.memory_space<vmem>>) target_semaphore(%arg13 : memref<!tpu.dma_semaphore, #tpu.memory_space<semaphore_mem>>)
      %add3A_56 = arith.constant 128 : i32
      %add3A_57 = arith.addi %mul3A_52, %add3A_56 : i32
      %dma_start3A_58 = tpu.memref_slice %arg5[%add3A_57] : memref<64000xi32, #tpu.memory_space<hbm>> -> memref<128xi32, #tpu.memory_space<hbm>>
      %dma_start3A_59 = tpu.memref_slice %arg5[%add3A_57] : memref<64000xi32, #tpu.memory_space<hbm>> -> memref<128xi32, #tpu.memory_space<hbm>>
      tpu.enqueue_dma source(%dma_start3A_59 : memref<128xi32, #tpu.memory_space<hbm>>) target(%arg10 : memref<128xi32, #tpu.memory_space<vmem>>) target_semaphore(%arg14 : memref<!tpu.dma_semaphore, #tpu.memory_space<semaphore_mem>>)
      "tpu.region"() ({
        %run_scoped3A = tpu.sem_alloc : memref<!tpu.dma_semaphore, #tpu.memory_space<semaphore_mem>>
        %dma_start3A_152 = tpu.memref_slice %arg4[%mul3A_52] : memref<64000xi32, #tpu.memory_space<hbm>> -> memref<256xi32, #tpu.memory_space<hbm>>
        %dma_start3A_153 = tpu.memref_slice %arg4[%mul3A_52] : memref<64000xi32, #tpu.memory_space<hbm>> -> memref<256xi32, #tpu.memory_space<hbm>>
        tpu.enqueue_dma source(%dma_start3A_153 : memref<256xi32, #tpu.memory_space<hbm>>) target(%arg8 : memref<256xi32, #tpu.memory_space<vmem>>) target_semaphore(%run_scoped3A : memref<!tpu.dma_semaphore, #tpu.memory_space<semaphore_mem>>)
        %dma_wait3A_154 = tpu.memref_slice %arg4[%mul3A_52] : memref<64000xi32, #tpu.memory_space<hbm>> -> memref<256xi32, #tpu.memory_space<hbm>>
        %dma_wait3A_155 = tpu.memref_slice %arg4[%mul3A_52] : memref<64000xi32, #tpu.memory_space<hbm>> -> memref<256xi32, #tpu.memory_space<hbm>>
        tpu.wait_dma2 semaphore(%run_scoped3A : memref<!tpu.dma_semaphore, #tpu.memory_space<semaphore_mem>>) src(%dma_wait3A_155 : memref<256xi32, #tpu.memory_space<hbm>>) dst(%arg8 : memref<256xi32, #tpu.memory_space<vmem>>)
        tpu.yield
      }) : () -> ()
      %add3A_60 = arith.constant 0 : i32
      %add3A_61 = arith.addi %mul3A_52, %add3A_60 : i32
      %dma_wait3A = tpu.memref_slice %arg5[%add3A_61] : memref<64000xi32, #tpu.memory_space<hbm>> -> memref<128xi32, #tpu.memory_space<hbm>>
      %dma_wait3A_62 = tpu.memref_slice %arg5[%add3A_61] : memref<64000xi32, #tpu.memory_space<hbm>> -> memref<128xi32, #tpu.memory_space<hbm>>
      tpu.wait_dma2 semaphore(%arg13 : memref<!tpu.dma_semaphore, #tpu.memory_space<semaphore_mem>>) src(%dma_wait3A_62 : memref<128xi32, #tpu.memory_space<hbm>>) dst(%arg9 : memref<128xi32, #tpu.memory_space<vmem>>)
      %add3A_63 = arith.constant 128 : i32
      %add3A_64 = arith.addi %mul3A_52, %add3A_63 : i32
      %dma_wait3A_65 = tpu.memref_slice %arg5[%add3A_64] : memref<64000xi32, #tpu.memory_space<hbm>> -> memref<128xi32, #tpu.memory_space<hbm>>
      %dma_wait3A_66 = tpu.memref_slice %arg5[%add3A_64] : memref<64000xi32, #tpu.memory_space<hbm>> -> memref<128xi32, #tpu.memory_space<hbm>>
      tpu.wait_dma2 semaphore(%arg14 : memref<!tpu.dma_semaphore, #tpu.memory_space<semaphore_mem>>) src(%dma_wait3A_66 : memref<128xi32, #tpu.memory_space<hbm>>) dst(%arg10 : memref<128xi32, #tpu.memory_space<vmem>>)
      %dma_start3A_67 = arith.constant 0 : i32
      %dma_start3A_68 = arith.constant 0 : i32
      %dma_start3A_69 = tpu.memref_slice %arg11[%dma_start3A_67, %dma_start3A_68] : memref<256x128xf32, #tpu.memory_space<vmem>> -> memref<128x128xf32, #tpu.memory_space<vmem>>
      %dma_start3A_70 = arith.constant 0 : i32
      %dma_start3A_71 = tpu.memref_slice %arg8[%dma_start3A_70] : memref<256xi32, #tpu.memory_space<vmem>> -> memref<128xi32, #tpu.memory_space<vmem>>
      %dma_start3A_72 = arith.constant 0 : i32
      %dma_start3A_73 = arith.constant 0 : i32
      %dma_start3A_74 = tpu.memref_slice %arg2[%dma_start3A_72, %dma_start3A_73] : memref<2000x128xf32, #tpu.memory_space<hbm>> -> memref<2000x128xf32, #tpu.memory_space<hbm>>
      tpu.enqueue_indirect_dma source(%dma_start3A_74 : memref<2000x128xf32, #tpu.memory_space<hbm>>) target(%dma_start3A_69 : memref<128x128xf32, #tpu.memory_space<vmem>>) offsets(%dma_start3A_71 : memref<128xi32, #tpu.memory_space<vmem>>) semaphore(%arg15 : memref<!tpu.dma_semaphore, #tpu.memory_space<semaphore_mem>>)
      %dma_start3A_75 = arith.constant 0 : i32
      %dma_start3A_76 = arith.constant 0 : i32
      %dma_start3A_77 = tpu.memref_slice %arg12[%dma_start3A_75, %dma_start3A_76] : memref<256x128xf32, #tpu.memory_space<vmem>> -> memref<128x128xf32, #tpu.memory_space<vmem>>
      %dma_start3A_78 = arith.constant 0 : i32
      %dma_start3A_79 = arith.constant 0 : i32
      %dma_start3A_80 = tpu.memref_slice %arg3[%dma_start3A_78, %dma_start3A_79] : memref<2000x128xf32, #tpu.memory_space<hbm>> -> memref<2000x128xf32, #tpu.memory_space<hbm>>
      tpu.enqueue_indirect_dma source(%dma_start3A_80 : memref<2000x128xf32, #tpu.memory_space<hbm>>) target(%dma_start3A_77 : memref<128x128xf32, #tpu.memory_space<vmem>>) offsets(%arg9 : memref<128xi32, #tpu.memory_space<vmem>>) semaphore(%arg17 : memref<!tpu.dma_semaphore, #tpu.memory_space<semaphore_mem>>)
      %dma_start3A_81 = arith.constant 128 : i32
      %dma_start3A_82 = arith.constant 0 : i32
      %dma_start3A_83 = tpu.memref_slice %arg11[%dma_start3A_81, %dma_start3A_82] : memref<256x128xf32, #tpu.memory_space<vmem>> -> memref<128x128xf32, #tpu.memory_space<vmem>>
      %dma_start3A_84 = arith.constant 128 : i32
      %dma_start3A_85 = tpu.memref_slice %arg8[%dma_start3A_84] : memref<256xi32, #tpu.memory_space<vmem>> -> memref<128xi32, #tpu.memory_space<vmem>>
      %dma_start3A_86 = arith.constant 0 : i32
      %dma_start3A_87 = arith.constant 0 : i32
      %dma_start3A_88 = tpu.memref_slice %arg2[%dma_start3A_86, %dma_start3A_87] : memref<2000x128xf32, #tpu.memory_space<hbm>> -> memref<2000x128xf32, #tpu.memory_space<hbm>>
      tpu.enqueue_indirect_dma source(%dma_start3A_88 : memref<2000x128xf32, #tpu.memory_space<hbm>>) target(%dma_start3A_83 : memref<128x128xf32, #tpu.memory_space<vmem>>) offsets(%dma_start3A_85 : memref<128xi32, #tpu.memory_space<vmem>>) semaphore(%arg16 : memref<!tpu.dma_semaphore, #tpu.memory_space<semaphore_mem>>)
      %dma_start3A_89 = arith.constant 128 : i32
      %dma_start3A_90 = arith.constant 0 : i32
      %dma_start3A_91 = tpu.memref_slice %arg12[%dma_start3A_89, %dma_start3A_90] : memref<256x128xf32, #tpu.memory_space<vmem>> -> memref<128x128xf32, #tpu.memory_space<vmem>>
      %dma_start3A_92 = arith.constant 0 : i32
      %dma_start3A_93 = arith.constant 0 : i32
      %dma_start3A_94 = tpu.memref_slice %arg3[%dma_start3A_92, %dma_start3A_93] : memref<2000x128xf32, #tpu.memory_space<hbm>> -> memref<2000x128xf32, #tpu.memory_space<hbm>>
      tpu.enqueue_indirect_dma source(%dma_start3A_94 : memref<2000x128xf32, #tpu.memory_space<hbm>>) target(%dma_start3A_91 : memref<128x128xf32, #tpu.memory_space<vmem>>) offsets(%arg10 : memref<128xi32, #tpu.memory_space<vmem>>) semaphore(%arg18 : memref<!tpu.dma_semaphore, #tpu.memory_space<semaphore_mem>>)
      %dma_wait3A_95 = arith.constant 0 : i32
      %dma_wait3A_96 = arith.constant 0 : i32
      %dma_wait3A_97 = tpu.memref_slice %arg11[%dma_wait3A_95, %dma_wait3A_96] : memref<256x128xf32, #tpu.memory_space<vmem>> -> memref<128x128xf32, #tpu.memory_space<vmem>>
      %dma_wait3A_98 = arith.constant 0 : i32
      %dma_wait3A_99 = tpu.memref_slice %arg8[%dma_wait3A_98] : memref<256xi32, #tpu.memory_space<vmem>> -> memref<128xi32, #tpu.memory_space<vmem>>
      %dma_wait3A_100 = arith.constant 0 : i32
      %dma_wait3A_101 = arith.constant 0 : i32
      %dma_wait3A_102 = tpu.memref_slice %arg2[%dma_wait3A_100, %dma_wait3A_101] : memref<2000x128xf32, #tpu.memory_space<hbm>> -> memref<2000x128xf32, #tpu.memory_space<hbm>>
      tpu.wait_indirect_dma semaphore(%arg15 : memref<!tpu.dma_semaphore, #tpu.memory_space<semaphore_mem>>) src(%dma_wait3A_102 : memref<2000x128xf32, #tpu.memory_space<hbm>>) dst(%dma_wait3A_97 : memref<128x128xf32, #tpu.memory_space<vmem>>)
      %dma_wait3A_103 = arith.constant 0 : i32
      %dma_wait3A_104 = arith.constant 0 : i32
      %dma_wait3A_105 = tpu.memref_slice %arg12[%dma_wait3A_103, %dma_wait3A_104] : memref<256x128xf32, #tpu.memory_space<vmem>> -> memref<128x128xf32, #tpu.memory_space<vmem>>
      %dma_wait3A_106 = arith.constant 0 : i32
      %dma_wait3A_107 = arith.constant 0 : i32
      %dma_wait3A_108 = tpu.memref_slice %arg3[%dma_wait3A_106, %dma_wait3A_107] : memref<2000x128xf32, #tpu.memory_space<hbm>> -> memref<2000x128xf32, #tpu.memory_space<hbm>>
      tpu.wait_indirect_dma semaphore(%arg17 : memref<!tpu.dma_semaphore, #tpu.memory_space<semaphore_mem>>) src(%dma_wait3A_108 : memref<2000x128xf32, #tpu.memory_space<hbm>>) dst(%dma_wait3A_105 : memref<128x128xf32, #tpu.memory_space<vmem>>)
      %dma_wait3A_109 = arith.constant 128 : i32
      %dma_wait3A_110 = arith.constant 0 : i32
      %dma_wait3A_111 = tpu.memref_slice %arg11[%dma_wait3A_109, %dma_wait3A_110] : memref<256x128xf32, #tpu.memory_space<vmem>> -> memref<128x128xf32, #tpu.memory_space<vmem>>
      %dma_wait3A_112 = arith.constant 128 : i32
      %dma_wait3A_113 = tpu.memref_slice %arg8[%dma_wait3A_112] : memref<256xi32, #tpu.memory_space<vmem>> -> memref<128xi32, #tpu.memory_space<vmem>>
      %dma_wait3A_114 = arith.constant 0 : i32
      %dma_wait3A_115 = arith.constant 0 : i32
      %dma_wait3A_116 = tpu.memref_slice %arg2[%dma_wait3A_114, %dma_wait3A_115] : memref<2000x128xf32, #tpu.memory_space<hbm>> -> memref<2000x128xf32, #tpu.memory_space<hbm>>
      tpu.wait_indirect_dma semaphore(%arg16 : memref<!tpu.dma_semaphore, #tpu.memory_space<semaphore_mem>>) src(%dma_wait3A_116 : memref<2000x128xf32, #tpu.memory_space<hbm>>) dst(%dma_wait3A_111 : memref<128x128xf32, #tpu.memory_space<vmem>>)
      %dma_wait3A_117 = arith.constant 128 : i32
      %dma_wait3A_118 = arith.constant 0 : i32
      %dma_wait3A_119 = tpu.memref_slice %arg12[%dma_wait3A_117, %dma_wait3A_118] : memref<256x128xf32, #tpu.memory_space<vmem>> -> memref<128x128xf32, #tpu.memory_space<vmem>>
      %dma_wait3A_120 = arith.constant 0 : i32
      %dma_wait3A_121 = arith.constant 0 : i32
      %dma_wait3A_122 = tpu.memref_slice %arg3[%dma_wait3A_120, %dma_wait3A_121] : memref<2000x128xf32, #tpu.memory_space<hbm>> -> memref<2000x128xf32, #tpu.memory_space<hbm>>
      tpu.wait_indirect_dma semaphore(%arg18 : memref<!tpu.dma_semaphore, #tpu.memory_space<semaphore_mem>>) src(%dma_wait3A_122 : memref<2000x128xf32, #tpu.memory_space<hbm>>) dst(%dma_wait3A_119 : memref<128x128xf32, #tpu.memory_space<vmem>>)
      %scan3A_123 = arith.constant 0 : i32
      %scan3A_124 = arith.constant 256 : i32
      %scan3A_125 = arith.addi %scan3A_123, %scan3A_124 : i32
      %scan3A_126 = arith.constant 1 : i32
      scf.for %scan3A_152 = %scan3A_123 to %scan3A_125 step %scan3A_126  : i32 {
        %get3A = arith.index_cast %scan3A_152 : i32 to index
        %get3A_153 = arith.constant 0 : index
        %get3A_154 = tpu.vector_load %arg11[%get3A, %get3A_153] {strides = array<i32>} : memref<256x128xf32, #tpu.memory_space<vmem>>, vector<1x16xf32>,
        %get3A_155 = vector.shape_cast %get3A_154 : vector<1x16xf32> to vector<16xf32>
        %get3A_156 = arith.index_cast %scan3A_152 : i32 to index
        %get3A_157 = arith.constant 0 : index
        %get3A_158 = tpu.vector_load %arg12[%get3A_156, %get3A_157] {strides = array<i32>} : memref<256x128xf32, #tpu.memory_space<vmem>>, vector<1x16xf32>,
        %get3A_159 = vector.shape_cast %get3A_158 : vector<1x16xf32> to vector<16xf32>
        %add3A_160 = arith.addf %get3A_155, %get3A_159 : vector<16xf32>
        %max3A = arith.constant 0.000000e+00 : f32
        %max3A_161 = vector.broadcast %max3A : f32 to vector<16xf32>
        %max3A_162 = arith.maximumf %add3A_160, %max3A_161 : vector<16xf32>
        %swap3A = arith.index_cast %scan3A_152 : i32 to index
        %swap3A_163 = arith.constant 0 : index
        %swap3A_164 = tpu.vector_load %arg11[%swap3A, %swap3A_163] {strides = array<i32>} : memref<256x128xf32, #tpu.memory_space<vmem>>, vector<1x16xf32>,
        %swap3A_165 = vector.shape_cast %swap3A_164 : vector<1x16xf32> to vector<16xf32>
        %swap3A_166 = vector.shape_cast %max3A_162 : vector<16xf32> to vector<1x16xf32>
        tpu.vector_store %arg11[%swap3A, %swap3A_163], %swap3A_166 {strides = array<i32>} : memref<256x128xf32, #tpu.memory_space<vmem>>, vector<1x16xf32>,
        %get3A_167 = arith.index_cast %scan3A_152 : i32 to index
        %get3A_168 = arith.constant 16 : index
        %get3A_169 = tpu.vector_load %arg11[%get3A_167, %get3A_168] {strides = array<i32>} : memref<256x128xf32, #tpu.memory_space<vmem>>, vector<1x16xf32>,
        %get3A_170 = vector.shape_cast %get3A_169 : vector<1x16xf32> to vector<16xf32>
        %get3A_171 = arith.index_cast %scan3A_152 : i32 to index
        %get3A_172 = arith.constant 16 : index
        %get3A_173 = tpu.vector_load %arg12[%get3A_171, %get3A_172] {strides = array<i32>} : memref<256x128xf32, #tpu.memory_space<vmem>>, vector<1x16xf32>,
        %get3A_174 = vector.shape_cast %get3A_173 : vector<1x16xf32> to vector<16xf32>
        %add3A_175 = arith.addf %get3A_170, %get3A_174 : vector<16xf32>
        %max3A_176 = arith.constant 0.000000e+00 : f32
        %max3A_177 = vector.broadcast %max3A_176 : f32 to vector<16xf32>
        %max3A_178 = arith.maximumf %add3A_175, %max3A_177 : vector<16xf32>
        %swap3A_179 = arith.index_cast %scan3A_152 : i32 to index
        %swap3A_180 = arith.constant 16 : index
        %swap3A_181 = tpu.vector_load %arg11[%swap3A_179, %swap3A_180] {strides = array<i32>} : memref<256x128xf32, #tpu.memory_space<vmem>>, vector<1x16xf32>,
        %swap3A_182 = vector.shape_cast %swap3A_181 : vector<1x16xf32> to vector<16xf32>
        %swap3A_183 = vector.shape_cast %max3A_178 : vector<16xf32> to vector<1x16xf32>
        tpu.vector_store %arg11[%swap3A_179, %swap3A_180], %swap3A_183 {strides = array<i32>} : memref<256x128xf32, #tpu.memory_space<vmem>>, vector<1x16xf32>,
        %get3A_184 = arith.index_cast %scan3A_152 : i32 to index
        %get3A_185 = arith.constant 32 : index
        %get3A_186 = tpu.vector_load %arg11[%get3A_184, %get3A_185] {strides = array<i32>} : memref<256x128xf32, #tpu.memory_space<vmem>>, vector<1x16xf32>,
        %get3A_187 = vector.shape_cast %get3A_186 : vector<1x16xf32> to vector<16xf32>
        %get3A_188 = arith.index_cast %scan3A_152 : i32 to index
        %get3A_189 = arith.constant 32 : index
        %get3A_190 = tpu.vector_load %arg12[%get3A_188, %get3A_189] {strides = array<i32>} : memref<256x128xf32, #tpu.memory_space<vmem>>, vector<1x16xf32>,
        %get3A_191 = vector.shape_cast %get3A_190 : vector<1x16xf32> to vector<16xf32>
        %add3A_192 = arith.addf %get3A_187, %get3A_191 : vector<16xf32>
        %max3A_193 = arith.constant 0.000000e+00 : f32
        %max3A_194 = vector.broadcast %max3A_193 : f32 to vector<16xf32>
        %max3A_195 = arith.maximumf %add3A_192, %max3A_194 : vector<16xf32>
        %swap3A_196 = arith.index_cast %scan3A_152 : i32 to index
        %swap3A_197 = arith.constant 32 : index
        %swap3A_198 = tpu.vector_load %arg11[%swap3A_196, %swap3A_197] {strides = array<i32>} : memref<256x128xf32, #tpu.memory_space<vmem>>, vector<1x16xf32>,
        %swap3A_199 = vector.shape_cast %swap3A_198 : vector<1x16xf32> to vector<16xf32>
        %swap3A_200 = vector.shape_cast %max3A_195 : vector<16xf32> to vector<1x16xf32>
        tpu.vector_store %arg11[%swap3A_196, %swap3A_197], %swap3A_200 {strides = array<i32>} : memref<256x128xf32, #tpu.memory_space<vmem>>, vector<1x16xf32>,
        %get3A_201 = arith.index_cast %scan3A_152 : i32 to index
        %get3A_202 = arith.constant 48 : index
        %get3A_203 = tpu.vector_load %arg11[%get3A_201, %get3A_202] {strides = array<i32>} : memref<256x128xf32, #tpu.memory_space<vmem>>, vector<1x16xf32>,
        %get3A_204 = vector.shape_cast %get3A_203 : vector<1x16xf32> to vector<16xf32>
        %get3A_205 = arith.index_cast %scan3A_152 : i32 to index
        %get3A_206 = arith.constant 48 : index
        %get3A_207 = tpu.vector_load %arg12[%get3A_205, %get3A_206] {strides = array<i32>} : memref<256x128xf32, #tpu.memory_space<vmem>>, vector<1x16xf32>,
        %get3A_208 = vector.shape_cast %get3A_207 : vector<1x16xf32> to vector<16xf32>
        %add3A_209 = arith.addf %get3A_204, %get3A_208 : vector<16xf32>
        %max3A_210 = arith.constant 0.000000e+00 : f32
        %max3A_211 = vector.broadcast %max3A_210 : f32 to vector<16xf32>
        %max3A_212 = arith.maximumf %add3A_209, %max3A_211 : vector<16xf32>
        %swap3A_213 = arith.index_cast %scan3A_152 : i32 to index
        %swap3A_214 = arith.constant 48 : index
        %swap3A_215 = tpu.vector_load %arg11[%swap3A_213, %swap3A_214] {strides = array<i32>} : memref<256x128xf32, #tpu.memory_space<vmem>>, vector<1x16xf32>,
        %swap3A_216 = vector.shape_cast %swap3A_215 : vector<1x16xf32> to vector<16xf32>
        %swap3A_217 = vector.shape_cast %max3A_212 : vector<16xf32> to vector<1x16xf32>
        tpu.vector_store %arg11[%swap3A_213, %swap3A_214], %swap3A_217 {strides = array<i32>} : memref<256x128xf32, #tpu.memory_space<vmem>>, vector<1x16xf32>,
        %get3A_218 = arith.index_cast %scan3A_152 : i32 to index
        %get3A_219 = arith.constant 64 : index
        %get3A_220 = tpu.vector_load %arg11[%get3A_218, %get3A_219] {strides = array<i32>} : memref<256x128xf32, #tpu.memory_space<vmem>>, vector<1x16xf32>,
        %get3A_221 = vector.shape_cast %get3A_220 : vector<1x16xf32> to vector<16xf32>
        %get3A_222 = arith.index_cast %scan3A_152 : i32 to index
        %get3A_223 = arith.constant 64 : index
        %get3A_224 = tpu.vector_load %arg12[%get3A_222, %get3A_223] {strides = array<i32>} : memref<256x128xf32, #tpu.memory_space<vmem>>, vector<1x16xf32>,
        %get3A_225 = vector.shape_cast %get3A_224 : vector<1x16xf32> to vector<16xf32>
        %add3A_226 = arith.addf %get3A_221, %get3A_225 : vector<16xf32>
        %max3A_227 = arith.constant 0.000000e+00 : f32
        %max3A_228 = vector.broadcast %max3A_227 : f32 to vector<16xf32>
        %max3A_229 = arith.maximumf %add3A_226, %max3A_228 : vector<16xf32>
        %swap3A_230 = arith.index_cast %scan3A_152 : i32 to index
        %swap3A_231 = arith.constant 64 : index
        %swap3A_232 = tpu.vector_load %arg11[%swap3A_230, %swap3A_231] {strides = array<i32>} : memref<256x128xf32, #tpu.memory_space<vmem>>, vector<1x16xf32>,
        %swap3A_233 = vector.shape_cast %swap3A_232 : vector<1x16xf32> to vector<16xf32>
        %swap3A_234 = vector.shape_cast %max3A_229 : vector<16xf32> to vector<1x16xf32>
        tpu.vector_store %arg11[%swap3A_230, %swap3A_231], %swap3A_234 {strides = array<i32>} : memref<256x128xf32, #tpu.memory_space<vmem>>, vector<1x16xf32>,
        %get3A_235 = arith.index_cast %scan3A_152 : i32 to index
        %get3A_236 = arith.constant 80 : index
        %get3A_237 = tpu.vector_load %arg11[%get3A_235, %get3A_236] {strides = array<i32>} : memref<256x128xf32, #tpu.memory_space<vmem>>, vector<1x16xf32>,
        %get3A_238 = vector.shape_cast %get3A_237 : vector<1x16xf32> to vector<16xf32>
        %get3A_239 = arith.index_cast %scan3A_152 : i32 to index
        %get3A_240 = arith.constant 80 : index
        %get3A_241 = tpu.vector_load %arg12[%get3A_239, %get3A_240] {strides = array<i32>} : memref<256x128xf32, #tpu.memory_space<vmem>>, vector<1x16xf32>,
        %get3A_242 = vector.shape_cast %get3A_241 : vector<1x16xf32> to vector<16xf32>
        %add3A_243 = arith.addf %get3A_238, %get3A_242 : vector<16xf32>
        %max3A_244 = arith.constant 0.000000e+00 : f32
        %max3A_245 = vector.broadcast %max3A_244 : f32 to vector<16xf32>
        %max3A_246 = arith.maximumf %add3A_243, %max3A_245 : vector<16xf32>
        %swap3A_247 = arith.index_cast %scan3A_152 : i32 to index
        %swap3A_248 = arith.constant 80 : index
        %swap3A_249 = tpu.vector_load %arg11[%swap3A_247, %swap3A_248] {strides = array<i32>} : memref<256x128xf32, #tpu.memory_space<vmem>>, vector<1x16xf32>,
        %swap3A_250 = vector.shape_cast %swap3A_249 : vector<1x16xf32> to vector<16xf32>
        %swap3A_251 = vector.shape_cast %max3A_246 : vector<16xf32> to vector<1x16xf32>
        tpu.vector_store %arg11[%swap3A_247, %swap3A_248], %swap3A_251 {strides = array<i32>} : memref<256x128xf32, #tpu.memory_space<vmem>>, vector<1x16xf32>,
        %get3A_252 = arith.index_cast %scan3A_152 : i32 to index
        %get3A_253 = arith.constant 96 : index
        %get3A_254 = tpu.vector_load %arg11[%get3A_252, %get3A_253] {strides = array<i32>} : memref<256x128xf32, #tpu.memory_space<vmem>>, vector<1x16xf32>,
        %get3A_255 = vector.shape_cast %get3A_254 : vector<1x16xf32> to vector<16xf32>
        %get3A_256 = arith.index_cast %scan3A_152 : i32 to index
        %get3A_257 = arith.constant 96 : index
        %get3A_258 = tpu.vector_load %arg12[%get3A_256, %get3A_257] {strides = array<i32>} : memref<256x128xf32, #tpu.memory_space<vmem>>, vector<1x16xf32>,
        %get3A_259 = vector.shape_cast %get3A_258 : vector<1x16xf32> to vector<16xf32>
        %add3A_260 = arith.addf %get3A_255, %get3A_259 : vector<16xf32>
        %max3A_261 = arith.constant 0.000000e+00 : f32
        %max3A_262 = vector.broadcast %max3A_261 : f32 to vector<16xf32>
        %max3A_263 = arith.maximumf %add3A_260, %max3A_262 : vector<16xf32>
        %swap3A_264 = arith.index_cast %scan3A_152 : i32 to index
        %swap3A_265 = arith.constant 96 : index
        %swap3A_266 = tpu.vector_load %arg11[%swap3A_264, %swap3A_265] {strides = array<i32>} : memref<256x128xf32, #tpu.memory_space<vmem>>, vector<1x16xf32>,
        %swap3A_267 = vector.shape_cast %swap3A_266 : vector<1x16xf32> to vector<16xf32>
        %swap3A_268 = vector.shape_cast %max3A_263 : vector<16xf32> to vector<1x16xf32>
        tpu.vector_store %arg11[%swap3A_264, %swap3A_265], %swap3A_268 {strides = array<i32>} : memref<256x128xf32, #tpu.memory_space<vmem>>, vector<1x16xf32>,
        %get3A_269 = arith.index_cast %scan3A_152 : i32 to index
        %get3A_270 = arith.constant 112 : index
        %get3A_271 = tpu.vector_load %arg11[%get3A_269, %get3A_270] {strides = array<i32>} : memref<256x128xf32, #tpu.memory_space<vmem>>, vector<1x16xf32>,
        %get3A_272 = vector.shape_cast %get3A_271 : vector<1x16xf32> to vector<16xf32>
        %get3A_273 = arith.index_cast %scan3A_152 : i32 to index
        %get3A_274 = arith.constant 112 : index
        %get3A_275 = tpu.vector_load %arg12[%get3A_273, %get3A_274] {strides = array<i32>} : memref<256x128xf32, #tpu.memory_space<vmem>>, vector<1x16xf32>,
        %get3A_276 = vector.shape_cast %get3A_275 : vector<1x16xf32> to vector<16xf32>
        %add3A_277 = arith.addf %get3A_272, %get3A_276 : vector<16xf32>
        %max3A_278 = arith.constant 0.000000e+00 : f32
        %max3A_279 = vector.broadcast %max3A_278 : f32 to vector<16xf32>
        %max3A_280 = arith.maximumf %add3A_277, %max3A_279 : vector<16xf32>
        %swap3A_281 = arith.index_cast %scan3A_152 : i32 to index
        %swap3A_282 = arith.constant 112 : index
        %swap3A_283 = tpu.vector_load %arg11[%swap3A_281, %swap3A_282] {strides = array<i32>} : memref<256x128xf32, #tpu.memory_space<vmem>>, vector<1x16xf32>,
        %swap3A_284 = vector.shape_cast %swap3A_283 : vector<1x16xf32> to vector<16xf32>
        %swap3A_285 = vector.shape_cast %max3A_280 : vector<16xf32> to vector<1x16xf32>
        tpu.vector_store %arg11[%swap3A_281, %swap3A_282], %swap3A_285 {strides = array<i32>} : memref<256x128xf32, #tpu.memory_space<vmem>>, vector<1x16xf32>,
      }
      %scan3A_127 = arith.constant 256 : i32
      %dma_start3A_128 = arith.constant 0 : i32
      %dma_start3A_129 = arith.constant 0 : i32
      %dma_start3A_130 = tpu.memref_slice %arg11[%dma_start3A_128, %dma_start3A_129] : memref<256x128xf32, #tpu.memory_space<vmem>> -> memref<128x128xf32, #tpu.memory_space<vmem>>
      %dma_start3A_131 = arith.constant 0 : i32
      %dma_start3A_132 = arith.constant 0 : i32
      %dma_start3A_133 = tpu.memref_slice %arg7[%dma_start3A_131, %dma_start3A_132] : memref<2048x128xf32, #tpu.memory_space<vmem_shared>> -> memref<2048x128xf32, #tpu.memory_space<vmem_shared>>
      tpu.enqueue_indirect_dma source(%dma_start3A_130 : memref<128x128xf32, #tpu.memory_space<vmem>>) target(%dma_start3A_133 : memref<2048x128xf32, #tpu.memory_space<vmem_shared>>) offsets(%arg9 : memref<128xi32, #tpu.memory_space<vmem>>) semaphore(%arg19 : memref<!tpu.dma_semaphore, #tpu.memory_space<semaphore_mem>>) {add = true}
      %dma_start3A_134 = arith.constant 128 : i32
      %dma_start3A_135 = arith.constant 0 : i32
      %dma_start3A_136 = tpu.memref_slice %arg11[%dma_start3A_134, %dma_start3A_135] : memref<256x128xf32, #tpu.memory_space<vmem>> -> memref<128x128xf32, #tpu.memory_space<vmem>>
      %dma_start3A_137 = arith.constant 0 : i32
      %dma_start3A_138 = arith.constant 0 : i32
      %dma_start3A_139 = tpu.memref_slice %arg7[%dma_start3A_137, %dma_start3A_138] : memref<2048x128xf32, #tpu.memory_space<vmem_shared>> -> memref<2048x128xf32, #tpu.memory_space<vmem_shared>>
      tpu.enqueue_indirect_dma source(%dma_start3A_136 : memref<128x128xf32, #tpu.memory_space<vmem>>) target(%dma_start3A_139 : memref<2048x128xf32, #tpu.memory_space<vmem_shared>>) offsets(%arg10 : memref<128xi32, #tpu.memory_space<vmem>>) semaphore(%arg20 : memref<!tpu.dma_semaphore, #tpu.memory_space<semaphore_mem>>) {add = true}
      %dma_wait3A_140 = arith.constant 0 : i32
      %dma_wait3A_141 = arith.constant 0 : i32
      %dma_wait3A_142 = tpu.memref_slice %arg11[%dma_wait3A_140, %dma_wait3A_141] : memref<256x128xf32, #tpu.memory_space<vmem>> -> memref<128x128xf32, #tpu.memory_space<vmem>>
      %dma_wait3A_143 = arith.constant 0 : i32
      %dma_wait3A_144 = arith.constant 0 : i32
      %dma_wait3A_145 = tpu.memref_slice %arg7[%dma_wait3A_143, %dma_wait3A_144] : memref<2048x128xf32, #tpu.memory_space<vmem_shared>> -> memref<2048x128xf32, #tpu.memory_space<vmem_shared>>
      tpu.wait_indirect_dma semaphore(%arg19 : memref<!tpu.dma_semaphore, #tpu.memory_space<semaphore_mem>>) src(%dma_wait3A_142 : memref<128x128xf32, #tpu.memory_space<vmem>>) dst(%dma_wait3A_145 : memref<2048x128xf32, #tpu.memory_space<vmem_shared>>)
      %dma_wait3A_146 = arith.constant 128 : i32
      %dma_wait3A_147 = arith.constant 0 : i32
      %dma_wait3A_148 = tpu.memref_slice %arg11[%dma_wait3A_146, %dma_wait3A_147] : memref<256x128xf32, #tpu.memory_space<vmem>> -> memref<128x128xf32, #tpu.memory_space<vmem>>
      %dma_wait3A_149 = arith.constant 0 : i32
      %dma_wait3A_150 = arith.constant 0 : i32
      %dma_wait3A_151 = tpu.memref_slice %arg7[%dma_wait3A_149, %dma_wait3A_150] : memref<2048x128xf32, #tpu.memory_space<vmem_shared>> -> memref<2048x128xf32, #tpu.memory_space<vmem_shared>>
      tpu.wait_indirect_dma semaphore(%arg20 : memref<!tpu.dma_semaphore, #tpu.memory_space<semaphore_mem>>) src(%dma_wait3A_148 : memref<128x128xf32, #tpu.memory_space<vmem>>) dst(%dma_wait3A_151 : memref<2048x128xf32, #tpu.memory_space<vmem_shared>>)
    }
    %while3A_39 = arith.constant 1 : i32
    scf.for %while3A_47 = %while3A_37 to %while3A_33 step %while3A_39  : i32 {
      %mul3A_48 = arith.constant 32 : i32
      %mul3A_49 = arith.muli %while3A_47, %mul3A_48 : i32
      %add3A_50 = arith.addi %add3A, %mul3A_49 : i32
      %mul3A_51 = arith.constant 256 : i32
      %mul3A_52 = arith.muli %add3A_50, %mul3A_51 : i32
      %add3A_53 = arith.constant 0 : i32
      %add3A_54 = arith.addi %mul3A_52, %add3A_53 : i32
      %dma_start3A = tpu.memref_slice %arg5[%add3A_54] : memref<64000xi32, #tpu.memory_space<hbm>> -> memref<128xi32, #tpu.memory_space<hbm>>
      %dma_start3A_55 = tpu.memref_slice %arg5[%add3A_54] : memref<64000xi32, #tpu.memory_space<hbm>> -> memref<128xi32, #tpu.memory_space<hbm>>
      tpu.enqueue_dma source(%dma_start3A_55 : memref<128xi32, #tpu.memory_space<hbm>>) target(%arg9 : memref<128xi32, #tpu.memory_space<vmem>>) target_semaphore(%arg13 : memref<!tpu.dma_semaphore, #tpu.memory_space<semaphore_mem>>)
      %add3A_56 = arith.constant 128 : i32
      %add3A_57 = arith.addi %mul3A_52, %add3A_56 : i32
      %dma_start3A_58 = tpu.memref_slice %arg5[%add3A_57] : memref<64000xi32, #tpu.memory_space<hbm>> -> memref<128xi32, #tpu.memory_space<hbm>>
      %dma_start3A_59 = tpu.memref_slice %arg5[%add3A_57] : memref<64000xi32, #tpu.memory_space<hbm>> -> memref<128xi32, #tpu.memory_space<hbm>>
      tpu.enqueue_dma source(%dma_start3A_59 : memref<128xi32, #tpu.memory_space<hbm>>) target(%arg10 : memref<128xi32, #tpu.memory_space<vmem>>) target_semaphore(%arg14 : memref<!tpu.dma_semaphore, #tpu.memory_space<semaphore_mem>>)
      "tpu.region"() ({
        %run_scoped3A = tpu.sem_alloc : memref<!tpu.dma_semaphore, #tpu.memory_space<semaphore_mem>>
        %dma_start3A_152 = tpu.memref_slice %arg4[%mul3A_52] : memref<64000xi32, #tpu.memory_space<hbm>> -> memref<256xi32, #tpu.memory_space<hbm>>
        %dma_start3A_153 = tpu.memref_slice %arg4[%mul3A_52] : memref<64000xi32, #tpu.memory_space<hbm>> -> memref<256xi32, #tpu.memory_space<hbm>>
        tpu.enqueue_dma source(%dma_start3A_153 : memref<256xi32, #tpu.memory_space<hbm>>) target(%arg8 : memref<256xi32, #tpu.memory_space<vmem>>) target_semaphore(%run_scoped3A : memref<!tpu.dma_semaphore, #tpu.memory_space<semaphore_mem>>)
        %dma_wait3A_154 = tpu.memref_slice %arg4[%mul3A_52] : memref<64000xi32, #tpu.memory_space<hbm>> -> memref<256xi32, #tpu.memory_space<hbm>>
        %dma_wait3A_155 = tpu.memref_slice %arg4[%mul3A_52] : memref<64000xi32, #tpu.memory_space<hbm>> -> memref<256xi32, #tpu.memory_space<hbm>>
        tpu.wait_dma2 semaphore(%run_scoped3A : memref<!tpu.dma_semaphore, #tpu.memory_space<semaphore_mem>>) src(%dma_wait3A_155 : memref<256xi32, #tpu.memory_space<hbm>>) dst(%arg8 : memref<256xi32, #tpu.memory_space<vmem>>)
        tpu.yield
      }) : () -> ()
      %add3A_60 = arith.constant 0 : i32
      %add3A_61 = arith.addi %mul3A_52, %add3A_60 : i32
      %dma_wait3A = tpu.memref_slice %arg5[%add3A_61] : memref<64000xi32, #tpu.memory_space<hbm>> -> memref<128xi32, #tpu.memory_space<hbm>>
      %dma_wait3A_62 = tpu.memref_slice %arg5[%add3A_61] : memref<64000xi32, #tpu.memory_space<hbm>> -> memref<128xi32, #tpu.memory_space<hbm>>
      tpu.wait_dma2 semaphore(%arg13 : memref<!tpu.dma_semaphore, #tpu.memory_space<semaphore_mem>>) src(%dma_wait3A_62 : memref<128xi32, #tpu.memory_space<hbm>>) dst(%arg9 : memref<128xi32, #tpu.memory_space<vmem>>)
      %add3A_63 = arith.constant 128 : i32
      %add3A_64 = arith.addi %mul3A_52, %add3A_63 : i32
      %dma_wait3A_65 = tpu.memref_slice %arg5[%add3A_64] : memref<64000xi32, #tpu.memory_space<hbm>> -> memref<128xi32, #tpu.memory_space<hbm>>
      %dma_wait3A_66 = tpu.memref_slice %arg5[%add3A_64] : memref<64000xi32, #tpu.memory_space<hbm>> -> memref<128xi32, #tpu.memory_space<hbm>>
      tpu.wait_dma2 semaphore(%arg14 : memref<!tpu.dma_semaphore, #tpu.memory_space<semaphore_mem>>) src(%dma_wait3A_66 : memref<128xi32, #tpu.memory_space<hbm>>) dst(%arg10 : memref<128xi32, #tpu.memory_space<vmem>>)
      %dma_start3A_67 = arith.constant 0 : i32
      %dma_start3A_68 = arith.constant 0 : i32
      %dma_start3A_69 = tpu.memref_slice %arg11[%dma_start3A_67, %dma_start3A_68] : memref<256x128xf32, #tpu.memory_space<vmem>> -> memref<128x128xf32, #tpu.memory_space<vmem>>
      %dma_start3A_70 = arith.constant 0 : i32
      %dma_start3A_71 = tpu.memref_slice %arg8[%dma_start3A_70] : memref<256xi32, #tpu.memory_space<vmem>> -> memref<128xi32, #tpu.memory_space<vmem>>
      %dma_start3A_72 = arith.constant 0 : i32
      %dma_start3A_73 = arith.constant 0 : i32
      %dma_start3A_74 = tpu.memref_slice %arg2[%dma_start3A_72, %dma_start3A_73] : memref<2000x128xf32, #tpu.memory_space<hbm>> -> memref<2000x128xf32, #tpu.memory_space<hbm>>
      tpu.enqueue_indirect_dma source(%dma_start3A_74 : memref<2000x128xf32, #tpu.memory_space<hbm>>) target(%dma_start3A_69 : memref<128x128xf32, #tpu.memory_space<vmem>>) offsets(%dma_start3A_71 : memref<128xi32, #tpu.memory_space<vmem>>) semaphore(%arg15 : memref<!tpu.dma_semaphore, #tpu.memory_space<semaphore_mem>>)
      %dma_start3A_75 = arith.constant 0 : i32
      %dma_start3A_76 = arith.constant 0 : i32
      %dma_start3A_77 = tpu.memref_slice %arg12[%dma_start3A_75, %dma_start3A_76] : memref<256x128xf32, #tpu.memory_space<vmem>> -> memref<128x128xf32, #tpu.memory_space<vmem>>
      %dma_start3A_78 = arith.constant 0 : i32
      %dma_start3A_79 = arith.constant 0 : i32
      %dma_start3A_80 = tpu.memref_slice %arg3[%dma_start3A_78, %dma_start3A_79] : memref<2000x128xf32, #tpu.memory_space<hbm>> -> memref<2000x128xf32, #tpu.memory_space<hbm>>
      tpu.enqueue_indirect_dma source(%dma_start3A_80 : memref<2000x128xf32, #tpu.memory_space<hbm>>) target(%dma_start3A_77 : memref<128x128xf32, #tpu.memory_space<vmem>>) offsets(%arg9 : memref<128xi32, #tpu.memory_space<vmem>>) semaphore(%arg17 : memref<!tpu.dma_semaphore, #tpu.memory_space<semaphore_mem>>)
      %dma_start3A_81 = arith.constant 128 : i32
      %dma_start3A_82 = arith.constant 0 : i32
      %dma_start3A_83 = tpu.memref_slice %arg11[%dma_start3A_81, %dma_start3A_82] : memref<256x128xf32, #tpu.memory_space<vmem>> -> memref<128x128xf32, #tpu.memory_space<vmem>>
      %dma_start3A_84 = arith.constant 128 : i32
      %dma_start3A_85 = tpu.memref_slice %arg8[%dma_start3A_84] : memref<256xi32, #tpu.memory_space<vmem>> -> memref<128xi32, #tpu.memory_space<vmem>>
      %dma_start3A_86 = arith.constant 0 : i32
      %dma_start3A_87 = arith.constant 0 : i32
      %dma_start3A_88 = tpu.memref_slice %arg2[%dma_start3A_86, %dma_start3A_87] : memref<2000x128xf32, #tpu.memory_space<hbm>> -> memref<2000x128xf32, #tpu.memory_space<hbm>>
      tpu.enqueue_indirect_dma source(%dma_start3A_88 : memref<2000x128xf32, #tpu.memory_space<hbm>>) target(%dma_start3A_83 : memref<128x128xf32, #tpu.memory_space<vmem>>) offsets(%dma_start3A_85 : memref<128xi32, #tpu.memory_space<vmem>>) semaphore(%arg16 : memref<!tpu.dma_semaphore, #tpu.memory_space<semaphore_mem>>)
      %dma_start3A_89 = arith.constant 128 : i32
      %dma_start3A_90 = arith.constant 0 : i32
      %dma_start3A_91 = tpu.memref_slice %arg12[%dma_start3A_89, %dma_start3A_90] : memref<256x128xf32, #tpu.memory_space<vmem>> -> memref<128x128xf32, #tpu.memory_space<vmem>>
      %dma_start3A_92 = arith.constant 0 : i32
      %dma_start3A_93 = arith.constant 0 : i32
      %dma_start3A_94 = tpu.memref_slice %arg3[%dma_start3A_92, %dma_start3A_93] : memref<2000x128xf32, #tpu.memory_space<hbm>> -> memref<2000x128xf32, #tpu.memory_space<hbm>>
      tpu.enqueue_indirect_dma source(%dma_start3A_94 : memref<2000x128xf32, #tpu.memory_space<hbm>>) target(%dma_start3A_91 : memref<128x128xf32, #tpu.memory_space<vmem>>) offsets(%arg10 : memref<128xi32, #tpu.memory_space<vmem>>) semaphore(%arg18 : memref<!tpu.dma_semaphore, #tpu.memory_space<semaphore_mem>>)
      %dma_wait3A_95 = arith.constant 0 : i32
      %dma_wait3A_96 = arith.constant 0 : i32
      %dma_wait3A_97 = tpu.memref_slice %arg11[%dma_wait3A_95, %dma_wait3A_96] : memref<256x128xf32, #tpu.memory_space<vmem>> -> memref<128x128xf32, #tpu.memory_space<vmem>>
      %dma_wait3A_98 = arith.constant 0 : i32
      %dma_wait3A_99 = tpu.memref_slice %arg8[%dma_wait3A_98] : memref<256xi32, #tpu.memory_space<vmem>> -> memref<128xi32, #tpu.memory_space<vmem>>
      %dma_wait3A_100 = arith.constant 0 : i32
      %dma_wait3A_101 = arith.constant 0 : i32
      %dma_wait3A_102 = tpu.memref_slice %arg2[%dma_wait3A_100, %dma_wait3A_101] : memref<2000x128xf32, #tpu.memory_space<hbm>> -> memref<2000x128xf32, #tpu.memory_space<hbm>>
      tpu.wait_indirect_dma semaphore(%arg15 : memref<!tpu.dma_semaphore, #tpu.memory_space<semaphore_mem>>) src(%dma_wait3A_102 : memref<2000x128xf32, #tpu.memory_space<hbm>>) dst(%dma_wait3A_97 : memref<128x128xf32, #tpu.memory_space<vmem>>)
      %dma_wait3A_103 = arith.constant 0 : i32
      %dma_wait3A_104 = arith.constant 0 : i32
      %dma_wait3A_105 = tpu.memref_slice %arg12[%dma_wait3A_103, %dma_wait3A_104] : memref<256x128xf32, #tpu.memory_space<vmem>> -> memref<128x128xf32, #tpu.memory_space<vmem>>
      %dma_wait3A_106 = arith.constant 0 : i32
      %dma_wait3A_107 = arith.constant 0 : i32
      %dma_wait3A_108 = tpu.memref_slice %arg3[%dma_wait3A_106, %dma_wait3A_107] : memref<2000x128xf32, #tpu.memory_space<hbm>> -> memref<2000x128xf32, #tpu.memory_space<hbm>>
      tpu.wait_indirect_dma semaphore(%arg17 : memref<!tpu.dma_semaphore, #tpu.memory_space<semaphore_mem>>) src(%dma_wait3A_108 : memref<2000x128xf32, #tpu.memory_space<hbm>>) dst(%dma_wait3A_105 : memref<128x128xf32, #tpu.memory_space<vmem>>)
      %dma_wait3A_109 = arith.constant 128 : i32
      %dma_wait3A_110 = arith.constant 0 : i32
      %dma_wait3A_111 = tpu.memref_slice %arg11[%dma_wait3A_109, %dma_wait3A_110] : memref<256x128xf32, #tpu.memory_space<vmem>> -> memref<128x128xf32, #tpu.memory_space<vmem>>
      %dma_wait3A_112 = arith.constant 128 : i32
      %dma_wait3A_113 = tpu.memref_slice %arg8[%dma_wait3A_112] : memref<256xi32, #tpu.memory_space<vmem>> -> memref<128xi32, #tpu.memory_space<vmem>>
      %dma_wait3A_114 = arith.constant 0 : i32
      %dma_wait3A_115 = arith.constant 0 : i32
      %dma_wait3A_116 = tpu.memref_slice %arg2[%dma_wait3A_114, %dma_wait3A_115] : memref<2000x128xf32, #tpu.memory_space<hbm>> -> memref<2000x128xf32, #tpu.memory_space<hbm>>
      tpu.wait_indirect_dma semaphore(%arg16 : memref<!tpu.dma_semaphore, #tpu.memory_space<semaphore_mem>>) src(%dma_wait3A_116 : memref<2000x128xf32, #tpu.memory_space<hbm>>) dst(%dma_wait3A_111 : memref<128x128xf32, #tpu.memory_space<vmem>>)
      %dma_wait3A_117 = arith.constant 128 : i32
      %dma_wait3A_118 = arith.constant 0 : i32
      %dma_wait3A_119 = tpu.memref_slice %arg12[%dma_wait3A_117, %dma_wait3A_118] : memref<256x128xf32, #tpu.memory_space<vmem>> -> memref<128x128xf32, #tpu.memory_space<vmem>>
      %dma_wait3A_120 = arith.constant 0 : i32
      %dma_wait3A_121 = arith.constant 0 : i32
      %dma_wait3A_122 = tpu.memref_slice %arg3[%dma_wait3A_120, %dma_wait3A_121] : memref<2000x128xf32, #tpu.memory_space<hbm>> -> memref<2000x128xf32, #tpu.memory_space<hbm>>
      tpu.wait_indirect_dma semaphore(%arg18 : memref<!tpu.dma_semaphore, #tpu.memory_space<semaphore_mem>>) src(%dma_wait3A_122 : memref<2000x128xf32, #tpu.memory_space<hbm>>) dst(%dma_wait3A_119 : memref<128x128xf32, #tpu.memory_space<vmem>>)
      %scan3A_123 = arith.constant 0 : i32
      %scan3A_124 = arith.constant 256 : i32
      %scan3A_125 = arith.addi %scan3A_123, %scan3A_124 : i32
      %scan3A_126 = arith.constant 1 : i32
      scf.for %scan3A_152 = %scan3A_123 to %scan3A_125 step %scan3A_126  : i32 {
        %get3A = arith.index_cast %scan3A_152 : i32 to index
        %get3A_153 = arith.constant 0 : index
        %get3A_154 = tpu.vector_load %arg11[%get3A, %get3A_153] {strides = array<i32>} : memref<256x128xf32, #tpu.memory_space<vmem>>, vector<1x16xf32>,
        %get3A_155 = vector.shape_cast %get3A_154 : vector<1x16xf32> to vector<16xf32>
        %get3A_156 = arith.index_cast %scan3A_152 : i32 to index
        %get3A_157 = arith.constant 0 : index
        %get3A_158 = tpu.vector_load %arg12[%get3A_156, %get3A_157] {strides = array<i32>} : memref<256x128xf32, #tpu.memory_space<vmem>>, vector<1x16xf32>,
        %get3A_159 = vector.shape_cast %get3A_158 : vector<1x16xf32> to vector<16xf32>
        %add3A_160 = arith.addf %get3A_155, %get3A_159 : vector<16xf32>
        %max3A = arith.constant 0.000000e+00 : f32
        %max3A_161 = vector.broadcast %max3A : f32 to vector<16xf32>
        %max3A_162 = arith.maximumf %add3A_160, %max3A_161 : vector<16xf32>
        %swap3A = arith.index_cast %scan3A_152 : i32 to index
        %swap3A_163 = arith.constant 0 : index
        %swap3A_164 = tpu.vector_load %arg11[%swap3A, %swap3A_163] {strides = array<i32>} : memref<256x128xf32, #tpu.memory_space<vmem>>, vector<1x16xf32>,
        %swap3A_165 = vector.shape_cast %swap3A_164 : vector<1x16xf32> to vector<16xf32>
        %swap3A_166 = vector.shape_cast %max3A_162 : vector<16xf32> to vector<1x16xf32>
        tpu.vector_store %arg11[%swap3A, %swap3A_163], %swap3A_166 {strides = array<i32>} : memref<256x128xf32, #tpu.memory_space<vmem>>, vector<1x16xf32>,
        %get3A_167 = arith.index_cast %scan3A_152 : i32 to index
        %get3A_168 = arith.constant 16 : index
        %get3A_169 = tpu.vector_load %arg11[%get3A_167, %get3A_168] {strides = array<i32>} : memref<256x128xf32, #tpu.memory_space<vmem>>, vector<1x16xf32>,
        %get3A_170 = vector.shape_cast %get3A_169 : vector<1x16xf32> to vector<16xf32>
        %get3A_171 = arith.index_cast %scan3A_152 : i32 to index
        %get3A_172 = arith.constant 16 : index
        %get3A_173 = tpu.vector_load %arg12[%get3A_171, %get3A_172] {strides = array<i32>} : memref<256x128xf32, #tpu.memory_space<vmem>>, vector<1x16xf32>,
        %get3A_174 = vector.shape_cast %get3A_173 : vector<1x16xf32> to vector<16xf32>
        %add3A_175 = arith.addf %get3A_170, %get3A_174 : vector<16xf32>
        %max3A_176 = arith.constant 0.000000e+00 : f32
        %max3A_177 = vector.broadcast %max3A_176 : f32 to vector<16xf32>
        %max3A_178 = arith.maximumf %add3A_175, %max3A_177 : vector<16xf32>
        %swap3A_179 = arith.index_cast %scan3A_152 : i32 to index
        %swap3A_180 = arith.constant 16 : index
        %swap3A_181 = tpu.vector_load %arg11[%swap3A_179, %swap3A_180] {strides = array<i32>} : memref<256x128xf32, #tpu.memory_space<vmem>>, vector<1x16xf32>,
        %swap3A_182 = vector.shape_cast %swap3A_181 : vector<1x16xf32> to vector<16xf32>
        %swap3A_183 = vector.shape_cast %max3A_178 : vector<16xf32> to vector<1x16xf32>
        tpu.vector_store %arg11[%swap3A_179, %swap3A_180], %swap3A_183 {strides = array<i32>} : memref<256x128xf32, #tpu.memory_space<vmem>>, vector<1x16xf32>,
        %get3A_184 = arith.index_cast %scan3A_152 : i32 to index
        %get3A_185 = arith.constant 32 : index
        %get3A_186 = tpu.vector_load %arg11[%get3A_184, %get3A_185] {strides = array<i32>} : memref<256x128xf32, #tpu.memory_space<vmem>>, vector<1x16xf32>,
        %get3A_187 = vector.shape_cast %get3A_186 : vector<1x16xf32> to vector<16xf32>
        %get3A_188 = arith.index_cast %scan3A_152 : i32 to index
        %get3A_189 = arith.constant 32 : index
        %get3A_190 = tpu.vector_load %arg12[%get3A_188, %get3A_189] {strides = array<i32>} : memref<256x128xf32, #tpu.memory_space<vmem>>, vector<1x16xf32>,
        %get3A_191 = vector.shape_cast %get3A_190 : vector<1x16xf32> to vector<16xf32>
        %add3A_192 = arith.addf %get3A_187, %get3A_191 : vector<16xf32>
        %max3A_193 = arith.constant 0.000000e+00 : f32
        %max3A_194 = vector.broadcast %max3A_193 : f32 to vector<16xf32>
        %max3A_195 = arith.maximumf %add3A_192, %max3A_194 : vector<16xf32>
        %swap3A_196 = arith.index_cast %scan3A_152 : i32 to index
        %swap3A_197 = arith.constant 32 : index
        %swap3A_198 = tpu.vector_load %arg11[%swap3A_196, %swap3A_197] {strides = array<i32>} : memref<256x128xf32, #tpu.memory_space<vmem>>, vector<1x16xf32>,
        %swap3A_199 = vector.shape_cast %swap3A_198 : vector<1x16xf32> to vector<16xf32>
        %swap3A_200 = vector.shape_cast %max3A_195 : vector<16xf32> to vector<1x16xf32>
        tpu.vector_store %arg11[%swap3A_196, %swap3A_197], %swap3A_200 {strides = array<i32>} : memref<256x128xf32, #tpu.memory_space<vmem>>, vector<1x16xf32>,
        %get3A_201 = arith.index_cast %scan3A_152 : i32 to index
        %get3A_202 = arith.constant 48 : index
        %get3A_203 = tpu.vector_load %arg11[%get3A_201, %get3A_202] {strides = array<i32>} : memref<256x128xf32, #tpu.memory_space<vmem>>, vector<1x16xf32>,
        %get3A_204 = vector.shape_cast %get3A_203 : vector<1x16xf32> to vector<16xf32>
        %get3A_205 = arith.index_cast %scan3A_152 : i32 to index
        %get3A_206 = arith.constant 48 : index
        %get3A_207 = tpu.vector_load %arg12[%get3A_205, %get3A_206] {strides = array<i32>} : memref<256x128xf32, #tpu.memory_space<vmem>>, vector<1x16xf32>,
        %get3A_208 = vector.shape_cast %get3A_207 : vector<1x16xf32> to vector<16xf32>
        %add3A_209 = arith.addf %get3A_204, %get3A_208 : vector<16xf32>
        %max3A_210 = arith.constant 0.000000e+00 : f32
        %max3A_211 = vector.broadcast %max3A_210 : f32 to vector<16xf32>
        %max3A_212 = arith.maximumf %add3A_209, %max3A_211 : vector<16xf32>
        %swap3A_213 = arith.index_cast %scan3A_152 : i32 to index
        %swap3A_214 = arith.constant 48 : index
        %swap3A_215 = tpu.vector_load %arg11[%swap3A_213, %swap3A_214] {strides = array<i32>} : memref<256x128xf32, #tpu.memory_space<vmem>>, vector<1x16xf32>,
        %swap3A_216 = vector.shape_cast %swap3A_215 : vector<1x16xf32> to vector<16xf32>
        %swap3A_217 = vector.shape_cast %max3A_212 : vector<16xf32> to vector<1x16xf32>
        tpu.vector_store %arg11[%swap3A_213, %swap3A_214], %swap3A_217 {strides = array<i32>} : memref<256x128xf32, #tpu.memory_space<vmem>>, vector<1x16xf32>,
        %get3A_218 = arith.index_cast %scan3A_152 : i32 to index
        %get3A_219 = arith.constant 64 : index
        %get3A_220 = tpu.vector_load %arg11[%get3A_218, %get3A_219] {strides = array<i32>} : memref<256x128xf32, #tpu.memory_space<vmem>>, vector<1x16xf32>,
        %get3A_221 = vector.shape_cast %get3A_220 : vector<1x16xf32> to vector<16xf32>
        %get3A_222 = arith.index_cast %scan3A_152 : i32 to index
        %get3A_223 = arith.constant 64 : index
        %get3A_224 = tpu.vector_load %arg12[%get3A_222, %get3A_223] {strides = array<i32>} : memref<256x128xf32, #tpu.memory_space<vmem>>, vector<1x16xf32>,
        %get3A_225 = vector.shape_cast %get3A_224 : vector<1x16xf32> to vector<16xf32>
        %add3A_226 = arith.addf %get3A_221, %get3A_225 : vector<16xf32>
        %max3A_227 = arith.constant 0.000000e+00 : f32
        %max3A_228 = vector.broadcast %max3A_227 : f32 to vector<16xf32>
        %max3A_229 = arith.maximumf %add3A_226, %max3A_228 : vector<16xf32>
        %swap3A_230 = arith.index_cast %scan3A_152 : i32 to index
        %swap3A_231 = arith.constant 64 : index
        %swap3A_232 = tpu.vector_load %arg11[%swap3A_230, %swap3A_231] {strides = array<i32>} : memref<256x128xf32, #tpu.memory_space<vmem>>, vector<1x16xf32>,
        %swap3A_233 = vector.shape_cast %swap3A_232 : vector<1x16xf32> to vector<16xf32>
        %swap3A_234 = vector.shape_cast %max3A_229 : vector<16xf32> to vector<1x16xf32>
        tpu.vector_store %arg11[%swap3A_230, %swap3A_231], %swap3A_234 {strides = array<i32>} : memref<256x128xf32, #tpu.memory_space<vmem>>, vector<1x16xf32>,
        %get3A_235 = arith.index_cast %scan3A_152 : i32 to index
        %get3A_236 = arith.constant 80 : index
        %get3A_237 = tpu.vector_load %arg11[%get3A_235, %get3A_236] {strides = array<i32>} : memref<256x128xf32, #tpu.memory_space<vmem>>, vector<1x16xf32>,
        %get3A_238 = vector.shape_cast %get3A_237 : vector<1x16xf32> to vector<16xf32>
        %get3A_239 = arith.index_cast %scan3A_152 : i32 to index
        %get3A_240 = arith.constant 80 : index
        %get3A_241 = tpu.vector_load %arg12[%get3A_239, %get3A_240] {strides = array<i32>} : memref<256x128xf32, #tpu.memory_space<vmem>>, vector<1x16xf32>,
        %get3A_242 = vector.shape_cast %get3A_241 : vector<1x16xf32> to vector<16xf32>
        %add3A_243 = arith.addf %get3A_238, %get3A_242 : vector<16xf32>
        %max3A_244 = arith.constant 0.000000e+00 : f32
        %max3A_245 = vector.broadcast %max3A_244 : f32 to vector<16xf32>
        %max3A_246 = arith.maximumf %add3A_243, %max3A_245 : vector<16xf32>
        %swap3A_247 = arith.index_cast %scan3A_152 : i32 to index
        %swap3A_248 = arith.constant 80 : index
        %swap3A_249 = tpu.vector_load %arg11[%swap3A_247, %swap3A_248] {strides = array<i32>} : memref<256x128xf32, #tpu.memory_space<vmem>>, vector<1x16xf32>,
        %swap3A_250 = vector.shape_cast %swap3A_249 : vector<1x16xf32> to vector<16xf32>
        %swap3A_251 = vector.shape_cast %max3A_246 : vector<16xf32> to vector<1x16xf32>
        tpu.vector_store %arg11[%swap3A_247, %swap3A_248], %swap3A_251 {strides = array<i32>} : memref<256x128xf32, #tpu.memory_space<vmem>>, vector<1x16xf32>,
        %get3A_252 = arith.index_cast %scan3A_152 : i32 to index
        %get3A_253 = arith.constant 96 : index
        %get3A_254 = tpu.vector_load %arg11[%get3A_252, %get3A_253] {strides = array<i32>} : memref<256x128xf32, #tpu.memory_space<vmem>>, vector<1x16xf32>,
        %get3A_255 = vector.shape_cast %get3A_254 : vector<1x16xf32> to vector<16xf32>
        %get3A_256 = arith.index_cast %scan3A_152 : i32 to index
        %get3A_257 = arith.constant 96 : index
        %get3A_258 = tpu.vector_load %arg12[%get3A_256, %get3A_257] {strides = array<i32>} : memref<256x128xf32, #tpu.memory_space<vmem>>, vector<1x16xf32>,
        %get3A_259 = vector.shape_cast %get3A_258 : vector<1x16xf32> to vector<16xf32>
        %add3A_260 = arith.addf %get3A_255, %get3A_259 : vector<16xf32>
        %max3A_261 = arith.constant 0.000000e+00 : f32
        %max3A_262 = vector.broadcast %max3A_261 : f32 to vector<16xf32>
        %max3A_263 = arith.maximumf %add3A_260, %max3A_262 : vector<16xf32>
        %swap3A_264 = arith.index_cast %scan3A_152 : i32 to index
        %swap3A_265 = arith.constant 96 : index
        %swap3A_266 = tpu.vector_load %arg11[%swap3A_264, %swap3A_265] {strides = array<i32>} : memref<256x128xf32, #tpu.memory_space<vmem>>, vector<1x16xf32>,
        %swap3A_267 = vector.shape_cast %swap3A_266 : vector<1x16xf32> to vector<16xf32>
        %swap3A_268 = vector.shape_cast %max3A_263 : vector<16xf32> to vector<1x16xf32>
        tpu.vector_store %arg11[%swap3A_264, %swap3A_265], %swap3A_268 {strides = array<i32>} : memref<256x128xf32, #tpu.memory_space<vmem>>, vector<1x16xf32>,
        %get3A_269 = arith.index_cast %scan3A_152 : i32 to index
        %get3A_270 = arith.constant 112 : index
        %get3A_271 = tpu.vector_load %arg11[%get3A_269, %get3A_270] {strides = array<i32>} : memref<256x128xf32, #tpu.memory_space<vmem>>, vector<1x16xf32>,
        %get3A_272 = vector.shape_cast %get3A_271 : vector<1x16xf32> to vector<16xf32>
        %get3A_273 = arith.index_cast %scan3A_152 : i32 to index
        %get3A_274 = arith.constant 112 : index
        %get3A_275 = tpu.vector_load %arg12[%get3A_273, %get3A_274] {strides = array<i32>} : memref<256x128xf32, #tpu.memory_space<vmem>>, vector<1x16xf32>,
        %get3A_276 = vector.shape_cast %get3A_275 : vector<1x16xf32> to vector<16xf32>
        %add3A_277 = arith.addf %get3A_272, %get3A_276 : vector<16xf32>
        %max3A_278 = arith.constant 0.000000e+00 : f32
        %max3A_279 = vector.broadcast %max3A_278 : f32 to vector<16xf32>
        %max3A_280 = arith.maximumf %add3A_277, %max3A_279 : vector<16xf32>
        %swap3A_281 = arith.index_cast %scan3A_152 : i32 to index
        %swap3A_282 = arith.constant 112 : index
        %swap3A_283 = tpu.vector_load %arg11[%swap3A_281, %swap3A_282] {strides = array<i32>} : memref<256x128xf32, #tpu.memory_space<vmem>>, vector<1x16xf32>,
        %swap3A_284 = vector.shape_cast %swap3A_283 : vector<1x16xf32> to vector<16xf32>
        %swap3A_285 = vector.shape_cast %max3A_280 : vector<16xf32> to vector<1x16xf32>
        tpu.vector_store %arg11[%swap3A_281, %swap3A_282], %swap3A_285 {strides = array<i32>} : memref<256x128xf32, #tpu.memory_space<vmem>>, vector<1x16xf32>,
      }
      %scan3A_127 = arith.constant 256 : i32
      %dma_start3A_128 = arith.constant 0 : i32
      %dma_start3A_129 = arith.constant 0 : i32
      %dma_start3A_130 = tpu.memref_slice %arg11[%dma_start3A_128, %dma_start3A_129] : memref<256x128xf32, #tpu.memory_space<vmem>> -> memref<128x128xf32, #tpu.memory_space<vmem>>
      %dma_start3A_131 = arith.constant 0 : i32
      %dma_start3A_132 = arith.constant 0 : i32
      %dma_start3A_133 = tpu.memref_slice %arg7[%dma_start3A_131, %dma_start3A_132] : memref<2048x128xf32, #tpu.memory_space<vmem_shared>> -> memref<2048x128xf32, #tpu.memory_space<vmem_shared>>
      tpu.enqueue_indirect_dma source(%dma_start3A_130 : memref<128x128xf32, #tpu.memory_space<vmem>>) target(%dma_start3A_133 : memref<2048x128xf32, #tpu.memory_space<vmem_shared>>) offsets(%arg9 : memref<128xi32, #tpu.memory_space<vmem>>) semaphore(%arg19 : memref<!tpu.dma_semaphore, #tpu.memory_space<semaphore_mem>>) {add = true}
      %dma_start3A_134 = arith.constant 128 : i32
      %dma_start3A_135 = arith.constant 0 : i32
      %dma_start3A_136 = tpu.memref_slice %arg11[%dma_start3A_134, %dma_start3A_135] : memref<256x128xf32, #tpu.memory_space<vmem>> -> memref<128x128xf32, #tpu.memory_space<vmem>>
      %dma_start3A_137 = arith.constant 0 : i32
      %dma_start3A_138 = arith.constant 0 : i32
      %dma_start3A_139 = tpu.memref_slice %arg7[%dma_start3A_137, %dma_start3A_138] : memref<2048x128xf32, #tpu.memory_space<vmem_shared>> -> memref<2048x128xf32, #tpu.memory_space<vmem_shared>>
      tpu.enqueue_indirect_dma source(%dma_start3A_136 : memref<128x128xf32, #tpu.memory_space<vmem>>) target(%dma_start3A_139 : memref<2048x128xf32, #tpu.memory_space<vmem_shared>>) offsets(%arg10 : memref<128xi32, #tpu.memory_space<vmem>>) semaphore(%arg20 : memref<!tpu.dma_semaphore, #tpu.memory_space<semaphore_mem>>) {add = true}
      %dma_wait3A_140 = arith.constant 0 : i32
      %dma_wait3A_141 = arith.constant 0 : i32
      %dma_wait3A_142 = tpu.memref_slice %arg11[%dma_wait3A_140, %dma_wait3A_141] : memref<256x128xf32, #tpu.memory_space<vmem>> -> memref<128x128xf32, #tpu.memory_space<vmem>>
      %dma_wait3A_143 = arith.constant 0 : i32
      %dma_wait3A_144 = arith.constant 0 : i32
      %dma_wait3A_145 = tpu.memref_slice %arg7[%dma_wait3A_143, %dma_wait3A_144] : memref<2048x128xf32, #tpu.memory_space<vmem_shared>> -> memref<2048x128xf32, #tpu.memory_space<vmem_shared>>
      tpu.wait_indirect_dma semaphore(%arg19 : memref<!tpu.dma_semaphore, #tpu.memory_space<semaphore_mem>>) src(%dma_wait3A_142 : memref<128x128xf32, #tpu.memory_space<vmem>>) dst(%dma_wait3A_145 : memref<2048x128xf32, #tpu.memory_space<vmem_shared>>)
      %dma_wait3A_146 = arith.constant 128 : i32
      %dma_wait3A_147 = arith.constant 0 : i32
      %dma_wait3A_148 = tpu.memref_slice %arg11[%dma_wait3A_146, %dma_wait3A_147] : memref<256x128xf32, #tpu.memory_space<vmem>> -> memref<128x128xf32, #tpu.memory_space<vmem>>
      %dma_wait3A_149 = arith.constant 0 : i32
      %dma_wait3A_150 = arith.constant 0 : i32
      %dma_wait3A_151 = tpu.memref_slice %arg7[%dma_wait3A_149, %dma_wait3A_150] : memref<2048x128xf32, #tpu.memory_space<vmem_shared>> -> memref<2048x128xf32, #tpu.memory_space<vmem_shared>>
      tpu.wait_indirect_dma semaphore(%arg20 : memref<!tpu.dma_semaphore, #tpu.memory_space<semaphore_mem>>) src(%dma_wait3A_148 : memref<128x128xf32, #tpu.memory_space<vmem>>) dst(%dma_wait3A_151 : memref<2048x128xf32, #tpu.memory_space<vmem_shared>>)
    }
    %barrier3A_40 = arith.constant 0 : index
    tpu.barrier barrier_id(%barrier3A_40)
    %mul3A_41 = arith.constant 128 : i32
    %mul3A_42 = arith.muli %arg1, %mul3A_41 : i32
    %add3A_43 = arith.constant 0 : i32
    %add3A_44 = arith.addi %mul3A_42, %add3A_43 : i32
    %add3A_45 = arith.constant 0 : i32
    %add3A_46 = arith.addi %mul3A_42, %add3A_45 : i32
    "tpu.region"() ({
      %run_scoped3A = tpu.sem_alloc : memref<!tpu.dma_semaphore, #tpu.memory_space<semaphore_mem>>
      %dma_start3A = arith.constant 0 : i32
      %dma_start3A_47 = tpu.memref_slice %arg6[%arg0, %add3A_46, %dma_start3A] : memref<2x2048x128xf32, #tpu.memory_space<hbm>> -> memref<1x128x128xf32, #tpu.memory_space<hbm>>
      %dma_start3A_48 = tpu.memref_squeeze %dma_start3A_47 : memref<1x128x128xf32, #tpu.memory_space<hbm>> -> memref<128x128xf32, #tpu.memory_space<hbm>>
      %dma_start3A_49 = arith.constant 0 : i32
      %dma_start3A_50 = tpu.memref_slice %arg7[%add3A_44, %dma_start3A_49] : memref<2048x128xf32, #tpu.memory_space<vmem_shared>> -> memref<128x128xf32, #tpu.memory_space<vmem_shared>>
      tpu.enqueue_dma source(%dma_start3A_50 : memref<128x128xf32, #tpu.memory_space<vmem_shared>>) target(%dma_start3A_48 : memref<128x128xf32, #tpu.memory_space<hbm>>) target_semaphore(%run_scoped3A : memref<!tpu.dma_semaphore, #tpu.memory_space<semaphore_mem>>)
      %dma_wait3A = arith.constant 0 : i32
      %dma_wait3A_51 = tpu.memref_slice %arg6[%arg0, %add3A_46, %dma_wait3A] : memref<2x2048x128xf32, #tpu.memory_space<hbm>> -> memref<1x128x128xf32, #tpu.memory_space<hbm>>
      %dma_wait3A_52 = tpu.memref_squeeze %dma_wait3A_51 : memref<1x128x128xf32, #tpu.memory_space<hbm>> -> memref<128x128xf32, #tpu.memory_space<hbm>>
      %dma_wait3A_53 = arith.constant 0 : i32
      %dma_wait3A_54 = tpu.memref_slice %arg7[%add3A_44, %dma_wait3A_53] : memref<2048x128xf32, #tpu.memory_space<vmem_shared>> -> memref<128x128xf32, #tpu.memory_space<vmem_shared>>
      tpu.wait_dma2 semaphore(%run_scoped3A : memref<!tpu.dma_semaphore, #tpu.memory_space<semaphore_mem>>) src(%dma_wait3A_54 : memref<128x128xf32, #tpu.memory_space<vmem_shared>>) dst(%dma_wait3A_52 : memref<128x128xf32, #tpu.memory_space<hbm>>)
      tpu.yield
    }) : () -> ()
    return
  }
}

module attributes {stable_mosaic.version = 14 : i64} {
  func.func @_proj_kernel(%arg0: i32, %arg1: memref<1000x128xf32, #tpu.memory_space<vmem>>, %arg2: memref<1000x2xf32, #tpu.memory_space<vmem>>, %arg3: memref<128x128xf32, #tpu.memory_space<vmem>>, %arg4: memref<2x128xf32, #tpu.memory_space<vmem>>, %arg5: memref<1000x128xf32, #tpu.memory_space<vmem>>) attributes {dimension_semantics = [#tpu.dimension_semantics<arbitrary>], iteration_bounds = array<i64: 2>, scalar_prefetch = 0 : i64, scratch_operands = 0 : i64, tpu.core_type = #tpu.core_type<tc>, window_params = [{transform_indices = @transform_0, window_bounds = array<i64: 1000, 128>}, {transform_indices = @transform_1, window_bounds = array<i64: 1000, 2>}, {pipeline_mode = #tpu.pipeline_mode<synchronous>, transform_indices = @transform_2, window_bounds = array<i64: 128, 128>}, {pipeline_mode = #tpu.pipeline_mode<synchronous>, transform_indices = @transform_3, window_bounds = array<i64: 2, 128>}, {transform_indices = @transform_4, window_bounds = array<i64: 1000, 128>}]} {
    %get3A = arith.constant 0 : index
    %get3A_0 = arith.constant 0 : index
    %get3A_1 = vector.load %arg1[%get3A, %get3A_0] : memref<1000x128xf32, #tpu.memory_space<vmem>>, vector<1000x128xf32>
    %get3A_2 = arith.constant 0 : index
    %get3A_3 = arith.constant 0 : index
    %get3A_4 = vector.load %arg2[%get3A_2, %get3A_3] : memref<1000x2xf32, #tpu.memory_space<vmem>>, vector<1000x2xf32>
    %get3A_5 = arith.constant 0 : index
    %get3A_6 = arith.constant 0 : index
    %get3A_7 = vector.load %arg3[%get3A_5, %get3A_6] : memref<128x128xf32, #tpu.memory_space<vmem>>, vector<128x128xf32>
    %dot_general3A = arith.constant dense<0.000000e+00> : vector<1000x128xf32>
    %dot_general3A_8 = tpu.matmul %get3A_1, %get3A_7, %dot_general3A {dimension_numbers = #tpu.dot_dimension_numbers<[1], [0], [0], [1], [0, 0, 1, 1], [], []>, transpose_lhs_hint = false} : vector<1000x128xf32>, vector<128x128xf32>, vector<1000x128xf32> -> vector<1000x128xf32>
    %slice3A = vector.extract_strided_slice %get3A_4 {offsets = [0, 0], sizes = [1000, 1], strides = [1, 1]} : vector<1000x2xf32> to vector<1000x1xf32>
    %get3A_9 = arith.constant 0 : index
    %get3A_10 = arith.constant 0 : index
    %get3A_11 = vector.load %arg4[%get3A_9, %get3A_10] : memref<2x128xf32, #tpu.memory_space<vmem>>, vector<1x128xf32>
    %mul3A = vector.broadcast %slice3A : vector<1000x1xf32> to vector<1000x128xf32>
    %mul3A_12 = vector.broadcast %get3A_11 : vector<1x128xf32> to vector<1000x128xf32>
    %mul3A_13 = arith.mulf %mul3A, %mul3A_12 : vector<1000x128xf32>
    %slice3A_14 = vector.extract_strided_slice %get3A_4 {offsets = [0, 1], sizes = [1000, 1], strides = [1, 1]} : vector<1000x2xf32> to vector<1000x1xf32>
    %get3A_15 = arith.constant 1 : index
    %get3A_16 = arith.constant 0 : index
    %get3A_17 = vector.load %arg4[%get3A_15, %get3A_16] : memref<2x128xf32, #tpu.memory_space<vmem>>, vector<1x128xf32>
    %mul3A_18 = vector.broadcast %slice3A_14 : vector<1000x1xf32> to vector<1000x128xf32>
    %mul3A_19 = vector.broadcast %get3A_17 : vector<1x128xf32> to vector<1000x128xf32>
    %mul3A_20 = arith.mulf %mul3A_18, %mul3A_19 : vector<1000x128xf32>
    %add3A = arith.addf %mul3A_13, %mul3A_20 : vector<1000x128xf32>
    %sub3A = arith.subf %dot_general3A_8, %add3A : vector<1000x128xf32>
    %swap3A = arith.constant 0 : index
    %swap3A_21 = arith.constant 0 : index
    %swap3A_22 = vector.load %arg5[%swap3A, %swap3A_21] : memref<1000x128xf32, #tpu.memory_space<vmem>>, vector<1000x128xf32>
    tpu.vector_store %arg5[%swap3A, %swap3A_21], %sub3A {strides = array<i32>} : memref<1000x128xf32, #tpu.memory_space<vmem>>, vector<1000x128xf32>,
    return
  }
  func.func @transform_0(%arg0: i32) -> (i32, i32) {
    %c0_i32 = arith.constant 0 : i32
    %c0_i32_0 = arith.constant 0 : i32
    return %arg0, %c0_i32 : i32, i32
  }
  func.func @transform_1(%arg0: i32) -> (i32, i32) {
    %c0_i32 = arith.constant 0 : i32
    %c0_i32_0 = arith.constant 0 : i32
    return %arg0, %c0_i32 : i32, i32
  }
  func.func @transform_2(%arg0: i32) -> (i32, i32) {
    %c0_i32 = arith.constant 0 : i32
    %c0_i32_0 = arith.constant 0 : i32
    %c0_i32_1 = arith.constant 0 : i32
    return %c0_i32, %c0_i32_0 : i32, i32
  }
  func.func @transform_3(%arg0: i32) -> (i32, i32) {
    %c0_i32 = arith.constant 0 : i32
    %c0_i32_0 = arith.constant 0 : i32
    %c0_i32_1 = arith.constant 0 : i32
    return %c0_i32, %c0_i32_0 : i32, i32
  }
  func.func @transform_4(%arg0: i32) -> (i32, i32) {
    %c0_i32 = arith.constant 0 : i32
    %c0_i32_0 = arith.constant 0 : i32
    return %arg0, %c0_i32 : i32, i32
  }
}

module attributes {stable_mosaic.version = 14 : i64} {
  func.func @_ctrproj_kernel(%arg0: i32, %arg1: memref<1000x2xf32, #tpu.memory_space<vmem>>, %arg2: memref<2x128xf32, #tpu.memory_space<vmem>>, %arg3: memref<1000x128xf32, #tpu.memory_space<vmem>>) attributes {dimension_semantics = [#tpu.dimension_semantics<arbitrary>], iteration_bounds = array<i64: 10>, scalar_prefetch = 0 : i64, scratch_operands = 0 : i64, tpu.core_type = #tpu.core_type<tc>, window_params = [{transform_indices = @transform_0, window_bounds = array<i64: 1000, 2>}, {pipeline_mode = #tpu.pipeline_mode<synchronous>, transform_indices = @transform_1, window_bounds = array<i64: 2, 128>}, {transform_indices = @transform_2, window_bounds = array<i64: 1000, 128>}]} {
    %get3A = arith.constant 0 : index
    %get3A_0 = arith.constant 0 : index
    %get3A_1 = vector.load %arg1[%get3A, %get3A_0] : memref<1000x2xf32, #tpu.memory_space<vmem>>, vector<1000x2xf32>
    %slice3A = vector.extract_strided_slice %get3A_1 {offsets = [0, 0], sizes = [1000, 1], strides = [1, 1]} : vector<1000x2xf32> to vector<1000x1xf32>
    %get3A_2 = arith.constant 0 : index
    %get3A_3 = arith.constant 0 : index
    %get3A_4 = vector.load %arg2[%get3A_2, %get3A_3] : memref<2x128xf32, #tpu.memory_space<vmem>>, vector<1x128xf32>
    %mul3A = vector.broadcast %slice3A : vector<1000x1xf32> to vector<1000x128xf32>
    %mul3A_5 = vector.broadcast %get3A_4 : vector<1x128xf32> to vector<1000x128xf32>
    %mul3A_6 = arith.mulf %mul3A, %mul3A_5 : vector<1000x128xf32>
    %slice3A_7 = vector.extract_strided_slice %get3A_1 {offsets = [0, 1], sizes = [1000, 1], strides = [1, 1]} : vector<1000x2xf32> to vector<1000x1xf32>
    %get3A_8 = arith.constant 1 : index
    %get3A_9 = arith.constant 0 : index
    %get3A_10 = vector.load %arg2[%get3A_8, %get3A_9] : memref<2x128xf32, #tpu.memory_space<vmem>>, vector<1x128xf32>
    %mul3A_11 = vector.broadcast %slice3A_7 : vector<1000x1xf32> to vector<1000x128xf32>
    %mul3A_12 = vector.broadcast %get3A_10 : vector<1x128xf32> to vector<1000x128xf32>
    %mul3A_13 = arith.mulf %mul3A_11, %mul3A_12 : vector<1000x128xf32>
    %add3A = arith.addf %mul3A_6, %mul3A_13 : vector<1000x128xf32>
    %swap3A = arith.constant 0 : index
    %swap3A_14 = arith.constant 0 : index
    %swap3A_15 = vector.load %arg3[%swap3A, %swap3A_14] : memref<1000x128xf32, #tpu.memory_space<vmem>>, vector<1000x128xf32>
    tpu.vector_store %arg3[%swap3A, %swap3A_14], %add3A {strides = array<i32>} : memref<1000x128xf32, #tpu.memory_space<vmem>>, vector<1000x128xf32>,
    return
  }
  func.func @transform_0(%arg0: i32) -> (i32, i32) {
    %c0_i32 = arith.constant 0 : i32
    %c0_i32_0 = arith.constant 0 : i32
    return %arg0, %c0_i32 : i32, i32
  }
  func.func @transform_1(%arg0: i32) -> (i32, i32) {
    %c0_i32 = arith.constant 0 : i32
    %c0_i32_0 = arith.constant 0 : i32
    %c0_i32_1 = arith.constant 0 : i32
    return %c0_i32, %c0_i32_0 : i32, i32
  }
  func.func @transform_2(%arg0: i32) -> (i32, i32) {
    %c0_i32 = arith.constant 0 : i32
    %c0_i32_0 = arith.constant 0 : i32
    return %arg0, %c0_i32 : i32, i32
  }
}

module attributes {stable_mosaic.version = 14 : i64} {
  func.func @_map_update2_kernel(%arg0: i32, %arg1: memref<1000x128xf32, #tpu.memory_space<vmem>>, %arg2: memref<1000x128xf32, #tpu.memory_space<vmem>>, %arg3: memref<1000x128xf32, #tpu.memory_space<vmem>>, %arg4: memref<1000x128xf32, #tpu.memory_space<vmem>>, %arg5: memref<1000x128xf32, #tpu.memory_space<vmem>>, %arg6: memref<128x128xf32, #tpu.memory_space<vmem>>, %arg7: memref<128x128xf32, #tpu.memory_space<vmem>>, %arg8: memref<1000x128xf32, #tpu.memory_space<vmem>>) attributes {dimension_semantics = [#tpu.dimension_semantics<arbitrary>], iteration_bounds = array<i64: 10>, scalar_prefetch = 0 : i64, scratch_operands = 0 : i64, tpu.core_type = #tpu.core_type<tc>, window_params = [{transform_indices = @transform_0, window_bounds = array<i64: 1000, 128>}, {transform_indices = @transform_1, window_bounds = array<i64: 1000, 128>}, {transform_indices = @transform_2, window_bounds = array<i64: 1000, 128>}, {transform_indices = @transform_3, window_bounds = array<i64: 1000, 128>}, {transform_indices = @transform_4, window_bounds = array<i64: 1000, 128>}, {pipeline_mode = #tpu.pipeline_mode<synchronous>, transform_indices = @transform_5, window_bounds = array<i64: 128, 128>}, {pipeline_mode = #tpu.pipeline_mode<synchronous>, transform_indices = @transform_6, window_bounds = array<i64: 128, 128>}, {transform_indices = @transform_7, window_bounds = array<i64: 1000, 128>}]} {
    %get3A = arith.constant 0 : index
    %get3A_0 = arith.constant 0 : index
    %get3A_1 = vector.load %arg1[%get3A, %get3A_0] : memref<1000x128xf32, #tpu.memory_space<vmem>>, vector<1000x128xf32>
    %get3A_2 = arith.constant 0 : index
    %get3A_3 = arith.constant 0 : index
    %get3A_4 = vector.load %arg6[%get3A_2, %get3A_3] : memref<128x128xf32, #tpu.memory_space<vmem>>, vector<128x128xf32>
    %dot_general3A = arith.constant dense<0.000000e+00> : vector<1000x128xf32>
    %dot_general3A_5 = tpu.matmul %get3A_1, %get3A_4, %dot_general3A {dimension_numbers = #tpu.dot_dimension_numbers<[1], [0], [0], [1], [0, 0, 1, 1], [], []>, transpose_lhs_hint = false} : vector<1000x128xf32>, vector<128x128xf32>, vector<1000x128xf32> -> vector<1000x128xf32>
    %get3A_6 = arith.constant 0 : index
    %get3A_7 = arith.constant 0 : index
    %get3A_8 = vector.load %arg2[%get3A_6, %get3A_7] : memref<1000x128xf32, #tpu.memory_space<vmem>>, vector<1000x128xf32>
    %get3A_9 = arith.constant 0 : index
    %get3A_10 = arith.constant 0 : index
    %get3A_11 = vector.load %arg3[%get3A_9, %get3A_10] : memref<1000x128xf32, #tpu.memory_space<vmem>>, vector<1000x128xf32>
    %add3A = arith.addf %get3A_8, %get3A_11 : vector<1000x128xf32>
    %get3A_12 = arith.constant 0 : index
    %get3A_13 = arith.constant 0 : index
    %get3A_14 = vector.load %arg7[%get3A_12, %get3A_13] : memref<128x128xf32, #tpu.memory_space<vmem>>, vector<128x128xf32>
    %dot_general3A_15 = arith.constant dense<0.000000e+00> : vector<1000x128xf32>
    %dot_general3A_16 = tpu.matmul %add3A, %get3A_14, %dot_general3A_15 {dimension_numbers = #tpu.dot_dimension_numbers<[1], [0], [0], [1], [0, 0, 1, 1], [], []>, transpose_lhs_hint = false} : vector<1000x128xf32>, vector<128x128xf32>, vector<1000x128xf32> -> vector<1000x128xf32>
    %add3A_17 = arith.addf %dot_general3A_5, %dot_general3A_16 : vector<1000x128xf32>
    %max3A = arith.constant 0.000000e+00 : f32
    %max3A_18 = vector.broadcast %max3A : f32 to vector<1000x128xf32>
    %max3A_19 = arith.maximumf %add3A_17, %max3A_18 : vector<1000x128xf32>
    %get3A_20 = arith.constant 0 : index
    %get3A_21 = arith.constant 0 : index
    %get3A_22 = vector.load %arg4[%get3A_20, %get3A_21] : memref<1000x128xf32, #tpu.memory_space<vmem>>, vector<1000x128xf32>
    %add3A_23 = arith.addf %max3A_19, %get3A_22 : vector<1000x128xf32>
    %get3A_24 = arith.constant 0 : index
    %get3A_25 = arith.constant 0 : index
    %get3A_26 = vector.load %arg5[%get3A_24, %get3A_25] : memref<1000x128xf32, #tpu.memory_space<vmem>>, vector<1000x128xf32>
    %add3A_27 = arith.addf %add3A_23, %get3A_26 : vector<1000x128xf32>
    %swap3A = arith.constant 0 : index
    %swap3A_28 = arith.constant 0 : index
    %swap3A_29 = vector.load %arg8[%swap3A, %swap3A_28] : memref<1000x128xf32, #tpu.memory_space<vmem>>, vector<1000x128xf32>
    tpu.vector_store %arg8[%swap3A, %swap3A_28], %add3A_27 {strides = array<i32>} : memref<1000x128xf32, #tpu.memory_space<vmem>>, vector<1000x128xf32>,
    return
  }
  func.func @transform_0(%arg0: i32) -> (i32, i32) {
    %c0_i32 = arith.constant 0 : i32
    %c0_i32_0 = arith.constant 0 : i32
    return %arg0, %c0_i32 : i32, i32
  }
  func.func @transform_1(%arg0: i32) -> (i32, i32) {
    %c0_i32 = arith.constant 0 : i32
    %c0_i32_0 = arith.constant 0 : i32
    return %arg0, %c0_i32 : i32, i32
  }
  func.func @transform_2(%arg0: i32) -> (i32, i32) {
    %c0_i32 = arith.constant 0 : i32
    %c0_i32_0 = arith.constant 0 : i32
    return %arg0, %c0_i32 : i32, i32
  }
  func.func @transform_3(%arg0: i32) -> (i32, i32) {
    %c0_i32 = arith.constant 0 : i32
    %c0_i32_0 = arith.constant 0 : i32
    return %arg0, %c0_i32 : i32, i32
  }
  func.func @transform_4(%arg0: i32) -> (i32, i32) {
    %c0_i32 = arith.constant 0 : i32
    %c0_i32_0 = arith.constant 0 : i32
    return %arg0, %c0_i32 : i32, i32
  }
  func.func @transform_5(%arg0: i32) -> (i32, i32) {
    %c0_i32 = arith.constant 0 : i32
    %c0_i32_0 = arith.constant 0 : i32
    %c0_i32_1 = arith.constant 0 : i32
    return %c0_i32, %c0_i32_0 : i32, i32
  }
  func.func @transform_6(%arg0: i32) -> (i32, i32) {
    %c0_i32 = arith.constant 0 : i32
    %c0_i32_0 = arith.constant 0 : i32
    %c0_i32_1 = arith.constant 0 : i32
    return %c0_i32, %c0_i32_0 : i32, i32
  }
  func.func @transform_7(%arg0: i32) -> (i32, i32) {
    %c0_i32 = arith.constant 0 : i32
    %c0_i32_0 = arith.constant 0 : i32
    return %arg0, %c0_i32 : i32, i32
  }
}

module attributes {stable_mosaic.version = 14 : i64} {
  func.func @_ctrproj_kernel(%arg0: i32, %arg1: memref<1000x2xf32, #tpu.memory_space<vmem>>, %arg2: memref<2x128xf32, #tpu.memory_space<vmem>>, %arg3: memref<1000x128xf32, #tpu.memory_space<vmem>>) attributes {dimension_semantics = [#tpu.dimension_semantics<arbitrary>], iteration_bounds = array<i64: 2>, scalar_prefetch = 0 : i64, scratch_operands = 0 : i64, tpu.core_type = #tpu.core_type<tc>, window_params = [{transform_indices = @transform_0, window_bounds = array<i64: 1000, 2>}, {pipeline_mode = #tpu.pipeline_mode<synchronous>, transform_indices = @transform_1, window_bounds = array<i64: 2, 128>}, {transform_indices = @transform_2, window_bounds = array<i64: 1000, 128>}]} {
    %get3A = arith.constant 0 : index
    %get3A_0 = arith.constant 0 : index
    %get3A_1 = vector.load %arg1[%get3A, %get3A_0] : memref<1000x2xf32, #tpu.memory_space<vmem>>, vector<1000x2xf32>
    %slice3A = vector.extract_strided_slice %get3A_1 {offsets = [0, 0], sizes = [1000, 1], strides = [1, 1]} : vector<1000x2xf32> to vector<1000x1xf32>
    %get3A_2 = arith.constant 0 : index
    %get3A_3 = arith.constant 0 : index
    %get3A_4 = vector.load %arg2[%get3A_2, %get3A_3] : memref<2x128xf32, #tpu.memory_space<vmem>>, vector<1x128xf32>
    %mul3A = vector.broadcast %slice3A : vector<1000x1xf32> to vector<1000x128xf32>
    %mul3A_5 = vector.broadcast %get3A_4 : vector<1x128xf32> to vector<1000x128xf32>
    %mul3A_6 = arith.mulf %mul3A, %mul3A_5 : vector<1000x128xf32>
    %slice3A_7 = vector.extract_strided_slice %get3A_1 {offsets = [0, 1], sizes = [1000, 1], strides = [1, 1]} : vector<1000x2xf32> to vector<1000x1xf32>
    %get3A_8 = arith.constant 1 : index
    %get3A_9 = arith.constant 0 : index
    %get3A_10 = vector.load %arg2[%get3A_8, %get3A_9] : memref<2x128xf32, #tpu.memory_space<vmem>>, vector<1x128xf32>
    %mul3A_11 = vector.broadcast %slice3A_7 : vector<1000x1xf32> to vector<1000x128xf32>
    %mul3A_12 = vector.broadcast %get3A_10 : vector<1x128xf32> to vector<1000x128xf32>
    %mul3A_13 = arith.mulf %mul3A_11, %mul3A_12 : vector<1000x128xf32>
    %add3A = arith.addf %mul3A_6, %mul3A_13 : vector<1000x128xf32>
    %swap3A = arith.constant 0 : index
    %swap3A_14 = arith.constant 0 : index
    %swap3A_15 = vector.load %arg3[%swap3A, %swap3A_14] : memref<1000x128xf32, #tpu.memory_space<vmem>>, vector<1000x128xf32>
    tpu.vector_store %arg3[%swap3A, %swap3A_14], %add3A {strides = array<i32>} : memref<1000x128xf32, #tpu.memory_space<vmem>>, vector<1000x128xf32>,
    return
  }
  func.func @transform_0(%arg0: i32) -> (i32, i32) {
    %c0_i32 = arith.constant 0 : i32
    %c0_i32_0 = arith.constant 0 : i32
    return %arg0, %c0_i32 : i32, i32
  }
  func.func @transform_1(%arg0: i32) -> (i32, i32) {
    %c0_i32 = arith.constant 0 : i32
    %c0_i32_0 = arith.constant 0 : i32
    %c0_i32_1 = arith.constant 0 : i32
    return %c0_i32, %c0_i32_0 : i32, i32
  }
  func.func @transform_2(%arg0: i32) -> (i32, i32) {
    %c0_i32 = arith.constant 0 : i32
    %c0_i32_0 = arith.constant 0 : i32
    return %arg0, %c0_i32 : i32, i32
  }
}

module attributes {stable_mosaic.version = 14 : i64} {
  func.func @_map_update_kernel(%arg0: i32, %arg1: memref<1000x128xf32, #tpu.memory_space<vmem>>, %arg2: memref<1000x128xf32, #tpu.memory_space<vmem>>, %arg3: memref<1000x128xf32, #tpu.memory_space<vmem>>, %arg4: memref<128x128xf32, #tpu.memory_space<vmem>>, %arg5: memref<128x128xf32, #tpu.memory_space<vmem>>, %arg6: memref<1000x128xf32, #tpu.memory_space<vmem>>) attributes {dimension_semantics = [#tpu.dimension_semantics<arbitrary>], iteration_bounds = array<i64: 10>, scalar_prefetch = 0 : i64, scratch_operands = 0 : i64, tpu.core_type = #tpu.core_type<tc>, window_params = [{transform_indices = @transform_0, window_bounds = array<i64: 1000, 128>}, {transform_indices = @transform_1, window_bounds = array<i64: 1000, 128>}, {transform_indices = @transform_2, window_bounds = array<i64: 1000, 128>}, {pipeline_mode = #tpu.pipeline_mode<synchronous>, transform_indices = @transform_3, window_bounds = array<i64: 128, 128>}, {pipeline_mode = #tpu.pipeline_mode<synchronous>, transform_indices = @transform_4, window_bounds = array<i64: 128, 128>}, {transform_indices = @transform_5, window_bounds = array<i64: 1000, 128>}]} {
    %get3A = arith.constant 0 : index
    %get3A_0 = arith.constant 0 : index
    %get3A_1 = vector.load %arg1[%get3A, %get3A_0] : memref<1000x128xf32, #tpu.memory_space<vmem>>, vector<1000x128xf32>
    %get3A_2 = arith.constant 0 : index
    %get3A_3 = arith.constant 0 : index
    %get3A_4 = vector.load %arg4[%get3A_2, %get3A_3] : memref<128x128xf32, #tpu.memory_space<vmem>>, vector<128x128xf32>
    %dot_general3A = arith.constant dense<0.000000e+00> : vector<1000x128xf32>
    %dot_general3A_5 = tpu.matmul %get3A_1, %get3A_4, %dot_general3A {dimension_numbers = #tpu.dot_dimension_numbers<[1], [0], [0], [1], [0, 0, 1, 1], [], []>, transpose_lhs_hint = false} : vector<1000x128xf32>, vector<128x128xf32>, vector<1000x128xf32> -> vector<1000x128xf32>
    %get3A_6 = arith.constant 0 : index
    %get3A_7 = arith.constant 0 : index
    %get3A_8 = vector.load %arg2[%get3A_6, %get3A_7] : memref<1000x128xf32, #tpu.memory_space<vmem>>, vector<1000x128xf32>
    %get3A_9 = arith.constant 0 : index
    %get3A_10 = arith.constant 0 : index
    %get3A_11 = vector.load %arg3[%get3A_9, %get3A_10] : memref<1000x128xf32, #tpu.memory_space<vmem>>, vector<1000x128xf32>
    %add3A = arith.addf %get3A_8, %get3A_11 : vector<1000x128xf32>
    %get3A_12 = arith.constant 0 : index
    %get3A_13 = arith.constant 0 : index
    %get3A_14 = vector.load %arg5[%get3A_12, %get3A_13] : memref<128x128xf32, #tpu.memory_space<vmem>>, vector<128x128xf32>
    %dot_general3A_15 = arith.constant dense<0.000000e+00> : vector<1000x128xf32>
    %dot_general3A_16 = tpu.matmul %add3A, %get3A_14, %dot_general3A_15 {dimension_numbers = #tpu.dot_dimension_numbers<[1], [0], [0], [1], [0, 0, 1, 1], [], []>, transpose_lhs_hint = false} : vector<1000x128xf32>, vector<128x128xf32>, vector<1000x128xf32> -> vector<1000x128xf32>
    %add3A_17 = arith.addf %dot_general3A_5, %dot_general3A_16 : vector<1000x128xf32>
    %max3A = arith.constant 0.000000e+00 : f32
    %max3A_18 = vector.broadcast %max3A : f32 to vector<1000x128xf32>
    %max3A_19 = arith.maximumf %add3A_17, %max3A_18 : vector<1000x128xf32>
    %swap3A = arith.constant 0 : index
    %swap3A_20 = arith.constant 0 : index
    %swap3A_21 = vector.load %arg6[%swap3A, %swap3A_20] : memref<1000x128xf32, #tpu.memory_space<vmem>>, vector<1000x128xf32>
    tpu.vector_store %arg6[%swap3A, %swap3A_20], %max3A_19 {strides = array<i32>} : memref<1000x128xf32, #tpu.memory_space<vmem>>, vector<1000x128xf32>,
    return
  }
  func.func @transform_0(%arg0: i32) -> (i32, i32) {
    %c0_i32 = arith.constant 0 : i32
    %c0_i32_0 = arith.constant 0 : i32
    return %arg0, %c0_i32 : i32, i32
  }
  func.func @transform_1(%arg0: i32) -> (i32, i32) {
    %c0_i32 = arith.constant 0 : i32
    %c0_i32_0 = arith.constant 0 : i32
    return %arg0, %c0_i32 : i32, i32
  }
  func.func @transform_2(%arg0: i32) -> (i32, i32) {
    %c0_i32 = arith.constant 0 : i32
    %c0_i32_0 = arith.constant 0 : i32
    return %arg0, %c0_i32 : i32, i32
  }
  func.func @transform_3(%arg0: i32) -> (i32, i32) {
    %c0_i32 = arith.constant 0 : i32
    %c0_i32_0 = arith.constant 0 : i32
    %c0_i32_1 = arith.constant 0 : i32
    return %c0_i32, %c0_i32_0 : i32, i32
  }
  func.func @transform_4(%arg0: i32) -> (i32, i32) {
    %c0_i32 = arith.constant 0 : i32
    %c0_i32_0 = arith.constant 0 : i32
    %c0_i32_1 = arith.constant 0 : i32
    return %c0_i32, %c0_i32_0 : i32, i32
  }
  func.func @transform_5(%arg0: i32) -> (i32, i32) {
    %c0_i32 = arith.constant 0 : i32
    %c0_i32_0 = arith.constant 0 : i32
    return %arg0, %c0_i32 : i32, i32
  }
}

module attributes {stable_mosaic.version = 14 : i64} {
  func.func @_proj_kernel(%arg0: i32, %arg1: memref<1000x128xf32, #tpu.memory_space<vmem>>, %arg2: memref<1000x2xf32, #tpu.memory_space<vmem>>, %arg3: memref<128x128xf32, #tpu.memory_space<vmem>>, %arg4: memref<2x128xf32, #tpu.memory_space<vmem>>, %arg5: memref<1000x128xf32, #tpu.memory_space<vmem>>) attributes {dimension_semantics = [#tpu.dimension_semantics<arbitrary>], iteration_bounds = array<i64: 10>, scalar_prefetch = 0 : i64, scratch_operands = 0 : i64, tpu.core_type = #tpu.core_type<tc>, window_params = [{transform_indices = @transform_0, window_bounds = array<i64: 1000, 128>}, {transform_indices = @transform_1, window_bounds = array<i64: 1000, 2>}, {pipeline_mode = #tpu.pipeline_mode<synchronous>, transform_indices = @transform_2, window_bounds = array<i64: 128, 128>}, {pipeline_mode = #tpu.pipeline_mode<synchronous>, transform_indices = @transform_3, window_bounds = array<i64: 2, 128>}, {transform_indices = @transform_4, window_bounds = array<i64: 1000, 128>}]} {
    %get3A = arith.constant 0 : index
    %get3A_0 = arith.constant 0 : index
    %get3A_1 = vector.load %arg1[%get3A, %get3A_0] : memref<1000x128xf32, #tpu.memory_space<vmem>>, vector<1000x128xf32>
    %get3A_2 = arith.constant 0 : index
    %get3A_3 = arith.constant 0 : index
    %get3A_4 = vector.load %arg2[%get3A_2, %get3A_3] : memref<1000x2xf32, #tpu.memory_space<vmem>>, vector<1000x2xf32>
    %get3A_5 = arith.constant 0 : index
    %get3A_6 = arith.constant 0 : index
    %get3A_7 = vector.load %arg3[%get3A_5, %get3A_6] : memref<128x128xf32, #tpu.memory_space<vmem>>, vector<128x128xf32>
    %dot_general3A = arith.constant dense<0.000000e+00> : vector<1000x128xf32>
    %dot_general3A_8 = tpu.matmul %get3A_1, %get3A_7, %dot_general3A {dimension_numbers = #tpu.dot_dimension_numbers<[1], [0], [0], [1], [0, 0, 1, 1], [], []>, transpose_lhs_hint = false} : vector<1000x128xf32>, vector<128x128xf32>, vector<1000x128xf32> -> vector<1000x128xf32>
    %slice3A = vector.extract_strided_slice %get3A_4 {offsets = [0, 0], sizes = [1000, 1], strides = [1, 1]} : vector<1000x2xf32> to vector<1000x1xf32>
    %get3A_9 = arith.constant 0 : index
    %get3A_10 = arith.constant 0 : index
    %get3A_11 = vector.load %arg4[%get3A_9, %get3A_10] : memref<2x128xf32, #tpu.memory_space<vmem>>, vector<1x128xf32>
    %mul3A = vector.broadcast %slice3A : vector<1000x1xf32> to vector<1000x128xf32>
    %mul3A_12 = vector.broadcast %get3A_11 : vector<1x128xf32> to vector<1000x128xf32>
    %mul3A_13 = arith.mulf %mul3A, %mul3A_12 : vector<1000x128xf32>
    %slice3A_14 = vector.extract_strided_slice %get3A_4 {offsets = [0, 1], sizes = [1000, 1], strides = [1, 1]} : vector<1000x2xf32> to vector<1000x1xf32>
    %get3A_15 = arith.constant 1 : index
    %get3A_16 = arith.constant 0 : index
    %get3A_17 = vector.load %arg4[%get3A_15, %get3A_16] : memref<2x128xf32, #tpu.memory_space<vmem>>, vector<1x128xf32>
    %mul3A_18 = vector.broadcast %slice3A_14 : vector<1000x1xf32> to vector<1000x128xf32>
    %mul3A_19 = vector.broadcast %get3A_17 : vector<1x128xf32> to vector<1000x128xf32>
    %mul3A_20 = arith.mulf %mul3A_18, %mul3A_19 : vector<1000x128xf32>
    %add3A = arith.addf %mul3A_13, %mul3A_20 : vector<1000x128xf32>
    %sub3A = arith.subf %dot_general3A_8, %add3A : vector<1000x128xf32>
    %swap3A = arith.constant 0 : index
    %swap3A_21 = arith.constant 0 : index
    %swap3A_22 = vector.load %arg5[%swap3A, %swap3A_21] : memref<1000x128xf32, #tpu.memory_space<vmem>>, vector<1000x128xf32>
    tpu.vector_store %arg5[%swap3A, %swap3A_21], %sub3A {strides = array<i32>} : memref<1000x128xf32, #tpu.memory_space<vmem>>, vector<1000x128xf32>,
    return
  }
  func.func @transform_0(%arg0: i32) -> (i32, i32) {
    %c0_i32 = arith.constant 0 : i32
    %c0_i32_0 = arith.constant 0 : i32
    return %arg0, %c0_i32 : i32, i32
  }
  func.func @transform_1(%arg0: i32) -> (i32, i32) {
    %c0_i32 = arith.constant 0 : i32
    %c0_i32_0 = arith.constant 0 : i32
    return %arg0, %c0_i32 : i32, i32
  }
  func.func @transform_2(%arg0: i32) -> (i32, i32) {
    %c0_i32 = arith.constant 0 : i32
    %c0_i32_0 = arith.constant 0 : i32
    %c0_i32_1 = arith.constant 0 : i32
    return %c0_i32, %c0_i32_0 : i32, i32
  }
  func.func @transform_3(%arg0: i32) -> (i32, i32) {
    %c0_i32 = arith.constant 0 : i32
    %c0_i32_0 = arith.constant 0 : i32
    %c0_i32_1 = arith.constant 0 : i32
    return %c0_i32, %c0_i32_0 : i32, i32
  }
  func.func @transform_4(%arg0: i32) -> (i32, i32) {
    %c0_i32 = arith.constant 0 : i32
    %c0_i32_0 = arith.constant 0 : i32
    return %arg0, %c0_i32 : i32, i32
  }
}

module attributes {stable_mosaic.version = 14 : i64} {
  func.func @_pred_kernel(%arg0: i32, %arg1: memref<2000x128xf32, #tpu.memory_space<vmem>>, %arg2: memref<2000x128xf32, #tpu.memory_space<vmem>>, %arg3: memref<2000x128xf32, #tpu.memory_space<vmem>>, %arg4: memref<128x360xf32, #tpu.memory_space<vmem>>, %arg5: memref<1x360xf32, #tpu.memory_space<vmem>>, %arg6: memref<2000x360xf32, #tpu.memory_space<vmem>>) attributes {dimension_semantics = [#tpu.dimension_semantics<arbitrary>], iteration_bounds = array<i64: 1>, scalar_prefetch = 0 : i64, scratch_operands = 0 : i64, tpu.core_type = #tpu.core_type<tc>, window_params = [{pipeline_mode = #tpu.pipeline_mode<synchronous>, transform_indices = @transform_0, window_bounds = array<i64: 2000, 128>}, {pipeline_mode = #tpu.pipeline_mode<synchronous>, transform_indices = @transform_1, window_bounds = array<i64: 2000, 128>}, {pipeline_mode = #tpu.pipeline_mode<synchronous>, transform_indices = @transform_2, window_bounds = array<i64: 2000, 128>}, {pipeline_mode = #tpu.pipeline_mode<synchronous>, transform_indices = @transform_3, window_bounds = array<i64: 128, 360>}, {pipeline_mode = #tpu.pipeline_mode<synchronous>, transform_indices = @transform_4, window_bounds = array<i64: 1, 360>}, {pipeline_mode = #tpu.pipeline_mode<synchronous>, transform_indices = @transform_5, window_bounds = array<i64: 2000, 360>}]} {
    %get3A = arith.constant 0 : index
    %get3A_0 = arith.constant 0 : index
    %get3A_1 = vector.load %arg1[%get3A, %get3A_0] : memref<2000x128xf32, #tpu.memory_space<vmem>>, vector<2000x128xf32>
    %get3A_2 = arith.constant 0 : index
    %get3A_3 = arith.constant 0 : index
    %get3A_4 = vector.load %arg2[%get3A_2, %get3A_3] : memref<2000x128xf32, #tpu.memory_space<vmem>>, vector<2000x128xf32>
    %add3A = arith.addf %get3A_1, %get3A_4 : vector<2000x128xf32>
    %get3A_5 = arith.constant 0 : index
    %get3A_6 = arith.constant 0 : index
    %get3A_7 = vector.load %arg3[%get3A_5, %get3A_6] : memref<2000x128xf32, #tpu.memory_space<vmem>>, vector<2000x128xf32>
    %add3A_8 = arith.addf %add3A, %get3A_7 : vector<2000x128xf32>
    %max3A = arith.constant 0.000000e+00 : f32
    %max3A_9 = vector.broadcast %max3A : f32 to vector<2000x128xf32>
    %max3A_10 = arith.maximumf %add3A_8, %max3A_9 : vector<2000x128xf32>
    %get3A_11 = arith.constant 0 : index
    %get3A_12 = arith.constant 0 : index
    %get3A_13 = vector.load %arg4[%get3A_11, %get3A_12] : memref<128x360xf32, #tpu.memory_space<vmem>>, vector<128x360xf32>
    %dot_general3A = arith.constant dense<0.000000e+00> : vector<2000x360xf32>
    %dot_general3A_14 = tpu.matmul %max3A_10, %get3A_13, %dot_general3A {dimension_numbers = #tpu.dot_dimension_numbers<[1], [0], [0], [1], [0, 0, 1, 1], [], []>, transpose_lhs_hint = false} : vector<2000x128xf32>, vector<128x360xf32>, vector<2000x360xf32> -> vector<2000x360xf32>
    %get3A_15 = arith.constant 0 : index
    %get3A_16 = arith.constant 0 : index
    %get3A_17 = vector.load %arg5[%get3A_15, %get3A_16] : memref<1x360xf32, #tpu.memory_space<vmem>>, vector<1x360xf32>
    %add3A_18 = vector.broadcast %get3A_17 : vector<1x360xf32> to vector<2000x360xf32>
    %add3A_19 = arith.addf %dot_general3A_14, %add3A_18 : vector<2000x360xf32>
    %swap3A = arith.constant 0 : index
    %swap3A_20 = arith.constant 0 : index
    %swap3A_21 = vector.load %arg6[%swap3A, %swap3A_20] : memref<2000x360xf32, #tpu.memory_space<vmem>>, vector<2000x360xf32>
    tpu.vector_store %arg6[%swap3A, %swap3A_20], %add3A_19 {strides = array<i32>} : memref<2000x360xf32, #tpu.memory_space<vmem>>, vector<2000x360xf32>,
    return
  }
  func.func @transform_0(%arg0: i32) -> (i32, i32) {
    %c0_i32 = arith.constant 0 : i32
    %c0_i32_0 = arith.constant 0 : i32
    %c0_i32_1 = arith.constant 0 : i32
    return %c0_i32, %c0_i32_0 : i32, i32
  }
  func.func @transform_1(%arg0: i32) -> (i32, i32) {
    %c0_i32 = arith.constant 0 : i32
    %c0_i32_0 = arith.constant 0 : i32
    %c0_i32_1 = arith.constant 0 : i32
    return %c0_i32, %c0_i32_0 : i32, i32
  }
  func.func @transform_2(%arg0: i32) -> (i32, i32) {
    %c0_i32 = arith.constant 0 : i32
    %c0_i32_0 = arith.constant 0 : i32
    %c0_i32_1 = arith.constant 0 : i32
    return %c0_i32, %c0_i32_0 : i32, i32
  }
  func.func @transform_3(%arg0: i32) -> (i32, i32) {
    %c0_i32 = arith.constant 0 : i32
    %c0_i32_0 = arith.constant 0 : i32
    %c0_i32_1 = arith.constant 0 : i32
    return %c0_i32, %c0_i32_0 : i32, i32
  }
  func.func @transform_4(%arg0: i32) -> (i32, i32) {
    %c0_i32 = arith.constant 0 : i32
    %c0_i32_0 = arith.constant 0 : i32
    %c0_i32_1 = arith.constant 0 : i32
    return %c0_i32, %c0_i32_0 : i32, i32
  }
  func.func @transform_5(%arg0: i32) -> (i32, i32) {
    %c0_i32 = arith.constant 0 : i32
    %c0_i32_0 = arith.constant 0 : i32
    %c0_i32_1 = arith.constant 0 : i32
    return %c0_i32, %c0_i32_0 : i32, i32
  }
}

</mosaic_0001>

<sc_bundles>
// kernel: kernel.16.cloned.1.call-start
scs
__scs_entry_jumppad:
0x0: {  	(pc) =	sbr.rel $0x88, $3  }
0x1: {  	(tag) =	ssettag $0x0;
	lr =	simm.s32 $0x1  }
0x2: {  	[smem:$0x3F8E] =	sst lr;
	_ =	strace $0xD0000000  }
0x3: {  	_ = 	snop  }
0x4: {  	_ = 	snop  }
0x5: {  	_ = 	snop  }
0x6: {  	_ = 	snop  }
0x7: {  	_ = 	snop  }
__scs_overlays_trampoline_lowered:
0x8: {  	[smem:$0x3F9D] =	sst s0  }
0x9: {  	[smem:$0x3F9E] =	sst s1  }
0xa: {  	[smem:$0x3F9F] =	sst s2  }
0xb: {  	[smem:$0x3FA0] =	sst s3  }
0xc: {  	[smem:$0x3FA1] =	sst s4  }
0xd: {  	[smem:$0x3FA2] =	sst s5  }
0xe: {  	[smem:$0x3FA3] =	sst s6  }
0xf: {  	[smem:$0x3FA4] =	sst s7  }
0x10: {  	[smem:$0x3FA5] =	sst s8  }
0x11: {  	[smem:$0x3FA6] =	sst s9;
	s0 =	simm.s32 @!p0 $0x0  }
0x12: {  	s1 =	sld [smem:$0x3F8C];
	s0 =	simm.s32 @p0 $0x1  }
0x13: {  	[smem:$0x3FA7] =	sst s0;
	s0 =	simm.s32 @!p1 $0x0  }
0x14: {  	s2 =	sld [smem:$0x3F8B];
	s0 =	simm.s32 @p1 $0x1  }
0x15: {  	[smem:$0x3FA8] =	sst s0;
	s0 =	simm.s32 @!p2 $0x0  }
0x16: {  	s3 =	sld [smem:$0x3FDB];
	s0 =	simm.s32 @p2 $0x1  }
0x17: {  	s4 =	simm.s32 $0x1BF5;
	[smem:$0x3FAA] =	sst s0  }
0x18: {  	s0 =	sld [smem:$0x3F8D];
	_ =	swait.ge [sflag:s4], $0x0  }
0x19: {  	s7 =	sld [smem:$0x3F8E]  }
0x1a: {  	s8 =	sadd.s32 $0xFFFFE003, lr  }
0x1b: {  	s9 =	sadd.s32 $0xFFFFFEF7, lr;
	s5 =	simm.s32 $0xFFFFFFFF;
	p2 =	slt.u32 s8, $0xFFFFF086  }
0x1c: {  	p1 =	slt.u32 s9, $0xF7A;
	s5 =	simm.s32 @!p2 $0x0  }
0x1d: {  	s5 =	simm.s32 @p1 $0x1;
	p0 =	seq.s32 s7, s2  }
0x1e: {  	s7 =	smul.u32 @!p0 $0xF7A, s2;
	p2 =	seq.s32 @!p0 s5, $0x0  }
0x1f: {  	s9 =	smul.u32 $0xF7A, s1;
	s8 =	simm.s32 @!p0 $0x1BF5;
	p2 =	por !p2, p0  }
0x20: {  	[sflag:s8] =	ssyncset.s32 @!p0 $0xFFFFF086;
	s6 =	sadd.s32 @!p0 s3, s7;
	s7 =	simm.s32 @!p0 $0x108  }
0x21: {  	s3 =	sadd.s32 s3, s9;
	s6 =	sadd.s32 @!p0 $0x88, s6;
	s7 =	simm.s32 @p2 $0x1082  }
0x22: {  	[simem:s7], [sflag:s8] =	dma.local @!p0 [hbm:s6], $0xF7A  }
0x23: {  	s9 =	sor.u32 $0xD0000000, s2;
	s6 =	simm.s32 $0x108;
	_ =	swait.ge @!p0 [sflag:s8], $0x0  }
0x24: {  	s3 =	sadd.s32 $0x88, s3;
	s6 =	simm.s32 @!p1 $0x1082;
	[sflag:s4] =	ssyncset.s32 $0xFFFFF086  }
0x25: {  	[simem:s6], [sflag:s4] =	dma.local [hbm:s3], $0xF7A  }
0x26: {  	[smem:$0x3F8E] =	sst s1;
	(tag) =	ssettag s2;
	_ =	strace s9  }
0x27: {  	s1 =	sld [smem:$0x3F9E]  }
0x28: {  	s2 =	sld [smem:$0x3F9F]  }
0x29: {  	s4 =	sld [smem:$0x3FA1]  }
0x2a: {  	p0 =	seq.s32 s5, $0x0;
	s5 =	sld [smem:$0x3FA2]  }
0x2b: {  	s6 =	sld [smem:$0x3FA3]  }
0x2c: {  	s7 =	sld [smem:$0x3FA4]  }
0x2d: {  	s3 =	simm.s32 $0x108;
	s8 =	sld [smem:$0x3FA5]  }
0x2e: {  	s3 =	simm.s32 @!p0 $0x1082;
	s9 =	sld [smem:$0x3FA6]  }
0x2f: {  	lr =	sadd.s32 s0, s3;
	s0 =	sld [smem:$0x3F9D]  }
0x30: {  	s3 =	sld [smem:$0x3FA0]  }
0x31: {  	[smem:$0x3FA9] =	sst s10  }
0x32: {  	s10 =	sld [smem:$0x3FA7];
	_ =	sdelay $0x3  }
0x33: {  	p0 =	seq.s32 s10, $0x1;
	s10 =	sld [smem:$0x3FA9];
	_ =	sdelay $0x3  }
0x34: {  	[smem:$0x3FA9] =	sst s10  }
0x35: {  	s10 =	sld [smem:$0x3FA8];
	_ =	sdelay $0x3  }
0x36: {  	p1 =	seq.s32 s10, $0x1;
	s10 =	sld [smem:$0x3FA9];
	_ =	sdelay $0x3  }
0x37: {  	[smem:$0x3FA9] =	sst s10  }
0x38: {  	s10 =	sld [smem:$0x3FAA]  }
0x39: {  	_ = 	snop;
	(pc) =	sbr.ind lr, $3  }
0x3a: {  	_ = 	snop  }
0x3b: {  	_ = 	snop  }
0x3c: {  	p2 =	seq.s32 s10, $0x1;
	s10 =	sld [smem:$0x3FA9]  }
0x3d: {  	_ =	shalt  }
0x3e: {  	_ =	shalt  }
0x3f: {  	_ =	shalt  }
0x40: {  	_ =	shalt  }
0x41: {  	_ =	shalt  }
0x42: {  	_ =	shalt  }
0x43: {  	_ =	shalt  }
0x44: {  	_ =	shalt  }
0x45: {  	_ =	shalt  }
0x46: {  	_ =	shalt  }
0x47: {  	_ =	shalt  }
0x48: {  	_ =	shalt  }
0x49: {  	_ =	shalt  }
0x4a: {  	_ =	shalt  }
0x4b: {  	_ =	shalt  }
0x4c: {  	_ =	shalt  }
0x4d: {  	_ =	shalt  }
0x4e: {  	_ =	shalt  }
0x4f: {  	_ =	shalt  }
0x50: {  	_ =	shalt  }
0x51: {  	_ =	shalt  }
0x52: {  	_ =	shalt  }
0x53: {  	_ =	shalt  }
0x54: {  	_ =	shalt  }
0x55: {  	_ =	shalt  }
0x56: {  	_ =	shalt  }
0x57: {  	_ =	shalt  }
0x58: {  	_ =	shalt  }
0x59: {  	_ =	shalt  }
0x5a: {  	_ =	shalt  }
0x5b: {  	_ =	shalt  }
0x5c: {  	_ =	shalt  }
0x5d: {  	_ =	shalt  }
0x5e: {  	_ =	shalt  }
0x5f: {  	_ =	shalt  }
0x60: {  	_ =	shalt  }
0x61: {  	_ =	shalt  }
0x62: {  	_ =	shalt  }
0x63: {  	_ =	shalt  }
0x64: {  	_ =	shalt  }
0x65: {  	_ =	shalt  }
0x66: {  	_ =	shalt  }
0x67: {  	_ =	shalt  }
0x68: {  	_ =	shalt  }
0x69: {  	_ =	shalt  }
0x6a: {  	_ =	shalt  }
0x6b: {  	_ =	shalt  }
0x6c: {  	_ =	shalt  }
0x6d: {  	_ =	shalt  }
0x6e: {  	_ =	shalt  }
0x6f: {  	_ =	shalt  }
0x70: {  	_ =	shalt  }
0x71: {  	_ =	shalt  }
0x72: {  	_ =	shalt  }
0x73: {  	_ =	shalt  }
0x74: {  	_ =	shalt  }
0x75: {  	_ =	shalt  }
0x76: {  	_ =	shalt  }
0x77: {  	_ =	shalt  }
0x78: {  	_ =	shalt  }
0x79: {  	_ =	shalt  }
0x7a: {  	_ =	shalt  }
0x7b: {  	_ =	shalt  }
0x7c: {  	_ =	shalt  }
0x7d: {  	_ =	shalt  }
0x7e: {  	_ =	shalt  }
0x7f: {  	_ =	shalt  }
0x80: {  	_ =	shalt  }
0x81: {  	_ =	shalt  }
0x82: {  	_ =	shalt  }
0x83: {  	_ =	shalt  }
0x84: {  	_ =	shalt  }
0x85: {  	_ =	shalt  }
0x86: {  	_ =	shalt  }
0x87: {  	_ =	shalt  }
.Lfunc_end0:
.L_simem_size_0:
called_computation_lowered:
.L_overlay_start_0:
0x88: {  	s2 =	sld [smem:$0x3FD9]  }
0x89: {  	s3 =	sld [smem:$0x3FFE];
	_ =	sdelay $0x1  }
0x8a: {  	s1 =	srdreg.scid  }
0x8b: {  	s0 =	sand.u32 $0x1, s1  }
0x8c: {  	s17 =	sshll.u32 s0, $0xA;
	s2 =	sadd.s32 s3, s2  }
0x8d: {  	s2 =	sadd.s32 s2, s17  }
0x8e: {  	[smem:$0x3FB5] =	sst s2  }
0x8f: {  	_ = 	snop  }
0x90: {  	s4 =	sld [smem:$0x3FC7]  }
0x91: {  	s18 =	sld [smem:$0x3FD0];
	(tm) =	ssettm $0x1  }
0x92: {  	s19 =	sld [smem:$0x3FFB];
	_ =	sdelay $0x3  }
0x93: {  	_ =	strace s19  }
0x94: {  	s2 =	sld [smem:$0x3FFC];
	_ =	sdelay $0x3  }
0x95: {  	_ =	strace s2  }
0x96: {  	s2 =	sld [smem:$0x3FFD];
	_ =	sdelay $0x3  }
0x97: {  	_ =	strace s2  }
0x98: {  	_ =	strace $0x8FFFFFFF  }
0x99: {  	s20 =	sld [smem:$0x3FDB];
	_ =	sdelay $0x1  }
0x9a: {  	s5 =	simm.s32 $_scs_section_size  }
0x9b: {  	s6 =	simm.s32 $_size__tile_overlayer_lowered;
	s7 =	simm.s32 $_tile_overlayer_lowered  }
0x9c: {  	s8 =	simm.s32 $0x1BFF;
	s21 =	sshll.u32 s7, $0x1;
	s5 =	sadd.s32 s5, s20  }
0x9d: {  	s22 =	simm.s32 $0x0;
	s6 =	sshll.u32 s6, $0x1;
	s7 =	sadd.s32 s21, s5  }
0x9e: {  	[timem:s22], [sflag:s8] =	dma.local [hbm:s7], s6  }
0x9f: {  	_ =	swait.ge [sflag:s8], s6  }
0xa0: {  	s6 =	ssub.s32 $0x0, s6;
	[sflag:s8] =	ssyncset.done $0x0  }
0xa1: {  	[sflag:s8] =	ssyncadd.s32 s6;
	_ =	sdelay $0x1  }
0xa2: {  	s23 =	simm.s32 $0x1B8B  }
0xa3: {  	_ =	swait.ge [sflag:s23], $0x1  }
0xa4: {  	[sflag:s23] =	ssyncset.done $0x0  }
0xa5: {  	[sflag:s23] =	ssyncadd.s32 $0xFFFFFFFF  }
0xa6: {  	s6 =	sld [smem:$0x0]  }
0xa7: {  	s7 =	sand.u32 $0xFFFFFFFE, s1  }
0xa8: {  	p0 =	sne.s32 s1, s7  }
0xa9: {  	s7 =	sshll.u32 @p0 s7, $0xE  }
0xaa: {  	s7 =	sadd.s32 @p0 $0x11B8D, s7;
	s8 =	sshll.u32 @p0 s6, $0x11  }
0xab: {  	s7 =	sor.u32 @p0 s8, s7  }
0xac: {  	[sflag:s7] =	ssyncadd.remote.s32 @p0 $0x1;
	_ =	sdelay $0x1  }
0xad: {  	s7 =	simm.s32 @p0 $0x1B8D  }
0xae: {  	_ =	swait.eq @p0 [sflag:s7], $0x1  }
0xaf: {  	[sflag:s7] =	ssyncadd.s32 @p0 $0xFFFFFFFF  }
0xb0: {  	s8 =	sshll.u32 @!p0 s1, $0xE  }
0xb1: {  	s8 =	sor.u32 @!p0 $0x4000, s8;
	s7 =	simm.s32 @!p0 $0x1B8D  }
0xb2: {  	s6 =	sshll.u32 @!p0 s6, $0x11;
	s8 =	sadd.s32 @!p0 $0x11B8D, s8;
	_ =	swait.eq @!p0 [sflag:s7], $0x1  }
0xb3: {  	s6 =	sor.u32 @!p0 s6, s8;
	[sflag:s7] =	ssyncadd.s32 @!p0 $0xFFFFFFFF  }
0xb4: {  	s25 =	simm.s32 $0x1B8E;
	s24 =	sld [smem:$0x3FFE];
	[sflag:s6] =	ssyncadd.remote.s32 @!p0 $0x1  }
0xb5: {  	s26 =	simm.s32 $execute0_lowered;
	[smem:$0x3FD2] =	sst s25  }
0xb6: {  	s7 =	sshll.u32 s26, $0x1;
	_ =	strace $0x80000049;
	[dreg:$0x1] =	wrdreg $0xFFFFFFFF  }
0xb7: {  	s28 =	simm.s32 $_size_execute0_lowered;
	s5 =	sadd.s32 s5, s7;
	[dreg:$0x0] =	wrdreg $0x0  }
0xb8: {  	s7 =	sshll.u32 s28, $0x1;
	[dreg:$0x2] =	wrdreg s5  }
0xb9: {  	[dreg:$0x3] =	wrdreg s7  }
0xba: {  	[dreg:$0x4] =	wrdreg $0xC0  }
0xbb: {  	_ =	task [dreg:s22], $0x5FFFF  }
0xbc: {  	[dreg:$0x1] =	wrdreg $0xFFFFFFFF  }
0xbd: {  	[dreg:$0x0] =	wrdreg $0x60  }
0xbe: {  	[dreg:$0x2] =	wrdreg s4  }
0xbf: {  	[dreg:$0x3] =	wrdreg s24  }
0xc0: {  	[dreg:$0x4] =	wrdreg s18  }
0xc1: {  	[dreg:$0x5] =	wrdreg $0x0  }
0xc2: {  	[dreg:$0x6] =	wrdreg $0x9  }
0xc3: {  	_ =	task.clear_ibuf [dreg:s22], $0x7FFFF;
	_ =	strace $0x90000049  }
0xc4: {  	s29 =	simm.s32 $0x9;
	_ =	strace $0x8000004B  }
0xc5: {  	_ =	swait.ge [sflag:s29], $0x1  }
0xc6: {  	[sflag:s29] =	ssyncadd.s32 $0xFFFFFFFF  }
0xc7: {  	_ =	strace $0x9000004B  }
0xc8: {  	_ =	sfence  }
0xc9: {  	s30 =	sld [smem:$0x0];
	_ =	sdelay $0x2  }
0xca: {  	s31 =	sshll.u32 s1, $0xD;
	s1 =	sshrl.u32 s1, $0x2  }
0xcb: {  	s4 =	sand.u32 $0x4000, s31;
	s1 =	sadd.s32 s1, s30  }
0xcc: {  	s0 =	sor.u32 s4, s0;
	s1 =	sshll.u32 s1, $0x11  }
0xcd: {  	s0 =	sor.u32 s1, s0  }
0xce: {  	s0 =	sadd.s32 $0x8F2B, s0  }
0xcf: {  	[sflag:s0] =	ssyncadd.remote.s32 $0x1  }
0xd0: {  	_ =	sfence.sel $0xFFFF  }
0xd1: {  	[dreg:$0x0] =	wrdreg $0xFFFFFFFF;
	(pc) =	sbr.abs _section_cstart, $3  }
0xd2: {  	[dreg:$0x1] =	wrdreg $0xFFFFFFFF  }
0xd3: {  	_ =	task.clear_ibuf [dreg:s22], $0x2FFFF;
	_ =	strace $0x9FFFFFFF  }
0xd4: {  	(tm) =	ssettm $0x7FFFFFFF  }
0xd5: {  	_ =	shalt  }
tec
execute0_lowered:
.L_overlay_start_1:
0x0: {  	(tag) =	ssettag $0x1  }
0x1: {  	s1 =	rddreg [dreg:$0x0]  }
0x2: {  	s0 =	rddreg [dreg:$0x1]  }
0x3: {  	s2 =	rddreg [dreg:$0x2]  }
0x4: {  	s4 =	rddreg [dreg:$0x3];
	s5 =	simm.s32 $0x0  }
0x5: {  	s3 =	srdreg.scid;
	s21 =	stileid.u32;
	s28 =	simm.s32 $0x2  }
0x6: {  	s29 =	simm.s32 $0x80;
	s30 =	simm.s32 $0x13C80;
	s31 =	simm.s32 $0x17E00  }
0x7: {  	[smem:$0x7FF] =	sst s5;
	s3 =	sand.u32 $0x1, s3;
	s7 =	smul.u32 $0x4F000, s21  }
0x8: {  	s12 =	smul.u32 $0x13C00, s21;
	s6 =	sadd.s32 $0x81C00, s0;
	s0 =	sadd.s32 $0x8BA00, s0  }
0x9: {  	s15 =	sshll.u32 s21, $0x1;
	s25 =	sshll.u32 s21, $0x9;
	s21 =	simm.s32 $0x13E00  }
0xa: {  	_ =	strace $0x8000004A;
	s8 =	ssub.s32 $0x2, s3;
	s18 =	smul.u32 $0x13C000, s3  }
0xb: {  	s24 =	sor.u32 s15, s3;
	s3 =	sshll.u32 s3, $0x8;
	s15 =	simm.s32 $0x0  }
0xc: {  	s9 =	sshrl.u32 s8, $0x1;
	s7 =	sshrl.u32 s7, $0x2;
	s14 =	sadd.s32 $0x4000, s12  }
0xd: {  	s16 =	sadd.s32 $0x8000, s12;
	s17 =	sadd.s32 $0xC000, s12;
	s19 =	sadd.s32 $0x10000, s12  }
0xe: {  	s13 =	ssub.s32 s8, s9;
	s7 =	sadd.s32 s7, s4;
	s8 =	sadd.s32 s14, s4  }
0xf: {  	s9 =	sadd.s32 s16, s4;
	s10 =	sadd.s32 s17, s4;
	s11 =	sadd.s32 s19, s4  }
0x10: {  	s20 =	sadd.s32 s12, s18;
	s14 =	sadd.s32 s18, s14;
	s12 =	sadd.s32 $0x10, s2  }
0x11: {  	s16 =	sadd.s32 s18, s16;
	s17 =	sadd.s32 s18, s17;
	s20 =	sshrl.u32 s20, $0x3  }
0x12: {  	[dreg:$0x5] =	wrdreg s7;
	s14 =	sshrl.u32 s14, $0x3;
	s26 =	sadd.s32 s0, s20  }
0x13: {  	s18 =	sadd.s32 s18, s19;
	s14 =	sadd.s32 s0, s14;
	[dreg:$0x6] =	wrdreg s26  }
0x14: {  	s22 =	sshrl.u32 s18, $0x3;
	s20 =	sshrl.u32 s17, $0x3;
	[dreg:$0x7] =	wrdreg s14  }
0x15: {  	s14 =	sshrl.u32 s16, $0x3;
	s23 =	sadd.s32 s0, s20;
	s26 =	smax.u32 s13, $0x1  }
0x16: {  	s20 =	sor.u32 s3, s25;
	s25 =	simm.s32 $0x13C00;
	s3 =	simm.s32 $0x4  }
0x17: {  	s13 =	simm.s32 $0x5;
	s19 =	sadd.s32 s0, s14;
	[dreg:$0x9] =	wrdreg s23  }
0x18: {  	s0 =	sadd.s32 s0, s22;
	[dreg:$0xb] =	wrdreg s26;
	s22 =	simm.s32 $0x7  }
0x19: {  	s23 =	simm.s32 $0x13D00;
	s26 =	simm.s32 $0x1;
	[dreg:$0x8] =	wrdreg s19  }
0x1a: {  	s14 =	simm.s32 $0x6;
	[dreg:$0xa] =	wrdreg s0;
	s0 =	ssub.s32 $0x501, s24  }
0x1b: {  	v0 =	vimm.f32 $0.0e+00;
	s24 =	simm.s32 $0x13D80;
	s19 =	sshrl.u32 s0, $0x5;
	s0 =	simm.s32 $0x3  }
.LBB2_1:
0x1c: {  	s16 =	simm.s32 $0x0;
	s17 =	simm.s32 $0x200  }
.LBB2_2:
0x1d: {  	p0 =	sne.s32 s17, $0xFE00;
	[tilespmem:s16+$0x13E70] =	vst v0  }
0x1e: {  	[tilespmem:s16+$0x13E00] =	vst v0  }
0x1f: {  	[tilespmem:s16+$0x13E10] =	vst v0  }
.Ltmp0:
0x20: {  	[tilespmem:s16+$0x13E20] =	vst v0;
	(pc) =	sbr.rel @p0 .LBB2_2-.Ltmp0, $4  }
0x21: {  	[tilespmem:s16+$0x13E30] =	vst v0  }
0x22: {  	[tilespmem:s16+$0x13E40] =	vst v0  }
0x23: {  	[tilespmem:s16+$0x13E50] =	vst v0  }
0x24: {  	[tilespmem:s16+$0x13E60] =	vst v0;
	s16 =	sshra.s32 s17, $0x2;
	s17 =	sadd.s32 $0x200, s17  }
0x25: {  	[tilespmem:s16+$0x13E70] =	vst v0  }
0x26: {  	[tilespmem:s16+$0x13E00] =	vst v0  }
0x27: {  	[tilespmem:s16+$0x13E10] =	vst v0  }
0x28: {  	[tilespmem:s16+$0x13E20] =	vst v0  }
0x29: {  	[tilespmem:s16+$0x13E30] =	vst v0  }
0x2a: {  	[tilespmem:s16+$0x13E40] =	vst v0  }
0x2b: {  	[tilespmem:s16+$0x13E50] =	vst v0  }
0x2c: {  	[tilespmem:s16+$0x13E60] =	vst v0;
	s7 =	rddreg [dreg:$0x5]  }
0x2d: {  	[spmem:s7] =	stream.linear.scatter [tilespmem:s21], [sflag:$0x7], $0x4000, $0x38;
	[tilespmem:$0x1BE00] =	vst v63  }
0x2e: {  	_ =	swait.ge [sflag:s22], $0x4000  }
0x2f: {  	[sflag:s22] =	ssyncset.done $0x0  }
0x30: {  	[sflag:s22] =	ssyncadd.s32 $0xFFFFC000  }
0x31: {  	[spmem:s8] =	stream.linear.scatter [tilespmem:s21], [sflag:$0x7], $0x4000, $0x38;
	[tilespmem:$0x1BE00] =	vst v63  }
0x32: {  	_ =	swait.ge [sflag:s22], $0x4000  }
0x33: {  	[sflag:s22] =	ssyncset.done $0x0  }
0x34: {  	[sflag:s22] =	ssyncadd.s32 $0xFFFFC000  }
0x35: {  	[spmem:s9] =	stream.linear.scatter [tilespmem:s21], [sflag:$0x7], $0x4000, $0x38;
	[tilespmem:$0x1BE00] =	vst v63  }
0x36: {  	_ =	swait.ge [sflag:s22], $0x4000  }
0x37: {  	[sflag:s22] =	ssyncset.done $0x0  }
0x38: {  	[sflag:s22] =	ssyncadd.s32 $0xFFFFC000  }
0x39: {  	[spmem:s10] =	stream.linear.scatter [tilespmem:s21], [sflag:$0x7], $0x4000, $0x38;
	[tilespmem:$0x1BE00] =	vst v63  }
0x3a: {  	_ =	swait.ge [sflag:s22], $0x4000  }
0x3b: {  	[sflag:s22] =	ssyncset.done $0x0  }
0x3c: {  	p1 =	sne.s32 s19, $0x1;
	[sflag:s22] =	ssyncadd.s32 $0xFFFFC000  }
0x3d: {  	[spmem:s11] =	stream.linear.scatter [tilespmem:s21], [sflag:$0x7], $0x3C00, $0x38;
	[tilespmem:$0x1BE00] =	vst v63  }
.Ltmp1:
0x3e: {  	_ =	swait.ge [sflag:s22], $0x3C00;
	(pc) =	sbr.rel @!p1 .LBB2_6-.Ltmp1, $4  }
0x3f: {  	[sflag:s22] =	ssyncset.done $0x0  }
0x40: {  	[sflag:s22] =	ssyncadd.s32 $0xFFFFC400  }
0x41: {  	[bflag:$0x0] =	sbarrier.arrive $0xFFFF  }
0x42: {  	s16 =	sadd.s32 $0xFFFFFFFF, s19;
	s18 =	sshrl.u32 s20, $0x3;
	p0 =	por $0x0, $0x0  }
0x43: {  	s17 =	sadd.s32 s2, s18  }
0x44: {  	[tilespmem:s23], [sflag:$0x1] =	stream.linear.gather [hbm4b:s17+s5], $0x80, $0x38;
	[tilespmem:$0x1BE00] =	vst v63  }
0x45: {  	s7 =	sadd.s32 s18, s12  }
0x46: {  	[tilespmem:s24], [sflag:$0x2] =	stream.linear.gather [hbm4b:s7+s5], $0x80, $0x38;
	[tilespmem:$0x1BE00] =	vst v63  }
0x47: {  	s18 =	sadd.s32 s6, s18  }
0x48: {  	[tilespmem:s25], [sflag:$0x7] =	stream.linear.gather [hbm4b:s18+s5], $0x100, $0x38;
	[tilespmem:$0x1BE00] =	vst v63  }
0x49: {  	_ =	swait.ge [sflag:s22], $0x100  }
0x4a: {  	[sflag:s22] =	ssyncset.done $0x0  }
0x4b: {  	[sflag:s22] =	ssyncadd.s32 $0xFFFFFF00  }
0x4c: {  	_ =	swait.ge [sflag:s26], $0x80  }
0x4d: {  	[sflag:s26] =	ssyncset.done $0x0  }
0x4e: {  	[sflag:s26] =	ssyncadd.s32 $0xFFFFFF80  }
0x4f: {  	_ =	swait.ge [sflag:s28], $0x80  }
0x50: {  	[sflag:s28] =	ssyncset.done $0x0  }
0x51: {  	[sflag:s28] =	ssyncadd.s32 $0xFFFFFF80  }
0x52: {  	[tilespmem:s21], [sflag:$0x3] =	stream.indirect.gather [hbm4b:s1+s29], $0x80, s25, s29, $0xb8;
	[tilespmem:$0x1BE00] =	vst v63  }
0x53: {  	_ = 	snop  }
0x54: {  	[tilespmem:s31], [sflag:$0x4] =	stream.indirect.gather [hbm4b:s1+s29], $0x80, s30, s29, $0xb8;
	[tilespmem:$0x1BE00] =	vst v63  }
0x55: {  	_ =	swait.ge [sflag:s0], $0x4000  }
0x56: {  	[sflag:s0] =	ssyncset.done $0x0  }
0x57: {  	[sflag:s0] =	ssyncadd.s32 $0xFFFFC000  }
0x58: {  	_ =	swait.ge [sflag:s3], $0x4000  }
0x59: {  	[sflag:s3] =	ssyncset.done $0x0  }
0x5a: {  	[sflag:s3] =	ssyncadd.s32 $0xFFFFC000  }
0x5b: {  	[spmem:s4] =	stream.indirect.scatter.add.f32 [tilespmem:s21], [sflag:$0x5], $0x80, s23, s29, $0xb8;
	[tilespmem:$0x1BE00] =	vst v63  }
0x5c: {  	p1 =	sne.s32 s16, $0x1  }
0x5d: {  	[spmem:s4] =	stream.indirect.scatter.add.f32 [tilespmem:s31], [sflag:$0x6], $0x80, s24, s29, $0xb8;
	[tilespmem:$0x1BE00] =	vst v63  }
.Ltmp2:
0x5e: {  	_ =	swait.ge [sflag:s13], $0x4000;
	(pc) =	sbr.rel @!p1 .LBB2_6-.Ltmp2, $4  }
0x5f: {  	[sflag:s13] =	ssyncset.done $0x0  }
0x60: {  	[sflag:s13] =	ssyncadd.s32 $0xFFFFC000  }
0x61: {  	s16 =	sadd.s32 $0xFFFFFFFF, s16;
	s17 =	sadd.s32 $0x2000, s20;
	_ =	swait.ge [sflag:s14], $0x4000  }
0x62: {  	p0 =	por $0x1, $0x1;
	s18 =	sshrl.u32 s17, $0x3;
	[sflag:s14] =	ssyncset.done $0x0  }
.LBB2_5:
0x63: {  	p1 =	sne.s32 s16, $0x1;
	s7 =	sadd.s32 s2, s18;
	[sflag:s14] =	ssyncadd.s32 $0xFFFFC000  }
0x64: {  	[tilespmem:s23], [sflag:$0x1] =	stream.linear.gather [hbm4b:s7+s5], $0x80, $0x38;
	[tilespmem:$0x1BE00] =	vst v63  }
0x65: {  	s16 =	sadd.s32 $0xFFFFFFFF, s16;
	s7 =	sadd.s32 s18, s12  }
0x66: {  	[tilespmem:s24], [sflag:$0x2] =	stream.linear.gather [hbm4b:s7+s5], $0x80, $0x38;
	[tilespmem:$0x1BE00] =	vst v63  }
0x67: {  	s7 =	sadd.s32 s6, s18  }
0x68: {  	[tilespmem:s25], [sflag:$0x7] =	stream.linear.gather [hbm4b:s7+s5], $0x100, $0x38;
	[tilespmem:$0x1BE00] =	vst v63  }
0x69: {  	_ =	swait.ge [sflag:s22], $0x100  }
0x6a: {  	[sflag:s22] =	ssyncset.done $0x0  }
0x6b: {  	[sflag:s22] =	ssyncadd.s32 $0xFFFFFF00  }
0x6c: {  	_ =	swait.ge [sflag:s26], $0x80  }
0x6d: {  	[sflag:s26] =	ssyncset.done $0x0  }
0x6e: {  	[sflag:s26] =	ssyncadd.s32 $0xFFFFFF80  }
0x6f: {  	_ =	swait.ge [sflag:s28], $0x80  }
0x70: {  	[sflag:s28] =	ssyncset.done $0x0  }
0x71: {  	[sflag:s28] =	ssyncadd.s32 $0xFFFFFF80  }
0x72: {  	[tilespmem:s21], [sflag:$0x3] =	stream.indirect.gather [hbm4b:s1+s29], $0x80, s25, s29, $0xb8;
	[tilespmem:$0x1BE00] =	vst v63  }
0x73: {  	_ = 	snop  }
0x74: {  	[tilespmem:s31], [sflag:$0x4] =	stream.indirect.gather [hbm4b:s1+s29], $0x80, s30, s29, $0xb8;
	[tilespmem:$0x1BE00] =	vst v63  }
0x75: {  	_ =	swait.ge [sflag:s0], $0x4000  }
0x76: {  	[sflag:s0] =	ssyncset.done $0x0  }
0x77: {  	[sflag:s0] =	ssyncadd.s32 $0xFFFFC000  }
0x78: {  	_ =	swait.ge [sflag:s3], $0x4000  }
0x79: {  	[sflag:s3] =	ssyncset.done $0x0  }
0x7a: {  	[sflag:s3] =	ssyncadd.s32 $0xFFFFC000  }
0x7b: {  	[spmem:s4] =	stream.indirect.scatter.add.f32 [tilespmem:s21], [sflag:$0x5], $0x80, s23, s29, $0xb8;
	[tilespmem:$0x1BE00] =	vst v63  }
0x7c: {  	_ = 	snop  }
0x7d: {  	[spmem:s4] =	stream.indirect.scatter.add.f32 [tilespmem:s31], [sflag:$0x6], $0x80, s24, s29, $0xb8;
	[tilespmem:$0x1BE00] =	vst v63  }
.Ltmp3:
0x7e: {  	_ =	swait.ge [sflag:s13], $0x4000;
	(pc) =	sbr.rel @p1 .LBB2_5-.Ltmp3, $4  }
0x7f: {  	[sflag:s13] =	ssyncset.done $0x0  }
0x80: {  	[sflag:s13] =	ssyncadd.s32 $0xFFFFC000  }
0x81: {  	s17 =	sadd.s32 $0x2000, s17;
	_ =	swait.ge [sflag:s14], $0x4000  }
0x82: {  	s18 =	sshrl.u32 s17, $0x3;
	[sflag:s14] =	ssyncset.done $0x0  }
.LBB2_6:
0x83: {  	s7 =	sadd.s32 s2, s18;
	[sflag:s14] =	ssyncadd.s32 @p0 $0xFFFFC000  }
0x84: {  	[tilespmem:s23], [sflag:$0x1] =	stream.linear.gather [hbm4b:s7+s5], $0x80, $0x38;
	[tilespmem:$0x1BE00] =	vst v63  }
0x85: {  	s17 =	sadd.s32 s18, s12  }
0x86: {  	[tilespmem:s24], [sflag:$0x2] =	stream.linear.gather [hbm4b:s17+s5], $0x80, $0x38;
	[tilespmem:$0x1BE00] =	vst v63  }
0x87: {  	s18 =	sadd.s32 s6, s18  }
0x88: {  	[tilespmem:s25], [sflag:$0x7] =	stream.linear.gather [hbm4b:s18+s5], $0x100, $0x38;
	[tilespmem:$0x1BE00] =	vst v63  }
0x89: {  	_ =	swait.ge [sflag:s22], $0x100  }
0x8a: {  	[sflag:s22] =	ssyncset.done $0x0  }
0x8b: {  	[sflag:s22] =	ssyncadd.s32 $0xFFFFFF00  }
0x8c: {  	_ =	swait.ge [sflag:s26], $0x80  }
0x8d: {  	[sflag:s26] =	ssyncset.done $0x0  }
0x8e: {  	[sflag:s26] =	ssyncadd.s32 $0xFFFFFF80  }
0x8f: {  	_ =	swait.ge [sflag:s28], $0x80  }
0x90: {  	[sflag:s28] =	ssyncset.done $0x0  }
0x91: {  	[sflag:s28] =	ssyncadd.s32 $0xFFFFFF80  }
0x92: {  	[tilespmem:s21], [sflag:$0x3] =	stream.indirect.gather [hbm4b:s1+s29], $0x80, s25, s29, $0xb8;
	[tilespmem:$0x1BE00] =	vst v63  }
0x93: {  	_ = 	snop  }
0x94: {  	[tilespmem:s31], [sflag:$0x4] =	stream.indirect.gather [hbm4b:s1+s29], $0x80, s30, s29, $0xb8;
	[tilespmem:$0x1BE00] =	vst v63  }
0x95: {  	_ =	swait.ge [sflag:s0], $0x4000  }
0x96: {  	[sflag:s0] =	ssyncset.done $0x0  }
0x97: {  	[sflag:s0] =	ssyncadd.s32 $0xFFFFC000  }
0x98: {  	_ =	swait.ge [sflag:s3], $0x4000  }
0x99: {  	[sflag:s3] =	ssyncset.done $0x0  }
0x9a: {  	[sflag:s3] =	ssyncadd.s32 $0xFFFFC000  }
0x9b: {  	[spmem:s4] =	stream.indirect.scatter.add.f32 [tilespmem:s21], [sflag:$0x5], $0x80, s23, s29, $0xb8;
	[tilespmem:$0x1BE00] =	vst v63  }
0x9c: {  	_ = 	snop  }
0x9d: {  	[spmem:s4] =	stream.indirect.scatter.add.f32 [tilespmem:s31], [sflag:$0x6], $0x80, s24, s29, $0xb8;
	[tilespmem:$0x1BE00] =	vst v63  }
0x9e: {  	_ =	swait.ge [sflag:s13], $0x4000  }
0x9f: {  	[sflag:s13] =	ssyncset.done $0x0  }
0xa0: {  	[sflag:s13] =	ssyncadd.s32 $0xFFFFC000  }
0xa1: {  	_ =	swait.ge [sflag:s14], $0x4000  }
0xa2: {  	[sflag:s14] =	ssyncset.done $0x0  }
0xa3: {  	[sflag:s14] =	ssyncadd.s32 $0xFFFFC000  }
0xa4: {  	s16 =	stileid.u32;
	[bflag:$0x0] =	sbarrier.arrive $0xFFFF  }
0xa5: {  	s7 =	sshll.u32 s16, $0x6;
	s16 =	rddreg [dreg:$0x5]  }
0xa6: {  	s7 =	sor.u32 $0x1C07, s7;
	s17 =	rddreg [dreg:$0x6];
	s16 =	sshrl.u32 s16, $0x3  }
0xa7: {  	[hbm:s17], [sflag:s7] =	dma.local [spmem:s16], $0x800  }
0xa8: {  	_ =	swait.ge [sflag:s22], $0x800  }
0xa9: {  	[sflag:s22] =	ssyncset.done $0x0  }
0xaa: {  	s17 =	sshrl.u32 s8, $0x3;
	s18 =	rddreg [dreg:$0x7];
	[sflag:s22] =	ssyncadd.s32 $0xFFFFF800  }
0xab: {  	[hbm:s18], [sflag:s7] =	dma.local [spmem:s17], $0x800  }
0xac: {  	_ =	swait.ge [sflag:s22], $0x800  }
0xad: {  	[sflag:s22] =	ssyncset.done $0x0  }
0xae: {  	s17 =	sshrl.u32 s9, $0x3;
	s18 =	rddreg [dreg:$0x8];
	[sflag:s22] =	ssyncadd.s32 $0xFFFFF800  }
0xaf: {  	[hbm:s18], [sflag:s7] =	dma.local [spmem:s17], $0x800  }
0xb0: {  	_ =	swait.ge [sflag:s22], $0x800  }
0xb1: {  	[sflag:s22] =	ssyncset.done $0x0  }
0xb2: {  	s17 =	sshrl.u32 s10, $0x3;
	s18 =	rddreg [dreg:$0x9];
	[sflag:s22] =	ssyncadd.s32 $0xFFFFF800  }
0xb3: {  	[hbm:s18], [sflag:s7] =	dma.local [spmem:s17], $0x800  }
0xb4: {  	_ =	swait.ge [sflag:s22], $0x800  }
0xb5: {  	[sflag:s22] =	ssyncset.done $0x0  }
0xb6: {  	s17 =	sshrl.u32 s11, $0x3;
	s18 =	rddreg [dreg:$0xa];
	[sflag:s22] =	ssyncadd.s32 $0xFFFFF800  }
0xb7: {  	[hbm:s18], [sflag:s7] =	dma.local [spmem:s17], $0x780  }
0xb8: {  	_ =	swait.ge [sflag:s22], $0x780  }
0xb9: {  	s15 =	sadd.s32 $0x1, s15;
	s18 =	rddreg [dreg:$0xb]  }
0xba: {  	p0 =	sne.s32 s15, s18  }
.Ltmp4:
0xbb: {  	_ = 	snop;
	(pc) =	sbr.rel @p0 .LBB2_1-.Ltmp4, $3  }
0xbc: {  	_ =	sdelay $0x1  }
0xbd: {  	[sflag:s22] =	ssyncset.done $0x0  }
0xbe: {  	[sflag:s22] =	ssyncadd.s32 $0xFFFFF880  }
0xbf: {  	_ =	sfence.sel $0x180000  }
0xc0: {  	[bflag:$0x0] =	sbarrier.arrive $0xFFFF  }
0xc1: {  	_ =	strace $0x9000004A  }
0xc2: {  	s0 =	stileid.u32;
	[bflag:$0x2] =	sbarrier.arrive $0xFFFF  }
0xc3: {  	p0 =	sne.s32 s0, $0x0;
	s0 =	rddreg [dreg:$0x4]  }
0xc4: {  	s0 =	sadd.s32 @!p0 $0x100000, s0  }
0xc5: {  	[sflag:s0] =	ssyncadd.tile.s32 @!p0 $0x1;
	_ =	shalt  }
.Lfunc_end2:
_tile_overlayer_lowered:
.L_overlay_start_2:
0xc6: {  	(tag) =	ssettag $0x2  }
0xc7: {  	s0 =	rddreg [dreg:$0x0];
	s2 =	stileid.u32  }
0xc8: {  	s1 =	rddreg [dreg:$0x1];
	p0 =	sne.s32 s2, $0x0  }
0xc9: {  	s3 =	rddreg [dreg:$0x2];
	[bflag:$0x3] =	sbarrier.arrive $0xFFFF;
	s2 =	simm.s32 @!p0 $0x1C07  }
0xca: {  	[timem:s3], [sflag:s2] =	dma.local @!p0 [hbm:s0], s1  }
0xcb: {  	s0 =	simm.s32 @!p0 $0x7  }
0xcc: {  	_ =	swait.ge @!p0 [sflag:s0], s1  }
0xcd: {  	s1 =	ssub.s32 @!p0 $0x0, s1;
	[sflag:s0] =	ssyncset.done @!p0 $0x0  }
0xce: {  	[sflag:s0] =	ssyncadd.s32 @!p0 s1  }
0xcf: {  	[bflag:$0x3] =	sbarrier.arrive $0xFFFF  }
0xd0: {  	_ =	shalt  }

// kernel: kernel.19.cloned.1.call-start
scs
__scs_entry_jumppad:
0x0: {  	(pc) =	sbr.rel $0x88, $3  }
0x1: {  	(tag) =	ssettag $0x0;
	lr =	simm.s32 $0x1  }
0x2: {  	[smem:$0x3F8E] =	sst lr;
	_ =	strace $0xD0000000  }
0x3: {  	_ = 	snop  }
0x4: {  	_ = 	snop  }
0x5: {  	_ = 	snop  }
0x6: {  	_ = 	snop  }
0x7: {  	_ = 	snop  }
__scs_overlays_trampoline_lowered:
0x8: {  	[smem:$0x3F9D] =	sst s0  }
0x9: {  	[smem:$0x3F9E] =	sst s1  }
0xa: {  	[smem:$0x3F9F] =	sst s2  }
0xb: {  	[smem:$0x3FA0] =	sst s3  }
0xc: {  	[smem:$0x3FA1] =	sst s4  }
0xd: {  	[smem:$0x3FA2] =	sst s5  }
0xe: {  	[smem:$0x3FA3] =	sst s6  }
0xf: {  	[smem:$0x3FA4] =	sst s7  }
0x10: {  	[smem:$0x3FA5] =	sst s8  }
0x11: {  	[smem:$0x3FA6] =	sst s9;
	s0 =	simm.s32 @!p0 $0x0  }
0x12: {  	s1 =	sld [smem:$0x3F8C];
	s0 =	simm.s32 @p0 $0x1  }
0x13: {  	[smem:$0x3FA7] =	sst s0;
	s0 =	simm.s32 @!p1 $0x0  }
0x14: {  	s2 =	sld [smem:$0x3F8B];
	s0 =	simm.s32 @p1 $0x1  }
0x15: {  	[smem:$0x3FA8] =	sst s0;
	s0 =	simm.s32 @!p2 $0x0  }
0x16: {  	s3 =	sld [smem:$0x3FDB];
	s0 =	simm.s32 @p2 $0x1  }
0x17: {  	s4 =	simm.s32 $0x1BF5;
	[smem:$0x3FAA] =	sst s0  }
0x18: {  	s0 =	sld [smem:$0x3F8D];
	_ =	swait.ge [sflag:s4], $0x0  }
0x19: {  	s7 =	sld [smem:$0x3F8E]  }
0x1a: {  	s8 =	sadd.s32 $0xFFFFE003, lr  }
0x1b: {  	s9 =	sadd.s32 $0xFFFFFEF7, lr;
	s5 =	simm.s32 $0xFFFFFFFF;
	p2 =	slt.u32 s8, $0xFFFFF086  }
0x1c: {  	p1 =	slt.u32 s9, $0xF7A;
	s5 =	simm.s32 @!p2 $0x0  }
0x1d: {  	s5 =	simm.s32 @p1 $0x1;
	p0 =	seq.s32 s7, s2  }
0x1e: {  	s7 =	smul.u32 @!p0 $0xF7A, s2;
	p2 =	seq.s32 @!p0 s5, $0x0  }
0x1f: {  	s9 =	smul.u32 $0xF7A, s1;
	s8 =	simm.s32 @!p0 $0x1BF5;
	p2 =	por !p2, p0  }
0x20: {  	[sflag:s8] =	ssyncset.s32 @!p0 $0xFFFFF086;
	s6 =	sadd.s32 @!p0 s3, s7;
	s7 =	simm.s32 @!p0 $0x108  }
0x21: {  	s3 =	sadd.s32 s3, s9;
	s6 =	sadd.s32 @!p0 $0x88, s6;
	s7 =	simm.s32 @p2 $0x1082  }
0x22: {  	[simem:s7], [sflag:s8] =	dma.local @!p0 [hbm:s6], $0xF7A  }
0x23: {  	s9 =	sor.u32 $0xD0000000, s2;
	s6 =	simm.s32 $0x108;
	_ =	swait.ge @!p0 [sflag:s8], $0x0  }
0x24: {  	s3 =	sadd.s32 $0x88, s3;
	s6 =	simm.s32 @!p1 $0x1082;
	[sflag:s4] =	ssyncset.s32 $0xFFFFF086  }
0x25: {  	[simem:s6], [sflag:s4] =	dma.local [hbm:s3], $0xF7A  }
0x26: {  	[smem:$0x3F8E] =	sst s1;
	(tag) =	ssettag s2;
	_ =	strace s9  }
0x27: {  	s1 =	sld [smem:$0x3F9E]  }
0x28: {  	s2 =	sld [smem:$0x3F9F]  }
0x29: {  	s4 =	sld [smem:$0x3FA1]  }
0x2a: {  	p0 =	seq.s32 s5, $0x0;
	s5 =	sld [smem:$0x3FA2]  }
0x2b: {  	s6 =	sld [smem:$0x3FA3]  }
0x2c: {  	s7 =	sld [smem:$0x3FA4]  }
0x2d: {  	s3 =	simm.s32 $0x108;
	s8 =	sld [smem:$0x3FA5]  }
0x2e: {  	s3 =	simm.s32 @!p0 $0x1082;
	s9 =	sld [smem:$0x3FA6]  }
0x2f: {  	lr =	sadd.s32 s0, s3;
	s0 =	sld [smem:$0x3F9D]  }
0x30: {  	s3 =	sld [smem:$0x3FA0]  }
0x31: {  	[smem:$0x3FA9] =	sst s10  }
0x32: {  	s10 =	sld [smem:$0x3FA7];
	_ =	sdelay $0x3  }
0x33: {  	p0 =	seq.s32 s10, $0x1;
	s10 =	sld [smem:$0x3FA9];
	_ =	sdelay $0x3  }
0x34: {  	[smem:$0x3FA9] =	sst s10  }
0x35: {  	s10 =	sld [smem:$0x3FA8];
	_ =	sdelay $0x3  }
0x36: {  	p1 =	seq.s32 s10, $0x1;
	s10 =	sld [smem:$0x3FA9];
	_ =	sdelay $0x3  }
0x37: {  	[smem:$0x3FA9] =	sst s10  }
0x38: {  	s10 =	sld [smem:$0x3FAA]  }
0x39: {  	_ = 	snop;
	(pc) =	sbr.ind lr, $3  }
0x3a: {  	_ = 	snop  }
0x3b: {  	_ = 	snop  }
0x3c: {  	p2 =	seq.s32 s10, $0x1;
	s10 =	sld [smem:$0x3FA9]  }
0x3d: {  	_ =	shalt  }
0x3e: {  	_ =	shalt  }
0x3f: {  	_ =	shalt  }
0x40: {  	_ =	shalt  }
0x41: {  	_ =	shalt  }
0x42: {  	_ =	shalt  }
0x43: {  	_ =	shalt  }
0x44: {  	_ =	shalt  }
0x45: {  	_ =	shalt  }
0x46: {  	_ =	shalt  }
0x47: {  	_ =	shalt  }
0x48: {  	_ =	shalt  }
0x49: {  	_ =	shalt  }
0x4a: {  	_ =	shalt  }
0x4b: {  	_ =	shalt  }
0x4c: {  	_ =	shalt  }
0x4d: {  	_ =	shalt  }
0x4e: {  	_ =	shalt  }
0x4f: {  	_ =	shalt  }
0x50: {  	_ =	shalt  }
0x51: {  	_ =	shalt  }
0x52: {  	_ =	shalt  }
0x53: {  	_ =	shalt  }
0x54: {  	_ =	shalt  }
0x55: {  	_ =	shalt  }
0x56: {  	_ =	shalt  }
0x57: {  	_ =	shalt  }
0x58: {  	_ =	shalt  }
0x59: {  	_ =	shalt  }
0x5a: {  	_ =	shalt  }
0x5b: {  	_ =	shalt  }
0x5c: {  	_ =	shalt  }
0x5d: {  	_ =	shalt  }
0x5e: {  	_ =	shalt  }
0x5f: {  	_ =	shalt  }
0x60: {  	_ =	shalt  }
0x61: {  	_ =	shalt  }
0x62: {  	_ =	shalt  }
0x63: {  	_ =	shalt  }
0x64: {  	_ =	shalt  }
0x65: {  	_ =	shalt  }
0x66: {  	_ =	shalt  }
0x67: {  	_ =	shalt  }
0x68: {  	_ =	shalt  }
0x69: {  	_ =	shalt  }
0x6a: {  	_ =	shalt  }
0x6b: {  	_ =	shalt  }
0x6c: {  	_ =	shalt  }
0x6d: {  	_ =	shalt  }
0x6e: {  	_ =	shalt  }
0x6f: {  	_ =	shalt  }
0x70: {  	_ =	shalt  }
0x71: {  	_ =	shalt  }
0x72: {  	_ =	shalt  }
0x73: {  	_ =	shalt  }
0x74: {  	_ =	shalt  }
0x75: {  	_ =	shalt  }
0x76: {  	_ =	shalt  }
0x77: {  	_ =	shalt  }
0x78: {  	_ =	shalt  }
0x79: {  	_ =	shalt  }
0x7a: {  	_ =	shalt  }
0x7b: {  	_ =	shalt  }
0x7c: {  	_ =	shalt  }
0x7d: {  	_ =	shalt  }
0x7e: {  	_ =	shalt  }
0x7f: {  	_ =	shalt  }
0x80: {  	_ =	shalt  }
0x81: {  	_ =	shalt  }
0x82: {  	_ =	shalt  }
0x83: {  	_ =	shalt  }
0x84: {  	_ =	shalt  }
0x85: {  	_ =	shalt  }
0x86: {  	_ =	shalt  }
0x87: {  	_ =	shalt  }
.Lfunc_end0:
.L_simem_size_0:
called_computation.1_lowered:
.L_overlay_start_0:
0x88: {  	s2 =	sld [smem:$0x3FD9]  }
0x89: {  	s3 =	sld [smem:$0x3FFE];
	_ =	sdelay $0x1  }
0x8a: {  	s1 =	srdreg.scid  }
0x8b: {  	s0 =	sand.u32 $0x1, s1  }
0x8c: {  	s17 =	sshll.u32 s0, $0xA;
	s2 =	sadd.s32 s3, s2  }
0x8d: {  	s2 =	sadd.s32 s2, s17  }
0x8e: {  	[smem:$0x3FB5] =	sst s2  }
0x8f: {  	_ = 	snop  }
0x90: {  	s2 =	sld [smem:$0x3FC4]  }
0x91: {  	s18 =	sld [smem:$0x3FC3];
	(tm) =	ssettm $0x1  }
0x92: {  	s4 =	sld [smem:$0x3FFB];
	_ =	sdelay $0x3  }
0x93: {  	_ =	strace s4  }
0x94: {  	s4 =	sld [smem:$0x3FFC];
	_ =	sdelay $0x3  }
0x95: {  	_ =	strace s4  }
0x96: {  	s4 =	sld [smem:$0x3FFD];
	_ =	sdelay $0x3  }
0x97: {  	_ =	strace s4  }
0x98: {  	_ =	strace $0x8FFFFFFF  }
0x99: {  	s19 =	sld [smem:$0x3FDB];
	_ =	sdelay $0x1  }
0x9a: {  	s5 =	simm.s32 $_scs_section_size  }
0x9b: {  	s6 =	simm.s32 $_size__tile_overlayer_lowered;
	s7 =	simm.s32 $_tile_overlayer_lowered  }
0x9c: {  	s22 =	simm.s32 $0x1BFF;
	s21 =	sshll.u32 s7, $0x1;
	s4 =	sadd.s32 s5, s19  }
0x9d: {  	s8 =	simm.s32 $0x0;
	s20 =	sshll.u32 s6, $0x1;
	s6 =	sadd.s32 s21, s4  }
0x9e: {  	[timem:s8], [sflag:s22] =	dma.local [hbm:s6], s20  }
0x9f: {  	_ =	swait.ge [sflag:s22], s20  }
0xa0: {  	s5 =	ssub.s32 $0x0, s20;
	[sflag:s22] =	ssyncset.done $0x0  }
0xa1: {  	[sflag:s22] =	ssyncadd.s32 s5;
	_ =	sdelay $0x1  }
0xa2: {  	s23 =	simm.s32 $0x1B8B  }
0xa3: {  	_ =	swait.ge [sflag:s23], $0x1  }
0xa4: {  	[sflag:s23] =	ssyncset.done $0x0  }
0xa5: {  	s25 =	simm.s32 $0x1B8E;
	s24 =	sld [smem:$0x3FFE];
	[sflag:s23] =	ssyncadd.s32 $0xFFFFFFFF  }
0xa6: {  	s26 =	simm.s32 $execute0_lowered;
	[smem:$0x3FD2] =	sst s25  }
0xa7: {  	s6 =	sshll.u32 s26, $0x1;
	_ =	strace $0x80000046;
	[dreg:$0x1] =	wrdreg $0xFFFFFFFF  }
0xa8: {  	s28 =	simm.s32 $_size_execute0_lowered;
	s4 =	sadd.s32 s4, s6;
	[dreg:$0x0] =	wrdreg $0x0  }
0xa9: {  	s6 =	sshll.u32 s28, $0x1;
	[dreg:$0x2] =	wrdreg s4  }
0xaa: {  	[dreg:$0x3] =	wrdreg s6  }
0xab: {  	[dreg:$0x4] =	wrdreg $0xC0  }
0xac: {  	_ =	task [dreg:s8], $0x5FFFF  }
0xad: {  	[dreg:$0x1] =	wrdreg $0xFFFFFFFF  }
0xae: {  	[dreg:$0x0] =	wrdreg $0x60  }
0xaf: {  	[dreg:$0x2] =	wrdreg s24  }
0xb0: {  	[dreg:$0x3] =	wrdreg s2  }
0xb1: {  	[dreg:$0x4] =	wrdreg s18  }
0xb2: {  	[dreg:$0x5] =	wrdreg $0x0  }
0xb3: {  	[dreg:$0x6] =	wrdreg $0xA  }
0xb4: {  	_ =	task.clear_ibuf [dreg:s8], $0x7FFFF;
	_ =	strace $0x90000046  }
0xb5: {  	s29 =	simm.s32 $0xA;
	_ =	strace $0x80000048  }
0xb6: {  	_ =	swait.ge [sflag:s29], $0x1  }
0xb7: {  	[sflag:s29] =	ssyncadd.s32 $0xFFFFFFFF  }
0xb8: {  	_ =	strace $0x90000048  }
0xb9: {  	_ =	sfence  }
0xba: {  	s30 =	sld [smem:$0x0];
	_ =	sdelay $0x2  }
0xbb: {  	s31 =	sshll.u32 s1, $0xD;
	s1 =	sshrl.u32 s1, $0x2  }
0xbc: {  	s3 =	sand.u32 $0x4000, s31;
	s1 =	sadd.s32 s1, s30  }
0xbd: {  	s0 =	sor.u32 s3, s0;
	s1 =	sshll.u32 s1, $0x11  }
0xbe: {  	s0 =	sor.u32 s1, s0  }
0xbf: {  	s0 =	sadd.s32 $0x8F2B, s0  }
0xc0: {  	[sflag:s0] =	ssyncadd.remote.s32 $0x1  }
0xc1: {  	_ =	sfence.sel $0xFFFF  }
0xc2: {  	[dreg:$0x0] =	wrdreg $0xFFFFFFFF;
	(pc) =	sbr.abs _section_cstart, $3  }
0xc3: {  	[dreg:$0x1] =	wrdreg $0xFFFFFFFF  }
0xc4: {  	_ =	task.clear_ibuf [dreg:s8], $0x2FFFF;
	_ =	strace $0x9FFFFFFF  }
0xc5: {  	(tm) =	ssettm $0x7FFFFFFF  }
tec
execute0_lowered:
.L_overlay_start_1:
0x0: {  	(tag) =	ssettag $0x1  }
0x1: {  	s0 =	rddreg [dreg:$0x0]  }
0x2: {  	s1 =	rddreg [dreg:$0x1]  }
0x3: {  	s2 =	rddreg [dreg:$0x2]  }
0x4: {  	s3 =	rddreg [dreg:$0x3];
	s5 =	simm.s32 $0x0;
	s4 =	srdreg.scid  }
0x5: {  	s11 =	stileid.u32;
	s21 =	simm.s32 $0x13D00;
	s22 =	simm.s32 $0x5  }
0x6: {  	s28 =	simm.s32 $0x17D00;
	s29 =	simm.s32 $0x2;
	s30 =	simm.s32 $0x3  }
0x7: {  	s31 =	simm.s32 $0x4;
	[smem:$0x7FF] =	sst s5;
	s9 =	smul.u32 $0x4F000, s11  }
0x8: {  	s4 =	sand.u32 $0x1, s4;
	s6 =	sadd.s32 $0x2AE00, s0;
	s13 =	smul.u32 $0x13C00, s11  }
0x9: {  	s7 =	sadd.s32 $0x3C00, s0;
	s0 =	sadd.s32 $0x32C00, s0;
	s23 =	sshll.u32 s11, $0x1  }
0xa: {  	_ =	strace $0x80000047;
	s8 =	ssub.s32 $0x2, s4;
	s19 =	sor.u32 s4, s23  }
0xb: {  	s4 =	smul.u32 $0x13C000, s4;
	s23 =	simm.s32 $0x13C80;
	s10 =	sshrl.u32 s8, $0x1  }
0xc: {  	s9 =	sshrl.u32 s9, $0x2;
	s15 =	sadd.s32 $0x4000, s13;
	s16 =	sadd.s32 $0x8000, s13  }
0xd: {  	s17 =	sadd.s32 $0xC000, s13;
	s18 =	sadd.s32 $0x10000, s13;
	s26 =	ssub.s32 $0x501, s19  }
0xe: {  	s14 =	ssub.s32 s8, s10;
	s8 =	sadd.s32 s9, s3;
	s9 =	sadd.s32 s15, s3  }
0xf: {  	s10 =	sadd.s32 s16, s3;
	s11 =	sadd.s32 s17, s3;
	s12 =	sadd.s32 s18, s3  }
0x10: {  	s20 =	sadd.s32 s13, s4;
	s15 =	sadd.s32 s4, s15;
	s13 =	sshll.u32 s19, $0x7  }
0x11: {  	s24 =	sadd.s32 s4, s16;
	s17 =	sadd.s32 s4, s17;
	s4 =	sadd.s32 s4, s18  }
0x12: {  	s19 =	sshrl.u32 s26, $0x5;
	s26 =	simm.s32 $0x80;
	s20 =	sshrl.u32 s20, $0x3  }
0x13: {  	s15 =	sshrl.u32 s15, $0x3;
	s25 =	sshrl.u32 s17, $0x3;
	s4 =	sshrl.u32 s4, $0x3  }
0x14: {  	s20 =	sadd.s32 s0, s20;
	s15 =	sadd.s32 s0, s15;
	s17 =	sadd.s32 s0, s25  }
0x15: {  	s18 =	sadd.s32 s0, s4;
	[dreg:$0x6] =	wrdreg s15;
	s15 =	sshrl.u32 s24, $0x3  }
0x16: {  	s25 =	simm.s32 $0x1;
	[dreg:$0x5] =	wrdreg s20;
	s15 =	sadd.s32 s0, s15  }
0x17: {  	v0 =	vimm.f32 $0.0e+00;
	s20 =	smax.u32 s14, $0x1;
	s24 =	simm.s32 $0x13C00;
	[dreg:$0x7] =	wrdreg s15  }
.LBB2_1:
0x18: {  	s0 =	simm.s32 $0x0;
	s4 =	simm.s32 $0x200  }
.LBB2_2:
0x19: {  	p0 =	sne.s32 s4, $0xFE00;
	[tilespmem:s0+$0x13D70] =	vst v0  }
0x1a: {  	[tilespmem:s0+$0x13D00] =	vst v0  }
0x1b: {  	[tilespmem:s0+$0x13D10] =	vst v0  }
.Ltmp0:
0x1c: {  	[tilespmem:s0+$0x13D20] =	vst v0;
	(pc) =	sbr.rel @p0 .LBB2_2-.Ltmp0, $4  }
0x1d: {  	[tilespmem:s0+$0x13D30] =	vst v0  }
0x1e: {  	[tilespmem:s0+$0x13D40] =	vst v0  }
0x1f: {  	[tilespmem:s0+$0x13D50] =	vst v0  }
0x20: {  	[tilespmem:s0+$0x13D60] =	vst v0;
	s0 =	sshra.s32 s4, $0x2;
	s4 =	sadd.s32 $0x200, s4  }
0x21: {  	[tilespmem:s0+$0x13D70] =	vst v0  }
0x22: {  	[tilespmem:s0+$0x13D00] =	vst v0  }
0x23: {  	[tilespmem:s0+$0x13D10] =	vst v0  }
0x24: {  	[tilespmem:s0+$0x13D20] =	vst v0  }
0x25: {  	[tilespmem:s0+$0x13D30] =	vst v0  }
0x26: {  	[tilespmem:s0+$0x13D40] =	vst v0  }
0x27: {  	[tilespmem:s0+$0x13D50] =	vst v0  }
0x28: {  	[tilespmem:s0+$0x13D60] =	vst v0  }
0x29: {  	[spmem:s8] =	stream.linear.scatter [tilespmem:s21], [sflag:$0x5], $0x4000, $0x38;
	[tilespmem:$0x1BD00] =	vst v63  }
0x2a: {  	_ =	swait.ge [sflag:s22], $0x4000  }
0x2b: {  	[sflag:s22] =	ssyncset.done $0x0  }
0x2c: {  	[sflag:s22] =	ssyncadd.s32 $0xFFFFC000  }
0x2d: {  	[spmem:s9] =	stream.linear.scatter [tilespmem:s21], [sflag:$0x5], $0x4000, $0x38;
	[tilespmem:$0x1BD00] =	vst v63  }
0x2e: {  	_ =	swait.ge [sflag:s22], $0x4000  }
0x2f: {  	[sflag:s22] =	ssyncset.done $0x0  }
0x30: {  	[sflag:s22] =	ssyncadd.s32 $0xFFFFC000  }
0x31: {  	[spmem:s10] =	stream.linear.scatter [tilespmem:s21], [sflag:$0x5], $0x4000, $0x38;
	[tilespmem:$0x1BD00] =	vst v63  }
0x32: {  	_ =	swait.ge [sflag:s22], $0x4000  }
0x33: {  	[sflag:s22] =	ssyncset.done $0x0  }
0x34: {  	[sflag:s22] =	ssyncadd.s32 $0xFFFFC000  }
0x35: {  	[spmem:s11] =	stream.linear.scatter [tilespmem:s21], [sflag:$0x5], $0x4000, $0x38;
	[tilespmem:$0x1BD00] =	vst v63  }
0x36: {  	_ =	swait.ge [sflag:s22], $0x4000  }
0x37: {  	[sflag:s22] =	ssyncset.done $0x0  }
0x38: {  	[sflag:s22] =	ssyncadd.s32 $0xFFFFC000  }
0x39: {  	[spmem:s12] =	stream.linear.scatter [tilespmem:s21], [sflag:$0x5], $0x3C00, $0x38;
	[tilespmem:$0x1BD00] =	vst v63  }
0x3a: {  	_ =	swait.ge [sflag:s22], $0x3C00  }
0x3b: {  	[sflag:s22] =	ssyncset.done $0x0  }
0x3c: {  	[sflag:s22] =	ssyncadd.s32 $0xFFFFC400  }
0x3d: {  	s0 =	simm.s32 $0x0;
	s4 =	simm.s32 $0x0;
	[bflag:$0x0] =	sbarrier.arrive $0xFFFF  }
.LBB2_4:
0x3e: {  	s14 =	sshll.u32 s4, $0xC  }
0x3f: {  	s14 =	sor.u32 s13, s14  }
0x40: {  	s14 =	sshrl.u32 s14, $0x3  }
0x41: {  	s15 =	sadd.s32 s2, s14  }
0x42: {  	[tilespmem:s23], [sflag:$0x1] =	stream.linear.gather [hbm4b:s15+s0], $0x80, $0x38;
	[tilespmem:$0x1BD00] =	vst v63  }
0x43: {  	s14 =	sadd.s32 s1, s14  }
0x44: {  	[tilespmem:s24], [sflag:$0x5] =	stream.linear.gather [hbm4b:s14+s0], $0x80, $0x38;
	[tilespmem:$0x1BD00] =	vst v63  }
0x45: {  	_ =	swait.ge [sflag:s22], $0x80  }
0x46: {  	[sflag:s22] =	ssyncset.done $0x0  }
0x47: {  	[sflag:s22] =	ssyncadd.s32 $0xFFFFFF80  }
0x48: {  	_ =	swait.ge [sflag:s25], $0x80  }
0x49: {  	[sflag:s25] =	ssyncset.done $0x0  }
0x4a: {  	[sflag:s25] =	ssyncadd.s32 $0xFFFFFF80  }
0x4b: {  	[tilespmem:s21], [sflag:$0x2] =	stream.indirect.gather [hbm4b:s6+s26], $0x80, s24, s26, $0xb8;
	[tilespmem:$0x1BD00] =	vst v63  }
0x4c: {  	_ = 	snop  }
0x4d: {  	[tilespmem:s28], [sflag:$0x3] =	stream.indirect.gather [hbm4b:s7+s26], $0x80, s23, s26, $0xb8;
	[tilespmem:$0x1BD00] =	vst v63  }
0x4e: {  	_ =	swait.ge [sflag:s29], $0x4000  }
0x4f: {  	[sflag:s29] =	ssyncset.done $0x0  }
0x50: {  	[sflag:s29] =	ssyncadd.s32 $0xFFFFC000  }
0x51: {  	_ =	swait.ge [sflag:s30], $0x4000  }
0x52: {  	[sflag:s30] =	ssyncset.done $0x0  }
0x53: {  	s14 =	simm.s32 $0x0;
	[sflag:s30] =	ssyncadd.s32 $0xFFFFC000  }
0x54: {  	v7 =	vld [tilespmem:s14+$0x17D00]  }
0x55: {  	v12 =	vld [tilespmem:s14+$0x17D10]  }
0x56: {  	v6 =	vld [tilespmem:s14+$0x17D20]  }
0x57: {  	v5 =	vld [tilespmem:s14+$0x17D30]  }
0x58: {  	v4 =	vld [tilespmem:s14+$0x17D40]  }
0x59: {  	v3 =	vld [tilespmem:s14+$0x17D50]  }
0x5a: {  	v2 =	vld [tilespmem:s14+$0x17D60]  }
0x5b: {  	v1 =	vld [tilespmem:s14+$0x17D70]  }
0x5c: {  	v13 =	vld [tilespmem:s14+$0x13D00]  }
0x5d: {  	v14 =	vld [tilespmem:s14+$0x13D10]  }
0x5e: {  	v11 =	vld [tilespmem:s14+$0x13D20]  }
0x5f: {  	v10 =	vld [tilespmem:s14+$0x13D30]  }
0x60: {  	v9 =	vld [tilespmem:s14+$0x13D40]  }
0x61: {  	v8 =	vld [tilespmem:s14+$0x13D50];
	v13 =	vadd.f32 v7, v13  }
0x62: {  	s15 =	simm.s32 $0x200;
	v12 =	vadd.f32 v12, v14;
	v7 =	vld [tilespmem:s14+$0x13D60]  }
.LBB2_5:
0x63: {  	s16 =	sshra.s32 s15, $0x2;
	p0 =	sne.s32 s15, $0xFE00;
	v13 =	vmax.f32 v13, $0.0e+00;
	v6 =	vadd.f32 v6, v11;
	v11 =	vld [tilespmem:s14+$0x13D70]  }
0x64: {  	v14 =	vld [tilespmem:s16+$0x17D00];
	[tilespmem:s14+$0x13D00] =	vst v13;
	v12 =	vmax.f32 v12, $0.0e+00;
	v5 =	vadd.f32 v5, v10  }
0x65: {  	v15 =	vld [tilespmem:s16+$0x17D10];
	[tilespmem:s14+$0x13D10] =	vst v12;
	v10 =	vmax.f32 v6, $0.0e+00;
	v4 =	vadd.f32 v4, v9  }
0x66: {  	v6 =	vld [tilespmem:s16+$0x17D20];
	[tilespmem:s14+$0x13D20] =	vst v10;
	v9 =	vmax.f32 v5, $0.0e+00;
	v3 =	vadd.f32 v3, v8  }
0x67: {  	v5 =	vld [tilespmem:s16+$0x17D30];
	[tilespmem:s14+$0x13D30] =	vst v9;
	v8 =	vmax.f32 v4, $0.0e+00;
	v2 =	vadd.f32 v2, v7  }
0x68: {  	v4 =	vld [tilespmem:s16+$0x17D40];
	[tilespmem:s14+$0x13D40] =	vst v8;
	v7 =	vmax.f32 v3, $0.0e+00;
	v1 =	vadd.f32 v1, v11  }
0x69: {  	v3 =	vld [tilespmem:s16+$0x17D50];
	[tilespmem:s14+$0x13D50] =	vst v7;
	v7 =	vmax.f32 v2, $0.0e+00  }
0x6a: {  	v2 =	vld [tilespmem:s16+$0x17D60];
	[tilespmem:s14+$0x13D60] =	vst v7;
	v7 =	vmax.f32 v1, $0.0e+00  }
0x6b: {  	v1 =	vld [tilespmem:s16+$0x17D70];
	[tilespmem:s14+$0x13D70] =	vst v7;
	s14 =	smov.u32 s16  }
0x6c: {  	v7 =	vld [tilespmem:s14+$0x13D00]  }
0x6d: {  	v12 =	vld [tilespmem:s14+$0x13D10]  }
.Ltmp1:
0x6e: {  	v11 =	vld [tilespmem:s14+$0x13D20];
	(pc) =	sbr.rel @p0 .LBB2_5-.Ltmp1, $4  }
0x6f: {  	v10 =	vld [tilespmem:s14+$0x13D30]  }
0x70: {  	v9 =	vld [tilespmem:s14+$0x13D40]  }
0x71: {  	v13 =	vadd.f32 v14, v7;
	v8 =	vld [tilespmem:s14+$0x13D50]  }
0x72: {  	s15 =	sadd.s32 $0x200, s15;
	v12 =	vadd.f32 v15, v12;
	v7 =	vld [tilespmem:s14+$0x13D60]  }
0x73: {  	v13 =	vmax.f32 v13, $0.0e+00;
	v6 =	vadd.f32 v6, v11;
	v63 =	vld [tilespmem:s14+$0x13D70]  }
0x74: {  	[tilespmem:s14+$0x13D00] =	vst v13;
	v12 =	vmax.f32 v12, $0.0e+00;
	v5 =	vadd.f32 v5, v10  }
0x75: {  	[tilespmem:s14+$0x13D10] =	vst v12;
	v6 =	vmax.f32 v6, $0.0e+00;
	v4 =	vadd.f32 v4, v9  }
0x76: {  	[tilespmem:s14+$0x13D20] =	vst v6;
	v5 =	vmax.f32 v5, $0.0e+00;
	v3 =	vadd.f32 v3, v8  }
0x77: {  	[tilespmem:s14+$0x13D30] =	vst v5;
	v4 =	vmax.f32 v4, $0.0e+00;
	v2 =	vadd.f32 v2, v7  }
0x78: {  	[tilespmem:s14+$0x13D40] =	vst v4;
	v3 =	vmax.f32 v3, $0.0e+00;
	v1 =	vadd.f32 v1, v63  }
0x79: {  	s4 =	sadd.s32 $0x1, s4;
	[tilespmem:s14+$0x13D50] =	vst v3;
	v2 =	vmax.f32 v2, $0.0e+00  }
0x7a: {  	p0 =	sne.s32 s4, s19;
	[tilespmem:s14+$0x13D60] =	vst v2;
	v1 =	vmax.f32 v1, $0.0e+00  }
.Ltmp2:
0x7b: {  	[tilespmem:s14+$0x13D70] =	vst v1;
	(pc) =	sbr.rel @p0 .LBB2_4-.Ltmp2, $4  }
0x7c: {  	[spmem:s3] =	stream.indirect.scatter.add.f32 [tilespmem:s21], [sflag:$0x4], $0x80, s23, s26, $0xb8;
	[tilespmem:$0x1BD00] =	vst v63  }
0x7d: {  	_ =	swait.ge [sflag:s31], $0x4000  }
0x7e: {  	[sflag:s31] =	ssyncset.done $0x0  }
0x7f: {  	[sflag:s31] =	ssyncadd.s32 $0xFFFFC000  }
0x80: {  	s0 =	stileid.u32  }
0x81: {  	[bflag:$0x0] =	sbarrier.arrive $0xFFFF;
	s0 =	sshll.u32 s0, $0x6  }
0x82: {  	s4 =	sshrl.u32 s8, $0x3;
	s14 =	rddreg [dreg:$0x5];
	s0 =	sor.u32 $0x1C05, s0  }
0x83: {  	[hbm:s14], [sflag:s0] =	dma.local [spmem:s4], $0x800  }
0x84: {  	_ =	swait.ge [sflag:s22], $0x800  }
0x85: {  	[sflag:s22] =	ssyncset.done $0x0  }
0x86: {  	s15 =	sshrl.u32 s9, $0x3;
	s16 =	rddreg [dreg:$0x6];
	[sflag:s22] =	ssyncadd.s32 $0xFFFFF800  }
0x87: {  	[hbm:s16], [sflag:s0] =	dma.local [spmem:s15], $0x800  }
0x88: {  	_ =	swait.ge [sflag:s22], $0x800  }
0x89: {  	[sflag:s22] =	ssyncset.done $0x0  }
0x8a: {  	s15 =	sshrl.u32 s10, $0x3;
	s16 =	rddreg [dreg:$0x7];
	[sflag:s22] =	ssyncadd.s32 $0xFFFFF800  }
0x8b: {  	[hbm:s16], [sflag:s0] =	dma.local [spmem:s15], $0x800  }
0x8c: {  	_ =	swait.ge [sflag:s22], $0x800  }
0x8d: {  	[sflag:s22] =	ssyncset.done $0x0  }
0x8e: {  	s15 =	sshrl.u32 s11, $0x3;
	[sflag:s22] =	ssyncadd.s32 $0xFFFFF800  }
0x8f: {  	[hbm:s17], [sflag:s0] =	dma.local [spmem:s15], $0x800  }
0x90: {  	s5 =	sadd.s32 $0x1, s5;
	_ =	swait.ge [sflag:s22], $0x800  }
0x91: {  	p0 =	sne.s32 s5, s20;
	[sflag:s22] =	ssyncset.done $0x0  }
.Ltmp3:
0x92: {  	s16 =	sshrl.u32 s12, $0x3;
	[sflag:s22] =	ssyncadd.s32 $0xFFFFF800;
	(pc) =	sbr.rel @p0 .LBB2_1-.Ltmp3, $4  }
0x93: {  	[hbm:s18], [sflag:s0] =	dma.local [spmem:s16], $0x780  }
0x94: {  	_ =	swait.ge [sflag:s22], $0x780  }
0x95: {  	[sflag:s22] =	ssyncset.done $0x0  }
0x96: {  	[sflag:s22] =	ssyncadd.s32 $0xFFFFF880  }
0x97: {  	_ =	sfence.sel $0x180000  }
0x98: {  	[bflag:$0x0] =	sbarrier.arrive $0xFFFF  }
0x99: {  	_ =	strace $0x90000047  }
0x9a: {  	s0 =	stileid.u32;
	[bflag:$0x2] =	sbarrier.arrive $0xFFFF  }
0x9b: {  	p0 =	sne.s32 s0, $0x0;
	s0 =	rddreg [dreg:$0x4]  }
0x9c: {  	s0 =	sadd.s32 @!p0 $0x100000, s0  }
0x9d: {  	[sflag:s0] =	ssyncadd.tile.s32 @!p0 $0x1;
	_ =	shalt  }
.Lfunc_end2:
_tile_overlayer_lowered:
.L_overlay_start_2:
0x9e: {  	(tag) =	ssettag $0x2  }
0x9f: {  	s0 =	rddreg [dreg:$0x0];
	s2 =	stileid.u32  }
0xa0: {  	s1 =	rddreg [dreg:$0x1];
	p0 =	sne.s32 s2, $0x0  }
0xa1: {  	s3 =	rddreg [dreg:$0x2];
	[bflag:$0x3] =	sbarrier.arrive $0xFFFF;
	s2 =	simm.s32 @!p0 $0x1C05  }
0xa2: {  	[timem:s3], [sflag:s2] =	dma.local @!p0 [hbm:s0], s1  }
0xa3: {  	s0 =	simm.s32 @!p0 $0x5  }
0xa4: {  	_ =	swait.ge @!p0 [sflag:s0], s1  }
0xa5: {  	s1 =	ssub.s32 @!p0 $0x0, s1;
	[sflag:s0] =	ssyncset.done @!p0 $0x0  }
0xa6: {  	[sflag:s0] =	ssyncadd.s32 @!p0 s1  }
0xa7: {  	[bflag:$0x3] =	sbarrier.arrive $0xFFFF  }
0xa8: {  	_ =	shalt  }

// kernel: kernel.22.cloned.1.call-start
scs
__scs_entry_jumppad:
0x0: {  	(pc) =	sbr.rel $0x88, $3  }
0x1: {  	(tag) =	ssettag $0x0;
	lr =	simm.s32 $0x1  }
0x2: {  	[smem:$0x3F8E] =	sst lr;
	_ =	strace $0xD0000000  }
0x3: {  	_ = 	snop  }
0x4: {  	_ = 	snop  }
0x5: {  	_ = 	snop  }
0x6: {  	_ = 	snop  }
0x7: {  	_ = 	snop  }
__scs_overlays_trampoline_lowered:
0x8: {  	[smem:$0x3F9D] =	sst s0  }
0x9: {  	[smem:$0x3F9E] =	sst s1  }
0xa: {  	[smem:$0x3F9F] =	sst s2  }
0xb: {  	[smem:$0x3FA0] =	sst s3  }
0xc: {  	[smem:$0x3FA1] =	sst s4  }
0xd: {  	[smem:$0x3FA2] =	sst s5  }
0xe: {  	[smem:$0x3FA3] =	sst s6  }
0xf: {  	[smem:$0x3FA4] =	sst s7  }
0x10: {  	[smem:$0x3FA5] =	sst s8  }
0x11: {  	[smem:$0x3FA6] =	sst s9;
	s0 =	simm.s32 @!p0 $0x0  }
0x12: {  	s1 =	sld [smem:$0x3F8C];
	s0 =	simm.s32 @p0 $0x1  }
0x13: {  	[smem:$0x3FA7] =	sst s0;
	s0 =	simm.s32 @!p1 $0x0  }
0x14: {  	s2 =	sld [smem:$0x3F8B];
	s0 =	simm.s32 @p1 $0x1  }
0x15: {  	[smem:$0x3FA8] =	sst s0;
	s0 =	simm.s32 @!p2 $0x0  }
0x16: {  	s3 =	sld [smem:$0x3FDB];
	s0 =	simm.s32 @p2 $0x1  }
0x17: {  	s4 =	simm.s32 $0x1BF5;
	[smem:$0x3FAA] =	sst s0  }
0x18: {  	s0 =	sld [smem:$0x3F8D];
	_ =	swait.ge [sflag:s4], $0x0  }
0x19: {  	s7 =	sld [smem:$0x3F8E]  }
0x1a: {  	s8 =	sadd.s32 $0xFFFFE003, lr  }
0x1b: {  	s9 =	sadd.s32 $0xFFFFFEF7, lr;
	s5 =	simm.s32 $0xFFFFFFFF;
	p2 =	slt.u32 s8, $0xFFFFF086  }
0x1c: {  	p1 =	slt.u32 s9, $0xF7A;
	s5 =	simm.s32 @!p2 $0x0  }
0x1d: {  	s5 =	simm.s32 @p1 $0x1;
	p0 =	seq.s32 s7, s2  }
0x1e: {  	s7 =	smul.u32 @!p0 $0xF7A, s2;
	p2 =	seq.s32 @!p0 s5, $0x0  }
0x1f: {  	s9 =	smul.u32 $0xF7A, s1;
	s8 =	simm.s32 @!p0 $0x1BF5;
	p2 =	por !p2, p0  }
0x20: {  	[sflag:s8] =	ssyncset.s32 @!p0 $0xFFFFF086;
	s6 =	sadd.s32 @!p0 s3, s7;
	s7 =	simm.s32 @!p0 $0x108  }
0x21: {  	s3 =	sadd.s32 s3, s9;
	s6 =	sadd.s32 @!p0 $0x88, s6;
	s7 =	simm.s32 @p2 $0x1082  }
0x22: {  	[simem:s7], [sflag:s8] =	dma.local @!p0 [hbm:s6], $0xF7A  }
0x23: {  	s9 =	sor.u32 $0xD0000000, s2;
	s6 =	simm.s32 $0x108;
	_ =	swait.ge @!p0 [sflag:s8], $0x0  }
0x24: {  	s3 =	sadd.s32 $0x88, s3;
	s6 =	simm.s32 @!p1 $0x1082;
	[sflag:s4] =	ssyncset.s32 $0xFFFFF086  }
0x25: {  	[simem:s6], [sflag:s4] =	dma.local [hbm:s3], $0xF7A  }
0x26: {  	[smem:$0x3F8E] =	sst s1;
	(tag) =	ssettag s2;
	_ =	strace s9  }
0x27: {  	s1 =	sld [smem:$0x3F9E]  }
0x28: {  	s2 =	sld [smem:$0x3F9F]  }
0x29: {  	s4 =	sld [smem:$0x3FA1]  }
0x2a: {  	p0 =	seq.s32 s5, $0x0;
	s5 =	sld [smem:$0x3FA2]  }
0x2b: {  	s6 =	sld [smem:$0x3FA3]  }
0x2c: {  	s7 =	sld [smem:$0x3FA4]  }
0x2d: {  	s3 =	simm.s32 $0x108;
	s8 =	sld [smem:$0x3FA5]  }
0x2e: {  	s3 =	simm.s32 @!p0 $0x1082;
	s9 =	sld [smem:$0x3FA6]  }
0x2f: {  	lr =	sadd.s32 s0, s3;
	s0 =	sld [smem:$0x3F9D]  }
0x30: {  	s3 =	sld [smem:$0x3FA0]  }
0x31: {  	[smem:$0x3FA9] =	sst s10  }
0x32: {  	s10 =	sld [smem:$0x3FA7];
	_ =	sdelay $0x3  }
0x33: {  	p0 =	seq.s32 s10, $0x1;
	s10 =	sld [smem:$0x3FA9];
	_ =	sdelay $0x3  }
0x34: {  	[smem:$0x3FA9] =	sst s10  }
0x35: {  	s10 =	sld [smem:$0x3FA8];
	_ =	sdelay $0x3  }
0x36: {  	p1 =	seq.s32 s10, $0x1;
	s10 =	sld [smem:$0x3FA9];
	_ =	sdelay $0x3  }
0x37: {  	[smem:$0x3FA9] =	sst s10  }
0x38: {  	s10 =	sld [smem:$0x3FAA]  }
0x39: {  	_ = 	snop;
	(pc) =	sbr.ind lr, $3  }
0x3a: {  	_ = 	snop  }
0x3b: {  	_ = 	snop  }
0x3c: {  	p2 =	seq.s32 s10, $0x1;
	s10 =	sld [smem:$0x3FA9]  }
0x3d: {  	_ =	shalt  }
0x3e: {  	_ =	shalt  }
0x3f: {  	_ =	shalt  }
0x40: {  	_ =	shalt  }
0x41: {  	_ =	shalt  }
0x42: {  	_ =	shalt  }
0x43: {  	_ =	shalt  }
0x44: {  	_ =	shalt  }
0x45: {  	_ =	shalt  }
0x46: {  	_ =	shalt  }
0x47: {  	_ =	shalt  }
0x48: {  	_ =	shalt  }
0x49: {  	_ =	shalt  }
0x4a: {  	_ =	shalt  }
0x4b: {  	_ =	shalt  }
0x4c: {  	_ =	shalt  }
0x4d: {  	_ =	shalt  }
0x4e: {  	_ =	shalt  }
0x4f: {  	_ =	shalt  }
0x50: {  	_ =	shalt  }
0x51: {  	_ =	shalt  }
0x52: {  	_ =	shalt  }
0x53: {  	_ =	shalt  }
0x54: {  	_ =	shalt  }
0x55: {  	_ =	shalt  }
0x56: {  	_ =	shalt  }
0x57: {  	_ =	shalt  }
0x58: {  	_ =	shalt  }
0x59: {  	_ =	shalt  }
0x5a: {  	_ =	shalt  }
0x5b: {  	_ =	shalt  }
0x5c: {  	_ =	shalt  }
0x5d: {  	_ =	shalt  }
0x5e: {  	_ =	shalt  }
0x5f: {  	_ =	shalt  }
0x60: {  	_ =	shalt  }
0x61: {  	_ =	shalt  }
0x62: {  	_ =	shalt  }
0x63: {  	_ =	shalt  }
0x64: {  	_ =	shalt  }
0x65: {  	_ =	shalt  }
0x66: {  	_ =	shalt  }
0x67: {  	_ =	shalt  }
0x68: {  	_ =	shalt  }
0x69: {  	_ =	shalt  }
0x6a: {  	_ =	shalt  }
0x6b: {  	_ =	shalt  }
0x6c: {  	_ =	shalt  }
0x6d: {  	_ =	shalt  }
0x6e: {  	_ =	shalt  }
0x6f: {  	_ =	shalt  }
0x70: {  	_ =	shalt  }
0x71: {  	_ =	shalt  }
0x72: {  	_ =	shalt  }
0x73: {  	_ =	shalt  }
0x74: {  	_ =	shalt  }
0x75: {  	_ =	shalt  }
0x76: {  	_ =	shalt  }
0x77: {  	_ =	shalt  }
0x78: {  	_ =	shalt  }
0x79: {  	_ =	shalt  }
0x7a: {  	_ =	shalt  }
0x7b: {  	_ =	shalt  }
0x7c: {  	_ =	shalt  }
0x7d: {  	_ =	shalt  }
0x7e: {  	_ =	shalt  }
0x7f: {  	_ =	shalt  }
0x80: {  	_ =	shalt  }
0x81: {  	_ =	shalt  }
0x82: {  	_ =	shalt  }
0x83: {  	_ =	shalt  }
0x84: {  	_ =	shalt  }
0x85: {  	_ =	shalt  }
0x86: {  	_ =	shalt  }
0x87: {  	_ =	shalt  }
.Lfunc_end0:
.L_simem_size_0:
called_computation.2_lowered:
.L_overlay_start_0:
0x88: {  	s2 =	sld [smem:$0x3FD9]  }
0x89: {  	s3 =	sld [smem:$0x3FFE];
	_ =	sdelay $0x1  }
0x8a: {  	s1 =	srdreg.scid  }
0x8b: {  	s0 =	sand.u32 $0x1, s1  }
0x8c: {  	s17 =	sshll.u32 s0, $0xA;
	s2 =	sadd.s32 s3, s2  }
0x8d: {  	s2 =	sadd.s32 s2, s17  }
0x8e: {  	[smem:$0x3FB5] =	sst s2  }
0x8f: {  	_ = 	snop  }
0x90: {  	s2 =	sld [smem:$0x3FD0];
	(tm) =	ssettm $0x1  }
0x91: {  	s18 =	sld [smem:$0x3FFB];
	_ =	sdelay $0x3  }
0x92: {  	_ =	strace s18  }
0x93: {  	s3 =	sld [smem:$0x3FFC];
	_ =	sdelay $0x3  }
0x94: {  	_ =	strace s3  }
0x95: {  	s3 =	sld [smem:$0x3FFD];
	_ =	sdelay $0x3  }
0x96: {  	_ =	strace s3  }
0x97: {  	_ =	strace $0x8FFFFFFF  }
0x98: {  	s19 =	sld [smem:$0x3FDB];
	_ =	sdelay $0x1  }
0x99: {  	s4 =	simm.s32 $_scs_section_size  }
0x9a: {  	s5 =	simm.s32 $_size__tile_overlayer_lowered;
	s6 =	simm.s32 $_tile_overlayer_lowered  }
0x9b: {  	s22 =	simm.s32 $0x1BFF;
	s21 =	sshll.u32 s6, $0x1;
	s3 =	sadd.s32 s4, s19  }
0x9c: {  	s7 =	simm.s32 $0x0;
	s20 =	sshll.u32 s5, $0x1;
	s5 =	sadd.s32 s21, s3  }
0x9d: {  	[timem:s7], [sflag:s22] =	dma.local [hbm:s5], s20  }
0x9e: {  	_ =	swait.ge [sflag:s22], s20  }
0x9f: {  	s4 =	ssub.s32 $0x0, s20;
	[sflag:s22] =	ssyncset.done $0x0  }
0xa0: {  	[sflag:s22] =	ssyncadd.s32 s4;
	_ =	sdelay $0x1  }
0xa1: {  	s23 =	simm.s32 $0x1B8B  }
0xa2: {  	_ =	swait.ge [sflag:s23], $0x1  }
0xa3: {  	[sflag:s23] =	ssyncset.done $0x0  }
0xa4: {  	s25 =	simm.s32 $0x1B8E;
	s24 =	sld [smem:$0x3FFE];
	[sflag:s23] =	ssyncadd.s32 $0xFFFFFFFF  }
0xa5: {  	s26 =	simm.s32 $execute0_lowered;
	[smem:$0x3FD2] =	sst s25  }
0xa6: {  	s5 =	sshll.u32 s26, $0x1;
	_ =	strace $0x8000004C;
	[dreg:$0x1] =	wrdreg $0xFFFFFFFF  }
0xa7: {  	s28 =	simm.s32 $_size_execute0_lowered;
	s3 =	sadd.s32 s3, s5;
	[dreg:$0x0] =	wrdreg $0x0  }
0xa8: {  	s5 =	sshll.u32 s28, $0x1;
	[dreg:$0x2] =	wrdreg s3  }
0xa9: {  	[dreg:$0x3] =	wrdreg s5  }
0xaa: {  	[dreg:$0x4] =	wrdreg $0xC0  }
0xab: {  	_ =	task [dreg:s7], $0x5FFFF  }
0xac: {  	[dreg:$0x1] =	wrdreg $0xFFFFFFFF  }
0xad: {  	[dreg:$0x0] =	wrdreg $0x60  }
0xae: {  	[dreg:$0x2] =	wrdreg s24  }
0xaf: {  	[dreg:$0x3] =	wrdreg s2  }
0xb0: {  	[dreg:$0x4] =	wrdreg $0x0  }
0xb1: {  	[dreg:$0x5] =	wrdreg $0x9  }
0xb2: {  	_ =	task.clear_ibuf [dreg:s7], $0x6FFFF;
	_ =	strace $0x9000004C  }
0xb3: {  	s29 =	simm.s32 $0x9;
	_ =	strace $0x8000004E  }
0xb4: {  	_ =	swait.ge [sflag:s29], $0x1  }
0xb5: {  	[sflag:s29] =	ssyncadd.s32 $0xFFFFFFFF  }
0xb6: {  	_ =	strace $0x9000004E  }
0xb7: {  	_ =	sfence  }
0xb8: {  	s30 =	sld [smem:$0x0];
	_ =	sdelay $0x2  }
0xb9: {  	s31 =	sshll.u32 s1, $0xD;
	s1 =	sshrl.u32 s1, $0x2  }
0xba: {  	s3 =	sand.u32 $0x4000, s31;
	s1 =	sadd.s32 s1, s30  }
0xbb: {  	s0 =	sor.u32 s3, s0;
	s1 =	sshll.u32 s1, $0x11  }
0xbc: {  	s0 =	sor.u32 s1, s0  }
0xbd: {  	s0 =	sadd.s32 $0x8F2B, s0  }
0xbe: {  	[sflag:s0] =	ssyncadd.remote.s32 $0x1  }
0xbf: {  	_ =	sfence.sel $0xFFFF  }
0xc0: {  	[dreg:$0x0] =	wrdreg $0xFFFFFFFF;
	(pc) =	sbr.abs _section_cstart, $3  }
0xc1: {  	[dreg:$0x1] =	wrdreg $0xFFFFFFFF  }
0xc2: {  	_ =	task.clear_ibuf [dreg:s7], $0x2FFFF;
	_ =	strace $0x9FFFFFFF  }
0xc3: {  	(tm) =	ssettm $0x7FFFFFFF  }
tec
execute0_lowered:
.L_overlay_start_1:
0x0: {  	(tag) =	ssettag $0x1  }
0x1: {  	s0 =	rddreg [dreg:$0x0]  }
0x2: {  	s1 =	rddreg [dreg:$0x1]  }
0x3: {  	s2 =	rddreg [dreg:$0x2];
	s4 =	simm.s32 $0x0;
	s3 =	srdreg.scid  }
0x4: {  	s21 =	stileid.u32;
	s28 =	simm.s32 $0x2;
	s29 =	simm.s32 $0x80  }
0x5: {  	s30 =	simm.s32 $0x13C80;
	s31 =	simm.s32 $0x17E00;
	[smem:$0x7FF] =	sst s4  }
0x6: {  	s3 =	sand.u32 $0x1, s3;
	s7 =	smul.u32 $0x4F000, s21;
	s5 =	sadd.s32 $0x3C00, s0  }
0x7: {  	s12 =	smul.u32 $0x13C00, s21;
	s6 =	sadd.s32 $0x81C00, s0;
	s0 =	sadd.s32 $0x2AE00, s0  }
0x8: {  	s15 =	sshll.u32 s21, $0x1;
	s25 =	sshll.u32 s21, $0x9;
	s21 =	simm.s32 $0x13E00  }
0x9: {  	_ =	strace $0x8000004D;
	s8 =	ssub.s32 $0x2, s3;
	s18 =	smul.u32 $0x13C000, s3  }
0xa: {  	s24 =	sor.u32 s15, s3;
	s3 =	sshll.u32 s3, $0x8;
	s15 =	simm.s32 $0x0  }
0xb: {  	s9 =	sshrl.u32 s8, $0x1;
	s7 =	sshrl.u32 s7, $0x2;
	s14 =	sadd.s32 $0x4000, s12  }
0xc: {  	s16 =	sadd.s32 $0x8000, s12;
	s17 =	sadd.s32 $0xC000, s12;
	s19 =	sadd.s32 $0x10000, s12  }
0xd: {  	s13 =	ssub.s32 s8, s9;
	s7 =	sadd.s32 s7, s2;
	s8 =	sadd.s32 s14, s2  }
0xe: {  	s9 =	sadd.s32 s16, s2;
	s10 =	sadd.s32 s17, s2;
	s11 =	sadd.s32 s19, s2  }
0xf: {  	s20 =	sadd.s32 s12, s18;
	s14 =	sadd.s32 s18, s14;
	s12 =	sadd.s32 $0x10, s1  }
0x10: {  	s16 =	sadd.s32 s18, s16;
	s17 =	sadd.s32 s18, s17;
	s20 =	sshrl.u32 s20, $0x3  }
0x11: {  	[dreg:$0x4] =	wrdreg s7;
	s14 =	sshrl.u32 s14, $0x3;
	s26 =	sadd.s32 s0, s20  }
0x12: {  	s18 =	sadd.s32 s18, s19;
	s14 =	sadd.s32 s0, s14;
	[dreg:$0x5] =	wrdreg s26  }
0x13: {  	s22 =	sshrl.u32 s18, $0x3;
	s20 =	sshrl.u32 s17, $0x3;
	[dreg:$0x6] =	wrdreg s14  }
0x14: {  	s14 =	sshrl.u32 s16, $0x3;
	s23 =	sadd.s32 s0, s20;
	s26 =	smax.u32 s13, $0x1  }
0x15: {  	s20 =	sor.u32 s3, s25;
	s25 =	simm.s32 $0x13C00;
	s3 =	simm.s32 $0x4  }
0x16: {  	s13 =	simm.s32 $0x5;
	s19 =	sadd.s32 s0, s14;
	[dreg:$0x8] =	wrdreg s23  }
0x17: {  	s0 =	sadd.s32 s0, s22;
	[dreg:$0xa] =	wrdreg s26;
	s22 =	simm.s32 $0x7  }
0x18: {  	s23 =	simm.s32 $0x13D00;
	s26 =	simm.s32 $0x1;
	[dreg:$0x7] =	wrdreg s19  }
0x19: {  	s14 =	simm.s32 $0x6;
	[dreg:$0x9] =	wrdreg s0;
	s0 =	ssub.s32 $0x501, s24  }
0x1a: {  	v0 =	vimm.f32 $0.0e+00;
	s24 =	simm.s32 $0x13D80;
	s19 =	sshrl.u32 s0, $0x5;
	s0 =	simm.s32 $0x3  }
.LBB2_1:
0x1b: {  	s16 =	simm.s32 $0x0;
	s17 =	simm.s32 $0x200  }
.LBB2_2:
0x1c: {  	p0 =	sne.s32 s17, $0xFE00;
	[tilespmem:s16+$0x13E70] =	vst v0  }
0x1d: {  	[tilespmem:s16+$0x13E00] =	vst v0  }
0x1e: {  	[tilespmem:s16+$0x13E10] =	vst v0  }
.Ltmp0:
0x1f: {  	[tilespmem:s16+$0x13E20] =	vst v0;
	(pc) =	sbr.rel @p0 .LBB2_2-.Ltmp0, $4  }
0x20: {  	[tilespmem:s16+$0x13E30] =	vst v0  }
0x21: {  	[tilespmem:s16+$0x13E40] =	vst v0  }
0x22: {  	[tilespmem:s16+$0x13E50] =	vst v0  }
0x23: {  	[tilespmem:s16+$0x13E60] =	vst v0;
	s16 =	sshra.s32 s17, $0x2;
	s17 =	sadd.s32 $0x200, s17  }
0x24: {  	[tilespmem:s16+$0x13E70] =	vst v0  }
0x25: {  	[tilespmem:s16+$0x13E00] =	vst v0  }
0x26: {  	[tilespmem:s16+$0x13E10] =	vst v0  }
0x27: {  	[tilespmem:s16+$0x13E20] =	vst v0  }
0x28: {  	[tilespmem:s16+$0x13E30] =	vst v0  }
0x29: {  	[tilespmem:s16+$0x13E40] =	vst v0  }
0x2a: {  	[tilespmem:s16+$0x13E50] =	vst v0  }
0x2b: {  	[tilespmem:s16+$0x13E60] =	vst v0;
	s7 =	rddreg [dreg:$0x4]  }
0x2c: {  	[spmem:s7] =	stream.linear.scatter [tilespmem:s21], [sflag:$0x7], $0x4000, $0x38;
	[tilespmem:$0x1BE00] =	vst v63  }
0x2d: {  	_ =	swait.ge [sflag:s22], $0x4000  }
0x2e: {  	[sflag:s22] =	ssyncset.done $0x0  }
0x2f: {  	[sflag:s22] =	ssyncadd.s32 $0xFFFFC000  }
0x30: {  	[spmem:s8] =	stream.linear.scatter [tilespmem:s21], [sflag:$0x7], $0x4000, $0x38;
	[tilespmem:$0x1BE00] =	vst v63  }
0x31: {  	_ =	swait.ge [sflag:s22], $0x4000  }
0x32: {  	[sflag:s22] =	ssyncset.done $0x0  }
0x33: {  	[sflag:s22] =	ssyncadd.s32 $0xFFFFC000  }
0x34: {  	[spmem:s9] =	stream.linear.scatter [tilespmem:s21], [sflag:$0x7], $0x4000, $0x38;
	[tilespmem:$0x1BE00] =	vst v63  }
0x35: {  	_ =	swait.ge [sflag:s22], $0x4000  }
0x36: {  	[sflag:s22] =	ssyncset.done $0x0  }
0x37: {  	[sflag:s22] =	ssyncadd.s32 $0xFFFFC000  }
0x38: {  	[spmem:s10] =	stream.linear.scatter [tilespmem:s21], [sflag:$0x7], $0x4000, $0x38;
	[tilespmem:$0x1BE00] =	vst v63  }
0x39: {  	_ =	swait.ge [sflag:s22], $0x4000  }
0x3a: {  	[sflag:s22] =	ssyncset.done $0x0  }
0x3b: {  	p1 =	sne.s32 s19, $0x1;
	[sflag:s22] =	ssyncadd.s32 $0xFFFFC000  }
0x3c: {  	[spmem:s11] =	stream.linear.scatter [tilespmem:s21], [sflag:$0x7], $0x3C00, $0x38;
	[tilespmem:$0x1BE00] =	vst v63  }
.Ltmp1:
0x3d: {  	_ =	swait.ge [sflag:s22], $0x3C00;
	(pc) =	sbr.rel @!p1 .LBB2_6-.Ltmp1, $4  }
0x3e: {  	[sflag:s22] =	ssyncset.done $0x0  }
0x3f: {  	[sflag:s22] =	ssyncadd.s32 $0xFFFFC400  }
0x40: {  	[bflag:$0x0] =	sbarrier.arrive $0xFFFF  }
0x41: {  	s16 =	sadd.s32 $0xFFFFFFFF, s19;
	s18 =	sshrl.u32 s20, $0x3;
	p0 =	por $0x0, $0x0  }
0x42: {  	s17 =	sadd.s32 s1, s18  }
0x43: {  	[tilespmem:s23], [sflag:$0x1] =	stream.linear.gather [hbm4b:s17+s4], $0x80, $0x38;
	[tilespmem:$0x1BE00] =	vst v63  }
0x44: {  	s7 =	sadd.s32 s18, s12  }
0x45: {  	[tilespmem:s24], [sflag:$0x2] =	stream.linear.gather [hbm4b:s7+s4], $0x80, $0x38;
	[tilespmem:$0x1BE00] =	vst v63  }
0x46: {  	s18 =	sadd.s32 s6, s18  }
0x47: {  	[tilespmem:s25], [sflag:$0x7] =	stream.linear.gather [hbm4b:s18+s4], $0x100, $0x38;
	[tilespmem:$0x1BE00] =	vst v63  }
0x48: {  	_ =	swait.ge [sflag:s22], $0x100  }
0x49: {  	[sflag:s22] =	ssyncset.done $0x0  }
0x4a: {  	[sflag:s22] =	ssyncadd.s32 $0xFFFFFF00  }
0x4b: {  	_ =	swait.ge [sflag:s26], $0x80  }
0x4c: {  	[sflag:s26] =	ssyncset.done $0x0  }
0x4d: {  	[sflag:s26] =	ssyncadd.s32 $0xFFFFFF80  }
0x4e: {  	_ =	swait.ge [sflag:s28], $0x80  }
0x4f: {  	[sflag:s28] =	ssyncset.done $0x0  }
0x50: {  	[sflag:s28] =	ssyncadd.s32 $0xFFFFFF80  }
0x51: {  	[tilespmem:s21], [sflag:$0x3] =	stream.indirect.gather [hbm4b:s5+s29], $0x80, s25, s29, $0xb8;
	[tilespmem:$0x1BE00] =	vst v63  }
0x52: {  	_ = 	snop  }
0x53: {  	[tilespmem:s31], [sflag:$0x4] =	stream.indirect.gather [hbm4b:s5+s29], $0x80, s30, s29, $0xb8;
	[tilespmem:$0x1BE00] =	vst v63  }
0x54: {  	_ =	swait.ge [sflag:s0], $0x4000  }
0x55: {  	[sflag:s0] =	ssyncset.done $0x0  }
0x56: {  	[sflag:s0] =	ssyncadd.s32 $0xFFFFC000  }
0x57: {  	_ =	swait.ge [sflag:s3], $0x4000  }
0x58: {  	[sflag:s3] =	ssyncset.done $0x0  }
0x59: {  	[sflag:s3] =	ssyncadd.s32 $0xFFFFC000  }
0x5a: {  	[spmem:s2] =	stream.indirect.scatter.add.f32 [tilespmem:s21], [sflag:$0x5], $0x80, s23, s29, $0xb8;
	[tilespmem:$0x1BE00] =	vst v63  }
0x5b: {  	p1 =	sne.s32 s16, $0x1  }
0x5c: {  	[spmem:s2] =	stream.indirect.scatter.add.f32 [tilespmem:s31], [sflag:$0x6], $0x80, s24, s29, $0xb8;
	[tilespmem:$0x1BE00] =	vst v63  }
.Ltmp2:
0x5d: {  	_ =	swait.ge [sflag:s13], $0x4000;
	(pc) =	sbr.rel @!p1 .LBB2_6-.Ltmp2, $4  }
0x5e: {  	[sflag:s13] =	ssyncset.done $0x0  }
0x5f: {  	[sflag:s13] =	ssyncadd.s32 $0xFFFFC000  }
0x60: {  	s16 =	sadd.s32 $0xFFFFFFFF, s16;
	s17 =	sadd.s32 $0x2000, s20;
	_ =	swait.ge [sflag:s14], $0x4000  }
0x61: {  	p0 =	por $0x1, $0x1;
	s18 =	sshrl.u32 s17, $0x3;
	[sflag:s14] =	ssyncset.done $0x0  }
.LBB2_5:
0x62: {  	p1 =	sne.s32 s16, $0x1;
	s7 =	sadd.s32 s1, s18;
	[sflag:s14] =	ssyncadd.s32 $0xFFFFC000  }
0x63: {  	[tilespmem:s23], [sflag:$0x1] =	stream.linear.gather [hbm4b:s7+s4], $0x80, $0x38;
	[tilespmem:$0x1BE00] =	vst v63  }
0x64: {  	s16 =	sadd.s32 $0xFFFFFFFF, s16;
	s7 =	sadd.s32 s18, s12  }
0x65: {  	[tilespmem:s24], [sflag:$0x2] =	stream.linear.gather [hbm4b:s7+s4], $0x80, $0x38;
	[tilespmem:$0x1BE00] =	vst v63  }
0x66: {  	s7 =	sadd.s32 s6, s18  }
0x67: {  	[tilespmem:s25], [sflag:$0x7] =	stream.linear.gather [hbm4b:s7+s4], $0x100, $0x38;
	[tilespmem:$0x1BE00] =	vst v63  }
0x68: {  	_ =	swait.ge [sflag:s22], $0x100  }
0x69: {  	[sflag:s22] =	ssyncset.done $0x0  }
0x6a: {  	[sflag:s22] =	ssyncadd.s32 $0xFFFFFF00  }
0x6b: {  	_ =	swait.ge [sflag:s26], $0x80  }
0x6c: {  	[sflag:s26] =	ssyncset.done $0x0  }
0x6d: {  	[sflag:s26] =	ssyncadd.s32 $0xFFFFFF80  }
0x6e: {  	_ =	swait.ge [sflag:s28], $0x80  }
0x6f: {  	[sflag:s28] =	ssyncset.done $0x0  }
0x70: {  	[sflag:s28] =	ssyncadd.s32 $0xFFFFFF80  }
0x71: {  	[tilespmem:s21], [sflag:$0x3] =	stream.indirect.gather [hbm4b:s5+s29], $0x80, s25, s29, $0xb8;
	[tilespmem:$0x1BE00] =	vst v63  }
0x72: {  	_ = 	snop  }
0x73: {  	[tilespmem:s31], [sflag:$0x4] =	stream.indirect.gather [hbm4b:s5+s29], $0x80, s30, s29, $0xb8;
	[tilespmem:$0x1BE00] =	vst v63  }
0x74: {  	_ =	swait.ge [sflag:s0], $0x4000  }
0x75: {  	[sflag:s0] =	ssyncset.done $0x0  }
0x76: {  	[sflag:s0] =	ssyncadd.s32 $0xFFFFC000  }
0x77: {  	_ =	swait.ge [sflag:s3], $0x4000  }
0x78: {  	[sflag:s3] =	ssyncset.done $0x0  }
0x79: {  	[sflag:s3] =	ssyncadd.s32 $0xFFFFC000  }
0x7a: {  	[spmem:s2] =	stream.indirect.scatter.add.f32 [tilespmem:s21], [sflag:$0x5], $0x80, s23, s29, $0xb8;
	[tilespmem:$0x1BE00] =	vst v63  }
0x7b: {  	_ = 	snop  }
0x7c: {  	[spmem:s2] =	stream.indirect.scatter.add.f32 [tilespmem:s31], [sflag:$0x6], $0x80, s24, s29, $0xb8;
	[tilespmem:$0x1BE00] =	vst v63  }
.Ltmp3:
0x7d: {  	_ =	swait.ge [sflag:s13], $0x4000;
	(pc) =	sbr.rel @p1 .LBB2_5-.Ltmp3, $4  }
0x7e: {  	[sflag:s13] =	ssyncset.done $0x0  }
0x7f: {  	[sflag:s13] =	ssyncadd.s32 $0xFFFFC000  }
0x80: {  	s17 =	sadd.s32 $0x2000, s17;
	_ =	swait.ge [sflag:s14], $0x4000  }
0x81: {  	s18 =	sshrl.u32 s17, $0x3;
	[sflag:s14] =	ssyncset.done $0x0  }
.LBB2_6:
0x82: {  	s7 =	sadd.s32 s1, s18;
	[sflag:s14] =	ssyncadd.s32 @p0 $0xFFFFC000  }
0x83: {  	[tilespmem:s23], [sflag:$0x1] =	stream.linear.gather [hbm4b:s7+s4], $0x80, $0x38;
	[tilespmem:$0x1BE00] =	vst v63  }
0x84: {  	s17 =	sadd.s32 s18, s12  }
0x85: {  	[tilespmem:s24], [sflag:$0x2] =	stream.linear.gather [hbm4b:s17+s4], $0x80, $0x38;
	[tilespmem:$0x1BE00] =	vst v63  }
0x86: {  	s18 =	sadd.s32 s6, s18  }
0x87: {  	[tilespmem:s25], [sflag:$0x7] =	stream.linear.gather [hbm4b:s18+s4], $0x100, $0x38;
	[tilespmem:$0x1BE00] =	vst v63  }
0x88: {  	_ =	swait.ge [sflag:s22], $0x100  }
0x89: {  	[sflag:s22] =	ssyncset.done $0x0  }
0x8a: {  	[sflag:s22] =	ssyncadd.s32 $0xFFFFFF00  }
0x8b: {  	_ =	swait.ge [sflag:s26], $0x80  }
0x8c: {  	[sflag:s26] =	ssyncset.done $0x0  }
0x8d: {  	[sflag:s26] =	ssyncadd.s32 $0xFFFFFF80  }
0x8e: {  	_ =	swait.ge [sflag:s28], $0x80  }
0x8f: {  	[sflag:s28] =	ssyncset.done $0x0  }
0x90: {  	[sflag:s28] =	ssyncadd.s32 $0xFFFFFF80  }
0x91: {  	[tilespmem:s21], [sflag:$0x3] =	stream.indirect.gather [hbm4b:s5+s29], $0x80, s25, s29, $0xb8;
	[tilespmem:$0x1BE00] =	vst v63  }
0x92: {  	_ = 	snop  }
0x93: {  	[tilespmem:s31], [sflag:$0x4] =	stream.indirect.gather [hbm4b:s5+s29], $0x80, s30, s29, $0xb8;
	[tilespmem:$0x1BE00] =	vst v63  }
0x94: {  	_ =	swait.ge [sflag:s0], $0x4000  }
0x95: {  	[sflag:s0] =	ssyncset.done $0x0  }
0x96: {  	[sflag:s0] =	ssyncadd.s32 $0xFFFFC000  }
0x97: {  	_ =	swait.ge [sflag:s3], $0x4000  }
0x98: {  	[sflag:s3] =	ssyncset.done $0x0  }
0x99: {  	[sflag:s3] =	ssyncadd.s32 $0xFFFFC000  }
0x9a: {  	[spmem:s2] =	stream.indirect.scatter.add.f32 [tilespmem:s21], [sflag:$0x5], $0x80, s23, s29, $0xb8;
	[tilespmem:$0x1BE00] =	vst v63  }
0x9b: {  	_ = 	snop  }
0x9c: {  	[spmem:s2] =	stream.indirect.scatter.add.f32 [tilespmem:s31], [sflag:$0x6], $0x80, s24, s29, $0xb8;
	[tilespmem:$0x1BE00] =	vst v63  }
0x9d: {  	_ =	swait.ge [sflag:s13], $0x4000  }
0x9e: {  	[sflag:s13] =	ssyncset.done $0x0  }
0x9f: {  	[sflag:s13] =	ssyncadd.s32 $0xFFFFC000  }
0xa0: {  	_ =	swait.ge [sflag:s14], $0x4000  }
0xa1: {  	[sflag:s14] =	ssyncset.done $0x0  }
0xa2: {  	[sflag:s14] =	ssyncadd.s32 $0xFFFFC000  }
0xa3: {  	s16 =	stileid.u32;
	[bflag:$0x0] =	sbarrier.arrive $0xFFFF  }
0xa4: {  	s7 =	sshll.u32 s16, $0x6;
	s16 =	rddreg [dreg:$0x4]  }
0xa5: {  	s7 =	sor.u32 $0x1C07, s7;
	s17 =	rddreg [dreg:$0x5];
	s16 =	sshrl.u32 s16, $0x3  }
0xa6: {  	[hbm:s17], [sflag:s7] =	dma.local [spmem:s16], $0x800  }
0xa7: {  	_ =	swait.ge [sflag:s22], $0x800  }
0xa8: {  	[sflag:s22] =	ssyncset.done $0x0  }
0xa9: {  	s17 =	sshrl.u32 s8, $0x3;
	s18 =	rddreg [dreg:$0x6];
	[sflag:s22] =	ssyncadd.s32 $0xFFFFF800  }
0xaa: {  	[hbm:s18], [sflag:s7] =	dma.local [spmem:s17], $0x800  }
0xab: {  	_ =	swait.ge [sflag:s22], $0x800  }
0xac: {  	[sflag:s22] =	ssyncset.done $0x0  }
0xad: {  	s17 =	sshrl.u32 s9, $0x3;
	s18 =	rddreg [dreg:$0x7];
	[sflag:s22] =	ssyncadd.s32 $0xFFFFF800  }
0xae: {  	[hbm:s18], [sflag:s7] =	dma.local [spmem:s17], $0x800  }
0xaf: {  	_ =	swait.ge [sflag:s22], $0x800  }
0xb0: {  	[sflag:s22] =	ssyncset.done $0x0  }
0xb1: {  	s17 =	sshrl.u32 s10, $0x3;
	s18 =	rddreg [dreg:$0x8];
	[sflag:s22] =	ssyncadd.s32 $0xFFFFF800  }
0xb2: {  	[hbm:s18], [sflag:s7] =	dma.local [spmem:s17], $0x800  }
0xb3: {  	_ =	swait.ge [sflag:s22], $0x800  }
0xb4: {  	[sflag:s22] =	ssyncset.done $0x0  }
0xb5: {  	s17 =	sshrl.u32 s11, $0x3;
	s18 =	rddreg [dreg:$0x9];
	[sflag:s22] =	ssyncadd.s32 $0xFFFFF800  }
0xb6: {  	[hbm:s18], [sflag:s7] =	dma.local [spmem:s17], $0x780  }
0xb7: {  	_ =	swait.ge [sflag:s22], $0x780  }
0xb8: {  	s15 =	sadd.s32 $0x1, s15;
	s18 =	rddreg [dreg:$0xa]  }
0xb9: {  	p0 =	sne.s32 s15, s18  }
.Ltmp4:
0xba: {  	_ = 	snop;
	(pc) =	sbr.rel @p0 .LBB2_1-.Ltmp4, $3  }
0xbb: {  	_ =	sdelay $0x1  }
0xbc: {  	[sflag:s22] =	ssyncset.done $0x0  }
0xbd: {  	[sflag:s22] =	ssyncadd.s32 $0xFFFFF880  }
0xbe: {  	_ =	sfence.sel $0x180000  }
0xbf: {  	[bflag:$0x0] =	sbarrier.arrive $0xFFFF  }
0xc0: {  	_ =	strace $0x9000004D  }
0xc1: {  	s0 =	stileid.u32;
	[bflag:$0x2] =	sbarrier.arrive $0xFFFF  }
0xc2: {  	p0 =	sne.s32 s0, $0x0;
	s0 =	rddreg [dreg:$0x3]  }
0xc3: {  	s0 =	sadd.s32 @!p0 $0x100000, s0  }
0xc4: {  	[sflag:s0] =	ssyncadd.tile.s32 @!p0 $0x1;
	_ =	shalt  }
.Lfunc_end2:
_tile_overlayer_lowered:
.L_overlay_start_2:
0xc5: {  	(tag) =	ssettag $0x2  }
0xc6: {  	s0 =	rddreg [dreg:$0x0];
	s2 =	stileid.u32  }
0xc7: {  	s1 =	rddreg [dreg:$0x1];
	p0 =	sne.s32 s2, $0x0  }
0xc8: {  	s3 =	rddreg [dreg:$0x2];
	[bflag:$0x3] =	sbarrier.arrive $0xFFFF;
	s2 =	simm.s32 @!p0 $0x1C07  }
0xc9: {  	[timem:s3], [sflag:s2] =	dma.local @!p0 [hbm:s0], s1  }
0xca: {  	s0 =	simm.s32 @!p0 $0x7  }
0xcb: {  	_ =	swait.ge @!p0 [sflag:s0], s1  }
0xcc: {  	s1 =	ssub.s32 @!p0 $0x0, s1;
	[sflag:s0] =	ssyncset.done @!p0 $0x0  }
0xcd: {  	[sflag:s0] =	ssyncadd.s32 @!p0 s1  }
0xce: {  	[bflag:$0x3] =	sbarrier.arrive $0xFFFF  }
0xcf: {  	_ =	shalt  }

// kernel: kernel.25.cloned.1.call-start
scs
__scs_entry_jumppad:
0x0: {  	(pc) =	sbr.rel $0x88, $3  }
0x1: {  	(tag) =	ssettag $0x0;
	lr =	simm.s32 $0x1  }
0x2: {  	[smem:$0x3F8E] =	sst lr;
	_ =	strace $0xD0000000  }
0x3: {  	_ = 	snop  }
0x4: {  	_ = 	snop  }
0x5: {  	_ = 	snop  }
0x6: {  	_ = 	snop  }
0x7: {  	_ = 	snop  }
__scs_overlays_trampoline_lowered:
0x8: {  	[smem:$0x3F9D] =	sst s0  }
0x9: {  	[smem:$0x3F9E] =	sst s1  }
0xa: {  	[smem:$0x3F9F] =	sst s2  }
0xb: {  	[smem:$0x3FA0] =	sst s3  }
0xc: {  	[smem:$0x3FA1] =	sst s4  }
0xd: {  	[smem:$0x3FA2] =	sst s5  }
0xe: {  	[smem:$0x3FA3] =	sst s6  }
0xf: {  	[smem:$0x3FA4] =	sst s7  }
0x10: {  	[smem:$0x3FA5] =	sst s8  }
0x11: {  	[smem:$0x3FA6] =	sst s9;
	s0 =	simm.s32 @!p0 $0x0  }
0x12: {  	s1 =	sld [smem:$0x3F8C];
	s0 =	simm.s32 @p0 $0x1  }
0x13: {  	[smem:$0x3FA7] =	sst s0;
	s0 =	simm.s32 @!p1 $0x0  }
0x14: {  	s2 =	sld [smem:$0x3F8B];
	s0 =	simm.s32 @p1 $0x1  }
0x15: {  	[smem:$0x3FA8] =	sst s0;
	s0 =	simm.s32 @!p2 $0x0  }
0x16: {  	s3 =	sld [smem:$0x3FDB];
	s0 =	simm.s32 @p2 $0x1  }
0x17: {  	s4 =	simm.s32 $0x1BF5;
	[smem:$0x3FAA] =	sst s0  }
0x18: {  	s0 =	sld [smem:$0x3F8D];
	_ =	swait.ge [sflag:s4], $0x0  }
0x19: {  	s7 =	sld [smem:$0x3F8E]  }
0x1a: {  	s8 =	sadd.s32 $0xFFFFE003, lr  }
0x1b: {  	s9 =	sadd.s32 $0xFFFFFEF7, lr;
	s5 =	simm.s32 $0xFFFFFFFF;
	p2 =	slt.u32 s8, $0xFFFFF086  }
0x1c: {  	p1 =	slt.u32 s9, $0xF7A;
	s5 =	simm.s32 @!p2 $0x0  }
0x1d: {  	s5 =	simm.s32 @p1 $0x1;
	p0 =	seq.s32 s7, s2  }
0x1e: {  	s7 =	smul.u32 @!p0 $0xF7A, s2;
	p2 =	seq.s32 @!p0 s5, $0x0  }
0x1f: {  	s9 =	smul.u32 $0xF7A, s1;
	s8 =	simm.s32 @!p0 $0x1BF5;
	p2 =	por !p2, p0  }
0x20: {  	[sflag:s8] =	ssyncset.s32 @!p0 $0xFFFFF086;
	s6 =	sadd.s32 @!p0 s3, s7;
	s7 =	simm.s32 @!p0 $0x108  }
0x21: {  	s3 =	sadd.s32 s3, s9;
	s6 =	sadd.s32 @!p0 $0x88, s6;
	s7 =	simm.s32 @p2 $0x1082  }
0x22: {  	[simem:s7], [sflag:s8] =	dma.local @!p0 [hbm:s6], $0xF7A  }
0x23: {  	s9 =	sor.u32 $0xD0000000, s2;
	s6 =	simm.s32 $0x108;
	_ =	swait.ge @!p0 [sflag:s8], $0x0  }
0x24: {  	s3 =	sadd.s32 $0x88, s3;
	s6 =	simm.s32 @!p1 $0x1082;
	[sflag:s4] =	ssyncset.s32 $0xFFFFF086  }
0x25: {  	[simem:s6], [sflag:s4] =	dma.local [hbm:s3], $0xF7A  }
0x26: {  	[smem:$0x3F8E] =	sst s1;
	(tag) =	ssettag s2;
	_ =	strace s9  }
0x27: {  	s1 =	sld [smem:$0x3F9E]  }
0x28: {  	s2 =	sld [smem:$0x3F9F]  }
0x29: {  	s4 =	sld [smem:$0x3FA1]  }
0x2a: {  	p0 =	seq.s32 s5, $0x0;
	s5 =	sld [smem:$0x3FA2]  }
0x2b: {  	s6 =	sld [smem:$0x3FA3]  }
0x2c: {  	s7 =	sld [smem:$0x3FA4]  }
0x2d: {  	s3 =	simm.s32 $0x108;
	s8 =	sld [smem:$0x3FA5]  }
0x2e: {  	s3 =	simm.s32 @!p0 $0x1082;
	s9 =	sld [smem:$0x3FA6]  }
0x2f: {  	lr =	sadd.s32 s0, s3;
	s0 =	sld [smem:$0x3F9D]  }
0x30: {  	s3 =	sld [smem:$0x3FA0]  }
0x31: {  	[smem:$0x3FA9] =	sst s10  }
0x32: {  	s10 =	sld [smem:$0x3FA7];
	_ =	sdelay $0x3  }
0x33: {  	p0 =	seq.s32 s10, $0x1;
	s10 =	sld [smem:$0x3FA9];
	_ =	sdelay $0x3  }
0x34: {  	[smem:$0x3FA9] =	sst s10  }
0x35: {  	s10 =	sld [smem:$0x3FA8];
	_ =	sdelay $0x3  }
0x36: {  	p1 =	seq.s32 s10, $0x1;
	s10 =	sld [smem:$0x3FA9];
	_ =	sdelay $0x3  }
0x37: {  	[smem:$0x3FA9] =	sst s10  }
0x38: {  	s10 =	sld [smem:$0x3FAA]  }
0x39: {  	_ = 	snop;
	(pc) =	sbr.ind lr, $3  }
0x3a: {  	_ = 	snop  }
0x3b: {  	_ = 	snop  }
0x3c: {  	p2 =	seq.s32 s10, $0x1;
	s10 =	sld [smem:$0x3FA9]  }
0x3d: {  	_ =	shalt  }
0x3e: {  	_ =	shalt  }
0x3f: {  	_ =	shalt  }
0x40: {  	_ =	shalt  }
0x41: {  	_ =	shalt  }
0x42: {  	_ =	shalt  }
0x43: {  	_ =	shalt  }
0x44: {  	_ =	shalt  }
0x45: {  	_ =	shalt  }
0x46: {  	_ =	shalt  }
0x47: {  	_ =	shalt  }
0x48: {  	_ =	shalt  }
0x49: {  	_ =	shalt  }
0x4a: {  	_ =	shalt  }
0x4b: {  	_ =	shalt  }
0x4c: {  	_ =	shalt  }
0x4d: {  	_ =	shalt  }
0x4e: {  	_ =	shalt  }
0x4f: {  	_ =	shalt  }
0x50: {  	_ =	shalt  }
0x51: {  	_ =	shalt  }
0x52: {  	_ =	shalt  }
0x53: {  	_ =	shalt  }
0x54: {  	_ =	shalt  }
0x55: {  	_ =	shalt  }
0x56: {  	_ =	shalt  }
0x57: {  	_ =	shalt  }
0x58: {  	_ =	shalt  }
0x59: {  	_ =	shalt  }
0x5a: {  	_ =	shalt  }
0x5b: {  	_ =	shalt  }
0x5c: {  	_ =	shalt  }
0x5d: {  	_ =	shalt  }
0x5e: {  	_ =	shalt  }
0x5f: {  	_ =	shalt  }
0x60: {  	_ =	shalt  }
0x61: {  	_ =	shalt  }
0x62: {  	_ =	shalt  }
0x63: {  	_ =	shalt  }
0x64: {  	_ =	shalt  }
0x65: {  	_ =	shalt  }
0x66: {  	_ =	shalt  }
0x67: {  	_ =	shalt  }
0x68: {  	_ =	shalt  }
0x69: {  	_ =	shalt  }
0x6a: {  	_ =	shalt  }
0x6b: {  	_ =	shalt  }
0x6c: {  	_ =	shalt  }
0x6d: {  	_ =	shalt  }
0x6e: {  	_ =	shalt  }
0x6f: {  	_ =	shalt  }
0x70: {  	_ =	shalt  }
0x71: {  	_ =	shalt  }
0x72: {  	_ =	shalt  }
0x73: {  	_ =	shalt  }
0x74: {  	_ =	shalt  }
0x75: {  	_ =	shalt  }
0x76: {  	_ =	shalt  }
0x77: {  	_ =	shalt  }
0x78: {  	_ =	shalt  }
0x79: {  	_ =	shalt  }
0x7a: {  	_ =	shalt  }
0x7b: {  	_ =	shalt  }
0x7c: {  	_ =	shalt  }
0x7d: {  	_ =	shalt  }
0x7e: {  	_ =	shalt  }
0x7f: {  	_ =	shalt  }
0x80: {  	_ =	shalt  }
0x81: {  	_ =	shalt  }
0x82: {  	_ =	shalt  }
0x83: {  	_ =	shalt  }
0x84: {  	_ =	shalt  }
0x85: {  	_ =	shalt  }
0x86: {  	_ =	shalt  }
0x87: {  	_ =	shalt  }
.Lfunc_end0:
.L_simem_size_0:
called_computation.3_lowered:
.L_overlay_start_0:
0x88: {  	s2 =	sld [smem:$0x3FD9]  }
0x89: {  	s3 =	sld [smem:$0x3FFE];
	_ =	sdelay $0x1  }
0x8a: {  	s1 =	srdreg.scid  }
0x8b: {  	s0 =	sand.u32 $0x1, s1  }
0x8c: {  	s17 =	sshll.u32 s0, $0xA;
	s2 =	sadd.s32 s3, s2  }
0x8d: {  	s2 =	sadd.s32 s2, s17  }
0x8e: {  	[smem:$0x3FB5] =	sst s2  }
0x8f: {  	_ = 	snop  }
0x90: {  	s2 =	sld [smem:$0x3FC2]  }
0x91: {  	s18 =	sld [smem:$0x3FC1]  }
0x92: {  	s4 =	sld [smem:$0x3FD0];
	(tm) =	ssettm $0x1  }
0x93: {  	s5 =	sld [smem:$0x3FFB];
	_ =	sdelay $0x3  }
0x94: {  	_ =	strace s5  }
0x95: {  	s5 =	sld [smem:$0x3FFC];
	_ =	sdelay $0x3  }
0x96: {  	_ =	strace s5  }
0x97: {  	s5 =	sld [smem:$0x3FFD];
	_ =	sdelay $0x3  }
0x98: {  	_ =	strace s5  }
0x99: {  	_ =	strace $0x8FFFFFFF  }
0x9a: {  	s19 =	sld [smem:$0x3FDB];
	_ =	sdelay $0x1  }
0x9b: {  	s6 =	simm.s32 $_scs_section_size  }
0x9c: {  	s7 =	simm.s32 $_size__tile_overlayer_lowered;
	s8 =	simm.s32 $_tile_overlayer_lowered  }
0x9d: {  	s22 =	simm.s32 $0x1BFF;
	s21 =	sshll.u32 s8, $0x1;
	s5 =	sadd.s32 s6, s19  }
0x9e: {  	s9 =	simm.s32 $0x0;
	s20 =	sshll.u32 s7, $0x1;
	s7 =	sadd.s32 s21, s5  }
0x9f: {  	[timem:s9], [sflag:s22] =	dma.local [hbm:s7], s20  }
0xa0: {  	_ =	swait.ge [sflag:s22], s20  }
0xa1: {  	s6 =	ssub.s32 $0x0, s20;
	[sflag:s22] =	ssyncset.done $0x0  }
0xa2: {  	[sflag:s22] =	ssyncadd.s32 s6;
	_ =	sdelay $0x1  }
0xa3: {  	s23 =	simm.s32 $0x1B8B  }
0xa4: {  	_ =	swait.ge [sflag:s23], $0x1  }
0xa5: {  	[sflag:s23] =	ssyncset.done $0x0  }
0xa6: {  	s25 =	simm.s32 $0x1B8E;
	s24 =	sld [smem:$0x3FFE];
	[sflag:s23] =	ssyncadd.s32 $0xFFFFFFFF  }
0xa7: {  	s26 =	simm.s32 $execute0_lowered;
	[smem:$0x3FD2] =	sst s25  }
0xa8: {  	s7 =	sshll.u32 s26, $0x1;
	_ =	strace $0x8000004F;
	[dreg:$0x1] =	wrdreg $0xFFFFFFFF  }
0xa9: {  	s28 =	simm.s32 $_size_execute0_lowered;
	s5 =	sadd.s32 s5, s7;
	[dreg:$0x0] =	wrdreg $0x0  }
0xaa: {  	s7 =	sshll.u32 s28, $0x1;
	[dreg:$0x2] =	wrdreg s5  }
0xab: {  	[dreg:$0x3] =	wrdreg s7  }
0xac: {  	[dreg:$0x4] =	wrdreg $0xC0  }
0xad: {  	_ =	task [dreg:s9], $0x5FFFF  }
0xae: {  	[dreg:$0x1] =	wrdreg $0xFFFFFFFF  }
0xaf: {  	[dreg:$0x0] =	wrdreg $0x60  }
0xb0: {  	[dreg:$0x2] =	wrdreg s24  }
0xb1: {  	[dreg:$0x3] =	wrdreg s2  }
0xb2: {  	[dreg:$0x4] =	wrdreg s18  }
0xb3: {  	[dreg:$0x5] =	wrdreg s4  }
0xb4: {  	[dreg:$0x6] =	wrdreg $0x0  }
0xb5: {  	[dreg:$0x7] =	wrdreg $0x9  }
0xb6: {  	_ =	task.clear_ibuf [dreg:s9], $0x8FFFF;
	_ =	strace $0x9000004F  }
0xb7: {  	s29 =	simm.s32 $0x9;
	_ =	strace $0x80000051  }
0xb8: {  	_ =	swait.ge [sflag:s29], $0x1  }
0xb9: {  	[sflag:s29] =	ssyncadd.s32 $0xFFFFFFFF  }
0xba: {  	_ =	strace $0x90000051  }
0xbb: {  	_ =	sfence  }
0xbc: {  	s30 =	sld [smem:$0x0];
	_ =	sdelay $0x2  }
0xbd: {  	s31 =	sshll.u32 s1, $0xD;
	s1 =	sshrl.u32 s1, $0x2  }
0xbe: {  	s3 =	sand.u32 $0x4000, s31;
	s1 =	sadd.s32 s1, s30  }
0xbf: {  	s0 =	sor.u32 s3, s0;
	s1 =	sshll.u32 s1, $0x11  }
0xc0: {  	s0 =	sor.u32 s1, s0  }
0xc1: {  	s0 =	sadd.s32 $0x8F2B, s0  }
0xc2: {  	[sflag:s0] =	ssyncadd.remote.s32 $0x1  }
0xc3: {  	_ =	sfence.sel $0xFFFF  }
0xc4: {  	[dreg:$0x0] =	wrdreg $0xFFFFFFFF;
	(pc) =	sbr.abs _section_cstart, $3  }
0xc5: {  	[dreg:$0x1] =	wrdreg $0xFFFFFFFF  }
0xc6: {  	_ =	task.clear_ibuf [dreg:s9], $0x2FFFF;
	_ =	strace $0x9FFFFFFF  }
0xc7: {  	(tm) =	ssettm $0x7FFFFFFF  }
tec
execute0_lowered:
.L_overlay_start_1:
0x0: {  	(tag) =	ssettag $0x1  }
0x1: {  	s0 =	rddreg [dreg:$0x0]  }
0x2: {  	s1 =	rddreg [dreg:$0x1]  }
0x3: {  	s2 =	rddreg [dreg:$0x2]  }
0x4: {  	s5 =	rddreg [dreg:$0x3]  }
0x5: {  	s3 =	rddreg [dreg:$0x4]  }
0x6: {  	s4 =	simm.s32 $0x0;
	s7 =	srdreg.scid;
	s13 =	stileid.u32  }
0x7: {  	s14 =	simm.s32 $0x4200;
	s15 =	simm.s32 $0x9;
	s16 =	simm.s32 $0x4100  }
0x8: {  	s17 =	simm.s32 $0x4180;
	s18 =	simm.s32 $0x4000;
	s19 =	simm.s32 $0x1  }
0x9: {  	s20 =	simm.s32 $0x2;
	s21 =	simm.s32 $0x80;
	s22 =	simm.s32 $0xC200  }
0xa: {  	s28 =	simm.s32 $0x5;
	s29 =	simm.s32 $0x4;
	s30 =	simm.s32 $0x6  }
0xb: {  	s31 =	simm.s32 $0x7;
	[smem:$0x7FF] =	sst s4;
	s6 =	sadd.s32 $0x3C00, s0  }
0xc: {  	s8 =	sand.u32 $0x1, s7;
	s7 =	sadd.s32 $0x79E00, s0;
	s10 =	sshll.u32 s13, $0x1  }
0xd: {  	s11 =	sshll.u32 s13, $0xE;
	s25 =	sshll.u32 s13, $0xB;
	_ =	strace $0x80000050  }
0xe: {  	s23 =	ssub.s32 $0x2, s8;
	s12 =	sor.u32 s8, s10;
	s24 =	sadd.s32 s11, s3  }
0xf: {  	s10 =	sadd.s32 $0x10, s2;
	s8 =	sshll.u32 s8, $0xF;
	s5 =	sadd.s32 s5, s25  }
0x10: {  	s25 =	simm.s32 $0x10200;
	s9 =	sshrl.u32 s23, $0x1;
	[dreg:$0x7] =	wrdreg s24  }
0x11: {  	s26 =	ssub.s32 $0x290, s12;
	s5 =	sadd.s32 s8, s5;
	s24 =	simm.s32 $0x8200  }
0x12: {  	s0 =	ssub.s32 s23, s9;
	s9 =	sshll.u32 s12, $0x8;
	[dreg:$0x8] =	wrdreg s5  }
0x13: {  	s12 =	sshrl.u32 s26, $0x5;
	s23 =	simm.s32 $0x4080;
	s0 =	smax.u32 s0, $0x1  }
0x14: {  	v0 =	vimm.f32 $0.0e+00;
	s26 =	simm.s32 $0x3;
	[dreg:$0x9] =	wrdreg s0;
	s0 =	simm.s32 $0x8  }
.LBB2_1:
0x15: {  	s5 =	simm.s32 $0x0;
	s8 =	simm.s32 $0x200  }
.LBB2_2:
0x16: {  	p0 =	sne.s32 s8, $0xFE00;
	[tilespmem:s5+$0x4270] =	vst v0  }
0x17: {  	[tilespmem:s5+$0x4200] =	vst v0  }
0x18: {  	[tilespmem:s5+$0x4210] =	vst v0  }
.Ltmp0:
0x19: {  	[tilespmem:s5+$0x4220] =	vst v0;
	(pc) =	sbr.rel @p0 .LBB2_2-.Ltmp0, $4  }
0x1a: {  	[tilespmem:s5+$0x4230] =	vst v0  }
0x1b: {  	[tilespmem:s5+$0x4240] =	vst v0  }
0x1c: {  	[tilespmem:s5+$0x4250] =	vst v0  }
0x1d: {  	[tilespmem:s5+$0x4260] =	vst v0;
	s5 =	sshra.s32 s8, $0x2;
	s8 =	sadd.s32 $0x200, s8  }
0x1e: {  	[tilespmem:s5+$0x4270] =	vst v0  }
0x1f: {  	[tilespmem:s5+$0x4200] =	vst v0  }
0x20: {  	[tilespmem:s5+$0x4210] =	vst v0  }
0x21: {  	[tilespmem:s5+$0x4220] =	vst v0  }
0x22: {  	[tilespmem:s5+$0x4230] =	vst v0  }
0x23: {  	[tilespmem:s5+$0x4240] =	vst v0  }
0x24: {  	[dreg:$0x6] =	wrdreg s4;
	[tilespmem:s5+$0x4250] =	vst v0  }
0x25: {  	[tilespmem:s5+$0x4260] =	vst v0;
	s13 =	rddreg [dreg:$0x7]  }
0x26: {  	[spmem:s13] =	stream.linear.scatter [tilespmem:s14], [sflag:$0x9], $0x4000, $0x38;
	[tilespmem:$0x14200] =	vst v63  }
0x27: {  	_ =	swait.ge [sflag:s15], $0x4000  }
0x28: {  	[sflag:s15] =	ssyncset.done $0x0  }
0x29: {  	[sflag:s15] =	ssyncadd.s32 $0xFFFFC000  }
0x2a: {  	s5 =	simm.s32 $0x0;
	s11 =	simm.s32 $0x0;
	[bflag:$0x0] =	sbarrier.arrive $0xFFFF  }
.LBB2_4:
0x2b: {  	s8 =	sshll.u32 s11, $0xD  }
0x2c: {  	s8 =	sor.u32 s9, s8  }
0x2d: {  	s8 =	sshrl.u32 s8, $0x3  }
0x2e: {  	s13 =	sadd.s32 s2, s8  }
0x2f: {  	[tilespmem:s16], [sflag:$0x1] =	stream.linear.gather [hbm4b:s13+s5], $0x80, $0x38;
	[tilespmem:$0x14200] =	vst v63  }
0x30: {  	s4 =	sadd.s32 s8, s10  }
0x31: {  	[tilespmem:s17], [sflag:$0x2] =	stream.linear.gather [hbm4b:s4+s5], $0x80, $0x38;
	[tilespmem:$0x14200] =	vst v63  }
0x32: {  	s8 =	sadd.s32 s1, s8  }
0x33: {  	[tilespmem:s18], [sflag:$0x9] =	stream.linear.gather [hbm4b:s8+s5], $0x100, $0x38;
	[tilespmem:$0x14200] =	vst v63  }
0x34: {  	_ =	swait.ge [sflag:s15], $0x100  }
0x35: {  	[sflag:s15] =	ssyncset.done $0x0  }
0x36: {  	[sflag:s15] =	ssyncadd.s32 $0xFFFFFF00  }
0x37: {  	_ =	swait.ge [sflag:s19], $0x80  }
0x38: {  	[sflag:s19] =	ssyncset.done $0x0  }
0x39: {  	[sflag:s19] =	ssyncadd.s32 $0xFFFFFF80  }
0x3a: {  	_ =	swait.ge [sflag:s20], $0x80  }
0x3b: {  	[sflag:s20] =	ssyncset.done $0x0  }
0x3c: {  	[sflag:s20] =	ssyncadd.s32 $0xFFFFFF80  }
0x3d: {  	[tilespmem:s14], [sflag:$0x3] =	stream.indirect.gather [hbm4b:s6+s21], $0x80, s18, s21, $0xb8;
	[tilespmem:$0x14200] =	vst v63  }
0x3e: {  	_ = 	snop  }
0x3f: {  	[tilespmem:s22], [sflag:$0x5] =	stream.indirect.gather [hbm4b:s7+s21], $0x80, s16, s21, $0xb8;
	[tilespmem:$0x14200] =	vst v63  }
0x40: {  	_ = 	snop  }
0x41: {  	[tilespmem:s24], [sflag:$0x4] =	stream.indirect.gather [hbm4b:s6+s21], $0x80, s23, s21, $0xb8;
	[tilespmem:$0x14200] =	vst v63  }
0x42: {  	_ = 	snop  }
0x43: {  	[tilespmem:s25], [sflag:$0x6] =	stream.indirect.gather [hbm4b:s7+s21], $0x80, s17, s21, $0xb8;
	[tilespmem:$0x14200] =	vst v63  }
0x44: {  	_ =	swait.ge [sflag:s26], $0x4000  }
0x45: {  	[sflag:s26] =	ssyncset.done $0x0  }
0x46: {  	[sflag:s26] =	ssyncadd.s32 $0xFFFFC000  }
0x47: {  	_ =	swait.ge [sflag:s28], $0x4000  }
0x48: {  	[sflag:s28] =	ssyncset.done $0x0  }
0x49: {  	[sflag:s28] =	ssyncadd.s32 $0xFFFFC000  }
0x4a: {  	_ =	swait.ge [sflag:s29], $0x4000  }
0x4b: {  	[sflag:s29] =	ssyncset.done $0x0  }
0x4c: {  	[sflag:s29] =	ssyncadd.s32 $0xFFFFC000  }
0x4d: {  	_ =	swait.ge [sflag:s30], $0x4000  }
0x4e: {  	[sflag:s30] =	ssyncset.done $0x0  }
0x4f: {  	s13 =	simm.s32 $0x0;
	[sflag:s30] =	ssyncadd.s32 $0xFFFFC000  }
0x50: {  	v7 =	vld [tilespmem:s13+$0xC200]  }
0x51: {  	v12 =	vld [tilespmem:s13+$0xC210]  }
0x52: {  	v6 =	vld [tilespmem:s13+$0xC220]  }
0x53: {  	v5 =	vld [tilespmem:s13+$0xC230]  }
0x54: {  	v4 =	vld [tilespmem:s13+$0xC240]  }
0x55: {  	v3 =	vld [tilespmem:s13+$0xC250]  }
0x56: {  	v2 =	vld [tilespmem:s13+$0xC260]  }
0x57: {  	v1 =	vld [tilespmem:s13+$0xC270]  }
0x58: {  	v13 =	vld [tilespmem:s13+$0x4200]  }
0x59: {  	v14 =	vld [tilespmem:s13+$0x4210]  }
0x5a: {  	v11 =	vld [tilespmem:s13+$0x4220]  }
0x5b: {  	v10 =	vld [tilespmem:s13+$0x4230]  }
0x5c: {  	v9 =	vld [tilespmem:s13+$0x4240]  }
0x5d: {  	v8 =	vld [tilespmem:s13+$0x4250];
	v13 =	vadd.f32 v7, v13  }
0x5e: {  	s8 =	simm.s32 $0x200;
	v12 =	vadd.f32 v12, v14;
	v7 =	vld [tilespmem:s13+$0x4260]  }
.LBB2_5:
0x5f: {  	s4 =	sshra.s32 s8, $0x2;
	p0 =	sne.s32 s8, $0x1FE00;
	v13 =	vmax.f32 v13, $0.0e+00;
	v6 =	vadd.f32 v6, v11;
	v11 =	vld [tilespmem:s13+$0x4270]  }
0x60: {  	v14 =	vld [tilespmem:s4+$0xC200];
	[tilespmem:s13+$0x4200] =	vst v13;
	v12 =	vmax.f32 v12, $0.0e+00;
	v5 =	vadd.f32 v5, v10  }
0x61: {  	v15 =	vld [tilespmem:s4+$0xC210];
	[tilespmem:s13+$0x4210] =	vst v12;
	v10 =	vmax.f32 v6, $0.0e+00;
	v4 =	vadd.f32 v4, v9  }
0x62: {  	v6 =	vld [tilespmem:s4+$0xC220];
	[tilespmem:s13+$0x4220] =	vst v10;
	v9 =	vmax.f32 v5, $0.0e+00;
	v3 =	vadd.f32 v3, v8  }
0x63: {  	v5 =	vld [tilespmem:s4+$0xC230];
	[tilespmem:s13+$0x4230] =	vst v9;
	v8 =	vmax.f32 v4, $0.0e+00;
	v2 =	vadd.f32 v2, v7  }
0x64: {  	v4 =	vld [tilespmem:s4+$0xC240];
	[tilespmem:s13+$0x4240] =	vst v8;
	v7 =	vmax.f32 v3, $0.0e+00;
	v1 =	vadd.f32 v1, v11  }
0x65: {  	v3 =	vld [tilespmem:s4+$0xC250];
	[tilespmem:s13+$0x4250] =	vst v7;
	v7 =	vmax.f32 v2, $0.0e+00  }
0x66: {  	v2 =	vld [tilespmem:s4+$0xC260];
	[tilespmem:s13+$0x4260] =	vst v7;
	v7 =	vmax.f32 v1, $0.0e+00  }
0x67: {  	v1 =	vld [tilespmem:s4+$0xC270];
	[tilespmem:s13+$0x4270] =	vst v7;
	s13 =	smov.u32 s4  }
0x68: {  	v7 =	vld [tilespmem:s13+$0x4200]  }
0x69: {  	v12 =	vld [tilespmem:s13+$0x4210]  }
.Ltmp1:
0x6a: {  	v11 =	vld [tilespmem:s13+$0x4220];
	(pc) =	sbr.rel @p0 .LBB2_5-.Ltmp1, $4  }
0x6b: {  	v10 =	vld [tilespmem:s13+$0x4230]  }
0x6c: {  	v9 =	vld [tilespmem:s13+$0x4240]  }
0x6d: {  	v13 =	vadd.f32 v14, v7;
	v8 =	vld [tilespmem:s13+$0x4250]  }
0x6e: {  	s8 =	sadd.s32 $0x200, s8;
	v12 =	vadd.f32 v15, v12;
	v7 =	vld [tilespmem:s13+$0x4260]  }
0x6f: {  	v13 =	vmax.f32 v13, $0.0e+00;
	v6 =	vadd.f32 v6, v11;
	v63 =	vld [tilespmem:s13+$0x4270]  }
0x70: {  	[tilespmem:s13+$0x4200] =	vst v13;
	v12 =	vmax.f32 v12, $0.0e+00;
	v5 =	vadd.f32 v5, v10  }
0x71: {  	[tilespmem:s13+$0x4210] =	vst v12;
	v6 =	vmax.f32 v6, $0.0e+00;
	v4 =	vadd.f32 v4, v9  }
0x72: {  	[tilespmem:s13+$0x4220] =	vst v6;
	v5 =	vmax.f32 v5, $0.0e+00;
	v3 =	vadd.f32 v3, v8  }
0x73: {  	[tilespmem:s13+$0x4230] =	vst v5;
	v4 =	vmax.f32 v4, $0.0e+00;
	v2 =	vadd.f32 v2, v7  }
0x74: {  	[tilespmem:s13+$0x4240] =	vst v4;
	v3 =	vmax.f32 v3, $0.0e+00;
	v1 =	vadd.f32 v1, v63  }
0x75: {  	[tilespmem:s13+$0x4250] =	vst v3;
	v2 =	vmax.f32 v2, $0.0e+00  }
0x76: {  	[tilespmem:s13+$0x4260] =	vst v2;
	v1 =	vmax.f32 v1, $0.0e+00  }
0x77: {  	[tilespmem:s13+$0x4270] =	vst v1  }
0x78: {  	[spmem:s3] =	stream.indirect.scatter.add.f32 [tilespmem:s14], [sflag:$0x7], $0x80, s16, s21, $0xb8;
	[tilespmem:$0x14200] =	vst v63  }
0x79: {  	s11 =	sadd.s32 $0x1, s11  }
0x7a: {  	[spmem:s3] =	stream.indirect.scatter.add.f32 [tilespmem:s24], [sflag:$0x8], $0x80, s17, s21, $0xb8;
	[tilespmem:$0x14200] =	vst v63  }
0x7b: {  	p0 =	sne.s32 s11, s12;
	_ =	swait.ge [sflag:s31], $0x4000  }
.Ltmp2:
0x7c: {  	[sflag:s31] =	ssyncset.done $0x0;
	(pc) =	sbr.rel @p0 .LBB2_4-.Ltmp2, $4  }
0x7d: {  	[sflag:s31] =	ssyncadd.s32 $0xFFFFC000  }
0x7e: {  	_ =	swait.ge [sflag:s0], $0x4000  }
0x7f: {  	[sflag:s0] =	ssyncset.done $0x0  }
0x80: {  	[sflag:s0] =	ssyncadd.s32 $0xFFFFC000  }
0x81: {  	s4 =	stileid.u32;
	[bflag:$0x0] =	sbarrier.arrive $0xFFFF  }
0x82: {  	s4 =	sshll.u32 s4, $0x6;
	s5 =	rddreg [dreg:$0x7]  }
0x83: {  	s8 =	rddreg [dreg:$0x8];
	s4 =	sor.u32 $0x1C09, s4;
	s5 =	sshrl.u32 s5, $0x3  }
0x84: {  	[hbm:s8], [sflag:s4] =	dma.local [spmem:s5], $0x800  }
0x85: {  	_ =	swait.ge [sflag:s15], $0x800  }
0x86: {  	s11 =	rddreg [dreg:$0x6]  }
0x87: {  	s13 =	rddreg [dreg:$0x9];
	s4 =	sadd.s32 $0x1, s11  }
0x88: {  	p0 =	sne.s32 s4, s13  }
.Ltmp3:
0x89: {  	_ = 	snop;
	(pc) =	sbr.rel @p0 .LBB2_1-.Ltmp3, $3  }
0x8a: {  	_ =	sdelay $0x1  }
0x8b: {  	[sflag:s15] =	ssyncset.done $0x0  }
0x8c: {  	[sflag:s15] =	ssyncadd.s32 $0xFFFFF800  }
0x8d: {  	_ =	sfence.sel $0x180000  }
0x8e: {  	[bflag:$0x0] =	sbarrier.arrive $0xFFFF  }
0x8f: {  	_ =	strace $0x90000050  }
0x90: {  	s0 =	stileid.u32;
	[bflag:$0x2] =	sbarrier.arrive $0xFFFF  }
0x91: {  	p0 =	sne.s32 s0, $0x0;
	s0 =	rddreg [dreg:$0x5]  }
0x92: {  	s0 =	sadd.s32 @!p0 $0x100000, s0  }
0x93: {  	[sflag:s0] =	ssyncadd.tile.s32 @!p0 $0x1;
	_ =	shalt  }
.Lfunc_end2:
_tile_overlayer_lowered:
.L_overlay_start_2:
0x94: {  	(tag) =	ssettag $0x2  }
0x95: {  	s0 =	rddreg [dreg:$0x0];
	s2 =	stileid.u32  }
0x96: {  	s1 =	rddreg [dreg:$0x1];
	p0 =	sne.s32 s2, $0x0  }
0x97: {  	s3 =	rddreg [dreg:$0x2];
	[bflag:$0x3] =	sbarrier.arrive $0xFFFF;
	s2 =	simm.s32 @!p0 $0x1C09  }
0x98: {  	[timem:s3], [sflag:s2] =	dma.local @!p0 [hbm:s0], s1  }
0x99: {  	s0 =	simm.s32 @!p0 $0x9  }
0x9a: {  	_ =	swait.ge @!p0 [sflag:s0], s1  }
0x9b: {  	s1 =	ssub.s32 @!p0 $0x0, s1;
	[sflag:s0] =	ssyncset.done @!p0 $0x0  }
0x9c: {  	[sflag:s0] =	ssyncadd.s32 @!p0 s1  }
0x9d: {  	[bflag:$0x3] =	sbarrier.arrive $0xFFFF  }
0x9e: {  	_ =	shalt  }

// kernel: kernel.28.cloned.1.call-start
scs
__scs_entry_jumppad:
0x0: {  	(pc) =	sbr.rel $0x88, $3  }
0x1: {  	(tag) =	ssettag $0x0;
	lr =	simm.s32 $0x1  }
0x2: {  	[smem:$0x3F8E] =	sst lr;
	_ =	strace $0xD0000000  }
0x3: {  	_ = 	snop  }
0x4: {  	_ = 	snop  }
0x5: {  	_ = 	snop  }
0x6: {  	_ = 	snop  }
0x7: {  	_ = 	snop  }
__scs_overlays_trampoline_lowered:
0x8: {  	[smem:$0x3F9D] =	sst s0  }
0x9: {  	[smem:$0x3F9E] =	sst s1  }
0xa: {  	[smem:$0x3F9F] =	sst s2  }
0xb: {  	[smem:$0x3FA0] =	sst s3  }
0xc: {  	[smem:$0x3FA1] =	sst s4  }
0xd: {  	[smem:$0x3FA2] =	sst s5  }
0xe: {  	[smem:$0x3FA3] =	sst s6  }
0xf: {  	[smem:$0x3FA4] =	sst s7  }
0x10: {  	[smem:$0x3FA5] =	sst s8  }
0x11: {  	[smem:$0x3FA6] =	sst s9;
	s0 =	simm.s32 @!p0 $0x0  }
0x12: {  	s1 =	sld [smem:$0x3F8C];
	s0 =	simm.s32 @p0 $0x1  }
0x13: {  	[smem:$0x3FA7] =	sst s0;
	s0 =	simm.s32 @!p1 $0x0  }
0x14: {  	s2 =	sld [smem:$0x3F8B];
	s0 =	simm.s32 @p1 $0x1  }
0x15: {  	[smem:$0x3FA8] =	sst s0;
	s0 =	simm.s32 @!p2 $0x0  }
0x16: {  	s3 =	sld [smem:$0x3FDB];
	s0 =	simm.s32 @p2 $0x1  }
0x17: {  	s4 =	simm.s32 $0x1BF5;
	[smem:$0x3FAA] =	sst s0  }
0x18: {  	s0 =	sld [smem:$0x3F8D];
	_ =	swait.ge [sflag:s4], $0x0  }
0x19: {  	s7 =	sld [smem:$0x3F8E]  }
0x1a: {  	s8 =	sadd.s32 $0xFFFFE003, lr  }
0x1b: {  	s9 =	sadd.s32 $0xFFFFFEF7, lr;
	s5 =	simm.s32 $0xFFFFFFFF;
	p2 =	slt.u32 s8, $0xFFFFF086  }
0x1c: {  	p1 =	slt.u32 s9, $0xF7A;
	s5 =	simm.s32 @!p2 $0x0  }
0x1d: {  	s5 =	simm.s32 @p1 $0x1;
	p0 =	seq.s32 s7, s2  }
0x1e: {  	s7 =	smul.u32 @!p0 $0xF7A, s2;
	p2 =	seq.s32 @!p0 s5, $0x0  }
0x1f: {  	s9 =	smul.u32 $0xF7A, s1;
	s8 =	simm.s32 @!p0 $0x1BF5;
	p2 =	por !p2, p0  }
0x20: {  	[sflag:s8] =	ssyncset.s32 @!p0 $0xFFFFF086;
	s6 =	sadd.s32 @!p0 s3, s7;
	s7 =	simm.s32 @!p0 $0x108  }
0x21: {  	s3 =	sadd.s32 s3, s9;
	s6 =	sadd.s32 @!p0 $0x88, s6;
	s7 =	simm.s32 @p2 $0x1082  }
0x22: {  	[simem:s7], [sflag:s8] =	dma.local @!p0 [hbm:s6], $0xF7A  }
0x23: {  	s9 =	sor.u32 $0xD0000000, s2;
	s6 =	simm.s32 $0x108;
	_ =	swait.ge @!p0 [sflag:s8], $0x0  }
0x24: {  	s3 =	sadd.s32 $0x88, s3;
	s6 =	simm.s32 @!p1 $0x1082;
	[sflag:s4] =	ssyncset.s32 $0xFFFFF086  }
0x25: {  	[simem:s6], [sflag:s4] =	dma.local [hbm:s3], $0xF7A  }
0x26: {  	[smem:$0x3F8E] =	sst s1;
	(tag) =	ssettag s2;
	_ =	strace s9  }
0x27: {  	s1 =	sld [smem:$0x3F9E]  }
0x28: {  	s2 =	sld [smem:$0x3F9F]  }
0x29: {  	s4 =	sld [smem:$0x3FA1]  }
0x2a: {  	p0 =	seq.s32 s5, $0x0;
	s5 =	sld [smem:$0x3FA2]  }
0x2b: {  	s6 =	sld [smem:$0x3FA3]  }
0x2c: {  	s7 =	sld [smem:$0x3FA4]  }
0x2d: {  	s3 =	simm.s32 $0x108;
	s8 =	sld [smem:$0x3FA5]  }
0x2e: {  	s3 =	simm.s32 @!p0 $0x1082;
	s9 =	sld [smem:$0x3FA6]  }
0x2f: {  	lr =	sadd.s32 s0, s3;
	s0 =	sld [smem:$0x3F9D]  }
0x30: {  	s3 =	sld [smem:$0x3FA0]  }
0x31: {  	[smem:$0x3FA9] =	sst s10  }
0x32: {  	s10 =	sld [smem:$0x3FA7];
	_ =	sdelay $0x3  }
0x33: {  	p0 =	seq.s32 s10, $0x1;
	s10 =	sld [smem:$0x3FA9];
	_ =	sdelay $0x3  }
0x34: {  	[smem:$0x3FA9] =	sst s10  }
0x35: {  	s10 =	sld [smem:$0x3FA8];
	_ =	sdelay $0x3  }
0x36: {  	p1 =	seq.s32 s10, $0x1;
	s10 =	sld [smem:$0x3FA9];
	_ =	sdelay $0x3  }
0x37: {  	[smem:$0x3FA9] =	sst s10  }
0x38: {  	s10 =	sld [smem:$0x3FAA]  }
0x39: {  	_ = 	snop;
	(pc) =	sbr.ind lr, $3  }
0x3a: {  	_ = 	snop  }
0x3b: {  	_ = 	snop  }
0x3c: {  	p2 =	seq.s32 s10, $0x1;
	s10 =	sld [smem:$0x3FA9]  }
0x3d: {  	_ =	shalt  }
0x3e: {  	_ =	shalt  }
0x3f: {  	_ =	shalt  }
0x40: {  	_ =	shalt  }
0x41: {  	_ =	shalt  }
0x42: {  	_ =	shalt  }
0x43: {  	_ =	shalt  }
0x44: {  	_ =	shalt  }
0x45: {  	_ =	shalt  }
0x46: {  	_ =	shalt  }
0x47: {  	_ =	shalt  }
0x48: {  	_ =	shalt  }
0x49: {  	_ =	shalt  }
0x4a: {  	_ =	shalt  }
0x4b: {  	_ =	shalt  }
0x4c: {  	_ =	shalt  }
0x4d: {  	_ =	shalt  }
0x4e: {  	_ =	shalt  }
0x4f: {  	_ =	shalt  }
0x50: {  	_ =	shalt  }
0x51: {  	_ =	shalt  }
0x52: {  	_ =	shalt  }
0x53: {  	_ =	shalt  }
0x54: {  	_ =	shalt  }
0x55: {  	_ =	shalt  }
0x56: {  	_ =	shalt  }
0x57: {  	_ =	shalt  }
0x58: {  	_ =	shalt  }
0x59: {  	_ =	shalt  }
0x5a: {  	_ =	shalt  }
0x5b: {  	_ =	shalt  }
0x5c: {  	_ =	shalt  }
0x5d: {  	_ =	shalt  }
0x5e: {  	_ =	shalt  }
0x5f: {  	_ =	shalt  }
0x60: {  	_ =	shalt  }
0x61: {  	_ =	shalt  }
0x62: {  	_ =	shalt  }
0x63: {  	_ =	shalt  }
0x64: {  	_ =	shalt  }
0x65: {  	_ =	shalt  }
0x66: {  	_ =	shalt  }
0x67: {  	_ =	shalt  }
0x68: {  	_ =	shalt  }
0x69: {  	_ =	shalt  }
0x6a: {  	_ =	shalt  }
0x6b: {  	_ =	shalt  }
0x6c: {  	_ =	shalt  }
0x6d: {  	_ =	shalt  }
0x6e: {  	_ =	shalt  }
0x6f: {  	_ =	shalt  }
0x70: {  	_ =	shalt  }
0x71: {  	_ =	shalt  }
0x72: {  	_ =	shalt  }
0x73: {  	_ =	shalt  }
0x74: {  	_ =	shalt  }
0x75: {  	_ =	shalt  }
0x76: {  	_ =	shalt  }
0x77: {  	_ =	shalt  }
0x78: {  	_ =	shalt  }
0x79: {  	_ =	shalt  }
0x7a: {  	_ =	shalt  }
0x7b: {  	_ =	shalt  }
0x7c: {  	_ =	shalt  }
0x7d: {  	_ =	shalt  }
0x7e: {  	_ =	shalt  }
0x7f: {  	_ =	shalt  }
0x80: {  	_ =	shalt  }
0x81: {  	_ =	shalt  }
0x82: {  	_ =	shalt  }
0x83: {  	_ =	shalt  }
0x84: {  	_ =	shalt  }
0x85: {  	_ =	shalt  }
0x86: {  	_ =	shalt  }
0x87: {  	_ =	shalt  }
.Lfunc_end0:
.L_simem_size_0:
called_computation.4_lowered:
.L_overlay_start_0:
0x88: {  	s2 =	sld [smem:$0x3FD9]  }
0x89: {  	s3 =	sld [smem:$0x3FFE];
	_ =	sdelay $0x1  }
0x8a: {  	s1 =	srdreg.scid  }
0x8b: {  	s0 =	sand.u32 $0x1, s1  }
0x8c: {  	s17 =	sshll.u32 s0, $0xA;
	s2 =	sadd.s32 s3, s2  }
0x8d: {  	s2 =	sadd.s32 s2, s17  }
0x8e: {  	[smem:$0x3FB5] =	sst s2  }
0x8f: {  	_ = 	snop  }
0x90: {  	s2 =	sld [smem:$0x3FD0];
	(tm) =	ssettm $0x1  }
0x91: {  	s18 =	sld [smem:$0x3FFB];
	_ =	sdelay $0x3  }
0x92: {  	_ =	strace s18  }
0x93: {  	s3 =	sld [smem:$0x3FFC];
	_ =	sdelay $0x3  }
0x94: {  	_ =	strace s3  }
0x95: {  	s3 =	sld [smem:$0x3FFD];
	_ =	sdelay $0x3  }
0x96: {  	_ =	strace s3  }
0x97: {  	_ =	strace $0x8FFFFFFF  }
0x98: {  	s19 =	sld [smem:$0x3FDB];
	_ =	sdelay $0x1  }
0x99: {  	s4 =	simm.s32 $_scs_section_size  }
0x9a: {  	s5 =	simm.s32 $_size__tile_overlayer_lowered;
	s6 =	simm.s32 $_tile_overlayer_lowered  }
0x9b: {  	s22 =	simm.s32 $0x1BFF;
	s21 =	sshll.u32 s6, $0x1;
	s3 =	sadd.s32 s4, s19  }
0x9c: {  	s7 =	simm.s32 $0x0;
	s20 =	sshll.u32 s5, $0x1;
	s5 =	sadd.s32 s21, s3  }
0x9d: {  	[timem:s7], [sflag:s22] =	dma.local [hbm:s5], s20  }
0x9e: {  	_ =	swait.ge [sflag:s22], s20  }
0x9f: {  	s4 =	ssub.s32 $0x0, s20;
	[sflag:s22] =	ssyncset.done $0x0  }
0xa0: {  	[sflag:s22] =	ssyncadd.s32 s4;
	_ =	sdelay $0x1  }
0xa1: {  	s23 =	simm.s32 $0x1B8B  }
0xa2: {  	_ =	swait.ge [sflag:s23], $0x1  }
0xa3: {  	[sflag:s23] =	ssyncset.done $0x0  }
0xa4: {  	s25 =	simm.s32 $0x1B8E;
	s24 =	sld [smem:$0x3FFE];
	[sflag:s23] =	ssyncadd.s32 $0xFFFFFFFF  }
0xa5: {  	s26 =	simm.s32 $execute0_lowered;
	[smem:$0x3FD2] =	sst s25  }
0xa6: {  	s5 =	sshll.u32 s26, $0x1;
	_ =	strace $0x80000052;
	[dreg:$0x1] =	wrdreg $0xFFFFFFFF  }
0xa7: {  	s28 =	simm.s32 $_size_execute0_lowered;
	s3 =	sadd.s32 s3, s5;
	[dreg:$0x0] =	wrdreg $0x0  }
0xa8: {  	s5 =	sshll.u32 s28, $0x1;
	[dreg:$0x2] =	wrdreg s3  }
0xa9: {  	[dreg:$0x3] =	wrdreg s5  }
0xaa: {  	[dreg:$0x4] =	wrdreg $0xC0  }
0xab: {  	_ =	task [dreg:s7], $0x5FFFF  }
0xac: {  	[dreg:$0x1] =	wrdreg $0xFFFFFFFF  }
0xad: {  	[dreg:$0x0] =	wrdreg $0x60  }
0xae: {  	[dreg:$0x2] =	wrdreg s24  }
0xaf: {  	[dreg:$0x3] =	wrdreg s2  }
0xb0: {  	[dreg:$0x4] =	wrdreg $0x0  }
0xb1: {  	[dreg:$0x5] =	wrdreg $0x9  }
0xb2: {  	_ =	task.clear_ibuf [dreg:s7], $0x6FFFF;
	_ =	strace $0x90000052  }
0xb3: {  	s29 =	simm.s32 $0x9;
	_ =	strace $0x80000054  }
0xb4: {  	_ =	swait.ge [sflag:s29], $0x1  }
0xb5: {  	[sflag:s29] =	ssyncadd.s32 $0xFFFFFFFF  }
0xb6: {  	_ =	strace $0x90000054  }
0xb7: {  	_ =	sfence  }
0xb8: {  	s30 =	sld [smem:$0x0];
	_ =	sdelay $0x2  }
0xb9: {  	s31 =	sshll.u32 s1, $0xD;
	s1 =	sshrl.u32 s1, $0x2  }
0xba: {  	s3 =	sand.u32 $0x4000, s31;
	s1 =	sadd.s32 s1, s30  }
0xbb: {  	s0 =	sor.u32 s3, s0;
	s1 =	sshll.u32 s1, $0x11  }
0xbc: {  	s0 =	sor.u32 s1, s0  }
0xbd: {  	s0 =	sadd.s32 $0x8F2B, s0  }
0xbe: {  	[sflag:s0] =	ssyncadd.remote.s32 $0x1  }
0xbf: {  	_ =	sfence.sel $0xFFFF  }
0xc0: {  	[dreg:$0x0] =	wrdreg $0xFFFFFFFF;
	(pc) =	sbr.abs _section_cstart, $3  }
0xc1: {  	[dreg:$0x1] =	wrdreg $0xFFFFFFFF  }
0xc2: {  	_ =	task.clear_ibuf [dreg:s7], $0x2FFFF;
	_ =	strace $0x9FFFFFFF  }
0xc3: {  	(tm) =	ssettm $0x7FFFFFFF  }
tec
execute0_lowered:
.L_overlay_start_1:
0x0: {  	(tag) =	ssettag $0x1  }
0x1: {  	s0 =	rddreg [dreg:$0x0]  }
0x2: {  	s4 =	rddreg [dreg:$0x1]  }
0x3: {  	s1 =	rddreg [dreg:$0x2];
	s2 =	simm.s32 $0x0;
	s7 =	srdreg.scid  }
0x4: {  	s14 =	stileid.u32;
	s15 =	simm.s32 $0x9;
	s16 =	simm.s32 $0x4100  }
0x5: {  	s17 =	simm.s32 $0x4180;
	s18 =	simm.s32 $0x4000;
	s19 =	simm.s32 $0x1  }
0x6: {  	s20 =	simm.s32 $0x2;
	s21 =	simm.s32 $0x80;
	s22 =	simm.s32 $0xC200  }
0x7: {  	s28 =	simm.s32 $0x5;
	s29 =	simm.s32 $0x4;
	s30 =	simm.s32 $0x6  }
0x8: {  	s31 =	simm.s32 $0x7;
	[smem:$0x7FF] =	sst s2;
	s3 =	sadd.s32 $0x3C00, s0  }
0x9: {  	s5 =	sadd.s32 $0x2AE00, s0;
	s6 =	sadd.s32 $0x34C00, s0;
	s8 =	sand.u32 $0x1, s7  }
0xa: {  	s7 =	sadd.s32 $0x32C00, s0;
	s11 =	sshll.u32 s14, $0x1;
	s12 =	sshll.u32 s14, $0xE  }
0xb: {  	s24 =	sshll.u32 s14, $0xB;
	s14 =	simm.s32 $0x4200;
	_ =	strace $0x80000053  }
0xc: {  	s9 =	ssub.s32 $0x2, s8;
	s11 =	sor.u32 s8, s11;
	s23 =	sadd.s32 s12, s1  }
0xd: {  	s8 =	sshll.u32 s8, $0xF;
	s10 =	sshrl.u32 s9, $0x1;
	[dreg:$0x5] =	wrdreg s23  }
0xe: {  	s25 =	ssub.s32 $0x119, s11;
	s23 =	simm.s32 $0x4080;
	s13 =	ssub.s32 s9, s10  }
0xf: {  	s9 =	sshll.u32 s11, $0x8;
	s10 =	sadd.s32 $0x32C10, s0;
	s0 =	sadd.s32 s4, s24  }
0x10: {  	s12 =	sshrl.u32 s25, $0x5;
	s24 =	simm.s32 $0x8200;
	s0 =	sadd.s32 s8, s0  }
0x11: {  	s25 =	simm.s32 $0x10200;
	s26 =	smax.u32 s13, $0x1;
	[dreg:$0x6] =	wrdreg s0  }
0x12: {  	v0 =	vimm.f32 $0.0e+00;
	[dreg:$0x7] =	wrdreg s26;
	s26 =	simm.s32 $0x3;
	s0 =	simm.s32 $0x8  }
.LBB2_1:
0x13: {  	s4 =	simm.s32 $0x0;
	s8 =	simm.s32 $0x200  }
.LBB2_2:
0x14: {  	p0 =	sne.s32 s8, $0xFE00;
	[tilespmem:s4+$0x4270] =	vst v0  }
0x15: {  	[tilespmem:s4+$0x4200] =	vst v0  }
0x16: {  	[tilespmem:s4+$0x4210] =	vst v0  }
.Ltmp0:
0x17: {  	[tilespmem:s4+$0x4220] =	vst v0;
	(pc) =	sbr.rel @p0 .LBB2_2-.Ltmp0, $4  }
0x18: {  	[tilespmem:s4+$0x4230] =	vst v0  }
0x19: {  	[tilespmem:s4+$0x4240] =	vst v0  }
0x1a: {  	[tilespmem:s4+$0x4250] =	vst v0  }
0x1b: {  	[tilespmem:s4+$0x4260] =	vst v0;
	s4 =	sshra.s32 s8, $0x2;
	s8 =	sadd.s32 $0x200, s8  }
0x1c: {  	[tilespmem:s4+$0x4270] =	vst v0  }
0x1d: {  	[tilespmem:s4+$0x4200] =	vst v0  }
0x1e: {  	[tilespmem:s4+$0x4210] =	vst v0  }
0x1f: {  	[tilespmem:s4+$0x4220] =	vst v0  }
0x20: {  	[tilespmem:s4+$0x4230] =	vst v0  }
0x21: {  	[tilespmem:s4+$0x4240] =	vst v0  }
0x22: {  	[dreg:$0x4] =	wrdreg s2;
	[tilespmem:s4+$0x4250] =	vst v0  }
0x23: {  	[tilespmem:s4+$0x4260] =	vst v0;
	s13 =	rddreg [dreg:$0x5]  }
0x24: {  	[spmem:s13] =	stream.linear.scatter [tilespmem:s14], [sflag:$0x9], $0x4000, $0x38;
	[tilespmem:$0x14200] =	vst v63  }
0x25: {  	_ =	swait.ge [sflag:s15], $0x4000  }
0x26: {  	[sflag:s15] =	ssyncset.done $0x0  }
0x27: {  	[sflag:s15] =	ssyncadd.s32 $0xFFFFC000  }
0x28: {  	s4 =	simm.s32 $0x0;
	s11 =	simm.s32 $0x0;
	[bflag:$0x0] =	sbarrier.arrive $0xFFFF  }
.LBB2_4:
0x29: {  	s8 =	sshll.u32 s11, $0xD  }
0x2a: {  	s8 =	sor.u32 s9, s8  }
0x2b: {  	s8 =	sshrl.u32 s8, $0x3  }
0x2c: {  	s13 =	sadd.s32 s7, s8  }
0x2d: {  	[tilespmem:s16], [sflag:$0x1] =	stream.linear.gather [hbm4b:s13+s4], $0x80, $0x38;
	[tilespmem:$0x14200] =	vst v63  }
0x2e: {  	s2 =	sadd.s32 s8, s10  }
0x2f: {  	[tilespmem:s17], [sflag:$0x2] =	stream.linear.gather [hbm4b:s2+s4], $0x80, $0x38;
	[tilespmem:$0x14200] =	vst v63  }
0x30: {  	s8 =	sadd.s32 s6, s8  }
0x31: {  	[tilespmem:s18], [sflag:$0x9] =	stream.linear.gather [hbm4b:s8+s4], $0x100, $0x38;
	[tilespmem:$0x14200] =	vst v63  }
0x32: {  	_ =	swait.ge [sflag:s15], $0x100  }
0x33: {  	[sflag:s15] =	ssyncset.done $0x0  }
0x34: {  	[sflag:s15] =	ssyncadd.s32 $0xFFFFFF00  }
0x35: {  	_ =	swait.ge [sflag:s19], $0x80  }
0x36: {  	[sflag:s19] =	ssyncset.done $0x0  }
0x37: {  	[sflag:s19] =	ssyncadd.s32 $0xFFFFFF80  }
0x38: {  	_ =	swait.ge [sflag:s20], $0x80  }
0x39: {  	[sflag:s20] =	ssyncset.done $0x0  }
0x3a: {  	[sflag:s20] =	ssyncadd.s32 $0xFFFFFF80  }
0x3b: {  	[tilespmem:s14], [sflag:$0x3] =	stream.indirect.gather [hbm4b:s3+s21], $0x80, s18, s21, $0xb8;
	[tilespmem:$0x14200] =	vst v63  }
0x3c: {  	_ = 	snop  }
0x3d: {  	[tilespmem:s22], [sflag:$0x5] =	stream.indirect.gather [hbm4b:s5+s21], $0x80, s16, s21, $0xb8;
	[tilespmem:$0x14200] =	vst v63  }
0x3e: {  	_ = 	snop  }
0x3f: {  	[tilespmem:s24], [sflag:$0x4] =	stream.indirect.gather [hbm4b:s3+s21], $0x80, s23, s21, $0xb8;
	[tilespmem:$0x14200] =	vst v63  }
0x40: {  	_ = 	snop  }
0x41: {  	[tilespmem:s25], [sflag:$0x6] =	stream.indirect.gather [hbm4b:s5+s21], $0x80, s17, s21, $0xb8;
	[tilespmem:$0x14200] =	vst v63  }
0x42: {  	_ =	swait.ge [sflag:s26], $0x4000  }
0x43: {  	[sflag:s26] =	ssyncset.done $0x0  }
0x44: {  	[sflag:s26] =	ssyncadd.s32 $0xFFFFC000  }
0x45: {  	_ =	swait.ge [sflag:s28], $0x4000  }
0x46: {  	[sflag:s28] =	ssyncset.done $0x0  }
0x47: {  	[sflag:s28] =	ssyncadd.s32 $0xFFFFC000  }
0x48: {  	_ =	swait.ge [sflag:s29], $0x4000  }
0x49: {  	[sflag:s29] =	ssyncset.done $0x0  }
0x4a: {  	[sflag:s29] =	ssyncadd.s32 $0xFFFFC000  }
0x4b: {  	_ =	swait.ge [sflag:s30], $0x4000  }
0x4c: {  	[sflag:s30] =	ssyncset.done $0x0  }
0x4d: {  	s13 =	simm.s32 $0x0;
	[sflag:s30] =	ssyncadd.s32 $0xFFFFC000  }
0x4e: {  	v7 =	vld [tilespmem:s13+$0xC200]  }
0x4f: {  	v12 =	vld [tilespmem:s13+$0xC210]  }
0x50: {  	v6 =	vld [tilespmem:s13+$0xC220]  }
0x51: {  	v5 =	vld [tilespmem:s13+$0xC230]  }
0x52: {  	v4 =	vld [tilespmem:s13+$0xC240]  }
0x53: {  	v3 =	vld [tilespmem:s13+$0xC250]  }
0x54: {  	v2 =	vld [tilespmem:s13+$0xC260]  }
0x55: {  	v1 =	vld [tilespmem:s13+$0xC270]  }
0x56: {  	v13 =	vld [tilespmem:s13+$0x4200]  }
0x57: {  	v14 =	vld [tilespmem:s13+$0x4210]  }
0x58: {  	v11 =	vld [tilespmem:s13+$0x4220]  }
0x59: {  	v10 =	vld [tilespmem:s13+$0x4230]  }
0x5a: {  	v9 =	vld [tilespmem:s13+$0x4240]  }
0x5b: {  	v8 =	vld [tilespmem:s13+$0x4250];
	v13 =	vadd.f32 v7, v13  }
0x5c: {  	s8 =	simm.s32 $0x200;
	v12 =	vadd.f32 v12, v14;
	v7 =	vld [tilespmem:s13+$0x4260]  }
.LBB2_5:
0x5d: {  	s2 =	sshra.s32 s8, $0x2;
	p0 =	sne.s32 s8, $0x1FE00;
	v13 =	vmax.f32 v13, $0.0e+00;
	v6 =	vadd.f32 v6, v11;
	v11 =	vld [tilespmem:s13+$0x4270]  }
0x5e: {  	v14 =	vld [tilespmem:s2+$0xC200];
	[tilespmem:s13+$0x4200] =	vst v13;
	v12 =	vmax.f32 v12, $0.0e+00;
	v5 =	vadd.f32 v5, v10  }
0x5f: {  	v15 =	vld [tilespmem:s2+$0xC210];
	[tilespmem:s13+$0x4210] =	vst v12;
	v10 =	vmax.f32 v6, $0.0e+00;
	v4 =	vadd.f32 v4, v9  }
0x60: {  	v6 =	vld [tilespmem:s2+$0xC220];
	[tilespmem:s13+$0x4220] =	vst v10;
	v9 =	vmax.f32 v5, $0.0e+00;
	v3 =	vadd.f32 v3, v8  }
0x61: {  	v5 =	vld [tilespmem:s2+$0xC230];
	[tilespmem:s13+$0x4230] =	vst v9;
	v8 =	vmax.f32 v4, $0.0e+00;
	v2 =	vadd.f32 v2, v7  }
0x62: {  	v4 =	vld [tilespmem:s2+$0xC240];
	[tilespmem:s13+$0x4240] =	vst v8;
	v7 =	vmax.f32 v3, $0.0e+00;
	v1 =	vadd.f32 v1, v11  }
0x63: {  	v3 =	vld [tilespmem:s2+$0xC250];
	[tilespmem:s13+$0x4250] =	vst v7;
	v7 =	vmax.f32 v2, $0.0e+00  }
0x64: {  	v2 =	vld [tilespmem:s2+$0xC260];
	[tilespmem:s13+$0x4260] =	vst v7;
	v7 =	vmax.f32 v1, $0.0e+00  }
0x65: {  	v1 =	vld [tilespmem:s2+$0xC270];
	[tilespmem:s13+$0x4270] =	vst v7;
	s13 =	smov.u32 s2  }
0x66: {  	v7 =	vld [tilespmem:s13+$0x4200]  }
0x67: {  	v12 =	vld [tilespmem:s13+$0x4210]  }
.Ltmp1:
0x68: {  	v11 =	vld [tilespmem:s13+$0x4220];
	(pc) =	sbr.rel @p0 .LBB2_5-.Ltmp1, $4  }
0x69: {  	v10 =	vld [tilespmem:s13+$0x4230]  }
0x6a: {  	v9 =	vld [tilespmem:s13+$0x4240]  }
0x6b: {  	v13 =	vadd.f32 v14, v7;
	v8 =	vld [tilespmem:s13+$0x4250]  }
0x6c: {  	s8 =	sadd.s32 $0x200, s8;
	v12 =	vadd.f32 v15, v12;
	v7 =	vld [tilespmem:s13+$0x4260]  }
0x6d: {  	v13 =	vmax.f32 v13, $0.0e+00;
	v6 =	vadd.f32 v6, v11;
	v63 =	vld [tilespmem:s13+$0x4270]  }
0x6e: {  	[tilespmem:s13+$0x4200] =	vst v13;
	v12 =	vmax.f32 v12, $0.0e+00;
	v5 =	vadd.f32 v5, v10  }
0x6f: {  	[tilespmem:s13+$0x4210] =	vst v12;
	v6 =	vmax.f32 v6, $0.0e+00;
	v4 =	vadd.f32 v4, v9  }
0x70: {  	[tilespmem:s13+$0x4220] =	vst v6;
	v5 =	vmax.f32 v5, $0.0e+00;
	v3 =	vadd.f32 v3, v8  }
0x71: {  	[tilespmem:s13+$0x4230] =	vst v5;
	v4 =	vmax.f32 v4, $0.0e+00;
	v2 =	vadd.f32 v2, v7  }
0x72: {  	[tilespmem:s13+$0x4240] =	vst v4;
	v3 =	vmax.f32 v3, $0.0e+00;
	v1 =	vadd.f32 v1, v63  }
0x73: {  	[tilespmem:s13+$0x4250] =	vst v3;
	v2 =	vmax.f32 v2, $0.0e+00  }
0x74: {  	[tilespmem:s13+$0x4260] =	vst v2;
	v1 =	vmax.f32 v1, $0.0e+00  }
0x75: {  	[tilespmem:s13+$0x4270] =	vst v1  }
0x76: {  	[spmem:s1] =	stream.indirect.scatter.add.f32 [tilespmem:s14], [sflag:$0x7], $0x80, s16, s21, $0xb8;
	[tilespmem:$0x14200] =	vst v63  }
0x77: {  	s11 =	sadd.s32 $0x1, s11  }
0x78: {  	[spmem:s1] =	stream.indirect.scatter.add.f32 [tilespmem:s24], [sflag:$0x8], $0x80, s17, s21, $0xb8;
	[tilespmem:$0x14200] =	vst v63  }
0x79: {  	p0 =	sne.s32 s11, s12;
	_ =	swait.ge [sflag:s31], $0x4000  }
.Ltmp2:
0x7a: {  	[sflag:s31] =	ssyncset.done $0x0;
	(pc) =	sbr.rel @p0 .LBB2_4-.Ltmp2, $4  }
0x7b: {  	[sflag:s31] =	ssyncadd.s32 $0xFFFFC000  }
0x7c: {  	_ =	swait.ge [sflag:s0], $0x4000  }
0x7d: {  	[sflag:s0] =	ssyncset.done $0x0  }
0x7e: {  	[sflag:s0] =	ssyncadd.s32 $0xFFFFC000  }
0x7f: {  	s2 =	stileid.u32;
	[bflag:$0x0] =	sbarrier.arrive $0xFFFF  }
0x80: {  	s2 =	sshll.u32 s2, $0x6;
	s4 =	rddreg [dreg:$0x5]  }
0x81: {  	s8 =	rddreg [dreg:$0x6];
	s2 =	sor.u32 $0x1C09, s2;
	s4 =	sshrl.u32 s4, $0x3  }
0x82: {  	[hbm:s8], [sflag:s2] =	dma.local [spmem:s4], $0x800  }
0x83: {  	_ =	swait.ge [sflag:s15], $0x800  }
0x84: {  	s11 =	rddreg [dreg:$0x4]  }
0x85: {  	s13 =	rddreg [dreg:$0x7];
	s2 =	sadd.s32 $0x1, s11  }
0x86: {  	p0 =	sne.s32 s2, s13  }
.Ltmp3:
0x87: {  	_ = 	snop;
	(pc) =	sbr.rel @p0 .LBB2_1-.Ltmp3, $3  }
0x88: {  	_ =	sdelay $0x1  }
0x89: {  	[sflag:s15] =	ssyncset.done $0x0  }
0x8a: {  	[sflag:s15] =	ssyncadd.s32 $0xFFFFF800  }
0x8b: {  	_ =	sfence.sel $0x180000  }
0x8c: {  	[bflag:$0x0] =	sbarrier.arrive $0xFFFF  }
0x8d: {  	_ =	strace $0x90000053  }
0x8e: {  	s0 =	stileid.u32;
	[bflag:$0x2] =	sbarrier.arrive $0xFFFF  }
0x8f: {  	p0 =	sne.s32 s0, $0x0;
	s0 =	rddreg [dreg:$0x3]  }
0x90: {  	s0 =	sadd.s32 @!p0 $0x100000, s0  }
0x91: {  	[sflag:s0] =	ssyncadd.tile.s32 @!p0 $0x1;
	_ =	shalt  }
.Lfunc_end2:
_tile_overlayer_lowered:
.L_overlay_start_2:
0x92: {  	(tag) =	ssettag $0x2  }
0x93: {  	s0 =	rddreg [dreg:$0x0];
	s2 =	stileid.u32  }
0x94: {  	s1 =	rddreg [dreg:$0x1];
	p0 =	sne.s32 s2, $0x0  }
0x95: {  	s3 =	rddreg [dreg:$0x2];
	[bflag:$0x3] =	sbarrier.arrive $0xFFFF;
	s2 =	simm.s32 @!p0 $0x1C09  }
0x96: {  	[timem:s3], [sflag:s2] =	dma.local @!p0 [hbm:s0], s1  }
0x97: {  	s0 =	simm.s32 @!p0 $0x9  }
0x98: {  	_ =	swait.ge @!p0 [sflag:s0], s1  }
0x99: {  	s1 =	ssub.s32 @!p0 $0x0, s1;
	[sflag:s0] =	ssyncset.done @!p0 $0x0  }
0x9a: {  	[sflag:s0] =	ssyncadd.s32 @!p0 s1  }
0x9b: {  	[bflag:$0x3] =	sbarrier.arrive $0xFFFF  }
0x9c: {  	_ =	shalt  }

</sc_bundles>
